<compile_context>
chip_gen: v7x
topology: tpu7x:2x2x1
jax: 0.10.2.dev20260603
libtpu: 0.0.44.dev20260713+nightly
codegen_flags: <defaults>
</compile_context>

<pallas_src>
import functools

import jax
import jax.numpy as jnp
from jax import lax
from jax.experimental import pallas as pl
from jax.experimental.pallas import tpu as pltpu
from jax.experimental.pallas import tpu_sc as plsc

N = 10000
E = 320000
B = 16
OUT = 256
H = 128
NT = 16
ET = E // NT
KB = 40
NSC = ET // KB
NPAD = 10240
NROWS_T = NPAD // NT

f32 = jnp.float32



def _node_body(ns_ref, nvt_ref, ws_ref, bs_ref, wvb_ref, bv3_ref,
               w1a_ref, w1b_ref, w1c_ref, c0_ref,
               s_ref, vn_ref, a0_ref, a1_ref, b0_ref, b1_ref):
    s = jnp.dot(ns_ref[...], ws_ref[...], preferred_element_type=f32) + bs_ref[...]
    X = jnp.dot(nvt_ref[...], wvb_ref[...], preferred_element_type=f32) + bv3_ref[...]
    vn = jnp.sqrt(X[:, 0:16] ** 2 + X[:, 16:32] ** 2 + X[:, 32:48] ** 2)
    A = jnp.dot(s, w1a_ref[...], preferred_element_type=f32) + c0_ref[...]
    Bc = (jnp.dot(s, w1b_ref[...], preferred_element_type=f32)
          + jnp.dot(vn, w1c_ref[...], preferred_element_type=f32))
    s_ref[...] = s
    vn_ref[...] = vn
    a0_ref[...] = A[:, :H]
    a1_ref[...] = A[:, H:]
    b0_ref[...] = Bc[:, :H]
    b1_ref[...] = Bc[:, H:]



def _edge_c_body(es_ref, m_ref, c0o_ref, c1o_ref):
    Cf = jnp.dot(es_ref[...], m_ref[...], preferred_element_type=f32)
    c0o_ref[...] = Cf[:, :H]
    c1o_ref[...] = Cf[:, H:]



def _sc_edge(a0, a1, b0, b1, c0h, c1h, dsth, srch, zh, zc8h, ones2h,
             s0o, s1o, cnto,
             idxd0, idxs0, idxd1, idxs1, idxd2, idxs2, idxd3, idxs3,
             ab0, bb0, cb0, ab1, bb1, cb1, onesv,
             ssh, csh, semA0, semB0, semC0, semA1, semB1, semC1,
             semI0, semI1, semI2, semI3):
    c = lax.axis_index("c")
    sid = lax.axis_index("s")
    r0 = sid * NROWS_T
    ebase = sid * ET

    pltpu.sync_copy(zh, ssh.at[pl.ds(r0, NROWS_T)])
    pltpu.sync_copy(zc8h, csh.at[pl.ds(r0, NROWS_T)])
    pltpu.sync_copy(ones2h, onesv)
    plsc.subcore_barrier()

    islots = ((idxd0, idxs0, semI0), (idxd1, idxs1, semI1),
              (idxd2, idxs2, semI2), (idxd3, idxs3, semI3))
    bslots = ((ab0, bb0, cb0, semA0, semB0, semC0),
              (ab1, bb1, cb1, semA1, semB1, semC1))

    def issue_idx(k, sl):
        idd, ids, si = islots[sl]
        esl = pl.ds(ebase + k * KB, KB)
        pltpu.async_copy(dsth.at[esl], idd, si)
        pltpu.async_copy(srch.at[esl], ids, si)

    def wait_idx(sl):
        idd, ids, si = islots[sl]
        pltpu.make_async_copy(dsth.at[pl.ds(0, KB)], idd, si).wait()
        pltpu.make_async_copy(srch.at[pl.ds(0, KB)], ids, si).wait()

    def run_half(ah, bh, ch, with_cnt):
        def issue(k, bsl, isl):
            ab, bb, cb, sa, sb, sc_ = bslots[bsl]
            idd, ids, _ = islots[isl]
            pltpu.async_copy(ah.at[idd], ab, sa)
            pltpu.async_copy(bh.at[ids], bb, sb)
            pltpu.async_copy(ch.at[pl.ds(ebase + k * KB, KB)], cb, sc_)

        def proc(k, bsl, isl):
            ab, bb, cb, sa, sb, sc_ = bslots[bsl]
            idd, ids, _ = islots[isl]
            pltpu.make_async_copy(ah.at[idd], ab, sa).wait()
            pltpu.make_async_copy(bh.at[ids], bb, sb).wait()
            pltpu.make_async_copy(ch.at[pl.ds(0, KB)], cb, sc_).wait()

            def crow(r, _):
                for q in range(H // 16):
                    s2 = pl.ds(q * 16, 16)
                    cb[r, s2] = jnp.maximum(
                        ab[r, s2] + bb[r, s2] + cb[r, s2], 0.0)
                return 0
            lax.fori_loop(0, KB, crow, 0)

            pltpu.sync_copy(cb, ssh.at[idd], add=True)
            if with_cnt:
                pltpu.sync_copy(onesv, csh.at[idd], add=True)

        for u in range(4):
            issue_idx(u, u)
        wait_idx(0)
        issue(0, 0, 0)
        wait_idx(1)
        issue(1, 1, 1)

        def body(jj, _):
            for u in range(4):
                ck = 4 * jj + u
                bsl = u % 2
                proc(ck, bsl, u)

                @pl.when(ck + 4 < NSC)
                def _():
                    issue_idx(ck + 4, u)

                @pl.when(ck + 2 < NSC)
                def _():
                    wait_idx((u + 2) % 4)
                    issue(ck + 2, bsl, (u + 2) % 4)
            return 0
        lax.fori_loop(0, NSC // 4, body, 0)

    @pl.when(c == 0)
    def _():
        run_half(a0, b0, c0h, True)

    @pl.when(c == 1)
    def _():
        run_half(a1, b1, c1h, False)

    plsc.subcore_barrier()

    @pl.when(c == 0)
    def _():
        pltpu.sync_copy(ssh.at[pl.ds(r0, NROWS_T)], s0o.at[pl.ds(r0, NROWS_T)])
        pltpu.sync_copy(csh.at[pl.ds(r0, NROWS_T)], cnto.at[pl.ds(r0, NROWS_T)])

    @pl.when(c == 1)
    def _():
        pltpu.sync_copy(ssh.at[pl.ds(r0, NROWS_T)], s1o.at[pl.ds(r0, NROWS_T)])



def _post_body(s0_ref, s1_ref, cnt_ref, s_ref, vn_ref, bt_ref,
               wm2t_ref, wm2b_ref, bm2_ref, wot_ref, wob_ref, bo_ref,
               g_ref, be_ref, out_ref, accp1, accp2, accg, *, nsteps, nb):
    i = pl.program_id(0)

    @pl.when(i == 0)
    def _():
        accp1[...] = jnp.zeros_like(accp1)
        accp2[...] = jnp.zeros_like(accp2)
        accg[...] = jnp.zeros_like(accg)

    SW = (jnp.dot(s0_ref[...], wm2t_ref[...], preferred_element_type=f32)
          + jnp.dot(s1_ref[...], wm2b_ref[...], preferred_element_type=f32))
    cnt = cnt_ref[...][:, 0:1]
    aggr = (SW + cnt * bm2_ref[...]) / jnp.maximum(cnt, 1.0)
    sn = s_ref[...] + aggr

    oh = (bt_ref[...] == lax.broadcasted_iota(jnp.int32, (nb, B), 1)).astype(f32)
    accp1[...] += lax.dot_general(oh, sn, (((0,), (0,)), ((), ())),
                                  preferred_element_type=f32)
    accp2[...] += lax.dot_general(oh, vn_ref[...], (((0,), (0,)), ((), ())),
                                  preferred_element_type=f32)
    accg[...] += lax.dot_general(oh, jnp.ones((nb, 8), f32), (((0,), (0,)), ((), ())),
                                 preferred_element_type=f32)

    @pl.when(i == nsteps - 1)
    def _():
        gc = jnp.maximum(accg[...][:, 0:1], 1.0)
        gv1 = accp1[...] / gc
        gv2 = accp2[...] / gc
        h = (jnp.dot(gv1, wot_ref[...], preferred_element_type=f32)
             + jnp.dot(gv2, wob_ref[...], preferred_element_type=f32)
             + bo_ref[...])
        mu = jnp.mean(h, axis=-1, keepdims=True)
        dd = h - mu
        var = jnp.mean(dd * dd, axis=-1, keepdims=True)
        hn = dd * lax.rsqrt(var + 1e-5) * g_ref[...] + be_ref[...]
        out_ref[...] = jnp.maximum(hn, 0.0)



def kernel(node_s, node_v, edge_index, edge_s, batch, Ws, bs, Wv, bv, We, be,
           Wm1, bm1, Wm2, bm2, Wo, bo, gamma, beta):
    W1a = Wm1[0:256]
    W1b = Wm1[256:512]
    W1c = Wm1[512:528]
    W1d = Wm1[528:784]
    M = We @ W1d
    c0 = (be @ W1d + bm1)[None, :]
    Wvblk = jax.scipy.linalg.block_diag(Wv, Wv, Wv)
    bv3 = jnp.tile(bv, 3)[None, :]
    nvt = jnp.transpose(node_v, (0, 2, 1)).reshape(N, 9)
    src = edge_index[0]
    dst = edge_index[1]
    bt2 = batch.reshape(N, 1)

    G1 = 5
    NB1 = N // G1
    full = lambda r, c_: pl.BlockSpec((r, c_), lambda i: (0, 0))
    rows = lambda r, c_: pl.BlockSpec((r, c_), lambda i: (i, 0))
    s_full, vn, A0, A1, B0, B1 = pl.pallas_call(
        _node_body,
        grid=(G1,),
        in_specs=[rows(NB1, 29), rows(NB1, 9), full(29, 256), full(1, 256),
                  full(9, 48), full(1, 48), full(256, 256), full(256, 256),
                  full(16, 256), full(1, 256)],
        out_specs=[rows(NB1, 256), rows(NB1, 16), rows(NB1, H), rows(NB1, H),
                   rows(NB1, H), rows(NB1, H)],
        out_shape=[jax.ShapeDtypeStruct((N, 256), f32),
                   jax.ShapeDtypeStruct((N, 16), f32),
                   jax.ShapeDtypeStruct((N, H), f32),
                   jax.ShapeDtypeStruct((N, H), f32),
                   jax.ShapeDtypeStruct((N, H), f32),
                   jax.ShapeDtypeStruct((N, H), f32)],
    )(node_s, nvt, Ws, bs[None, :], Wvblk, bv3, W1a, W1b, W1c, c0)

    G2 = 40
    EB = E // G2
    C0, C1 = pl.pallas_call(
        _edge_c_body,
        grid=(G2,),
        in_specs=[rows(EB, 5), full(5, 256)],
        out_specs=[rows(EB, H), rows(EB, H)],
        out_shape=[jax.ShapeDtypeStruct((E, H), f32),
                   jax.ShapeDtypeStruct((E, H), f32)],
    )(edge_s, M)

    zzh = jnp.zeros((NROWS_T, H), f32)
    zc8 = jnp.zeros((NROWS_T, 8), f32)
    ones2 = jnp.zeros((KB, 8), f32).at[:, 0].set(1.0)
    sc_fn = pl.kernel(
        _sc_edge,
        out_type=[jax.ShapeDtypeStruct((NPAD, H), f32),
                  jax.ShapeDtypeStruct((NPAD, H), f32),
                  jax.ShapeDtypeStruct((NPAD, 8), f32)],
        mesh=plsc.VectorSubcoreMesh(core_axis_name="c", subcore_axis_name="s"),
        compiler_params=pltpu.CompilerParams(use_tc_tiling_on_sc=False),
        scratch_types=[pltpu.VMEM((KB,), jnp.int32),
                       pltpu.VMEM((KB,), jnp.int32),
                       pltpu.VMEM((KB,), jnp.int32),
                       pltpu.VMEM((KB,), jnp.int32),
                       pltpu.VMEM((KB,), jnp.int32),
                       pltpu.VMEM((KB,), jnp.int32),
                       pltpu.VMEM((KB,), jnp.int32),
                       pltpu.VMEM((KB,), jnp.int32),
                       pltpu.VMEM((KB, H), f32),
                       pltpu.VMEM((KB, H), f32),
                       pltpu.VMEM((KB, H), f32),
                       pltpu.VMEM((KB, H), f32),
                       pltpu.VMEM((KB, H), f32),
                       pltpu.VMEM((KB, H), f32),
                       pltpu.VMEM((KB, 8), f32),
                       pltpu.VMEM_SHARED((NPAD, H), f32),
                       pltpu.VMEM_SHARED((NPAD, 8), f32),
                       pltpu.SemaphoreType.DMA,
                       pltpu.SemaphoreType.DMA,
                       pltpu.SemaphoreType.DMA,
                       pltpu.SemaphoreType.DMA,
                       pltpu.SemaphoreType.DMA,
                       pltpu.SemaphoreType.DMA,
                       pltpu.SemaphoreType.DMA,
                       pltpu.SemaphoreType.DMA,
                       pltpu.SemaphoreType.DMA,
                       pltpu.SemaphoreType.DMA],
    )
    S0, S1, cntm = sc_fn(A0, A1, B0, B1, C0, C1, dst, src, zzh, zc8, ones2)
    S0, S1, cntm = S0[:N], S1[:N], cntm[:N]

    G4 = 5
    NB4 = N // G4
    out = pl.pallas_call(
        functools.partial(_post_body, nsteps=G4, nb=NB4),
        grid=(G4,),
        in_specs=[rows(NB4, H), rows(NB4, H), rows(NB4, 8), rows(NB4, 256),
                  rows(NB4, 16), rows(NB4, 1), full(H, 256), full(H, 256),
                  full(1, 256), full(256, 256), full(16, 256), full(1, 256),
                  full(1, 256), full(1, 256)],
        out_specs=pl.BlockSpec((B, 256), lambda i: (0, 0)),
        out_shape=jax.ShapeDtypeStruct((B, 256), f32),
        scratch_shapes=[pltpu.VMEM((B, 256), f32),
                        pltpu.VMEM((B, 16), f32),
                        pltpu.VMEM((B, 8), f32)],
    )(S0, S1, cntm, s_full, vn, bt2, Wm2[:H], Wm2[H:], bm2[None, :],
      Wo[:256], Wo[256:], bo[None, :], gamma[None, :], beta[None, :])
    return out

# --- scband reference (transcript-rebuilt; emitter-appended) ---
"""Pipeline reference for scband-pocket-graph-processor-28767690948651 (READ-ONLY COPY).

The authoritative reference and input builder live on the scoring server;
editing this copy changes nothing except your own understanding.
"""

import jax, jax.numpy as jnp
import numpy as np

N = 10000
E = 320000
B = 16
OUT = 256

def _lin_init(k, fan_in, shape):
    bound = 1.0 / np.sqrt(fan_in)
    return jax.random.uniform(k, shape, jnp.float32, -bound, bound)

def setup_inputs(seed: int = 0):
    key = jax.random.key(seed)
    ks = jax.random.split(key, 20)
    node_s = jax.random.normal(ks[0], (N, 29), jnp.float32)
    node_v = jax.random.normal(ks[1], (N, 3, 3), jnp.float32)
    edge_index = jax.random.randint(ks[2], (2, E), 0, N, jnp.int32)
    edge_s = jax.random.normal(ks[3], (E, 5), jnp.float32)
    batch = jnp.sort(jax.random.randint(ks[4], (N,), 0, B, jnp.int32))
    Ws = _lin_init(ks[5], 29, (29, OUT)); bs = _lin_init(ks[6], 29, (OUT,))
    Wv = _lin_init(ks[7], 3, (3, 16)); bv = _lin_init(ks[8], 3, (16,))
    We = _lin_init(ks[9], 5, (5, OUT)); be = _lin_init(ks[10], 5, (OUT,))
    Wm1 = _lin_init(ks[11], OUT * 3 + 16, (OUT * 3 + 16, OUT)); bm1 = _lin_init(ks[12], OUT * 3 + 16, (OUT,))
    Wm2 = _lin_init(ks[13], OUT, (OUT, OUT)); bm2 = _lin_init(ks[14], OUT, (OUT,))
    Wo = _lin_init(ks[15], OUT + 16, (OUT + 16, OUT)); bo = _lin_init(ks[16], OUT + 16, (OUT,))
    gamma = jnp.ones((OUT,), jnp.float32); beta = jnp.zeros((OUT,), jnp.float32)
    return {"node_s": node_s, "node_v": node_v, "edge_index": edge_index, "edge_s": edge_s, "batch": batch,
            "Ws": Ws, "bs": bs, "Wv": Wv, "bv": bv, "We": We, "be": be,
            "Wm1": Wm1, "bm1": bm1, "Wm2": Wm2, "bm2": bm2,
            "Wo": Wo, "bo": bo, "gamma": gamma, "beta": beta}

def reference(node_s, node_v, edge_index, edge_s, batch, Ws, bs, Wv, bv, We, be, Wm1, bm1, Wm2, bm2, Wo, bo, gamma, beta):
    # embeddings
    s = node_s @ Ws + bs                                # [N, 256]
    es = edge_s @ We + be                               # [E, 256]
    # v_emb applied on the '3' axis: v.transpose(1,2) @ Wv -> transpose back
    v_t = jnp.transpose(node_v, (0, 2, 1))              # [N, 3, 3] -> [N, D, 3]
    v_t = v_t @ Wv + bv                                 # [N, D, 16]
    v = jnp.transpose(v_t, (0, 2, 1))                   # [N, 16, D]
    v_norm = jnp.linalg.norm(v, axis=-1)                # [N, 16]
    # message passing (PyG: j = edge_index[0] source, i = edge_index[1] target, aggr='mean' to i)
    src = edge_index[0]
    dst = edge_index[1]
    s_i = s[dst]
    s_j = s[src]
    vn_j = v_norm[src]
    m = jnp.concatenate([s_i, s_j, vn_j, es], axis=-1)  # [E, 784]
    m = jax.nn.relu(m @ Wm1 + bm1)
    m = m @ Wm2 + bm2                                   # [E, 256]
    msg_sum = jax.ops.segment_sum(m, dst, num_segments=N)
    cnt = jax.ops.segment_sum(jnp.ones((m.shape[0],), jnp.float32), dst, num_segments=N)
    aggr = msg_sum / jnp.maximum(cnt, 1.0)[:, None]
    s = s + aggr                                        # update
    feat = jnp.concatenate([s, v_norm], axis=-1)        # [N, 272]
    # global mean pool per graph
    gsum = jax.ops.segment_sum(feat, batch, num_segments=B)
    gcnt = jax.ops.segment_sum(jnp.ones((N,), jnp.float32), batch, num_segments=B)
    graph_vec = gsum / jnp.maximum(gcnt, 1.0)[:, None]  # [B, 272]
    # out head: Linear -> LayerNorm -> ReLU
    h = graph_vec @ Wo + bo                             # [B, 256]
    mu = jnp.mean(h, axis=-1, keepdims=True)
    var = jnp.var(h, axis=-1, keepdims=True)
    hn = (h - mu) / jnp.sqrt(var + 1e-5) * gamma + beta
    return jax.nn.relu(hn)

if __name__ == "__main__":
    import jax
    _d = setup_inputs()
    print(jax.jit(kernel)(*tuple(_d.values())))

</pallas_src>

<mosaic_0001>
#map = affine_map<(d0, d1) -> (0, 0)>
#map1 = affine_map<(d0, d1) -> (0)>
module attributes {stable_mosaic.version = 14 : i64} {
  func.func @_sc_edge(%arg0: i32, %arg1: i32, %arg2: memref<10000x128xf32, #tpu.memory_space<hbm>>, %arg3: memref<10000x128xf32, #tpu.memory_space<hbm>>, %arg4: memref<10000x128xf32, #tpu.memory_space<hbm>>, %arg5: memref<10000x128xf32, #tpu.memory_space<hbm>>, %arg6: memref<320000x128xf32, #tpu.memory_space<hbm>>, %arg7: memref<320000x128xf32, #tpu.memory_space<hbm>>, %arg8: memref<320000xi32, #tpu.memory_space<hbm>>, %arg9: memref<320000xi32, #tpu.memory_space<hbm>>, %arg10: memref<640x128xf32, #tpu.memory_space<hbm>>, %arg11: memref<640x8xf32, #tpu.memory_space<hbm>>, %arg12: memref<40x8xf32, #tpu.memory_space<hbm>>, %arg13: memref<10240x128xf32, #tpu.memory_space<hbm>>, %arg14: memref<10240x128xf32, #tpu.memory_space<hbm>>, %arg15: memref<10240x8xf32, #tpu.memory_space<hbm>>, %arg16: memref<40xi32, #tpu.memory_space<vmem>>, %arg17: memref<40xi32, #tpu.memory_space<vmem>>, %arg18: memref<40xi32, #tpu.memory_space<vmem>>, %arg19: memref<40xi32, #tpu.memory_space<vmem>>, %arg20: memref<40xi32, #tpu.memory_space<vmem>>, %arg21: memref<40xi32, #tpu.memory_space<vmem>>, %arg22: memref<40xi32, #tpu.memory_space<vmem>>, %arg23: memref<40xi32, #tpu.memory_space<vmem>>, %arg24: memref<40x128xf32, #tpu.memory_space<vmem>>, %arg25: memref<40x128xf32, #tpu.memory_space<vmem>>, %arg26: memref<40x128xf32, #tpu.memory_space<vmem>>, %arg27: memref<40x128xf32, #tpu.memory_space<vmem>>, %arg28: memref<40x128xf32, #tpu.memory_space<vmem>>, %arg29: memref<40x128xf32, #tpu.memory_space<vmem>>, %arg30: memref<40x8xf32, #tpu.memory_space<vmem>>, %arg31: memref<10240x128xf32, #tpu.memory_space<vmem_shared>>, %arg32: memref<10240x8xf32, #tpu.memory_space<vmem_shared>>, %arg33: memref<!tpu.dma_semaphore, #tpu.memory_space<semaphore_mem>>, %arg34: memref<!tpu.dma_semaphore, #tpu.memory_space<semaphore_mem>>, %arg35: memref<!tpu.dma_semaphore, #tpu.memory_space<semaphore_mem>>, %arg36: memref<!tpu.dma_semaphore, #tpu.memory_space<semaphore_mem>>, %arg37: memref<!tpu.dma_semaphore, #tpu.memory_space<semaphore_mem>>, %arg38: memref<!tpu.dma_semaphore, #tpu.memory_space<semaphore_mem>>, %arg39: memref<!tpu.dma_semaphore, #tpu.memory_space<semaphore_mem>>, %arg40: memref<!tpu.dma_semaphore, #tpu.memory_space<semaphore_mem>>, %arg41: memref<!tpu.dma_semaphore, #tpu.memory_space<semaphore_mem>>, %arg42: memref<!tpu.dma_semaphore, #tpu.memory_space<semaphore_mem>>) attributes {dimension_semantics = [#tpu.dimension_semantics<core_parallel>, #tpu.dimension_semantics<subcore_parallel>], iteration_bounds = array<i64: 2, 16>, scalar_prefetch = 0 : i64, scratch_operands = 27 : i64, tpu.core_type = #tpu.core_type<sc_vector_subcore>, window_params = [{transform_indices = #map}, {transform_indices = #map}, {transform_indices = #map}, {transform_indices = #map}, {transform_indices = #map}, {transform_indices = #map}, {transform_indices = #map1}, {transform_indices = #map1}, {transform_indices = #map}, {transform_indices = #map}, {transform_indices = #map}, {transform_indices = #map}, {transform_indices = #map}, {transform_indices = #map}]} {
    %mul3A = arith.constant 640 : i32
    %mul3A_0 = arith.muli %arg1, %mul3A : i32
    %mul3A_1 = arith.constant 20000 : i32
    %mul3A_2 = arith.muli %arg1, %mul3A_1 : i32
    "tpu.region"() ({
      %run_scoped3A = tpu.sem_alloc : memref<!tpu.dma_semaphore, #tpu.memory_space<semaphore_mem>>
      %dma_start3A = arith.constant 0 : i32
      %dma_start3A_21 = tpu.memref_slice %arg31[%mul3A_0, %dma_start3A] : memref<10240x128xf32, #tpu.memory_space<vmem_shared>> -> memref<640x128xf32, #tpu.memory_space<vmem_shared>>
      tpu.enqueue_dma source(%arg10 : memref<640x128xf32, #tpu.memory_space<hbm>>) target(%dma_start3A_21 : memref<640x128xf32, #tpu.memory_space<vmem_shared>>) target_semaphore(%run_scoped3A : memref<!tpu.dma_semaphore, #tpu.memory_space<semaphore_mem>>)
      %dma_wait3A = arith.constant 0 : i32
      %dma_wait3A_22 = tpu.memref_slice %arg31[%mul3A_0, %dma_wait3A] : memref<10240x128xf32, #tpu.memory_space<vmem_shared>> -> memref<640x128xf32, #tpu.memory_space<vmem_shared>>
      tpu.wait_dma2 semaphore(%run_scoped3A : memref<!tpu.dma_semaphore, #tpu.memory_space<semaphore_mem>>) src(%arg10 : memref<640x128xf32, #tpu.memory_space<hbm>>) dst(%dma_wait3A_22 : memref<640x128xf32, #tpu.memory_space<vmem_shared>>)
      tpu.yield
    }) : () -> ()
    "tpu.region"() ({
      %run_scoped3A = tpu.sem_alloc : memref<!tpu.dma_semaphore, #tpu.memory_space<semaphore_mem>>
      %dma_start3A = arith.constant 0 : i32
      %dma_start3A_21 = tpu.memref_slice %arg32[%mul3A_0, %dma_start3A] : memref<10240x8xf32, #tpu.memory_space<vmem_shared>> -> memref<640x8xf32, #tpu.memory_space<vmem_shared>>
      tpu.enqueue_dma source(%arg11 : memref<640x8xf32, #tpu.memory_space<hbm>>) target(%dma_start3A_21 : memref<640x8xf32, #tpu.memory_space<vmem_shared>>) target_semaphore(%run_scoped3A : memref<!tpu.dma_semaphore, #tpu.memory_space<semaphore_mem>>)
      %dma_wait3A = arith.constant 0 : i32
      %dma_wait3A_22 = tpu.memref_slice %arg32[%mul3A_0, %dma_wait3A] : memref<10240x8xf32, #tpu.memory_space<vmem_shared>> -> memref<640x8xf32, #tpu.memory_space<vmem_shared>>
      tpu.wait_dma2 semaphore(%run_scoped3A : memref<!tpu.dma_semaphore, #tpu.memory_space<semaphore_mem>>) src(%arg11 : memref<640x8xf32, #tpu.memory_space<hbm>>) dst(%dma_wait3A_22 : memref<640x8xf32, #tpu.memory_space<vmem_shared>>)
      tpu.yield
    }) : () -> ()
    "tpu.region"() ({
      %run_scoped3A = tpu.sem_alloc : memref<!tpu.dma_semaphore, #tpu.memory_space<semaphore_mem>>
      tpu.enqueue_dma source(%arg12 : memref<40x8xf32, #tpu.memory_space<hbm>>) target(%arg30 : memref<40x8xf32, #tpu.memory_space<vmem>>) target_semaphore(%run_scoped3A : memref<!tpu.dma_semaphore, #tpu.memory_space<semaphore_mem>>)
      tpu.wait_dma2 semaphore(%run_scoped3A : memref<!tpu.dma_semaphore, #tpu.memory_space<semaphore_mem>>) src(%arg12 : memref<40x8xf32, #tpu.memory_space<hbm>>) dst(%arg30 : memref<40x8xf32, #tpu.memory_space<vmem>>)
      tpu.yield
    }) : () -> ()
    %barrier3A = arith.constant 0 : index
    tpu.barrier barrier_id(%barrier3A)
    %eq3A = arith.constant 0 : i32
    %eq3A_3 = arith.cmpi eq, %arg0, %eq3A : i32
    %convert_element_type3A = arith.extui %eq3A_3 : i1 to i32
    %cond3A = arith.constant 0 : i32
    %cond3A_4 = arith.cmpi ne, %convert_element_type3A, %cond3A : i32
    scf.if %cond3A_4 {
      %add3A = arith.constant 0 : i32
      %add3A_21 = arith.addi %mul3A_2, %add3A : i32
      %dma_start3A = tpu.memref_slice %arg8[%add3A_21] : memref<320000xi32, #tpu.memory_space<hbm>> -> memref<40xi32, #tpu.memory_space<hbm>>
      %dma_start3A_22 = tpu.memref_slice %arg8[%add3A_21] : memref<320000xi32, #tpu.memory_space<hbm>> -> memref<40xi32, #tpu.memory_space<hbm>>
      tpu.enqueue_dma source(%dma_start3A_22 : memref<40xi32, #tpu.memory_space<hbm>>) target(%arg16 : memref<40xi32, #tpu.memory_space<vmem>>) target_semaphore(%arg39 : memref<!tpu.dma_semaphore, #tpu.memory_space<semaphore_mem>>)
      %dma_start3A_23 = tpu.memref_slice %arg9[%add3A_21] : memref<320000xi32, #tpu.memory_space<hbm>> -> memref<40xi32, #tpu.memory_space<hbm>>
      %dma_start3A_24 = tpu.memref_slice %arg9[%add3A_21] : memref<320000xi32, #tpu.memory_space<hbm>> -> memref<40xi32, #tpu.memory_space<hbm>>
      tpu.enqueue_dma source(%dma_start3A_24 : memref<40xi32, #tpu.memory_space<hbm>>) target(%arg17 : memref<40xi32, #tpu.memory_space<vmem>>) target_semaphore(%arg39 : memref<!tpu.dma_semaphore, #tpu.memory_space<semaphore_mem>>)
      %add3A_25 = arith.constant 40 : i32
      %add3A_26 = arith.addi %mul3A_2, %add3A_25 : i32
      %dma_start3A_27 = tpu.memref_slice %arg8[%add3A_26] : memref<320000xi32, #tpu.memory_space<hbm>> -> memref<40xi32, #tpu.memory_space<hbm>>
      %dma_start3A_28 = tpu.memref_slice %arg8[%add3A_26] : memref<320000xi32, #tpu.memory_space<hbm>> -> memref<40xi32, #tpu.memory_space<hbm>>
      tpu.enqueue_dma source(%dma_start3A_28 : memref<40xi32, #tpu.memory_space<hbm>>) target(%arg18 : memref<40xi32, #tpu.memory_space<vmem>>) target_semaphore(%arg40 : memref<!tpu.dma_semaphore, #tpu.memory_space<semaphore_mem>>)
      %dma_start3A_29 = tpu.memref_slice %arg9[%add3A_26] : memref<320000xi32, #tpu.memory_space<hbm>> -> memref<40xi32, #tpu.memory_space<hbm>>
      %dma_start3A_30 = tpu.memref_slice %arg9[%add3A_26] : memref<320000xi32, #tpu.memory_space<hbm>> -> memref<40xi32, #tpu.memory_space<hbm>>
      tpu.enqueue_dma source(%dma_start3A_30 : memref<40xi32, #tpu.memory_space<hbm>>) target(%arg19 : memref<40xi32, #tpu.memory_space<vmem>>) target_semaphore(%arg40 : memref<!tpu.dma_semaphore, #tpu.memory_space<semaphore_mem>>)
      %add3A_31 = arith.constant 80 : i32
      %add3A_32 = arith.addi %mul3A_2, %add3A_31 : i32
      %dma_start3A_33 = tpu.memref_slice %arg8[%add3A_32] : memref<320000xi32, #tpu.memory_space<hbm>> -> memref<40xi32, #tpu.memory_space<hbm>>
      %dma_start3A_34 = tpu.memref_slice %arg8[%add3A_32] : memref<320000xi32, #tpu.memory_space<hbm>> -> memref<40xi32, #tpu.memory_space<hbm>>
      tpu.enqueue_dma source(%dma_start3A_34 : memref<40xi32, #tpu.memory_space<hbm>>) target(%arg20 : memref<40xi32, #tpu.memory_space<vmem>>) target_semaphore(%arg41 : memref<!tpu.dma_semaphore, #tpu.memory_space<semaphore_mem>>)
      %dma_start3A_35 = tpu.memref_slice %arg9[%add3A_32] : memref<320000xi32, #tpu.memory_space<hbm>> -> memref<40xi32, #tpu.memory_space<hbm>>
      %dma_start3A_36 = tpu.memref_slice %arg9[%add3A_32] : memref<320000xi32, #tpu.memory_space<hbm>> -> memref<40xi32, #tpu.memory_space<hbm>>
      tpu.enqueue_dma source(%dma_start3A_36 : memref<40xi32, #tpu.memory_space<hbm>>) target(%arg21 : memref<40xi32, #tpu.memory_space<vmem>>) target_semaphore(%arg41 : memref<!tpu.dma_semaphore, #tpu.memory_space<semaphore_mem>>)
      %add3A_37 = arith.constant 120 : i32
      %add3A_38 = arith.addi %mul3A_2, %add3A_37 : i32
      %dma_start3A_39 = tpu.memref_slice %arg8[%add3A_38] : memref<320000xi32, #tpu.memory_space<hbm>> -> memref<40xi32, #tpu.memory_space<hbm>>
      %dma_start3A_40 = tpu.memref_slice %arg8[%add3A_38] : memref<320000xi32, #tpu.memory_space<hbm>> -> memref<40xi32, #tpu.memory_space<hbm>>
      tpu.enqueue_dma source(%dma_start3A_40 : memref<40xi32, #tpu.memory_space<hbm>>) target(%arg22 : memref<40xi32, #tpu.memory_space<vmem>>) target_semaphore(%arg42 : memref<!tpu.dma_semaphore, #tpu.memory_space<semaphore_mem>>)
      %dma_start3A_41 = tpu.memref_slice %arg9[%add3A_38] : memref<320000xi32, #tpu.memory_space<hbm>> -> memref<40xi32, #tpu.memory_space<hbm>>
      %dma_start3A_42 = tpu.memref_slice %arg9[%add3A_38] : memref<320000xi32, #tpu.memory_space<hbm>> -> memref<40xi32, #tpu.memory_space<hbm>>
      tpu.enqueue_dma source(%dma_start3A_42 : memref<40xi32, #tpu.memory_space<hbm>>) target(%arg23 : memref<40xi32, #tpu.memory_space<vmem>>) target_semaphore(%arg42 : memref<!tpu.dma_semaphore, #tpu.memory_space<semaphore_mem>>)
      %dma_wait3A = arith.constant 0 : i32
      %dma_wait3A_43 = tpu.memref_slice %arg8[%dma_wait3A] : memref<320000xi32, #tpu.memory_space<hbm>> -> memref<40xi32, #tpu.memory_space<hbm>>
      %dma_wait3A_44 = arith.constant 0 : i32
      %dma_wait3A_45 = tpu.memref_slice %arg8[%dma_wait3A_44] : memref<320000xi32, #tpu.memory_space<hbm>> -> memref<40xi32, #tpu.memory_space<hbm>>
      tpu.wait_dma2 semaphore(%arg39 : memref<!tpu.dma_semaphore, #tpu.memory_space<semaphore_mem>>) src(%dma_wait3A_45 : memref<40xi32, #tpu.memory_space<hbm>>) dst(%arg16 : memref<40xi32, #tpu.memory_space<vmem>>)
      %dma_wait3A_46 = arith.constant 0 : i32
      %dma_wait3A_47 = tpu.memref_slice %arg9[%dma_wait3A_46] : memref<320000xi32, #tpu.memory_space<hbm>> -> memref<40xi32, #tpu.memory_space<hbm>>
      %dma_wait3A_48 = arith.constant 0 : i32
      %dma_wait3A_49 = tpu.memref_slice %arg9[%dma_wait3A_48] : memref<320000xi32, #tpu.memory_space<hbm>> -> memref<40xi32, #tpu.memory_space<hbm>>
      tpu.wait_dma2 semaphore(%arg39 : memref<!tpu.dma_semaphore, #tpu.memory_space<semaphore_mem>>) src(%dma_wait3A_49 : memref<40xi32, #tpu.memory_space<hbm>>) dst(%arg17 : memref<40xi32, #tpu.memory_space<vmem>>)
      %dma_start3A_50 = arith.constant 0 : i32
      %dma_start3A_51 = arith.constant 0 : i32
      %dma_start3A_52 = tpu.memref_slice %arg2[%dma_start3A_50, %dma_start3A_51] : memref<10000x128xf32, #tpu.memory_space<hbm>> -> memref<10000x128xf32, #tpu.memory_space<hbm>>
      tpu.enqueue_indirect_dma source(%dma_start3A_52 : memref<10000x128xf32, #tpu.memory_space<hbm>>) target(%arg24 : memref<40x128xf32, #tpu.memory_space<vmem>>) offsets(%arg16 : memref<40xi32, #tpu.memory_space<vmem>>) semaphore(%arg33 : memref<!tpu.dma_semaphore, #tpu.memory_space<semaphore_mem>>)
      %dma_start3A_53 = arith.constant 0 : i32
      %dma_start3A_54 = arith.constant 0 : i32
      %dma_start3A_55 = tpu.memref_slice %arg4[%dma_start3A_53, %dma_start3A_54] : memref<10000x128xf32, #tpu.memory_space<hbm>> -> memref<10000x128xf32, #tpu.memory_space<hbm>>
      tpu.enqueue_indirect_dma source(%dma_start3A_55 : memref<10000x128xf32, #tpu.memory_space<hbm>>) target(%arg25 : memref<40x128xf32, #tpu.memory_space<vmem>>) offsets(%arg17 : memref<40xi32, #tpu.memory_space<vmem>>) semaphore(%arg34 : memref<!tpu.dma_semaphore, #tpu.memory_space<semaphore_mem>>)
      %add3A_56 = arith.constant 0 : i32
      %add3A_57 = arith.addi %mul3A_2, %add3A_56 : i32
      %dma_start3A_58 = arith.constant 0 : i32
      %dma_start3A_59 = tpu.memref_slice %arg6[%add3A_57, %dma_start3A_58] : memref<320000x128xf32, #tpu.memory_space<hbm>> -> memref<40x128xf32, #tpu.memory_space<hbm>>
      %dma_start3A_60 = arith.constant 0 : i32
      %dma_start3A_61 = tpu.memref_slice %arg6[%add3A_57, %dma_start3A_60] : memref<320000x128xf32, #tpu.memory_space<hbm>> -> memref<40x128xf32, #tpu.memory_space<hbm>>
      tpu.enqueue_dma source(%dma_start3A_61 : memref<40x128xf32, #tpu.memory_space<hbm>>) target(%arg26 : memref<40x128xf32, #tpu.memory_space<vmem>>) target_semaphore(%arg35 : memref<!tpu.dma_semaphore, #tpu.memory_space<semaphore_mem>>)
      %dma_wait3A_62 = arith.constant 0 : i32
      %dma_wait3A_63 = tpu.memref_slice %arg8[%dma_wait3A_62] : memref<320000xi32, #tpu.memory_space<hbm>> -> memref<40xi32, #tpu.memory_space<hbm>>
      %dma_wait3A_64 = arith.constant 0 : i32
      %dma_wait3A_65 = tpu.memref_slice %arg8[%dma_wait3A_64] : memref<320000xi32, #tpu.memory_space<hbm>> -> memref<40xi32, #tpu.memory_space<hbm>>
      tpu.wait_dma2 semaphore(%arg40 : memref<!tpu.dma_semaphore, #tpu.memory_space<semaphore_mem>>) src(%dma_wait3A_65 : memref<40xi32, #tpu.memory_space<hbm>>) dst(%arg18 : memref<40xi32, #tpu.memory_space<vmem>>)
      %dma_wait3A_66 = arith.constant 0 : i32
      %dma_wait3A_67 = tpu.memref_slice %arg9[%dma_wait3A_66] : memref<320000xi32, #tpu.memory_space<hbm>> -> memref<40xi32, #tpu.memory_space<hbm>>
      %dma_wait3A_68 = arith.constant 0 : i32
      %dma_wait3A_69 = tpu.memref_slice %arg9[%dma_wait3A_68] : memref<320000xi32, #tpu.memory_space<hbm>> -> memref<40xi32, #tpu.memory_space<hbm>>
      tpu.wait_dma2 semaphore(%arg40 : memref<!tpu.dma_semaphore, #tpu.memory_space<semaphore_mem>>) src(%dma_wait3A_69 : memref<40xi32, #tpu.memory_space<hbm>>) dst(%arg19 : memref<40xi32, #tpu.memory_space<vmem>>)
      %dma_start3A_70 = arith.constant 0 : i32
      %dma_start3A_71 = arith.constant 0 : i32
      %dma_start3A_72 = tpu.memref_slice %arg2[%dma_start3A_70, %dma_start3A_71] : memref<10000x128xf32, #tpu.memory_space<hbm>> -> memref<10000x128xf32, #tpu.memory_space<hbm>>
      tpu.enqueue_indirect_dma source(%dma_start3A_72 : memref<10000x128xf32, #tpu.memory_space<hbm>>) target(%arg27 : memref<40x128xf32, #tpu.memory_space<vmem>>) offsets(%arg18 : memref<40xi32, #tpu.memory_space<vmem>>) semaphore(%arg36 : memref<!tpu.dma_semaphore, #tpu.memory_space<semaphore_mem>>)
      %dma_start3A_73 = arith.constant 0 : i32
      %dma_start3A_74 = arith.constant 0 : i32
      %dma_start3A_75 = tpu.memref_slice %arg4[%dma_start3A_73, %dma_start3A_74] : memref<10000x128xf32, #tpu.memory_space<hbm>> -> memref<10000x128xf32, #tpu.memory_space<hbm>>
      tpu.enqueue_indirect_dma source(%dma_start3A_75 : memref<10000x128xf32, #tpu.memory_space<hbm>>) target(%arg28 : memref<40x128xf32, #tpu.memory_space<vmem>>) offsets(%arg19 : memref<40xi32, #tpu.memory_space<vmem>>) semaphore(%arg37 : memref<!tpu.dma_semaphore, #tpu.memory_space<semaphore_mem>>)
      %add3A_76 = arith.constant 40 : i32
      %add3A_77 = arith.addi %mul3A_2, %add3A_76 : i32
      %dma_start3A_78 = arith.constant 0 : i32
      %dma_start3A_79 = tpu.memref_slice %arg6[%add3A_77, %dma_start3A_78] : memref<320000x128xf32, #tpu.memory_space<hbm>> -> memref<40x128xf32, #tpu.memory_space<hbm>>
      %dma_start3A_80 = arith.constant 0 : i32
      %dma_start3A_81 = tpu.memref_slice %arg6[%add3A_77, %dma_start3A_80] : memref<320000x128xf32, #tpu.memory_space<hbm>> -> memref<40x128xf32, #tpu.memory_space<hbm>>
      tpu.enqueue_dma source(%dma_start3A_81 : memref<40x128xf32, #tpu.memory_space<hbm>>) target(%arg29 : memref<40x128xf32, #tpu.memory_space<vmem>>) target_semaphore(%arg38 : memref<!tpu.dma_semaphore, #tpu.memory_space<semaphore_mem>>)
      %scan3A = arith.constant 0 : i32
      %scan3A_82 = arith.constant 0 : i32
      %scan3A_83 = arith.constant 125 : i32
      %scan3A_84 = arith.addi %scan3A_82, %scan3A_83 : i32
      %scan3A_85 = arith.constant 1 : i32
      %scan3A_86 = scf.for %scan3A_88 = %scan3A_82 to %scan3A_84 step %scan3A_85 iter_args(%scan3A_89 = %scan3A) -> (i32)  : i32 {
        %mul3A_90 = arith.constant 4 : i32
        %mul3A_91 = arith.muli %mul3A_90, %scan3A_88 : i32
        %add3A_92 = arith.constant 0 : i32
        %add3A_93 = arith.addi %mul3A_91, %add3A_92 : i32
        %dma_wait3A_94 = arith.constant 0 : i32
        %dma_wait3A_95 = arith.constant 0 : i32
        %dma_wait3A_96 = tpu.memref_slice %arg2[%dma_wait3A_94, %dma_wait3A_95] : memref<10000x128xf32, #tpu.memory_space<hbm>> -> memref<10000x128xf32, #tpu.memory_space<hbm>>
        tpu.wait_indirect_dma semaphore(%arg33 : memref<!tpu.dma_semaphore, #tpu.memory_space<semaphore_mem>>) src(%dma_wait3A_96 : memref<10000x128xf32, #tpu.memory_space<hbm>>) dst(%arg24 : memref<40x128xf32, #tpu.memory_space<vmem>>)
        %dma_wait3A_97 = arith.constant 0 : i32
        %dma_wait3A_98 = arith.constant 0 : i32
        %dma_wait3A_99 = tpu.memref_slice %arg4[%dma_wait3A_97, %dma_wait3A_98] : memref<10000x128xf32, #tpu.memory_space<hbm>> -> memref<10000x128xf32, #tpu.memory_space<hbm>>
        tpu.wait_indirect_dma semaphore(%arg34 : memref<!tpu.dma_semaphore, #tpu.memory_space<semaphore_mem>>) src(%dma_wait3A_99 : memref<10000x128xf32, #tpu.memory_space<hbm>>) dst(%arg25 : memref<40x128xf32, #tpu.memory_space<vmem>>)
        %dma_wait3A_100 = arith.constant 0 : i32
        %dma_wait3A_101 = arith.constant 0 : i32
        %dma_wait3A_102 = tpu.memref_slice %arg6[%dma_wait3A_100, %dma_wait3A_101] : memref<320000x128xf32, #tpu.memory_space<hbm>> -> memref<40x128xf32, #tpu.memory_space<hbm>>
        %dma_wait3A_103 = arith.constant 0 : i32
        %dma_wait3A_104 = arith.constant 0 : i32
        %dma_wait3A_105 = tpu.memref_slice %arg6[%dma_wait3A_103, %dma_wait3A_104] : memref<320000x128xf32, #tpu.memory_space<hbm>> -> memref<40x128xf32, #tpu.memory_space<hbm>>
        tpu.wait_dma2 semaphore(%arg35 : memref<!tpu.dma_semaphore, #tpu.memory_space<semaphore_mem>>) src(%dma_wait3A_105 : memref<40x128xf32, #tpu.memory_space<hbm>>) dst(%arg26 : memref<40x128xf32, #tpu.memory_space<vmem>>)
        %scan3A_106 = arith.constant 0 : i32
        %scan3A_107 = arith.constant 0 : i32
        %scan3A_108 = arith.constant 40 : i32
        %scan3A_109 = arith.addi %scan3A_107, %scan3A_108 : i32
        %scan3A_110 = arith.constant 1 : i32
        %scan3A_111 = scf.for %scan3A_238 = %scan3A_107 to %scan3A_109 step %scan3A_110 iter_args(%scan3A_239 = %scan3A_106) -> (i32)  : i32 {
          %get3A = arith.index_cast %scan3A_238 : i32 to index
          %get3A_240 = arith.constant 0 : index
          %get3A_241 = tpu.vector_load %arg24[%get3A, %get3A_240] {strides = array<i32>} : memref<40x128xf32, #tpu.memory_space<vmem>>, vector<1x16xf32>,
          %get3A_242 = vector.shape_cast %get3A_241 : vector<1x16xf32> to vector<16xf32>
          %get3A_243 = arith.index_cast %scan3A_238 : i32 to index
          %get3A_244 = arith.constant 0 : index
          %get3A_245 = tpu.vector_load %arg25[%get3A_243, %get3A_244] {strides = array<i32>} : memref<40x128xf32, #tpu.memory_space<vmem>>, vector<1x16xf32>,
          %get3A_246 = vector.shape_cast %get3A_245 : vector<1x16xf32> to vector<16xf32>
          %add3A_247 = arith.addf %get3A_242, %get3A_246 : vector<16xf32>
          %get3A_248 = arith.index_cast %scan3A_238 : i32 to index
          %get3A_249 = arith.constant 0 : index
          %get3A_250 = tpu.vector_load %arg26[%get3A_248, %get3A_249] {strides = array<i32>} : memref<40x128xf32, #tpu.memory_space<vmem>>, vector<1x16xf32>,
          %get3A_251 = vector.shape_cast %get3A_250 : vector<1x16xf32> to vector<16xf32>
          %add3A_252 = arith.addf %add3A_247, %get3A_251 : vector<16xf32>
          %max3A = arith.constant 0.000000e+00 : f32
          %max3A_253 = vector.broadcast %max3A : f32 to vector<16xf32>
          %max3A_254 = arith.maximumf %add3A_252, %max3A_253 : vector<16xf32>
          %swap3A = arith.index_cast %scan3A_238 : i32 to index
          %swap3A_255 = arith.constant 0 : index
          %swap3A_256 = tpu.vector_load %arg26[%swap3A, %swap3A_255] {strides = array<i32>} : memref<40x128xf32, #tpu.memory_space<vmem>>, vector<1x16xf32>,
          %swap3A_257 = vector.shape_cast %swap3A_256 : vector<1x16xf32> to vector<16xf32>
          %swap3A_258 = vector.shape_cast %max3A_254 : vector<16xf32> to vector<1x16xf32>
          tpu.vector_store %arg26[%swap3A, %swap3A_255], %swap3A_258 {strides = array<i32>} : memref<40x128xf32, #tpu.memory_space<vmem>>, vector<1x16xf32>,
          %get3A_259 = arith.index_cast %scan3A_238 : i32 to index
          %get3A_260 = arith.constant 16 : index
          %get3A_261 = tpu.vector_load %arg24[%get3A_259, %get3A_260] {strides = array<i32>} : memref<40x128xf32, #tpu.memory_space<vmem>>, vector<1x16xf32>,
          %get3A_262 = vector.shape_cast %get3A_261 : vector<1x16xf32> to vector<16xf32>
          %get3A_263 = arith.index_cast %scan3A_238 : i32 to index
          %get3A_264 = arith.constant 16 : index
          %get3A_265 = tpu.vector_load %arg25[%get3A_263, %get3A_264] {strides = array<i32>} : memref<40x128xf32, #tpu.memory_space<vmem>>, vector<1x16xf32>,
          %get3A_266 = vector.shape_cast %get3A_265 : vector<1x16xf32> to vector<16xf32>
          %add3A_267 = arith.addf %get3A_262, %get3A_266 : vector<16xf32>
          %get3A_268 = arith.index_cast %scan3A_238 : i32 to index
          %get3A_269 = arith.constant 16 : index
          %get3A_270 = tpu.vector_load %arg26[%get3A_268, %get3A_269] {strides = array<i32>} : memref<40x128xf32, #tpu.memory_space<vmem>>, vector<1x16xf32>,
          %get3A_271 = vector.shape_cast %get3A_270 : vector<1x16xf32> to vector<16xf32>
          %add3A_272 = arith.addf %add3A_267, %get3A_271 : vector<16xf32>
          %max3A_273 = arith.constant 0.000000e+00 : f32
          %max3A_274 = vector.broadcast %max3A_273 : f32 to vector<16xf32>
          %max3A_275 = arith.maximumf %add3A_272, %max3A_274 : vector<16xf32>
          %swap3A_276 = arith.index_cast %scan3A_238 : i32 to index
          %swap3A_277 = arith.constant 16 : index
          %swap3A_278 = tpu.vector_load %arg26[%swap3A_276, %swap3A_277] {strides = array<i32>} : memref<40x128xf32, #tpu.memory_space<vmem>>, vector<1x16xf32>,
          %swap3A_279 = vector.shape_cast %swap3A_278 : vector<1x16xf32> to vector<16xf32>
          %swap3A_280 = vector.shape_cast %max3A_275 : vector<16xf32> to vector<1x16xf32>
          tpu.vector_store %arg26[%swap3A_276, %swap3A_277], %swap3A_280 {strides = array<i32>} : memref<40x128xf32, #tpu.memory_space<vmem>>, vector<1x16xf32>,
          %get3A_281 = arith.index_cast %scan3A_238 : i32 to index
          %get3A_282 = arith.constant 32 : index
          %get3A_283 = tpu.vector_load %arg24[%get3A_281, %get3A_282] {strides = array<i32>} : memref<40x128xf32, #tpu.memory_space<vmem>>, vector<1x16xf32>,
          %get3A_284 = vector.shape_cast %get3A_283 : vector<1x16xf32> to vector<16xf32>
          %get3A_285 = arith.index_cast %scan3A_238 : i32 to index
          %get3A_286 = arith.constant 32 : index
          %get3A_287 = tpu.vector_load %arg25[%get3A_285, %get3A_286] {strides = array<i32>} : memref<40x128xf32, #tpu.memory_space<vmem>>, vector<1x16xf32>,
          %get3A_288 = vector.shape_cast %get3A_287 : vector<1x16xf32> to vector<16xf32>
          %add3A_289 = arith.addf %get3A_284, %get3A_288 : vector<16xf32>
          %get3A_290 = arith.index_cast %scan3A_238 : i32 to index
          %get3A_291 = arith.constant 32 : index
          %get3A_292 = tpu.vector_load %arg26[%get3A_290, %get3A_291] {strides = array<i32>} : memref<40x128xf32, #tpu.memory_space<vmem>>, vector<1x16xf32>,
          %get3A_293 = vector.shape_cast %get3A_292 : vector<1x16xf32> to vector<16xf32>
          %add3A_294 = arith.addf %add3A_289, %get3A_293 : vector<16xf32>
          %max3A_295 = arith.constant 0.000000e+00 : f32
          %max3A_296 = vector.broadcast %max3A_295 : f32 to vector<16xf32>
          %max3A_297 = arith.maximumf %add3A_294, %max3A_296 : vector<16xf32>
          %swap3A_298 = arith.index_cast %scan3A_238 : i32 to index
          %swap3A_299 = arith.constant 32 : index
          %swap3A_300 = tpu.vector_load %arg26[%swap3A_298, %swap3A_299] {strides = array<i32>} : memref<40x128xf32, #tpu.memory_space<vmem>>, vector<1x16xf32>,
          %swap3A_301 = vector.shape_cast %swap3A_300 : vector<1x16xf32> to vector<16xf32>
          %swap3A_302 = vector.shape_cast %max3A_297 : vector<16xf32> to vector<1x16xf32>
          tpu.vector_store %arg26[%swap3A_298, %swap3A_299], %swap3A_302 {strides = array<i32>} : memref<40x128xf32, #tpu.memory_space<vmem>>, vector<1x16xf32>,
          %get3A_303 = arith.index_cast %scan3A_238 : i32 to index
          %get3A_304 = arith.constant 48 : index
          %get3A_305 = tpu.vector_load %arg24[%get3A_303, %get3A_304] {strides = array<i32>} : memref<40x128xf32, #tpu.memory_space<vmem>>, vector<1x16xf32>,
          %get3A_306 = vector.shape_cast %get3A_305 : vector<1x16xf32> to vector<16xf32>
          %get3A_307 = arith.index_cast %scan3A_238 : i32 to index
          %get3A_308 = arith.constant 48 : index
          %get3A_309 = tpu.vector_load %arg25[%get3A_307, %get3A_308] {strides = array<i32>} : memref<40x128xf32, #tpu.memory_space<vmem>>, vector<1x16xf32>,
          %get3A_310 = vector.shape_cast %get3A_309 : vector<1x16xf32> to vector<16xf32>
          %add3A_311 = arith.addf %get3A_306, %get3A_310 : vector<16xf32>
          %get3A_312 = arith.index_cast %scan3A_238 : i32 to index
          %get3A_313 = arith.constant 48 : index
          %get3A_314 = tpu.vector_load %arg26[%get3A_312, %get3A_313] {strides = array<i32>} : memref<40x128xf32, #tpu.memory_space<vmem>>, vector<1x16xf32>,
          %get3A_315 = vector.shape_cast %get3A_314 : vector<1x16xf32> to vector<16xf32>
          %add3A_316 = arith.addf %add3A_311, %get3A_315 : vector<16xf32>
          %max3A_317 = arith.constant 0.000000e+00 : f32
          %max3A_318 = vector.broadcast %max3A_317 : f32 to vector<16xf32>
          %max3A_319 = arith.maximumf %add3A_316, %max3A_318 : vector<16xf32>
          %swap3A_320 = arith.index_cast %scan3A_238 : i32 to index
          %swap3A_321 = arith.constant 48 : index
          %swap3A_322 = tpu.vector_load %arg26[%swap3A_320, %swap3A_321] {strides = array<i32>} : memref<40x128xf32, #tpu.memory_space<vmem>>, vector<1x16xf32>,
          %swap3A_323 = vector.shape_cast %swap3A_322 : vector<1x16xf32> to vector<16xf32>
          %swap3A_324 = vector.shape_cast %max3A_319 : vector<16xf32> to vector<1x16xf32>
          tpu.vector_store %arg26[%swap3A_320, %swap3A_321], %swap3A_324 {strides = array<i32>} : memref<40x128xf32, #tpu.memory_space<vmem>>, vector<1x16xf32>,
          %get3A_325 = arith.index_cast %scan3A_238 : i32 to index
          %get3A_326 = arith.constant 64 : index
          %get3A_327 = tpu.vector_load %arg24[%get3A_325, %get3A_326] {strides = array<i32>} : memref<40x128xf32, #tpu.memory_space<vmem>>, vector<1x16xf32>,
          %get3A_328 = vector.shape_cast %get3A_327 : vector<1x16xf32> to vector<16xf32>
          %get3A_329 = arith.index_cast %scan3A_238 : i32 to index
          %get3A_330 = arith.constant 64 : index
          %get3A_331 = tpu.vector_load %arg25[%get3A_329, %get3A_330] {strides = array<i32>} : memref<40x128xf32, #tpu.memory_space<vmem>>, vector<1x16xf32>,
          %get3A_332 = vector.shape_cast %get3A_331 : vector<1x16xf32> to vector<16xf32>
          %add3A_333 = arith.addf %get3A_328, %get3A_332 : vector<16xf32>
          %get3A_334 = arith.index_cast %scan3A_238 : i32 to index
          %get3A_335 = arith.constant 64 : index
          %get3A_336 = tpu.vector_load %arg26[%get3A_334, %get3A_335] {strides = array<i32>} : memref<40x128xf32, #tpu.memory_space<vmem>>, vector<1x16xf32>,
          %get3A_337 = vector.shape_cast %get3A_336 : vector<1x16xf32> to vector<16xf32>
          %add3A_338 = arith.addf %add3A_333, %get3A_337 : vector<16xf32>
          %max3A_339 = arith.constant 0.000000e+00 : f32
          %max3A_340 = vector.broadcast %max3A_339 : f32 to vector<16xf32>
          %max3A_341 = arith.maximumf %add3A_338, %max3A_340 : vector<16xf32>
          %swap3A_342 = arith.index_cast %scan3A_238 : i32 to index
          %swap3A_343 = arith.constant 64 : index
          %swap3A_344 = tpu.vector_load %arg26[%swap3A_342, %swap3A_343] {strides = array<i32>} : memref<40x128xf32, #tpu.memory_space<vmem>>, vector<1x16xf32>,
          %swap3A_345 = vector.shape_cast %swap3A_344 : vector<1x16xf32> to vector<16xf32>
          %swap3A_346 = vector.shape_cast %max3A_341 : vector<16xf32> to vector<1x16xf32>
          tpu.vector_store %arg26[%swap3A_342, %swap3A_343], %swap3A_346 {strides = array<i32>} : memref<40x128xf32, #tpu.memory_space<vmem>>, vector<1x16xf32>,
          %get3A_347 = arith.index_cast %scan3A_238 : i32 to index
          %get3A_348 = arith.constant 80 : index
          %get3A_349 = tpu.vector_load %arg24[%get3A_347, %get3A_348] {strides = array<i32>} : memref<40x128xf32, #tpu.memory_space<vmem>>, vector<1x16xf32>,
          %get3A_350 = vector.shape_cast %get3A_349 : vector<1x16xf32> to vector<16xf32>
          %get3A_351 = arith.index_cast %scan3A_238 : i32 to index
          %get3A_352 = arith.constant 80 : index
          %get3A_353 = tpu.vector_load %arg25[%get3A_351, %get3A_352] {strides = array<i32>} : memref<40x128xf32, #tpu.memory_space<vmem>>, vector<1x16xf32>,
          %get3A_354 = vector.shape_cast %get3A_353 : vector<1x16xf32> to vector<16xf32>
          %add3A_355 = arith.addf %get3A_350, %get3A_354 : vector<16xf32>
          %get3A_356 = arith.index_cast %scan3A_238 : i32 to index
          %get3A_357 = arith.constant 80 : index
          %get3A_358 = tpu.vector_load %arg26[%get3A_356, %get3A_357] {strides = array<i32>} : memref<40x128xf32, #tpu.memory_space<vmem>>, vector<1x16xf32>,
          %get3A_359 = vector.shape_cast %get3A_358 : vector<1x16xf32> to vector<16xf32>
          %add3A_360 = arith.addf %add3A_355, %get3A_359 : vector<16xf32>
          %max3A_361 = arith.constant 0.000000e+00 : f32
          %max3A_362 = vector.broadcast %max3A_361 : f32 to vector<16xf32>
          %max3A_363 = arith.maximumf %add3A_360, %max3A_362 : vector<16xf32>
          %swap3A_364 = arith.index_cast %scan3A_238 : i32 to index
          %swap3A_365 = arith.constant 80 : index
          %swap3A_366 = tpu.vector_load %arg26[%swap3A_364, %swap3A_365] {strides = array<i32>} : memref<40x128xf32, #tpu.memory_space<vmem>>, vector<1x16xf32>,
          %swap3A_367 = vector.shape_cast %swap3A_366 : vector<1x16xf32> to vector<16xf32>
          %swap3A_368 = vector.shape_cast %max3A_363 : vector<16xf32> to vector<1x16xf32>
          tpu.vector_store %arg26[%swap3A_364, %swap3A_365], %swap3A_368 {strides = array<i32>} : memref<40x128xf32, #tpu.memory_space<vmem>>, vector<1x16xf32>,
          %get3A_369 = arith.index_cast %scan3A_238 : i32 to index
          %get3A_370 = arith.constant 96 : index
          %get3A_371 = tpu.vector_load %arg24[%get3A_369, %get3A_370] {strides = array<i32>} : memref<40x128xf32, #tpu.memory_space<vmem>>, vector<1x16xf32>,
          %get3A_372 = vector.shape_cast %get3A_371 : vector<1x16xf32> to vector<16xf32>
          %get3A_373 = arith.index_cast %scan3A_238 : i32 to index
          %get3A_374 = arith.constant 96 : index
          %get3A_375 = tpu.vector_load %arg25[%get3A_373, %get3A_374] {strides = array<i32>} : memref<40x128xf32, #tpu.memory_space<vmem>>, vector<1x16xf32>,
          %get3A_376 = vector.shape_cast %get3A_375 : vector<1x16xf32> to vector<16xf32>
          %add3A_377 = arith.addf %get3A_372, %get3A_376 : vector<16xf32>
          %get3A_378 = arith.index_cast %scan3A_238 : i32 to index
          %get3A_379 = arith.constant 96 : index
          %get3A_380 = tpu.vector_load %arg26[%get3A_378, %get3A_379] {strides = array<i32>} : memref<40x128xf32, #tpu.memory_space<vmem>>, vector<1x16xf32>,
          %get3A_381 = vector.shape_cast %get3A_380 : vector<1x16xf32> to vector<16xf32>
          %add3A_382 = arith.addf %add3A_377, %get3A_381 : vector<16xf32>
          %max3A_383 = arith.constant 0.000000e+00 : f32
          %max3A_384 = vector.broadcast %max3A_383 : f32 to vector<16xf32>
          %max3A_385 = arith.maximumf %add3A_382, %max3A_384 : vector<16xf32>
          %swap3A_386 = arith.index_cast %scan3A_238 : i32 to index
          %swap3A_387 = arith.constant 96 : index
          %swap3A_388 = tpu.vector_load %arg26[%swap3A_386, %swap3A_387] {strides = array<i32>} : memref<40x128xf32, #tpu.memory_space<vmem>>, vector<1x16xf32>,
          %swap3A_389 = vector.shape_cast %swap3A_388 : vector<1x16xf32> to vector<16xf32>
          %swap3A_390 = vector.shape_cast %max3A_385 : vector<16xf32> to vector<1x16xf32>
          tpu.vector_store %arg26[%swap3A_386, %swap3A_387], %swap3A_390 {strides = array<i32>} : memref<40x128xf32, #tpu.memory_space<vmem>>, vector<1x16xf32>,
          %get3A_391 = arith.index_cast %scan3A_238 : i32 to index
          %get3A_392 = arith.constant 112 : index
          %get3A_393 = tpu.vector_load %arg24[%get3A_391, %get3A_392] {strides = array<i32>} : memref<40x128xf32, #tpu.memory_space<vmem>>, vector<1x16xf32>,
          %get3A_394 = vector.shape_cast %get3A_393 : vector<1x16xf32> to vector<16xf32>
          %get3A_395 = arith.index_cast %scan3A_238 : i32 to index
          %get3A_396 = arith.constant 112 : index
          %get3A_397 = tpu.vector_load %arg25[%get3A_395, %get3A_396] {strides = array<i32>} : memref<40x128xf32, #tpu.memory_space<vmem>>, vector<1x16xf32>,
          %get3A_398 = vector.shape_cast %get3A_397 : vector<1x16xf32> to vector<16xf32>
          %add3A_399 = arith.addf %get3A_394, %get3A_398 : vector<16xf32>
          %get3A_400 = arith.index_cast %scan3A_238 : i32 to index
          %get3A_401 = arith.constant 112 : index
          %get3A_402 = tpu.vector_load %arg26[%get3A_400, %get3A_401] {strides = array<i32>} : memref<40x128xf32, #tpu.memory_space<vmem>>, vector<1x16xf32>,
          %get3A_403 = vector.shape_cast %get3A_402 : vector<1x16xf32> to vector<16xf32>
          %add3A_404 = arith.addf %add3A_399, %get3A_403 : vector<16xf32>
          %max3A_405 = arith.constant 0.000000e+00 : f32
          %max3A_406 = vector.broadcast %max3A_405 : f32 to vector<16xf32>
          %max3A_407 = arith.maximumf %add3A_404, %max3A_406 : vector<16xf32>
          %swap3A_408 = arith.index_cast %scan3A_238 : i32 to index
          %swap3A_409 = arith.constant 112 : index
          %swap3A_410 = tpu.vector_load %arg26[%swap3A_408, %swap3A_409] {strides = array<i32>} : memref<40x128xf32, #tpu.memory_space<vmem>>, vector<1x16xf32>,
          %swap3A_411 = vector.shape_cast %swap3A_410 : vector<1x16xf32> to vector<16xf32>
          %swap3A_412 = vector.shape_cast %max3A_407 : vector<16xf32> to vector<1x16xf32>
          tpu.vector_store %arg26[%swap3A_408, %swap3A_409], %swap3A_412 {strides = array<i32>} : memref<40x128xf32, #tpu.memory_space<vmem>>, vector<1x16xf32>,
          %scan3A_413 = arith.constant 0 : i32
          scf.yield %scan3A_413 : i32
        }
        %scan3A_112 = arith.constant 40 : i32
        "tpu.region"() ({
          %run_scoped3A = tpu.sem_alloc : memref<!tpu.dma_semaphore, #tpu.memory_space<semaphore_mem>>
          %dma_start3A_238 = arith.constant 0 : i32
          %dma_start3A_239 = arith.constant 0 : i32
          %dma_start3A_240 = tpu.memref_slice %arg31[%dma_start3A_238, %dma_start3A_239] : memref<10240x128xf32, #tpu.memory_space<vmem_shared>> -> memref<10240x128xf32, #tpu.memory_space<vmem_shared>>
          tpu.enqueue_indirect_dma source(%arg26 : memref<40x128xf32, #tpu.memory_space<vmem>>) target(%dma_start3A_240 : memref<10240x128xf32, #tpu.memory_space<vmem_shared>>) offsets(%arg16 : memref<40xi32, #tpu.memory_space<vmem>>) semaphore(%run_scoped3A : memref<!tpu.dma_semaphore, #tpu.memory_space<semaphore_mem>>) {add = true}
          %dma_wait3A_241 = arith.constant 0 : i32
          %dma_wait3A_242 = arith.constant 0 : i32
          %dma_wait3A_243 = tpu.memref_slice %arg31[%dma_wait3A_241, %dma_wait3A_242] : memref<10240x128xf32, #tpu.memory_space<vmem_shared>> -> memref<10240x128xf32, #tpu.memory_space<vmem_shared>>
          tpu.wait_indirect_dma semaphore(%run_scoped3A : memref<!tpu.dma_semaphore, #tpu.memory_space<semaphore_mem>>) src(%arg26 : memref<40x128xf32, #tpu.memory_space<vmem>>) dst(%dma_wait3A_243 : memref<10240x128xf32, #tpu.memory_space<vmem_shared>>)
          tpu.yield
        }) : () -> ()
        "tpu.region"() ({
          %run_scoped3A = tpu.sem_alloc : memref<!tpu.dma_semaphore, #tpu.memory_space<semaphore_mem>>
          %dma_start3A_238 = arith.constant 0 : i32
          %dma_start3A_239 = arith.constant 0 : i32
          %dma_start3A_240 = tpu.memref_slice %arg32[%dma_start3A_238, %dma_start3A_239] : memref<10240x8xf32, #tpu.memory_space<vmem_shared>> -> memref<10240x8xf32, #tpu.memory_space<vmem_shared>>
          tpu.enqueue_indirect_dma source(%arg30 : memref<40x8xf32, #tpu.memory_space<vmem>>) target(%dma_start3A_240 : memref<10240x8xf32, #tpu.memory_space<vmem_shared>>) offsets(%arg16 : memref<40xi32, #tpu.memory_space<vmem>>) semaphore(%run_scoped3A : memref<!tpu.dma_semaphore, #tpu.memory_space<semaphore_mem>>) {add = true}
          %dma_wait3A_241 = arith.constant 0 : i32
          %dma_wait3A_242 = arith.constant 0 : i32
          %dma_wait3A_243 = tpu.memref_slice %arg32[%dma_wait3A_241, %dma_wait3A_242] : memref<10240x8xf32, #tpu.memory_space<vmem_shared>> -> memref<10240x8xf32, #tpu.memory_space<vmem_shared>>
          tpu.wait_indirect_dma semaphore(%run_scoped3A : memref<!tpu.dma_semaphore, #tpu.memory_space<semaphore_mem>>) src(%arg30 : memref<40x8xf32, #tpu.memory_space<vmem>>) dst(%dma_wait3A_243 : memref<10240x8xf32, #tpu.memory_space<vmem_shared>>)
          tpu.yield
        }) : () -> ()
        %add3A_113 = arith.constant 4 : i32
        %add3A_114 = arith.addi %add3A_93, %add3A_113 : i32
        %lt3A = arith.constant 500 : i32
        %lt3A_115 = arith.cmpi slt, %add3A_114, %lt3A : i32
        %convert_element_type3A_116 = arith.extui %lt3A_115 : i1 to i32
        %cond3A_117 = arith.constant 0 : i32
        %cond3A_118 = arith.cmpi ne, %convert_element_type3A_116, %cond3A_117 : i32
        scf.if %cond3A_118 {
          %add3A_238 = arith.constant 4 : i32
          %add3A_239 = arith.addi %add3A_93, %add3A_238 : i32
          %mul3A_240 = arith.constant 40 : i32
          %mul3A_241 = arith.muli %add3A_239, %mul3A_240 : i32
          %add3A_242 = arith.addi %mul3A_2, %mul3A_241 : i32
          %dma_start3A_243 = tpu.memref_slice %arg8[%add3A_242] : memref<320000xi32, #tpu.memory_space<hbm>> -> memref<40xi32, #tpu.memory_space<hbm>>
          %dma_start3A_244 = tpu.memref_slice %arg8[%add3A_242] : memref<320000xi32, #tpu.memory_space<hbm>> -> memref<40xi32, #tpu.memory_space<hbm>>
          tpu.enqueue_dma source(%dma_start3A_244 : memref<40xi32, #tpu.memory_space<hbm>>) target(%arg16 : memref<40xi32, #tpu.memory_space<vmem>>) target_semaphore(%arg39 : memref<!tpu.dma_semaphore, #tpu.memory_space<semaphore_mem>>)
          %dma_start3A_245 = tpu.memref_slice %arg9[%add3A_242] : memref<320000xi32, #tpu.memory_space<hbm>> -> memref<40xi32, #tpu.memory_space<hbm>>
          %dma_start3A_246 = tpu.memref_slice %arg9[%add3A_242] : memref<320000xi32, #tpu.memory_space<hbm>> -> memref<40xi32, #tpu.memory_space<hbm>>
          tpu.enqueue_dma source(%dma_start3A_246 : memref<40xi32, #tpu.memory_space<hbm>>) target(%arg17 : memref<40xi32, #tpu.memory_space<vmem>>) target_semaphore(%arg39 : memref<!tpu.dma_semaphore, #tpu.memory_space<semaphore_mem>>)
        } else {
        }
        %add3A_119 = arith.constant 2 : i32
        %add3A_120 = arith.addi %add3A_93, %add3A_119 : i32
        %lt3A_121 = arith.constant 500 : i32
        %lt3A_122 = arith.cmpi slt, %add3A_120, %lt3A_121 : i32
        %convert_element_type3A_123 = arith.extui %lt3A_122 : i1 to i32
        %cond3A_124 = arith.constant 0 : i32
        %cond3A_125 = arith.cmpi ne, %convert_element_type3A_123, %cond3A_124 : i32
        scf.if %cond3A_125 {
          %dma_wait3A_238 = arith.constant 0 : i32
          %dma_wait3A_239 = tpu.memref_slice %arg8[%dma_wait3A_238] : memref<320000xi32, #tpu.memory_space<hbm>> -> memref<40xi32, #tpu.memory_space<hbm>>
          %dma_wait3A_240 = arith.constant 0 : i32
          %dma_wait3A_241 = tpu.memref_slice %arg8[%dma_wait3A_240] : memref<320000xi32, #tpu.memory_space<hbm>> -> memref<40xi32, #tpu.memory_space<hbm>>
          tpu.wait_dma2 semaphore(%arg41 : memref<!tpu.dma_semaphore, #tpu.memory_space<semaphore_mem>>) src(%dma_wait3A_241 : memref<40xi32, #tpu.memory_space<hbm>>) dst(%arg20 : memref<40xi32, #tpu.memory_space<vmem>>)
          %dma_wait3A_242 = arith.constant 0 : i32
          %dma_wait3A_243 = tpu.memref_slice %arg9[%dma_wait3A_242] : memref<320000xi32, #tpu.memory_space<hbm>> -> memref<40xi32, #tpu.memory_space<hbm>>
          %dma_wait3A_244 = arith.constant 0 : i32
          %dma_wait3A_245 = tpu.memref_slice %arg9[%dma_wait3A_244] : memref<320000xi32, #tpu.memory_space<hbm>> -> memref<40xi32, #tpu.memory_space<hbm>>
          tpu.wait_dma2 semaphore(%arg41 : memref<!tpu.dma_semaphore, #tpu.memory_space<semaphore_mem>>) src(%dma_wait3A_245 : memref<40xi32, #tpu.memory_space<hbm>>) dst(%arg21 : memref<40xi32, #tpu.memory_space<vmem>>)
          %add3A_246 = arith.constant 2 : i32
          %add3A_247 = arith.addi %add3A_93, %add3A_246 : i32
          %dma_start3A_248 = arith.constant 0 : i32
          %dma_start3A_249 = arith.constant 0 : i32
          %dma_start3A_250 = tpu.memref_slice %arg2[%dma_start3A_248, %dma_start3A_249] : memref<10000x128xf32, #tpu.memory_space<hbm>> -> memref<10000x128xf32, #tpu.memory_space<hbm>>
          tpu.enqueue_indirect_dma source(%dma_start3A_250 : memref<10000x128xf32, #tpu.memory_space<hbm>>) target(%arg24 : memref<40x128xf32, #tpu.memory_space<vmem>>) offsets(%arg20 : memref<40xi32, #tpu.memory_space<vmem>>) semaphore(%arg33 : memref<!tpu.dma_semaphore, #tpu.memory_space<semaphore_mem>>)
          %dma_start3A_251 = arith.constant 0 : i32
          %dma_start3A_252 = arith.constant 0 : i32
          %dma_start3A_253 = tpu.memref_slice %arg4[%dma_start3A_251, %dma_start3A_252] : memref<10000x128xf32, #tpu.memory_space<hbm>> -> memref<10000x128xf32, #tpu.memory_space<hbm>>
          tpu.enqueue_indirect_dma source(%dma_start3A_253 : memref<10000x128xf32, #tpu.memory_space<hbm>>) target(%arg25 : memref<40x128xf32, #tpu.memory_space<vmem>>) offsets(%arg21 : memref<40xi32, #tpu.memory_space<vmem>>) semaphore(%arg34 : memref<!tpu.dma_semaphore, #tpu.memory_space<semaphore_mem>>)
          %mul3A_254 = arith.constant 40 : i32
          %mul3A_255 = arith.muli %add3A_247, %mul3A_254 : i32
          %add3A_256 = arith.addi %mul3A_2, %mul3A_255 : i32
          %dma_start3A_257 = arith.constant 0 : i32
          %dma_start3A_258 = tpu.memref_slice %arg6[%add3A_256, %dma_start3A_257] : memref<320000x128xf32, #tpu.memory_space<hbm>> -> memref<40x128xf32, #tpu.memory_space<hbm>>
          %dma_start3A_259 = arith.constant 0 : i32
          %dma_start3A_260 = tpu.memref_slice %arg6[%add3A_256, %dma_start3A_259] : memref<320000x128xf32, #tpu.memory_space<hbm>> -> memref<40x128xf32, #tpu.memory_space<hbm>>
          tpu.enqueue_dma source(%dma_start3A_260 : memref<40x128xf32, #tpu.memory_space<hbm>>) target(%arg26 : memref<40x128xf32, #tpu.memory_space<vmem>>) target_semaphore(%arg35 : memref<!tpu.dma_semaphore, #tpu.memory_space<semaphore_mem>>)
        } else {
        }
        %mul3A_126 = arith.constant 4 : i32
        %mul3A_127 = arith.muli %mul3A_126, %scan3A_88 : i32
        %add3A_128 = arith.constant 1 : i32
        %add3A_129 = arith.addi %mul3A_127, %add3A_128 : i32
        %dma_wait3A_130 = arith.constant 0 : i32
        %dma_wait3A_131 = arith.constant 0 : i32
        %dma_wait3A_132 = tpu.memref_slice %arg2[%dma_wait3A_130, %dma_wait3A_131] : memref<10000x128xf32, #tpu.memory_space<hbm>> -> memref<10000x128xf32, #tpu.memory_space<hbm>>
        tpu.wait_indirect_dma semaphore(%arg36 : memref<!tpu.dma_semaphore, #tpu.memory_space<semaphore_mem>>) src(%dma_wait3A_132 : memref<10000x128xf32, #tpu.memory_space<hbm>>) dst(%arg27 : memref<40x128xf32, #tpu.memory_space<vmem>>)
        %dma_wait3A_133 = arith.constant 0 : i32
        %dma_wait3A_134 = arith.constant 0 : i32
        %dma_wait3A_135 = tpu.memref_slice %arg4[%dma_wait3A_133, %dma_wait3A_134] : memref<10000x128xf32, #tpu.memory_space<hbm>> -> memref<10000x128xf32, #tpu.memory_space<hbm>>
        tpu.wait_indirect_dma semaphore(%arg37 : memref<!tpu.dma_semaphore, #tpu.memory_space<semaphore_mem>>) src(%dma_wait3A_135 : memref<10000x128xf32, #tpu.memory_space<hbm>>) dst(%arg28 : memref<40x128xf32, #tpu.memory_space<vmem>>)
        %dma_wait3A_136 = arith.constant 0 : i32
        %dma_wait3A_137 = arith.constant 0 : i32
        %dma_wait3A_138 = tpu.memref_slice %arg6[%dma_wait3A_136, %dma_wait3A_137] : memref<320000x128xf32, #tpu.memory_space<hbm>> -> memref<40x128xf32, #tpu.memory_space<hbm>>
        %dma_wait3A_139 = arith.constant 0 : i32
        %dma_wait3A_140 = arith.constant 0 : i32
        %dma_wait3A_141 = tpu.memref_slice %arg6[%dma_wait3A_139, %dma_wait3A_140] : memref<320000x128xf32, #tpu.memory_space<hbm>> -> memref<40x128xf32, #tpu.memory_space<hbm>>
        tpu.wait_dma2 semaphore(%arg38 : memref<!tpu.dma_semaphore, #tpu.memory_space<semaphore_mem>>) src(%dma_wait3A_141 : memref<40x128xf32, #tpu.memory_space<hbm>>) dst(%arg29 : memref<40x128xf32, #tpu.memory_space<vmem>>)
        %scan3A_142 = arith.constant 0 : i32
        %scan3A_143 = arith.constant 0 : i32
        %scan3A_144 = arith.constant 40 : i32
        %scan3A_145 = arith.addi %scan3A_143, %scan3A_144 : i32
        %scan3A_146 = arith.constant 1 : i32
        %scan3A_147 = scf.for %scan3A_238 = %scan3A_143 to %scan3A_145 step %scan3A_146 iter_args(%scan3A_239 = %scan3A_142) -> (i32)  : i32 {
          %get3A = arith.index_cast %scan3A_238 : i32 to index
          %get3A_240 = arith.constant 0 : index
          %get3A_241 = tpu.vector_load %arg27[%get3A, %get3A_240] {strides = array<i32>} : memref<40x128xf32, #tpu.memory_space<vmem>>, vector<1x16xf32>,
          %get3A_242 = vector.shape_cast %get3A_241 : vector<1x16xf32> to vector<16xf32>
          %get3A_243 = arith.index_cast %scan3A_238 : i32 to index
          %get3A_244 = arith.constant 0 : index
          %get3A_245 = tpu.vector_load %arg28[%get3A_243, %get3A_244] {strides = array<i32>} : memref<40x128xf32, #tpu.memory_space<vmem>>, vector<1x16xf32>,
          %get3A_246 = vector.shape_cast %get3A_245 : vector<1x16xf32> to vector<16xf32>
          %add3A_247 = arith.addf %get3A_242, %get3A_246 : vector<16xf32>
          %get3A_248 = arith.index_cast %scan3A_238 : i32 to index
          %get3A_249 = arith.constant 0 : index
          %get3A_250 = tpu.vector_load %arg29[%get3A_248, %get3A_249] {strides = array<i32>} : memref<40x128xf32, #tpu.memory_space<vmem>>, vector<1x16xf32>,
          %get3A_251 = vector.shape_cast %get3A_250 : vector<1x16xf32> to vector<16xf32>
          %add3A_252 = arith.addf %add3A_247, %get3A_251 : vector<16xf32>
          %max3A = arith.constant 0.000000e+00 : f32
          %max3A_253 = vector.broadcast %max3A : f32 to vector<16xf32>
          %max3A_254 = arith.maximumf %add3A_252, %max3A_253 : vector<16xf32>
          %swap3A = arith.index_cast %scan3A_238 : i32 to index
          %swap3A_255 = arith.constant 0 : index
          %swap3A_256 = tpu.vector_load %arg29[%swap3A, %swap3A_255] {strides = array<i32>} : memref<40x128xf32, #tpu.memory_space<vmem>>, vector<1x16xf32>,
          %swap3A_257 = vector.shape_cast %swap3A_256 : vector<1x16xf32> to vector<16xf32>
          %swap3A_258 = vector.shape_cast %max3A_254 : vector<16xf32> to vector<1x16xf32>
          tpu.vector_store %arg29[%swap3A, %swap3A_255], %swap3A_258 {strides = array<i32>} : memref<40x128xf32, #tpu.memory_space<vmem>>, vector<1x16xf32>,
          %get3A_259 = arith.index_cast %scan3A_238 : i32 to index
          %get3A_260 = arith.constant 16 : index
          %get3A_261 = tpu.vector_load %arg27[%get3A_259, %get3A_260] {strides = array<i32>} : memref<40x128xf32, #tpu.memory_space<vmem>>, vector<1x16xf32>,
          %get3A_262 = vector.shape_cast %get3A_261 : vector<1x16xf32> to vector<16xf32>
          %get3A_263 = arith.index_cast %scan3A_238 : i32 to index
          %get3A_264 = arith.constant 16 : index
          %get3A_265 = tpu.vector_load %arg28[%get3A_263, %get3A_264] {strides = array<i32>} : memref<40x128xf32, #tpu.memory_space<vmem>>, vector<1x16xf32>,
          %get3A_266 = vector.shape_cast %get3A_265 : vector<1x16xf32> to vector<16xf32>
          %add3A_267 = arith.addf %get3A_262, %get3A_266 : vector<16xf32>
          %get3A_268 = arith.index_cast %scan3A_238 : i32 to index
          %get3A_269 = arith.constant 16 : index
          %get3A_270 = tpu.vector_load %arg29[%get3A_268, %get3A_269] {strides = array<i32>} : memref<40x128xf32, #tpu.memory_space<vmem>>, vector<1x16xf32>,
          %get3A_271 = vector.shape_cast %get3A_270 : vector<1x16xf32> to vector<16xf32>
          %add3A_272 = arith.addf %add3A_267, %get3A_271 : vector<16xf32>
          %max3A_273 = arith.constant 0.000000e+00 : f32
          %max3A_274 = vector.broadcast %max3A_273 : f32 to vector<16xf32>
          %max3A_275 = arith.maximumf %add3A_272, %max3A_274 : vector<16xf32>
          %swap3A_276 = arith.index_cast %scan3A_238 : i32 to index
          %swap3A_277 = arith.constant 16 : index
          %swap3A_278 = tpu.vector_load %arg29[%swap3A_276, %swap3A_277] {strides = array<i32>} : memref<40x128xf32, #tpu.memory_space<vmem>>, vector<1x16xf32>,
          %swap3A_279 = vector.shape_cast %swap3A_278 : vector<1x16xf32> to vector<16xf32>
          %swap3A_280 = vector.shape_cast %max3A_275 : vector<16xf32> to vector<1x16xf32>
          tpu.vector_store %arg29[%swap3A_276, %swap3A_277], %swap3A_280 {strides = array<i32>} : memref<40x128xf32, #tpu.memory_space<vmem>>, vector<1x16xf32>,
          %get3A_281 = arith.index_cast %scan3A_238 : i32 to index
          %get3A_282 = arith.constant 32 : index
          %get3A_283 = tpu.vector_load %arg27[%get3A_281, %get3A_282] {strides = array<i32>} : memref<40x128xf32, #tpu.memory_space<vmem>>, vector<1x16xf32>,
          %get3A_284 = vector.shape_cast %get3A_283 : vector<1x16xf32> to vector<16xf32>
          %get3A_285 = arith.index_cast %scan3A_238 : i32 to index
          %get3A_286 = arith.constant 32 : index
          %get3A_287 = tpu.vector_load %arg28[%get3A_285, %get3A_286] {strides = array<i32>} : memref<40x128xf32, #tpu.memory_space<vmem>>, vector<1x16xf32>,
          %get3A_288 = vector.shape_cast %get3A_287 : vector<1x16xf32> to vector<16xf32>
          %add3A_289 = arith.addf %get3A_284, %get3A_288 : vector<16xf32>
          %get3A_290 = arith.index_cast %scan3A_238 : i32 to index
          %get3A_291 = arith.constant 32 : index
          %get3A_292 = tpu.vector_load %arg29[%get3A_290, %get3A_291] {strides = array<i32>} : memref<40x128xf32, #tpu.memory_space<vmem>>, vector<1x16xf32>,
          %get3A_293 = vector.shape_cast %get3A_292 : vector<1x16xf32> to vector<16xf32>
          %add3A_294 = arith.addf %add3A_289, %get3A_293 : vector<16xf32>
          %max3A_295 = arith.constant 0.000000e+00 : f32
          %max3A_296 = vector.broadcast %max3A_295 : f32 to vector<16xf32>
          %max3A_297 = arith.maximumf %add3A_294, %max3A_296 : vector<16xf32>
          %swap3A_298 = arith.index_cast %scan3A_238 : i32 to index
          %swap3A_299 = arith.constant 32 : index
          %swap3A_300 = tpu.vector_load %arg29[%swap3A_298, %swap3A_299] {strides = array<i32>} : memref<40x128xf32, #tpu.memory_space<vmem>>, vector<1x16xf32>,
          %swap3A_301 = vector.shape_cast %swap3A_300 : vector<1x16xf32> to vector<16xf32>
          %swap3A_302 = vector.shape_cast %max3A_297 : vector<16xf32> to vector<1x16xf32>
          tpu.vector_store %arg29[%swap3A_298, %swap3A_299], %swap3A_302 {strides = array<i32>} : memref<40x128xf32, #tpu.memory_space<vmem>>, vector<1x16xf32>,
          %get3A_303 = arith.index_cast %scan3A_238 : i32 to index
          %get3A_304 = arith.constant 48 : index
          %get3A_305 = tpu.vector_load %arg27[%get3A_303, %get3A_304] {strides = array<i32>} : memref<40x128xf32, #tpu.memory_space<vmem>>, vector<1x16xf32>,
          %get3A_306 = vector.shape_cast %get3A_305 : vector<1x16xf32> to vector<16xf32>
          %get3A_307 = arith.index_cast %scan3A_238 : i32 to index
          %get3A_308 = arith.constant 48 : index
          %get3A_309 = tpu.vector_load %arg28[%get3A_307, %get3A_308] {strides = array<i32>} : memref<40x128xf32, #tpu.memory_space<vmem>>, vector<1x16xf32>,
          %get3A_310 = vector.shape_cast %get3A_309 : vector<1x16xf32> to vector<16xf32>
          %add3A_311 = arith.addf %get3A_306, %get3A_310 : vector<16xf32>
          %get3A_312 = arith.index_cast %scan3A_238 : i32 to index
          %get3A_313 = arith.constant 48 : index
          %get3A_314 = tpu.vector_load %arg29[%get3A_312, %get3A_313] {strides = array<i32>} : memref<40x128xf32, #tpu.memory_space<vmem>>, vector<1x16xf32>,
          %get3A_315 = vector.shape_cast %get3A_314 : vector<1x16xf32> to vector<16xf32>
          %add3A_316 = arith.addf %add3A_311, %get3A_315 : vector<16xf32>
          %max3A_317 = arith.constant 0.000000e+00 : f32
          %max3A_318 = vector.broadcast %max3A_317 : f32 to vector<16xf32>
          %max3A_319 = arith.maximumf %add3A_316, %max3A_318 : vector<16xf32>
          %swap3A_320 = arith.index_cast %scan3A_238 : i32 to index
          %swap3A_321 = arith.constant 48 : index
          %swap3A_322 = tpu.vector_load %arg29[%swap3A_320, %swap3A_321] {strides = array<i32>} : memref<40x128xf32, #tpu.memory_space<vmem>>, vector<1x16xf32>,
          %swap3A_323 = vector.shape_cast %swap3A_322 : vector<1x16xf32> to vector<16xf32>
          %swap3A_324 = vector.shape_cast %max3A_319 : vector<16xf32> to vector<1x16xf32>
          tpu.vector_store %arg29[%swap3A_320, %swap3A_321], %swap3A_324 {strides = array<i32>} : memref<40x128xf32, #tpu.memory_space<vmem>>, vector<1x16xf32>,
          %get3A_325 = arith.index_cast %scan3A_238 : i32 to index
          %get3A_326 = arith.constant 64 : index
          %get3A_327 = tpu.vector_load %arg27[%get3A_325, %get3A_326] {strides = array<i32>} : memref<40x128xf32, #tpu.memory_space<vmem>>, vector<1x16xf32>,
          %get3A_328 = vector.shape_cast %get3A_327 : vector<1x16xf32> to vector<16xf32>
          %get3A_329 = arith.index_cast %scan3A_238 : i32 to index
          %get3A_330 = arith.constant 64 : index
          %get3A_331 = tpu.vector_load %arg28[%get3A_329, %get3A_330] {strides = array<i32>} : memref<40x128xf32, #tpu.memory_space<vmem>>, vector<1x16xf32>,
          %get3A_332 = vector.shape_cast %get3A_331 : vector<1x16xf32> to vector<16xf32>
          %add3A_333 = arith.addf %get3A_328, %get3A_332 : vector<16xf32>
          %get3A_334 = arith.index_cast %scan3A_238 : i32 to index
          %get3A_335 = arith.constant 64 : index
          %get3A_336 = tpu.vector_load %arg29[%get3A_334, %get3A_335] {strides = array<i32>} : memref<40x128xf32, #tpu.memory_space<vmem>>, vector<1x16xf32>,
          %get3A_337 = vector.shape_cast %get3A_336 : vector<1x16xf32> to vector<16xf32>
          %add3A_338 = arith.addf %add3A_333, %get3A_337 : vector<16xf32>
          %max3A_339 = arith.constant 0.000000e+00 : f32
          %max3A_340 = vector.broadcast %max3A_339 : f32 to vector<16xf32>
          %max3A_341 = arith.maximumf %add3A_338, %max3A_340 : vector<16xf32>
          %swap3A_342 = arith.index_cast %scan3A_238 : i32 to index
          %swap3A_343 = arith.constant 64 : index
          %swap3A_344 = tpu.vector_load %arg29[%swap3A_342, %swap3A_343] {strides = array<i32>} : memref<40x128xf32, #tpu.memory_space<vmem>>, vector<1x16xf32>,
          %swap3A_345 = vector.shape_cast %swap3A_344 : vector<1x16xf32> to vector<16xf32>
          %swap3A_346 = vector.shape_cast %max3A_341 : vector<16xf32> to vector<1x16xf32>
          tpu.vector_store %arg29[%swap3A_342, %swap3A_343], %swap3A_346 {strides = array<i32>} : memref<40x128xf32, #tpu.memory_space<vmem>>, vector<1x16xf32>,
          %get3A_347 = arith.index_cast %scan3A_238 : i32 to index
          %get3A_348 = arith.constant 80 : index
          %get3A_349 = tpu.vector_load %arg27[%get3A_347, %get3A_348] {strides = array<i32>} : memref<40x128xf32, #tpu.memory_space<vmem>>, vector<1x16xf32>,
          %get3A_350 = vector.shape_cast %get3A_349 : vector<1x16xf32> to vector<16xf32>
          %get3A_351 = arith.index_cast %scan3A_238 : i32 to index
          %get3A_352 = arith.constant 80 : index
          %get3A_353 = tpu.vector_load %arg28[%get3A_351, %get3A_352] {strides = array<i32>} : memref<40x128xf32, #tpu.memory_space<vmem>>, vector<1x16xf32>,
          %get3A_354 = vector.shape_cast %get3A_353 : vector<1x16xf32> to vector<16xf32>
          %add3A_355 = arith.addf %get3A_350, %get3A_354 : vector<16xf32>
          %get3A_356 = arith.index_cast %scan3A_238 : i32 to index
          %get3A_357 = arith.constant 80 : index
          %get3A_358 = tpu.vector_load %arg29[%get3A_356, %get3A_357] {strides = array<i32>} : memref<40x128xf32, #tpu.memory_space<vmem>>, vector<1x16xf32>,
          %get3A_359 = vector.shape_cast %get3A_358 : vector<1x16xf32> to vector<16xf32>
          %add3A_360 = arith.addf %add3A_355, %get3A_359 : vector<16xf32>
          %max3A_361 = arith.constant 0.000000e+00 : f32
          %max3A_362 = vector.broadcast %max3A_361 : f32 to vector<16xf32>
          %max3A_363 = arith.maximumf %add3A_360, %max3A_362 : vector<16xf32>
          %swap3A_364 = arith.index_cast %scan3A_238 : i32 to index
          %swap3A_365 = arith.constant 80 : index
          %swap3A_366 = tpu.vector_load %arg29[%swap3A_364, %swap3A_365] {strides = array<i32>} : memref<40x128xf32, #tpu.memory_space<vmem>>, vector<1x16xf32>,
          %swap3A_367 = vector.shape_cast %swap3A_366 : vector<1x16xf32> to vector<16xf32>
          %swap3A_368 = vector.shape_cast %max3A_363 : vector<16xf32> to vector<1x16xf32>
          tpu.vector_store %arg29[%swap3A_364, %swap3A_365], %swap3A_368 {strides = array<i32>} : memref<40x128xf32, #tpu.memory_space<vmem>>, vector<1x16xf32>,
          %get3A_369 = arith.index_cast %scan3A_238 : i32 to index
          %get3A_370 = arith.constant 96 : index
          %get3A_371 = tpu.vector_load %arg27[%get3A_369, %get3A_370] {strides = array<i32>} : memref<40x128xf32, #tpu.memory_space<vmem>>, vector<1x16xf32>,
          %get3A_372 = vector.shape_cast %get3A_371 : vector<1x16xf32> to vector<16xf32>
          %get3A_373 = arith.index_cast %scan3A_238 : i32 to index
          %get3A_374 = arith.constant 96 : index
          %get3A_375 = tpu.vector_load %arg28[%get3A_373, %get3A_374] {strides = array<i32>} : memref<40x128xf32, #tpu.memory_space<vmem>>, vector<1x16xf32>,
          %get3A_376 = vector.shape_cast %get3A_375 : vector<1x16xf32> to vector<16xf32>
          %add3A_377 = arith.addf %get3A_372, %get3A_376 : vector<16xf32>
          %get3A_378 = arith.index_cast %scan3A_238 : i32 to index
          %get3A_379 = arith.constant 96 : index
          %get3A_380 = tpu.vector_load %arg29[%get3A_378, %get3A_379] {strides = array<i32>} : memref<40x128xf32, #tpu.memory_space<vmem>>, vector<1x16xf32>,
          %get3A_381 = vector.shape_cast %get3A_380 : vector<1x16xf32> to vector<16xf32>
          %add3A_382 = arith.addf %add3A_377, %get3A_381 : vector<16xf32>
          %max3A_383 = arith.constant 0.000000e+00 : f32
          %max3A_384 = vector.broadcast %max3A_383 : f32 to vector<16xf32>
          %max3A_385 = arith.maximumf %add3A_382, %max3A_384 : vector<16xf32>
          %swap3A_386 = arith.index_cast %scan3A_238 : i32 to index
          %swap3A_387 = arith.constant 96 : index
          %swap3A_388 = tpu.vector_load %arg29[%swap3A_386, %swap3A_387] {strides = array<i32>} : memref<40x128xf32, #tpu.memory_space<vmem>>, vector<1x16xf32>,
          %swap3A_389 = vector.shape_cast %swap3A_388 : vector<1x16xf32> to vector<16xf32>
          %swap3A_390 = vector.shape_cast %max3A_385 : vector<16xf32> to vector<1x16xf32>
          tpu.vector_store %arg29[%swap3A_386, %swap3A_387], %swap3A_390 {strides = array<i32>} : memref<40x128xf32, #tpu.memory_space<vmem>>, vector<1x16xf32>,
          %get3A_391 = arith.index_cast %scan3A_238 : i32 to index
          %get3A_392 = arith.constant 112 : index
          %get3A_393 = tpu.vector_load %arg27[%get3A_391, %get3A_392] {strides = array<i32>} : memref<40x128xf32, #tpu.memory_space<vmem>>, vector<1x16xf32>,
          %get3A_394 = vector.shape_cast %get3A_393 : vector<1x16xf32> to vector<16xf32>
          %get3A_395 = arith.index_cast %scan3A_238 : i32 to index
          %get3A_396 = arith.constant 112 : index
          %get3A_397 = tpu.vector_load %arg28[%get3A_395, %get3A_396] {strides = array<i32>} : memref<40x128xf32, #tpu.memory_space<vmem>>, vector<1x16xf32>,
          %get3A_398 = vector.shape_cast %get3A_397 : vector<1x16xf32> to vector<16xf32>
          %add3A_399 = arith.addf %get3A_394, %get3A_398 : vector<16xf32>
          %get3A_400 = arith.index_cast %scan3A_238 : i32 to index
          %get3A_401 = arith.constant 112 : index
          %get3A_402 = tpu.vector_load %arg29[%get3A_400, %get3A_401] {strides = array<i32>} : memref<40x128xf32, #tpu.memory_space<vmem>>, vector<1x16xf32>,
          %get3A_403 = vector.shape_cast %get3A_402 : vector<1x16xf32> to vector<16xf32>
          %add3A_404 = arith.addf %add3A_399, %get3A_403 : vector<16xf32>
          %max3A_405 = arith.constant 0.000000e+00 : f32
          %max3A_406 = vector.broadcast %max3A_405 : f32 to vector<16xf32>
          %max3A_407 = arith.maximumf %add3A_404, %max3A_406 : vector<16xf32>
          %swap3A_408 = arith.index_cast %scan3A_238 : i32 to index
          %swap3A_409 = arith.constant 112 : index
          %swap3A_410 = tpu.vector_load %arg29[%swap3A_408, %swap3A_409] {strides = array<i32>} : memref<40x128xf32, #tpu.memory_space<vmem>>, vector<1x16xf32>,
          %swap3A_411 = vector.shape_cast %swap3A_410 : vector<1x16xf32> to vector<16xf32>
          %swap3A_412 = vector.shape_cast %max3A_407 : vector<16xf32> to vector<1x16xf32>
          tpu.vector_store %arg29[%swap3A_408, %swap3A_409], %swap3A_412 {strides = array<i32>} : memref<40x128xf32, #tpu.memory_space<vmem>>, vector<1x16xf32>,
          %scan3A_413 = arith.constant 0 : i32
          scf.yield %scan3A_413 : i32
        }
        %scan3A_148 = arith.constant 40 : i32
        "tpu.region"() ({
          %run_scoped3A = tpu.sem_alloc : memref<!tpu.dma_semaphore, #tpu.memory_space<semaphore_mem>>
          %dma_start3A_238 = arith.constant 0 : i32
          %dma_start3A_239 = arith.constant 0 : i32
          %dma_start3A_240 = tpu.memref_slice %arg31[%dma_start3A_238, %dma_start3A_239] : memref<10240x128xf32, #tpu.memory_space<vmem_shared>> -> memref<10240x128xf32, #tpu.memory_space<vmem_shared>>
          tpu.enqueue_indirect_dma source(%arg29 : memref<40x128xf32, #tpu.memory_space<vmem>>) target(%dma_start3A_240 : memref<10240x128xf32, #tpu.memory_space<vmem_shared>>) offsets(%arg18 : memref<40xi32, #tpu.memory_space<vmem>>) semaphore(%run_scoped3A : memref<!tpu.dma_semaphore, #tpu.memory_space<semaphore_mem>>) {add = true}
          %dma_wait3A_241 = arith.constant 0 : i32
          %dma_wait3A_242 = arith.constant 0 : i32
          %dma_wait3A_243 = tpu.memref_slice %arg31[%dma_wait3A_241, %dma_wait3A_242] : memref<10240x128xf32, #tpu.memory_space<vmem_shared>> -> memref<10240x128xf32, #tpu.memory_space<vmem_shared>>
          tpu.wait_indirect_dma semaphore(%run_scoped3A : memref<!tpu.dma_semaphore, #tpu.memory_space<semaphore_mem>>) src(%arg29 : memref<40x128xf32, #tpu.memory_space<vmem>>) dst(%dma_wait3A_243 : memref<10240x128xf32, #tpu.memory_space<vmem_shared>>)
          tpu.yield
        }) : () -> ()
        "tpu.region"() ({
          %run_scoped3A = tpu.sem_alloc : memref<!tpu.dma_semaphore, #tpu.memory_space<semaphore_mem>>
          %dma_start3A_238 = arith.constant 0 : i32
          %dma_start3A_239 = arith.constant 0 : i32
          %dma_start3A_240 = tpu.memref_slice %arg32[%dma_start3A_238, %dma_start3A_239] : memref<10240x8xf32, #tpu.memory_space<vmem_shared>> -> memref<10240x8xf32, #tpu.memory_space<vmem_shared>>
          tpu.enqueue_indirect_dma source(%arg30 : memref<40x8xf32, #tpu.memory_space<vmem>>) target(%dma_start3A_240 : memref<10240x8xf32, #tpu.memory_space<vmem_shared>>) offsets(%arg18 : memref<40xi32, #tpu.memory_space<vmem>>) semaphore(%run_scoped3A : memref<!tpu.dma_semaphore, #tpu.memory_space<semaphore_mem>>) {add = true}
          %dma_wait3A_241 = arith.constant 0 : i32
          %dma_wait3A_242 = arith.constant 0 : i32
          %dma_wait3A_243 = tpu.memref_slice %arg32[%dma_wait3A_241, %dma_wait3A_242] : memref<10240x8xf32, #tpu.memory_space<vmem_shared>> -> memref<10240x8xf32, #tpu.memory_space<vmem_shared>>
          tpu.wait_indirect_dma semaphore(%run_scoped3A : memref<!tpu.dma_semaphore, #tpu.memory_space<semaphore_mem>>) src(%arg30 : memref<40x8xf32, #tpu.memory_space<vmem>>) dst(%dma_wait3A_243 : memref<10240x8xf32, #tpu.memory_space<vmem_shared>>)
          tpu.yield
        }) : () -> ()
        %add3A_149 = arith.constant 4 : i32
        %add3A_150 = arith.addi %add3A_129, %add3A_149 : i32
        %lt3A_151 = arith.constant 500 : i32
        %lt3A_152 = arith.cmpi slt, %add3A_150, %lt3A_151 : i32
        %convert_element_type3A_153 = arith.extui %lt3A_152 : i1 to i32
        %cond3A_154 = arith.constant 0 : i32
        %cond3A_155 = arith.cmpi ne, %convert_element_type3A_153, %cond3A_154 : i32
        scf.if %cond3A_155 {
          %add3A_238 = arith.constant 4 : i32
          %add3A_239 = arith.addi %add3A_129, %add3A_238 : i32
          %mul3A_240 = arith.constant 40 : i32
          %mul3A_241 = arith.muli %add3A_239, %mul3A_240 : i32
          %add3A_242 = arith.addi %mul3A_2, %mul3A_241 : i32
          %dma_start3A_243 = tpu.memref_slice %arg8[%add3A_242] : memref<320000xi32, #tpu.memory_space<hbm>> -> memref<40xi32, #tpu.memory_space<hbm>>
          %dma_start3A_244 = tpu.memref_slice %arg8[%add3A_242] : memref<320000xi32, #tpu.memory_space<hbm>> -> memref<40xi32, #tpu.memory_space<hbm>>
          tpu.enqueue_dma source(%dma_start3A_244 : memref<40xi32, #tpu.memory_space<hbm>>) target(%arg18 : memref<40xi32, #tpu.memory_space<vmem>>) target_semaphore(%arg40 : memref<!tpu.dma_semaphore, #tpu.memory_space<semaphore_mem>>)
          %dma_start3A_245 = tpu.memref_slice %arg9[%add3A_242] : memref<320000xi32, #tpu.memory_space<hbm>> -> memref<40xi32, #tpu.memory_space<hbm>>
          %dma_start3A_246 = tpu.memref_slice %arg9[%add3A_242] : memref<320000xi32, #tpu.memory_space<hbm>> -> memref<40xi32, #tpu.memory_space<hbm>>
          tpu.enqueue_dma source(%dma_start3A_246 : memref<40xi32, #tpu.memory_space<hbm>>) target(%arg19 : memref<40xi32, #tpu.memory_space<vmem>>) target_semaphore(%arg40 : memref<!tpu.dma_semaphore, #tpu.memory_space<semaphore_mem>>)
        } else {
        }
        %add3A_156 = arith.constant 2 : i32
        %add3A_157 = arith.addi %add3A_129, %add3A_156 : i32
        %lt3A_158 = arith.constant 500 : i32
        %lt3A_159 = arith.cmpi slt, %add3A_157, %lt3A_158 : i32
        %convert_element_type3A_160 = arith.extui %lt3A_159 : i1 to i32
        %cond3A_161 = arith.constant 0 : i32
        %cond3A_162 = arith.cmpi ne, %convert_element_type3A_160, %cond3A_161 : i32
        scf.if %cond3A_162 {
          %dma_wait3A_238 = arith.constant 0 : i32
          %dma_wait3A_239 = tpu.memref_slice %arg8[%dma_wait3A_238] : memref<320000xi32, #tpu.memory_space<hbm>> -> memref<40xi32, #tpu.memory_space<hbm>>
          %dma_wait3A_240 = arith.constant 0 : i32
          %dma_wait3A_241 = tpu.memref_slice %arg8[%dma_wait3A_240] : memref<320000xi32, #tpu.memory_space<hbm>> -> memref<40xi32, #tpu.memory_space<hbm>>
          tpu.wait_dma2 semaphore(%arg42 : memref<!tpu.dma_semaphore, #tpu.memory_space<semaphore_mem>>) src(%dma_wait3A_241 : memref<40xi32, #tpu.memory_space<hbm>>) dst(%arg22 : memref<40xi32, #tpu.memory_space<vmem>>)
          %dma_wait3A_242 = arith.constant 0 : i32
          %dma_wait3A_243 = tpu.memref_slice %arg9[%dma_wait3A_242] : memref<320000xi32, #tpu.memory_space<hbm>> -> memref<40xi32, #tpu.memory_space<hbm>>
          %dma_wait3A_244 = arith.constant 0 : i32
          %dma_wait3A_245 = tpu.memref_slice %arg9[%dma_wait3A_244] : memref<320000xi32, #tpu.memory_space<hbm>> -> memref<40xi32, #tpu.memory_space<hbm>>
          tpu.wait_dma2 semaphore(%arg42 : memref<!tpu.dma_semaphore, #tpu.memory_space<semaphore_mem>>) src(%dma_wait3A_245 : memref<40xi32, #tpu.memory_space<hbm>>) dst(%arg23 : memref<40xi32, #tpu.memory_space<vmem>>)
          %add3A_246 = arith.constant 2 : i32
          %add3A_247 = arith.addi %add3A_129, %add3A_246 : i32
          %dma_start3A_248 = arith.constant 0 : i32
          %dma_start3A_249 = arith.constant 0 : i32
          %dma_start3A_250 = tpu.memref_slice %arg2[%dma_start3A_248, %dma_start3A_249] : memref<10000x128xf32, #tpu.memory_space<hbm>> -> memref<10000x128xf32, #tpu.memory_space<hbm>>
          tpu.enqueue_indirect_dma source(%dma_start3A_250 : memref<10000x128xf32, #tpu.memory_space<hbm>>) target(%arg27 : memref<40x128xf32, #tpu.memory_space<vmem>>) offsets(%arg22 : memref<40xi32, #tpu.memory_space<vmem>>) semaphore(%arg36 : memref<!tpu.dma_semaphore, #tpu.memory_space<semaphore_mem>>)
          %dma_start3A_251 = arith.constant 0 : i32
          %dma_start3A_252 = arith.constant 0 : i32
          %dma_start3A_253 = tpu.memref_slice %arg4[%dma_start3A_251, %dma_start3A_252] : memref<10000x128xf32, #tpu.memory_space<hbm>> -> memref<10000x128xf32, #tpu.memory_space<hbm>>
          tpu.enqueue_indirect_dma source(%dma_start3A_253 : memref<10000x128xf32, #tpu.memory_space<hbm>>) target(%arg28 : memref<40x128xf32, #tpu.memory_space<vmem>>) offsets(%arg23 : memref<40xi32, #tpu.memory_space<vmem>>) semaphore(%arg37 : memref<!tpu.dma_semaphore, #tpu.memory_space<semaphore_mem>>)
          %mul3A_254 = arith.constant 40 : i32
          %mul3A_255 = arith.muli %add3A_247, %mul3A_254 : i32
          %add3A_256 = arith.addi %mul3A_2, %mul3A_255 : i32
          %dma_start3A_257 = arith.constant 0 : i32
          %dma_start3A_258 = tpu.memref_slice %arg6[%add3A_256, %dma_start3A_257] : memref<320000x128xf32, #tpu.memory_space<hbm>> -> memref<40x128xf32, #tpu.memory_space<hbm>>
          %dma_start3A_259 = arith.constant 0 : i32
          %dma_start3A_260 = tpu.memref_slice %arg6[%add3A_256, %dma_start3A_259] : memref<320000x128xf32, #tpu.memory_space<hbm>> -> memref<40x128xf32, #tpu.memory_space<hbm>>
          tpu.enqueue_dma source(%dma_start3A_260 : memref<40x128xf32, #tpu.memory_space<hbm>>) target(%arg29 : memref<40x128xf32, #tpu.memory_space<vmem>>) target_semaphore(%arg38 : memref<!tpu.dma_semaphore, #tpu.memory_space<semaphore_mem>>)
        } else {
        }
        %mul3A_163 = arith.constant 4 : i32
        %mul3A_164 = arith.muli %mul3A_163, %scan3A_88 : i32
        %add3A_165 = arith.constant 2 : i32
        %add3A_166 = arith.addi %mul3A_164, %add3A_165 : i32
        %dma_wait3A_167 = arith.constant 0 : i32
        %dma_wait3A_168 = arith.constant 0 : i32
        %dma_wait3A_169 = tpu.memref_slice %arg2[%dma_wait3A_167, %dma_wait3A_168] : memref<10000x128xf32, #tpu.memory_space<hbm>> -> memref<10000x128xf32, #tpu.memory_space<hbm>>
        tpu.wait_indirect_dma semaphore(%arg33 : memref<!tpu.dma_semaphore, #tpu.memory_space<semaphore_mem>>) src(%dma_wait3A_169 : memref<10000x128xf32, #tpu.memory_space<hbm>>) dst(%arg24 : memref<40x128xf32, #tpu.memory_space<vmem>>)
        %dma_wait3A_170 = arith.constant 0 : i32
        %dma_wait3A_171 = arith.constant 0 : i32
        %dma_wait3A_172 = tpu.memref_slice %arg4[%dma_wait3A_170, %dma_wait3A_171] : memref<10000x128xf32, #tpu.memory_space<hbm>> -> memref<10000x128xf32, #tpu.memory_space<hbm>>
        tpu.wait_indirect_dma semaphore(%arg34 : memref<!tpu.dma_semaphore, #tpu.memory_space<semaphore_mem>>) src(%dma_wait3A_172 : memref<10000x128xf32, #tpu.memory_space<hbm>>) dst(%arg25 : memref<40x128xf32, #tpu.memory_space<vmem>>)
        %dma_wait3A_173 = arith.constant 0 : i32
        %dma_wait3A_174 = arith.constant 0 : i32
        %dma_wait3A_175 = tpu.memref_slice %arg6[%dma_wait3A_173, %dma_wait3A_174] : memref<320000x128xf32, #tpu.memory_space<hbm>> -> memref<40x128xf32, #tpu.memory_space<hbm>>
        %dma_wait3A_176 = arith.constant 0 : i32
        %dma_wait3A_177 = arith.constant 0 : i32
        %dma_wait3A_178 = tpu.memref_slice %arg6[%dma_wait3A_176, %dma_wait3A_177] : memref<320000x128xf32, #tpu.memory_space<hbm>> -> memref<40x128xf32, #tpu.memory_space<hbm>>
        tpu.wait_dma2 semaphore(%arg35 : memref<!tpu.dma_semaphore, #tpu.memory_space<semaphore_mem>>) src(%dma_wait3A_178 : memref<40x128xf32, #tpu.memory_space<hbm>>) dst(%arg26 : memref<40x128xf32, #tpu.memory_space<vmem>>)
        %scan3A_179 = arith.constant 0 : i32
        %scan3A_180 = arith.constant 0 : i32
        %scan3A_181 = arith.constant 40 : i32
        %scan3A_182 = arith.addi %scan3A_180, %scan3A_181 : i32
        %scan3A_183 = arith.constant 1 : i32
        %scan3A_184 = scf.for %scan3A_238 = %scan3A_180 to %scan3A_182 step %scan3A_183 iter_args(%scan3A_239 = %scan3A_179) -> (i32)  : i32 {
          %get3A = arith.index_cast %scan3A_238 : i32 to index
          %get3A_240 = arith.constant 0 : index
          %get3A_241 = tpu.vector_load %arg24[%get3A, %get3A_240] {strides = array<i32>} : memref<40x128xf32, #tpu.memory_space<vmem>>, vector<1x16xf32>,
          %get3A_242 = vector.shape_cast %get3A_241 : vector<1x16xf32> to vector<16xf32>
          %get3A_243 = arith.index_cast %scan3A_238 : i32 to index
          %get3A_244 = arith.constant 0 : index
          %get3A_245 = tpu.vector_load %arg25[%get3A_243, %get3A_244] {strides = array<i32>} : memref<40x128xf32, #tpu.memory_space<vmem>>, vector<1x16xf32>,
          %get3A_246 = vector.shape_cast %get3A_245 : vector<1x16xf32> to vector<16xf32>
          %add3A_247 = arith.addf %get3A_242, %get3A_246 : vector<16xf32>
          %get3A_248 = arith.index_cast %scan3A_238 : i32 to index
          %get3A_249 = arith.constant 0 : index
          %get3A_250 = tpu.vector_load %arg26[%get3A_248, %get3A_249] {strides = array<i32>} : memref<40x128xf32, #tpu.memory_space<vmem>>, vector<1x16xf32>,
          %get3A_251 = vector.shape_cast %get3A_250 : vector<1x16xf32> to vector<16xf32>
          %add3A_252 = arith.addf %add3A_247, %get3A_251 : vector<16xf32>
          %max3A = arith.constant 0.000000e+00 : f32
          %max3A_253 = vector.broadcast %max3A : f32 to vector<16xf32>
          %max3A_254 = arith.maximumf %add3A_252, %max3A_253 : vector<16xf32>
          %swap3A = arith.index_cast %scan3A_238 : i32 to index
          %swap3A_255 = arith.constant 0 : index
          %swap3A_256 = tpu.vector_load %arg26[%swap3A, %swap3A_255] {strides = array<i32>} : memref<40x128xf32, #tpu.memory_space<vmem>>, vector<1x16xf32>,
          %swap3A_257 = vector.shape_cast %swap3A_256 : vector<1x16xf32> to vector<16xf32>
          %swap3A_258 = vector.shape_cast %max3A_254 : vector<16xf32> to vector<1x16xf32>
          tpu.vector_store %arg26[%swap3A, %swap3A_255], %swap3A_258 {strides = array<i32>} : memref<40x128xf32, #tpu.memory_space<vmem>>, vector<1x16xf32>,
          %get3A_259 = arith.index_cast %scan3A_238 : i32 to index
          %get3A_260 = arith.constant 16 : index
          %get3A_261 = tpu.vector_load %arg24[%get3A_259, %get3A_260] {strides = array<i32>} : memref<40x128xf32, #tpu.memory_space<vmem>>, vector<1x16xf32>,
          %get3A_262 = vector.shape_cast %get3A_261 : vector<1x16xf32> to vector<16xf32>
          %get3A_263 = arith.index_cast %scan3A_238 : i32 to index
          %get3A_264 = arith.constant 16 : index
          %get3A_265 = tpu.vector_load %arg25[%get3A_263, %get3A_264] {strides = array<i32>} : memref<40x128xf32, #tpu.memory_space<vmem>>, vector<1x16xf32>,
          %get3A_266 = vector.shape_cast %get3A_265 : vector<1x16xf32> to vector<16xf32>
          %add3A_267 = arith.addf %get3A_262, %get3A_266 : vector<16xf32>
          %get3A_268 = arith.index_cast %scan3A_238 : i32 to index
          %get3A_269 = arith.constant 16 : index
          %get3A_270 = tpu.vector_load %arg26[%get3A_268, %get3A_269] {strides = array<i32>} : memref<40x128xf32, #tpu.memory_space<vmem>>, vector<1x16xf32>,
          %get3A_271 = vector.shape_cast %get3A_270 : vector<1x16xf32> to vector<16xf32>
          %add3A_272 = arith.addf %add3A_267, %get3A_271 : vector<16xf32>
          %max3A_273 = arith.constant 0.000000e+00 : f32
          %max3A_274 = vector.broadcast %max3A_273 : f32 to vector<16xf32>
          %max3A_275 = arith.maximumf %add3A_272, %max3A_274 : vector<16xf32>
          %swap3A_276 = arith.index_cast %scan3A_238 : i32 to index
          %swap3A_277 = arith.constant 16 : index
          %swap3A_278 = tpu.vector_load %arg26[%swap3A_276, %swap3A_277] {strides = array<i32>} : memref<40x128xf32, #tpu.memory_space<vmem>>, vector<1x16xf32>,
          %swap3A_279 = vector.shape_cast %swap3A_278 : vector<1x16xf32> to vector<16xf32>
          %swap3A_280 = vector.shape_cast %max3A_275 : vector<16xf32> to vector<1x16xf32>
          tpu.vector_store %arg26[%swap3A_276, %swap3A_277], %swap3A_280 {strides = array<i32>} : memref<40x128xf32, #tpu.memory_space<vmem>>, vector<1x16xf32>,
          %get3A_281 = arith.index_cast %scan3A_238 : i32 to index
          %get3A_282 = arith.constant 32 : index
          %get3A_283 = tpu.vector_load %arg24[%get3A_281, %get3A_282] {strides = array<i32>} : memref<40x128xf32, #tpu.memory_space<vmem>>, vector<1x16xf32>,
          %get3A_284 = vector.shape_cast %get3A_283 : vector<1x16xf32> to vector<16xf32>
          %get3A_285 = arith.index_cast %scan3A_238 : i32 to index
          %get3A_286 = arith.constant 32 : index
          %get3A_287 = tpu.vector_load %arg25[%get3A_285, %get3A_286] {strides = array<i32>} : memref<40x128xf32, #tpu.memory_space<vmem>>, vector<1x16xf32>,
          %get3A_288 = vector.shape_cast %get3A_287 : vector<1x16xf32> to vector<16xf32>
          %add3A_289 = arith.addf %get3A_284, %get3A_288 : vector<16xf32>
          %get3A_290 = arith.index_cast %scan3A_238 : i32 to index
          %get3A_291 = arith.constant 32 : index
          %get3A_292 = tpu.vector_load %arg26[%get3A_290, %get3A_291] {strides = array<i32>} : memref<40x128xf32, #tpu.memory_space<vmem>>, vector<1x16xf32>,
          %get3A_293 = vector.shape_cast %get3A_292 : vector<1x16xf32> to vector<16xf32>
          %add3A_294 = arith.addf %add3A_289, %get3A_293 : vector<16xf32>
          %max3A_295 = arith.constant 0.000000e+00 : f32
          %max3A_296 = vector.broadcast %max3A_295 : f32 to vector<16xf32>
          %max3A_297 = arith.maximumf %add3A_294, %max3A_296 : vector<16xf32>
          %swap3A_298 = arith.index_cast %scan3A_238 : i32 to index
          %swap3A_299 = arith.constant 32 : index
          %swap3A_300 = tpu.vector_load %arg26[%swap3A_298, %swap3A_299] {strides = array<i32>} : memref<40x128xf32, #tpu.memory_space<vmem>>, vector<1x16xf32>,
          %swap3A_301 = vector.shape_cast %swap3A_300 : vector<1x16xf32> to vector<16xf32>
          %swap3A_302 = vector.shape_cast %max3A_297 : vector<16xf32> to vector<1x16xf32>
          tpu.vector_store %arg26[%swap3A_298, %swap3A_299], %swap3A_302 {strides = array<i32>} : memref<40x128xf32, #tpu.memory_space<vmem>>, vector<1x16xf32>,
          %get3A_303 = arith.index_cast %scan3A_238 : i32 to index
          %get3A_304 = arith.constant 48 : index
          %get3A_305 = tpu.vector_load %arg24[%get3A_303, %get3A_304] {strides = array<i32>} : memref<40x128xf32, #tpu.memory_space<vmem>>, vector<1x16xf32>,
          %get3A_306 = vector.shape_cast %get3A_305 : vector<1x16xf32> to vector<16xf32>
          %get3A_307 = arith.index_cast %scan3A_238 : i32 to index
          %get3A_308 = arith.constant 48 : index
          %get3A_309 = tpu.vector_load %arg25[%get3A_307, %get3A_308] {strides = array<i32>} : memref<40x128xf32, #tpu.memory_space<vmem>>, vector<1x16xf32>,
          %get3A_310 = vector.shape_cast %get3A_309 : vector<1x16xf32> to vector<16xf32>
          %add3A_311 = arith.addf %get3A_306, %get3A_310 : vector<16xf32>
          %get3A_312 = arith.index_cast %scan3A_238 : i32 to index
          %get3A_313 = arith.constant 48 : index
          %get3A_314 = tpu.vector_load %arg26[%get3A_312, %get3A_313] {strides = array<i32>} : memref<40x128xf32, #tpu.memory_space<vmem>>, vector<1x16xf32>,
          %get3A_315 = vector.shape_cast %get3A_314 : vector<1x16xf32> to vector<16xf32>
          %add3A_316 = arith.addf %add3A_311, %get3A_315 : vector<16xf32>
          %max3A_317 = arith.constant 0.000000e+00 : f32
          %max3A_318 = vector.broadcast %max3A_317 : f32 to vector<16xf32>
          %max3A_319 = arith.maximumf %add3A_316, %max3A_318 : vector<16xf32>
          %swap3A_320 = arith.index_cast %scan3A_238 : i32 to index
          %swap3A_321 = arith.constant 48 : index
          %swap3A_322 = tpu.vector_load %arg26[%swap3A_320, %swap3A_321] {strides = array<i32>} : memref<40x128xf32, #tpu.memory_space<vmem>>, vector<1x16xf32>,
          %swap3A_323 = vector.shape_cast %swap3A_322 : vector<1x16xf32> to vector<16xf32>
          %swap3A_324 = vector.shape_cast %max3A_319 : vector<16xf32> to vector<1x16xf32>
          tpu.vector_store %arg26[%swap3A_320, %swap3A_321], %swap3A_324 {strides = array<i32>} : memref<40x128xf32, #tpu.memory_space<vmem>>, vector<1x16xf32>,
          %get3A_325 = arith.index_cast %scan3A_238 : i32 to index
          %get3A_326 = arith.constant 64 : index
          %get3A_327 = tpu.vector_load %arg24[%get3A_325, %get3A_326] {strides = array<i32>} : memref<40x128xf32, #tpu.memory_space<vmem>>, vector<1x16xf32>,
          %get3A_328 = vector.shape_cast %get3A_327 : vector<1x16xf32> to vector<16xf32>
          %get3A_329 = arith.index_cast %scan3A_238 : i32 to index
          %get3A_330 = arith.constant 64 : index
          %get3A_331 = tpu.vector_load %arg25[%get3A_329, %get3A_330] {strides = array<i32>} : memref<40x128xf32, #tpu.memory_space<vmem>>, vector<1x16xf32>,
          %get3A_332 = vector.shape_cast %get3A_331 : vector<1x16xf32> to vector<16xf32>
          %add3A_333 = arith.addf %get3A_328, %get3A_332 : vector<16xf32>
          %get3A_334 = arith.index_cast %scan3A_238 : i32 to index
          %get3A_335 = arith.constant 64 : index
          %get3A_336 = tpu.vector_load %arg26[%get3A_334, %get3A_335] {strides = array<i32>} : memref<40x128xf32, #tpu.memory_space<vmem>>, vector<1x16xf32>,
          %get3A_337 = vector.shape_cast %get3A_336 : vector<1x16xf32> to vector<16xf32>
          %add3A_338 = arith.addf %add3A_333, %get3A_337 : vector<16xf32>
          %max3A_339 = arith.constant 0.000000e+00 : f32
          %max3A_340 = vector.broadcast %max3A_339 : f32 to vector<16xf32>
          %max3A_341 = arith.maximumf %add3A_338, %max3A_340 : vector<16xf32>
          %swap3A_342 = arith.index_cast %scan3A_238 : i32 to index
          %swap3A_343 = arith.constant 64 : index
          %swap3A_344 = tpu.vector_load %arg26[%swap3A_342, %swap3A_343] {strides = array<i32>} : memref<40x128xf32, #tpu.memory_space<vmem>>, vector<1x16xf32>,
          %swap3A_345 = vector.shape_cast %swap3A_344 : vector<1x16xf32> to vector<16xf32>
          %swap3A_346 = vector.shape_cast %max3A_341 : vector<16xf32> to vector<1x16xf32>
          tpu.vector_store %arg26[%swap3A_342, %swap3A_343], %swap3A_346 {strides = array<i32>} : memref<40x128xf32, #tpu.memory_space<vmem>>, vector<1x16xf32>,
          %get3A_347 = arith.index_cast %scan3A_238 : i32 to index
          %get3A_348 = arith.constant 80 : index
          %get3A_349 = tpu.vector_load %arg24[%get3A_347, %get3A_348] {strides = array<i32>} : memref<40x128xf32, #tpu.memory_space<vmem>>, vector<1x16xf32>,
          %get3A_350 = vector.shape_cast %get3A_349 : vector<1x16xf32> to vector<16xf32>
          %get3A_351 = arith.index_cast %scan3A_238 : i32 to index
          %get3A_352 = arith.constant 80 : index
          %get3A_353 = tpu.vector_load %arg25[%get3A_351, %get3A_352] {strides = array<i32>} : memref<40x128xf32, #tpu.memory_space<vmem>>, vector<1x16xf32>,
          %get3A_354 = vector.shape_cast %get3A_353 : vector<1x16xf32> to vector<16xf32>
          %add3A_355 = arith.addf %get3A_350, %get3A_354 : vector<16xf32>
          %get3A_356 = arith.index_cast %scan3A_238 : i32 to index
          %get3A_357 = arith.constant 80 : index
          %get3A_358 = tpu.vector_load %arg26[%get3A_356, %get3A_357] {strides = array<i32>} : memref<40x128xf32, #tpu.memory_space<vmem>>, vector<1x16xf32>,
          %get3A_359 = vector.shape_cast %get3A_358 : vector<1x16xf32> to vector<16xf32>
          %add3A_360 = arith.addf %add3A_355, %get3A_359 : vector<16xf32>
          %max3A_361 = arith.constant 0.000000e+00 : f32
          %max3A_362 = vector.broadcast %max3A_361 : f32 to vector<16xf32>
          %max3A_363 = arith.maximumf %add3A_360, %max3A_362 : vector<16xf32>
          %swap3A_364 = arith.index_cast %scan3A_238 : i32 to index
          %swap3A_365 = arith.constant 80 : index
          %swap3A_366 = tpu.vector_load %arg26[%swap3A_364, %swap3A_365] {strides = array<i32>} : memref<40x128xf32, #tpu.memory_space<vmem>>, vector<1x16xf32>,
          %swap3A_367 = vector.shape_cast %swap3A_366 : vector<1x16xf32> to vector<16xf32>
          %swap3A_368 = vector.shape_cast %max3A_363 : vector<16xf32> to vector<1x16xf32>
          tpu.vector_store %arg26[%swap3A_364, %swap3A_365], %swap3A_368 {strides = array<i32>} : memref<40x128xf32, #tpu.memory_space<vmem>>, vector<1x16xf32>,
          %get3A_369 = arith.index_cast %scan3A_238 : i32 to index
          %get3A_370 = arith.constant 96 : index
          %get3A_371 = tpu.vector_load %arg24[%get3A_369, %get3A_370] {strides = array<i32>} : memref<40x128xf32, #tpu.memory_space<vmem>>, vector<1x16xf32>,
          %get3A_372 = vector.shape_cast %get3A_371 : vector<1x16xf32> to vector<16xf32>
          %get3A_373 = arith.index_cast %scan3A_238 : i32 to index
          %get3A_374 = arith.constant 96 : index
          %get3A_375 = tpu.vector_load %arg25[%get3A_373, %get3A_374] {strides = array<i32>} : memref<40x128xf32, #tpu.memory_space<vmem>>, vector<1x16xf32>,
          %get3A_376 = vector.shape_cast %get3A_375 : vector<1x16xf32> to vector<16xf32>
          %add3A_377 = arith.addf %get3A_372, %get3A_376 : vector<16xf32>
          %get3A_378 = arith.index_cast %scan3A_238 : i32 to index
          %get3A_379 = arith.constant 96 : index
          %get3A_380 = tpu.vector_load %arg26[%get3A_378, %get3A_379] {strides = array<i32>} : memref<40x128xf32, #tpu.memory_space<vmem>>, vector<1x16xf32>,
          %get3A_381 = vector.shape_cast %get3A_380 : vector<1x16xf32> to vector<16xf32>
          %add3A_382 = arith.addf %add3A_377, %get3A_381 : vector<16xf32>
          %max3A_383 = arith.constant 0.000000e+00 : f32
          %max3A_384 = vector.broadcast %max3A_383 : f32 to vector<16xf32>
          %max3A_385 = arith.maximumf %add3A_382, %max3A_384 : vector<16xf32>
          %swap3A_386 = arith.index_cast %scan3A_238 : i32 to index
          %swap3A_387 = arith.constant 96 : index
          %swap3A_388 = tpu.vector_load %arg26[%swap3A_386, %swap3A_387] {strides = array<i32>} : memref<40x128xf32, #tpu.memory_space<vmem>>, vector<1x16xf32>,
          %swap3A_389 = vector.shape_cast %swap3A_388 : vector<1x16xf32> to vector<16xf32>
          %swap3A_390 = vector.shape_cast %max3A_385 : vector<16xf32> to vector<1x16xf32>
          tpu.vector_store %arg26[%swap3A_386, %swap3A_387], %swap3A_390 {strides = array<i32>} : memref<40x128xf32, #tpu.memory_space<vmem>>, vector<1x16xf32>,
          %get3A_391 = arith.index_cast %scan3A_238 : i32 to index
          %get3A_392 = arith.constant 112 : index
          %get3A_393 = tpu.vector_load %arg24[%get3A_391, %get3A_392] {strides = array<i32>} : memref<40x128xf32, #tpu.memory_space<vmem>>, vector<1x16xf32>,
          %get3A_394 = vector.shape_cast %get3A_393 : vector<1x16xf32> to vector<16xf32>
          %get3A_395 = arith.index_cast %scan3A_238 : i32 to index
          %get3A_396 = arith.constant 112 : index
          %get3A_397 = tpu.vector_load %arg25[%get3A_395, %get3A_396] {strides = array<i32>} : memref<40x128xf32, #tpu.memory_space<vmem>>, vector<1x16xf32>,
          %get3A_398 = vector.shape_cast %get3A_397 : vector<1x16xf32> to vector<16xf32>
          %add3A_399 = arith.addf %get3A_394, %get3A_398 : vector<16xf32>
          %get3A_400 = arith.index_cast %scan3A_238 : i32 to index
          %get3A_401 = arith.constant 112 : index
          %get3A_402 = tpu.vector_load %arg26[%get3A_400, %get3A_401] {strides = array<i32>} : memref<40x128xf32, #tpu.memory_space<vmem>>, vector<1x16xf32>,
          %get3A_403 = vector.shape_cast %get3A_402 : vector<1x16xf32> to vector<16xf32>
          %add3A_404 = arith.addf %add3A_399, %get3A_403 : vector<16xf32>
          %max3A_405 = arith.constant 0.000000e+00 : f32
          %max3A_406 = vector.broadcast %max3A_405 : f32 to vector<16xf32>
          %max3A_407 = arith.maximumf %add3A_404, %max3A_406 : vector<16xf32>
          %swap3A_408 = arith.index_cast %scan3A_238 : i32 to index
          %swap3A_409 = arith.constant 112 : index
          %swap3A_410 = tpu.vector_load %arg26[%swap3A_408, %swap3A_409] {strides = array<i32>} : memref<40x128xf32, #tpu.memory_space<vmem>>, vector<1x16xf32>,
          %swap3A_411 = vector.shape_cast %swap3A_410 : vector<1x16xf32> to vector<16xf32>
          %swap3A_412 = vector.shape_cast %max3A_407 : vector<16xf32> to vector<1x16xf32>
          tpu.vector_store %arg26[%swap3A_408, %swap3A_409], %swap3A_412 {strides = array<i32>} : memref<40x128xf32, #tpu.memory_space<vmem>>, vector<1x16xf32>,
          %scan3A_413 = arith.constant 0 : i32
          scf.yield %scan3A_413 : i32
        }
        %scan3A_185 = arith.constant 40 : i32
        "tpu.region"() ({
          %run_scoped3A = tpu.sem_alloc : memref<!tpu.dma_semaphore, #tpu.memory_space<semaphore_mem>>
          %dma_start3A_238 = arith.constant 0 : i32
          %dma_start3A_239 = arith.constant 0 : i32
          %dma_start3A_240 = tpu.memref_slice %arg31[%dma_start3A_238, %dma_start3A_239] : memref<10240x128xf32, #tpu.memory_space<vmem_shared>> -> memref<10240x128xf32, #tpu.memory_space<vmem_shared>>
          tpu.enqueue_indirect_dma source(%arg26 : memref<40x128xf32, #tpu.memory_space<vmem>>) target(%dma_start3A_240 : memref<10240x128xf32, #tpu.memory_space<vmem_shared>>) offsets(%arg20 : memref<40xi32, #tpu.memory_space<vmem>>) semaphore(%run_scoped3A : memref<!tpu.dma_semaphore, #tpu.memory_space<semaphore_mem>>) {add = true}
          %dma_wait3A_241 = arith.constant 0 : i32
          %dma_wait3A_242 = arith.constant 0 : i32
          %dma_wait3A_243 = tpu.memref_slice %arg31[%dma_wait3A_241, %dma_wait3A_242] : memref<10240x128xf32, #tpu.memory_space<vmem_shared>> -> memref<10240x128xf32, #tpu.memory_space<vmem_shared>>
          tpu.wait_indirect_dma semaphore(%run_scoped3A : memref<!tpu.dma_semaphore, #tpu.memory_space<semaphore_mem>>) src(%arg26 : memref<40x128xf32, #tpu.memory_space<vmem>>) dst(%dma_wait3A_243 : memref<10240x128xf32, #tpu.memory_space<vmem_shared>>)
          tpu.yield
        }) : () -> ()
        "tpu.region"() ({
          %run_scoped3A = tpu.sem_alloc : memref<!tpu.dma_semaphore, #tpu.memory_space<semaphore_mem>>
          %dma_start3A_238 = arith.constant 0 : i32
          %dma_start3A_239 = arith.constant 0 : i32
          %dma_start3A_240 = tpu.memref_slice %arg32[%dma_start3A_238, %dma_start3A_239] : memref<10240x8xf32, #tpu.memory_space<vmem_shared>> -> memref<10240x8xf32, #tpu.memory_space<vmem_shared>>
          tpu.enqueue_indirect_dma source(%arg30 : memref<40x8xf32, #tpu.memory_space<vmem>>) target(%dma_start3A_240 : memref<10240x8xf32, #tpu.memory_space<vmem_shared>>) offsets(%arg20 : memref<40xi32, #tpu.memory_space<vmem>>) semaphore(%run_scoped3A : memref<!tpu.dma_semaphore, #tpu.memory_space<semaphore_mem>>) {add = true}
          %dma_wait3A_241 = arith.constant 0 : i32
          %dma_wait3A_242 = arith.constant 0 : i32
          %dma_wait3A_243 = tpu.memref_slice %arg32[%dma_wait3A_241, %dma_wait3A_242] : memref<10240x8xf32, #tpu.memory_space<vmem_shared>> -> memref<10240x8xf32, #tpu.memory_space<vmem_shared>>
          tpu.wait_indirect_dma semaphore(%run_scoped3A : memref<!tpu.dma_semaphore, #tpu.memory_space<semaphore_mem>>) src(%arg30 : memref<40x8xf32, #tpu.memory_space<vmem>>) dst(%dma_wait3A_243 : memref<10240x8xf32, #tpu.memory_space<vmem_shared>>)
          tpu.yield
        }) : () -> ()
        %add3A_186 = arith.constant 4 : i32
        %add3A_187 = arith.addi %add3A_166, %add3A_186 : i32
        %lt3A_188 = arith.constant 500 : i32
        %lt3A_189 = arith.cmpi slt, %add3A_187, %lt3A_188 : i32
        %convert_element_type3A_190 = arith.extui %lt3A_189 : i1 to i32
        %cond3A_191 = arith.constant 0 : i32
        %cond3A_192 = arith.cmpi ne, %convert_element_type3A_190, %cond3A_191 : i32
        scf.if %cond3A_192 {
          %add3A_238 = arith.constant 4 : i32
          %add3A_239 = arith.addi %add3A_166, %add3A_238 : i32
          %mul3A_240 = arith.constant 40 : i32
          %mul3A_241 = arith.muli %add3A_239, %mul3A_240 : i32
          %add3A_242 = arith.addi %mul3A_2, %mul3A_241 : i32
          %dma_start3A_243 = tpu.memref_slice %arg8[%add3A_242] : memref<320000xi32, #tpu.memory_space<hbm>> -> memref<40xi32, #tpu.memory_space<hbm>>
          %dma_start3A_244 = tpu.memref_slice %arg8[%add3A_242] : memref<320000xi32, #tpu.memory_space<hbm>> -> memref<40xi32, #tpu.memory_space<hbm>>
          tpu.enqueue_dma source(%dma_start3A_244 : memref<40xi32, #tpu.memory_space<hbm>>) target(%arg20 : memref<40xi32, #tpu.memory_space<vmem>>) target_semaphore(%arg41 : memref<!tpu.dma_semaphore, #tpu.memory_space<semaphore_mem>>)
          %dma_start3A_245 = tpu.memref_slice %arg9[%add3A_242] : memref<320000xi32, #tpu.memory_space<hbm>> -> memref<40xi32, #tpu.memory_space<hbm>>
          %dma_start3A_246 = tpu.memref_slice %arg9[%add3A_242] : memref<320000xi32, #tpu.memory_space<hbm>> -> memref<40xi32, #tpu.memory_space<hbm>>
          tpu.enqueue_dma source(%dma_start3A_246 : memref<40xi32, #tpu.memory_space<hbm>>) target(%arg21 : memref<40xi32, #tpu.memory_space<vmem>>) target_semaphore(%arg41 : memref<!tpu.dma_semaphore, #tpu.memory_space<semaphore_mem>>)
        } else {
        }
        %add3A_193 = arith.constant 2 : i32
        %add3A_194 = arith.addi %add3A_166, %add3A_193 : i32
        %lt3A_195 = arith.constant 500 : i32
        %lt3A_196 = arith.cmpi slt, %add3A_194, %lt3A_195 : i32
        %convert_element_type3A_197 = arith.extui %lt3A_196 : i1 to i32
        %cond3A_198 = arith.constant 0 : i32
        %cond3A_199 = arith.cmpi ne, %convert_element_type3A_197, %cond3A_198 : i32
        scf.if %cond3A_199 {
          %dma_wait3A_238 = arith.constant 0 : i32
          %dma_wait3A_239 = tpu.memref_slice %arg8[%dma_wait3A_238] : memref<320000xi32, #tpu.memory_space<hbm>> -> memref<40xi32, #tpu.memory_space<hbm>>
          %dma_wait3A_240 = arith.constant 0 : i32
          %dma_wait3A_241 = tpu.memref_slice %arg8[%dma_wait3A_240] : memref<320000xi32, #tpu.memory_space<hbm>> -> memref<40xi32, #tpu.memory_space<hbm>>
          tpu.wait_dma2 semaphore(%arg39 : memref<!tpu.dma_semaphore, #tpu.memory_space<semaphore_mem>>) src(%dma_wait3A_241 : memref<40xi32, #tpu.memory_space<hbm>>) dst(%arg16 : memref<40xi32, #tpu.memory_space<vmem>>)
          %dma_wait3A_242 = arith.constant 0 : i32
          %dma_wait3A_243 = tpu.memref_slice %arg9[%dma_wait3A_242] : memref<320000xi32, #tpu.memory_space<hbm>> -> memref<40xi32, #tpu.memory_space<hbm>>
          %dma_wait3A_244 = arith.constant 0 : i32
          %dma_wait3A_245 = tpu.memref_slice %arg9[%dma_wait3A_244] : memref<320000xi32, #tpu.memory_space<hbm>> -> memref<40xi32, #tpu.memory_space<hbm>>
          tpu.wait_dma2 semaphore(%arg39 : memref<!tpu.dma_semaphore, #tpu.memory_space<semaphore_mem>>) src(%dma_wait3A_245 : memref<40xi32, #tpu.memory_space<hbm>>) dst(%arg17 : memref<40xi32, #tpu.memory_space<vmem>>)
          %add3A_246 = arith.constant 2 : i32
          %add3A_247 = arith.addi %add3A_166, %add3A_246 : i32
          %dma_start3A_248 = arith.constant 0 : i32
          %dma_start3A_249 = arith.constant 0 : i32
          %dma_start3A_250 = tpu.memref_slice %arg2[%dma_start3A_248, %dma_start3A_249] : memref<10000x128xf32, #tpu.memory_space<hbm>> -> memref<10000x128xf32, #tpu.memory_space<hbm>>
          tpu.enqueue_indirect_dma source(%dma_start3A_250 : memref<10000x128xf32, #tpu.memory_space<hbm>>) target(%arg24 : memref<40x128xf32, #tpu.memory_space<vmem>>) offsets(%arg16 : memref<40xi32, #tpu.memory_space<vmem>>) semaphore(%arg33 : memref<!tpu.dma_semaphore, #tpu.memory_space<semaphore_mem>>)
          %dma_start3A_251 = arith.constant 0 : i32
          %dma_start3A_252 = arith.constant 0 : i32
          %dma_start3A_253 = tpu.memref_slice %arg4[%dma_start3A_251, %dma_start3A_252] : memref<10000x128xf32, #tpu.memory_space<hbm>> -> memref<10000x128xf32, #tpu.memory_space<hbm>>
          tpu.enqueue_indirect_dma source(%dma_start3A_253 : memref<10000x128xf32, #tpu.memory_space<hbm>>) target(%arg25 : memref<40x128xf32, #tpu.memory_space<vmem>>) offsets(%arg17 : memref<40xi32, #tpu.memory_space<vmem>>) semaphore(%arg34 : memref<!tpu.dma_semaphore, #tpu.memory_space<semaphore_mem>>)
          %mul3A_254 = arith.constant 40 : i32
          %mul3A_255 = arith.muli %add3A_247, %mul3A_254 : i32
          %add3A_256 = arith.addi %mul3A_2, %mul3A_255 : i32
          %dma_start3A_257 = arith.constant 0 : i32
          %dma_start3A_258 = tpu.memref_slice %arg6[%add3A_256, %dma_start3A_257] : memref<320000x128xf32, #tpu.memory_space<hbm>> -> memref<40x128xf32, #tpu.memory_space<hbm>>
          %dma_start3A_259 = arith.constant 0 : i32
          %dma_start3A_260 = tpu.memref_slice %arg6[%add3A_256, %dma_start3A_259] : memref<320000x128xf32, #tpu.memory_space<hbm>> -> memref<40x128xf32, #tpu.memory_space<hbm>>
          tpu.enqueue_dma source(%dma_start3A_260 : memref<40x128xf32, #tpu.memory_space<hbm>>) target(%arg26 : memref<40x128xf32, #tpu.memory_space<vmem>>) target_semaphore(%arg35 : memref<!tpu.dma_semaphore, #tpu.memory_space<semaphore_mem>>)
        } else {
        }
        %mul3A_200 = arith.constant 4 : i32
        %mul3A_201 = arith.muli %mul3A_200, %scan3A_88 : i32
        %add3A_202 = arith.constant 3 : i32
        %add3A_203 = arith.addi %mul3A_201, %add3A_202 : i32
        %dma_wait3A_204 = arith.constant 0 : i32
        %dma_wait3A_205 = arith.constant 0 : i32
        %dma_wait3A_206 = tpu.memref_slice %arg2[%dma_wait3A_204, %dma_wait3A_205] : memref<10000x128xf32, #tpu.memory_space<hbm>> -> memref<10000x128xf32, #tpu.memory_space<hbm>>
        tpu.wait_indirect_dma semaphore(%arg36 : memref<!tpu.dma_semaphore, #tpu.memory_space<semaphore_mem>>) src(%dma_wait3A_206 : memref<10000x128xf32, #tpu.memory_space<hbm>>) dst(%arg27 : memref<40x128xf32, #tpu.memory_space<vmem>>)
        %dma_wait3A_207 = arith.constant 0 : i32
        %dma_wait3A_208 = arith.constant 0 : i32
        %dma_wait3A_209 = tpu.memref_slice %arg4[%dma_wait3A_207, %dma_wait3A_208] : memref<10000x128xf32, #tpu.memory_space<hbm>> -> memref<10000x128xf32, #tpu.memory_space<hbm>>
        tpu.wait_indirect_dma semaphore(%arg37 : memref<!tpu.dma_semaphore, #tpu.memory_space<semaphore_mem>>) src(%dma_wait3A_209 : memref<10000x128xf32, #tpu.memory_space<hbm>>) dst(%arg28 : memref<40x128xf32, #tpu.memory_space<vmem>>)
        %dma_wait3A_210 = arith.constant 0 : i32
        %dma_wait3A_211 = arith.constant 0 : i32
        %dma_wait3A_212 = tpu.memref_slice %arg6[%dma_wait3A_210, %dma_wait3A_211] : memref<320000x128xf32, #tpu.memory_space<hbm>> -> memref<40x128xf32, #tpu.memory_space<hbm>>
        %dma_wait3A_213 = arith.constant 0 : i32
        %dma_wait3A_214 = arith.constant 0 : i32
        %dma_wait3A_215 = tpu.memref_slice %arg6[%dma_wait3A_213, %dma_wait3A_214] : memref<320000x128xf32, #tpu.memory_space<hbm>> -> memref<40x128xf32, #tpu.memory_space<hbm>>
        tpu.wait_dma2 semaphore(%arg38 : memref<!tpu.dma_semaphore, #tpu.memory_space<semaphore_mem>>) src(%dma_wait3A_215 : memref<40x128xf32, #tpu.memory_space<hbm>>) dst(%arg29 : memref<40x128xf32, #tpu.memory_space<vmem>>)
        %scan3A_216 = arith.constant 0 : i32
        %scan3A_217 = arith.constant 0 : i32
        %scan3A_218 = arith.constant 40 : i32
        %scan3A_219 = arith.addi %scan3A_217, %scan3A_218 : i32
        %scan3A_220 = arith.constant 1 : i32
        %scan3A_221 = scf.for %scan3A_238 = %scan3A_217 to %scan3A_219 step %scan3A_220 iter_args(%scan3A_239 = %scan3A_216) -> (i32)  : i32 {
          %get3A = arith.index_cast %scan3A_238 : i32 to index
          %get3A_240 = arith.constant 0 : index
          %get3A_241 = tpu.vector_load %arg27[%get3A, %get3A_240] {strides = array<i32>} : memref<40x128xf32, #tpu.memory_space<vmem>>, vector<1x16xf32>,
          %get3A_242 = vector.shape_cast %get3A_241 : vector<1x16xf32> to vector<16xf32>
          %get3A_243 = arith.index_cast %scan3A_238 : i32 to index
          %get3A_244 = arith.constant 0 : index
          %get3A_245 = tpu.vector_load %arg28[%get3A_243, %get3A_244] {strides = array<i32>} : memref<40x128xf32, #tpu.memory_space<vmem>>, vector<1x16xf32>,
          %get3A_246 = vector.shape_cast %get3A_245 : vector<1x16xf32> to vector<16xf32>
          %add3A_247 = arith.addf %get3A_242, %get3A_246 : vector<16xf32>
          %get3A_248 = arith.index_cast %scan3A_238 : i32 to index
          %get3A_249 = arith.constant 0 : index
          %get3A_250 = tpu.vector_load %arg29[%get3A_248, %get3A_249] {strides = array<i32>} : memref<40x128xf32, #tpu.memory_space<vmem>>, vector<1x16xf32>,
          %get3A_251 = vector.shape_cast %get3A_250 : vector<1x16xf32> to vector<16xf32>
          %add3A_252 = arith.addf %add3A_247, %get3A_251 : vector<16xf32>
          %max3A = arith.constant 0.000000e+00 : f32
          %max3A_253 = vector.broadcast %max3A : f32 to vector<16xf32>
          %max3A_254 = arith.maximumf %add3A_252, %max3A_253 : vector<16xf32>
          %swap3A = arith.index_cast %scan3A_238 : i32 to index
          %swap3A_255 = arith.constant 0 : index
          %swap3A_256 = tpu.vector_load %arg29[%swap3A, %swap3A_255] {strides = array<i32>} : memref<40x128xf32, #tpu.memory_space<vmem>>, vector<1x16xf32>,
          %swap3A_257 = vector.shape_cast %swap3A_256 : vector<1x16xf32> to vector<16xf32>
          %swap3A_258 = vector.shape_cast %max3A_254 : vector<16xf32> to vector<1x16xf32>
          tpu.vector_store %arg29[%swap3A, %swap3A_255], %swap3A_258 {strides = array<i32>} : memref<40x128xf32, #tpu.memory_space<vmem>>, vector<1x16xf32>,
          %get3A_259 = arith.index_cast %scan3A_238 : i32 to index
          %get3A_260 = arith.constant 16 : index
          %get3A_261 = tpu.vector_load %arg27[%get3A_259, %get3A_260] {strides = array<i32>} : memref<40x128xf32, #tpu.memory_space<vmem>>, vector<1x16xf32>,
          %get3A_262 = vector.shape_cast %get3A_261 : vector<1x16xf32> to vector<16xf32>
          %get3A_263 = arith.index_cast %scan3A_238 : i32 to index
          %get3A_264 = arith.constant 16 : index
          %get3A_265 = tpu.vector_load %arg28[%get3A_263, %get3A_264] {strides = array<i32>} : memref<40x128xf32, #tpu.memory_space<vmem>>, vector<1x16xf32>,
          %get3A_266 = vector.shape_cast %get3A_265 : vector<1x16xf32> to vector<16xf32>
          %add3A_267 = arith.addf %get3A_262, %get3A_266 : vector<16xf32>
          %get3A_268 = arith.index_cast %scan3A_238 : i32 to index
          %get3A_269 = arith.constant 16 : index
          %get3A_270 = tpu.vector_load %arg29[%get3A_268, %get3A_269] {strides = array<i32>} : memref<40x128xf32, #tpu.memory_space<vmem>>, vector<1x16xf32>,
          %get3A_271 = vector.shape_cast %get3A_270 : vector<1x16xf32> to vector<16xf32>
          %add3A_272 = arith.addf %add3A_267, %get3A_271 : vector<16xf32>
          %max3A_273 = arith.constant 0.000000e+00 : f32
          %max3A_274 = vector.broadcast %max3A_273 : f32 to vector<16xf32>
          %max3A_275 = arith.maximumf %add3A_272, %max3A_274 : vector<16xf32>
          %swap3A_276 = arith.index_cast %scan3A_238 : i32 to index
          %swap3A_277 = arith.constant 16 : index
          %swap3A_278 = tpu.vector_load %arg29[%swap3A_276, %swap3A_277] {strides = array<i32>} : memref<40x128xf32, #tpu.memory_space<vmem>>, vector<1x16xf32>,
          %swap3A_279 = vector.shape_cast %swap3A_278 : vector<1x16xf32> to vector<16xf32>
          %swap3A_280 = vector.shape_cast %max3A_275 : vector<16xf32> to vector<1x16xf32>
          tpu.vector_store %arg29[%swap3A_276, %swap3A_277], %swap3A_280 {strides = array<i32>} : memref<40x128xf32, #tpu.memory_space<vmem>>, vector<1x16xf32>,
          %get3A_281 = arith.index_cast %scan3A_238 : i32 to index
          %get3A_282 = arith.constant 32 : index
          %get3A_283 = tpu.vector_load %arg27[%get3A_281, %get3A_282] {strides = array<i32>} : memref<40x128xf32, #tpu.memory_space<vmem>>, vector<1x16xf32>,
          %get3A_284 = vector.shape_cast %get3A_283 : vector<1x16xf32> to vector<16xf32>
          %get3A_285 = arith.index_cast %scan3A_238 : i32 to index
          %get3A_286 = arith.constant 32 : index
          %get3A_287 = tpu.vector_load %arg28[%get3A_285, %get3A_286] {strides = array<i32>} : memref<40x128xf32, #tpu.memory_space<vmem>>, vector<1x16xf32>,
          %get3A_288 = vector.shape_cast %get3A_287 : vector<1x16xf32> to vector<16xf32>
          %add3A_289 = arith.addf %get3A_284, %get3A_288 : vector<16xf32>
          %get3A_290 = arith.index_cast %scan3A_238 : i32 to index
          %get3A_291 = arith.constant 32 : index
          %get3A_292 = tpu.vector_load %arg29[%get3A_290, %get3A_291] {strides = array<i32>} : memref<40x128xf32, #tpu.memory_space<vmem>>, vector<1x16xf32>,
          %get3A_293 = vector.shape_cast %get3A_292 : vector<1x16xf32> to vector<16xf32>
          %add3A_294 = arith.addf %add3A_289, %get3A_293 : vector<16xf32>
          %max3A_295 = arith.constant 0.000000e+00 : f32
          %max3A_296 = vector.broadcast %max3A_295 : f32 to vector<16xf32>
          %max3A_297 = arith.maximumf %add3A_294, %max3A_296 : vector<16xf32>
          %swap3A_298 = arith.index_cast %scan3A_238 : i32 to index
          %swap3A_299 = arith.constant 32 : index
          %swap3A_300 = tpu.vector_load %arg29[%swap3A_298, %swap3A_299] {strides = array<i32>} : memref<40x128xf32, #tpu.memory_space<vmem>>, vector<1x16xf32>,
          %swap3A_301 = vector.shape_cast %swap3A_300 : vector<1x16xf32> to vector<16xf32>
          %swap3A_302 = vector.shape_cast %max3A_297 : vector<16xf32> to vector<1x16xf32>
          tpu.vector_store %arg29[%swap3A_298, %swap3A_299], %swap3A_302 {strides = array<i32>} : memref<40x128xf32, #tpu.memory_space<vmem>>, vector<1x16xf32>,
          %get3A_303 = arith.index_cast %scan3A_238 : i32 to index
          %get3A_304 = arith.constant 48 : index
          %get3A_305 = tpu.vector_load %arg27[%get3A_303, %get3A_304] {strides = array<i32>} : memref<40x128xf32, #tpu.memory_space<vmem>>, vector<1x16xf32>,
          %get3A_306 = vector.shape_cast %get3A_305 : vector<1x16xf32> to vector<16xf32>
          %get3A_307 = arith.index_cast %scan3A_238 : i32 to index
          %get3A_308 = arith.constant 48 : index
          %get3A_309 = tpu.vector_load %arg28[%get3A_307, %get3A_308] {strides = array<i32>} : memref<40x128xf32, #tpu.memory_space<vmem>>, vector<1x16xf32>,
          %get3A_310 = vector.shape_cast %get3A_309 : vector<1x16xf32> to vector<16xf32>
          %add3A_311 = arith.addf %get3A_306, %get3A_310 : vector<16xf32>
          %get3A_312 = arith.index_cast %scan3A_238 : i32 to index
          %get3A_313 = arith.constant 48 : index
          %get3A_314 = tpu.vector_load %arg29[%get3A_312, %get3A_313] {strides = array<i32>} : memref<40x128xf32, #tpu.memory_space<vmem>>, vector<1x16xf32>,
          %get3A_315 = vector.shape_cast %get3A_314 : vector<1x16xf32> to vector<16xf32>
          %add3A_316 = arith.addf %add3A_311, %get3A_315 : vector<16xf32>
          %max3A_317 = arith.constant 0.000000e+00 : f32
          %max3A_318 = vector.broadcast %max3A_317 : f32 to vector<16xf32>
          %max3A_319 = arith.maximumf %add3A_316, %max3A_318 : vector<16xf32>
          %swap3A_320 = arith.index_cast %scan3A_238 : i32 to index
          %swap3A_321 = arith.constant 48 : index
          %swap3A_322 = tpu.vector_load %arg29[%swap3A_320, %swap3A_321] {strides = array<i32>} : memref<40x128xf32, #tpu.memory_space<vmem>>, vector<1x16xf32>,
          %swap3A_323 = vector.shape_cast %swap3A_322 : vector<1x16xf32> to vector<16xf32>
          %swap3A_324 = vector.shape_cast %max3A_319 : vector<16xf32> to vector<1x16xf32>
          tpu.vector_store %arg29[%swap3A_320, %swap3A_321], %swap3A_324 {strides = array<i32>} : memref<40x128xf32, #tpu.memory_space<vmem>>, vector<1x16xf32>,
          %get3A_325 = arith.index_cast %scan3A_238 : i32 to index
          %get3A_326 = arith.constant 64 : index
          %get3A_327 = tpu.vector_load %arg27[%get3A_325, %get3A_326] {strides = array<i32>} : memref<40x128xf32, #tpu.memory_space<vmem>>, vector<1x16xf32>,
          %get3A_328 = vector.shape_cast %get3A_327 : vector<1x16xf32> to vector<16xf32>
          %get3A_329 = arith.index_cast %scan3A_238 : i32 to index
          %get3A_330 = arith.constant 64 : index
          %get3A_331 = tpu.vector_load %arg28[%get3A_329, %get3A_330] {strides = array<i32>} : memref<40x128xf32, #tpu.memory_space<vmem>>, vector<1x16xf32>,
          %get3A_332 = vector.shape_cast %get3A_331 : vector<1x16xf32> to vector<16xf32>
          %add3A_333 = arith.addf %get3A_328, %get3A_332 : vector<16xf32>
          %get3A_334 = arith.index_cast %scan3A_238 : i32 to index
          %get3A_335 = arith.constant 64 : index
          %get3A_336 = tpu.vector_load %arg29[%get3A_334, %get3A_335] {strides = array<i32>} : memref<40x128xf32, #tpu.memory_space<vmem>>, vector<1x16xf32>,
          %get3A_337 = vector.shape_cast %get3A_336 : vector<1x16xf32> to vector<16xf32>
          %add3A_338 = arith.addf %add3A_333, %get3A_337 : vector<16xf32>
          %max3A_339 = arith.constant 0.000000e+00 : f32
          %max3A_340 = vector.broadcast %max3A_339 : f32 to vector<16xf32>
          %max3A_341 = arith.maximumf %add3A_338, %max3A_340 : vector<16xf32>
          %swap3A_342 = arith.index_cast %scan3A_238 : i32 to index
          %swap3A_343 = arith.constant 64 : index
          %swap3A_344 = tpu.vector_load %arg29[%swap3A_342, %swap3A_343] {strides = array<i32>} : memref<40x128xf32, #tpu.memory_space<vmem>>, vector<1x16xf32>,
          %swap3A_345 = vector.shape_cast %swap3A_344 : vector<1x16xf32> to vector<16xf32>
          %swap3A_346 = vector.shape_cast %max3A_341 : vector<16xf32> to vector<1x16xf32>
          tpu.vector_store %arg29[%swap3A_342, %swap3A_343], %swap3A_346 {strides = array<i32>} : memref<40x128xf32, #tpu.memory_space<vmem>>, vector<1x16xf32>,
          %get3A_347 = arith.index_cast %scan3A_238 : i32 to index
          %get3A_348 = arith.constant 80 : index
          %get3A_349 = tpu.vector_load %arg27[%get3A_347, %get3A_348] {strides = array<i32>} : memref<40x128xf32, #tpu.memory_space<vmem>>, vector<1x16xf32>,
          %get3A_350 = vector.shape_cast %get3A_349 : vector<1x16xf32> to vector<16xf32>
          %get3A_351 = arith.index_cast %scan3A_238 : i32 to index
          %get3A_352 = arith.constant 80 : index
          %get3A_353 = tpu.vector_load %arg28[%get3A_351, %get3A_352] {strides = array<i32>} : memref<40x128xf32, #tpu.memory_space<vmem>>, vector<1x16xf32>,
          %get3A_354 = vector.shape_cast %get3A_353 : vector<1x16xf32> to vector<16xf32>
          %add3A_355 = arith.addf %get3A_350, %get3A_354 : vector<16xf32>
          %get3A_356 = arith.index_cast %scan3A_238 : i32 to index
          %get3A_357 = arith.constant 80 : index
          %get3A_358 = tpu.vector_load %arg29[%get3A_356, %get3A_357] {strides = array<i32>} : memref<40x128xf32, #tpu.memory_space<vmem>>, vector<1x16xf32>,
          %get3A_359 = vector.shape_cast %get3A_358 : vector<1x16xf32> to vector<16xf32>
          %add3A_360 = arith.addf %add3A_355, %get3A_359 : vector<16xf32>
          %max3A_361 = arith.constant 0.000000e+00 : f32
          %max3A_362 = vector.broadcast %max3A_361 : f32 to vector<16xf32>
          %max3A_363 = arith.maximumf %add3A_360, %max3A_362 : vector<16xf32>
          %swap3A_364 = arith.index_cast %scan3A_238 : i32 to index
          %swap3A_365 = arith.constant 80 : index
          %swap3A_366 = tpu.vector_load %arg29[%swap3A_364, %swap3A_365] {strides = array<i32>} : memref<40x128xf32, #tpu.memory_space<vmem>>, vector<1x16xf32>,
          %swap3A_367 = vector.shape_cast %swap3A_366 : vector<1x16xf32> to vector<16xf32>
          %swap3A_368 = vector.shape_cast %max3A_363 : vector<16xf32> to vector<1x16xf32>
          tpu.vector_store %arg29[%swap3A_364, %swap3A_365], %swap3A_368 {strides = array<i32>} : memref<40x128xf32, #tpu.memory_space<vmem>>, vector<1x16xf32>,
          %get3A_369 = arith.index_cast %scan3A_238 : i32 to index
          %get3A_370 = arith.constant 96 : index
          %get3A_371 = tpu.vector_load %arg27[%get3A_369, %get3A_370] {strides = array<i32>} : memref<40x128xf32, #tpu.memory_space<vmem>>, vector<1x16xf32>,
          %get3A_372 = vector.shape_cast %get3A_371 : vector<1x16xf32> to vector<16xf32>
          %get3A_373 = arith.index_cast %scan3A_238 : i32 to index
          %get3A_374 = arith.constant 96 : index
          %get3A_375 = tpu.vector_load %arg28[%get3A_373, %get3A_374] {strides = array<i32>} : memref<40x128xf32, #tpu.memory_space<vmem>>, vector<1x16xf32>,
          %get3A_376 = vector.shape_cast %get3A_375 : vector<1x16xf32> to vector<16xf32>
          %add3A_377 = arith.addf %get3A_372, %get3A_376 : vector<16xf32>
          %get3A_378 = arith.index_cast %scan3A_238 : i32 to index
          %get3A_379 = arith.constant 96 : index
          %get3A_380 = tpu.vector_load %arg29[%get3A_378, %get3A_379] {strides = array<i32>} : memref<40x128xf32, #tpu.memory_space<vmem>>, vector<1x16xf32>,
          %get3A_381 = vector.shape_cast %get3A_380 : vector<1x16xf32> to vector<16xf32>
          %add3A_382 = arith.addf %add3A_377, %get3A_381 : vector<16xf32>
          %max3A_383 = arith.constant 0.000000e+00 : f32
          %max3A_384 = vector.broadcast %max3A_383 : f32 to vector<16xf32>
          %max3A_385 = arith.maximumf %add3A_382, %max3A_384 : vector<16xf32>
          %swap3A_386 = arith.index_cast %scan3A_238 : i32 to index
          %swap3A_387 = arith.constant 96 : index
          %swap3A_388 = tpu.vector_load %arg29[%swap3A_386, %swap3A_387] {strides = array<i32>} : memref<40x128xf32, #tpu.memory_space<vmem>>, vector<1x16xf32>,
          %swap3A_389 = vector.shape_cast %swap3A_388 : vector<1x16xf32> to vector<16xf32>
          %swap3A_390 = vector.shape_cast %max3A_385 : vector<16xf32> to vector<1x16xf32>
          tpu.vector_store %arg29[%swap3A_386, %swap3A_387], %swap3A_390 {strides = array<i32>} : memref<40x128xf32, #tpu.memory_space<vmem>>, vector<1x16xf32>,
          %get3A_391 = arith.index_cast %scan3A_238 : i32 to index
          %get3A_392 = arith.constant 112 : index
          %get3A_393 = tpu.vector_load %arg27[%get3A_391, %get3A_392] {strides = array<i32>} : memref<40x128xf32, #tpu.memory_space<vmem>>, vector<1x16xf32>,
          %get3A_394 = vector.shape_cast %get3A_393 : vector<1x16xf32> to vector<16xf32>
          %get3A_395 = arith.index_cast %scan3A_238 : i32 to index
          %get3A_396 = arith.constant 112 : index
          %get3A_397 = tpu.vector_load %arg28[%get3A_395, %get3A_396] {strides = array<i32>} : memref<40x128xf32, #tpu.memory_space<vmem>>, vector<1x16xf32>,
          %get3A_398 = vector.shape_cast %get3A_397 : vector<1x16xf32> to vector<16xf32>
          %add3A_399 = arith.addf %get3A_394, %get3A_398 : vector<16xf32>
          %get3A_400 = arith.index_cast %scan3A_238 : i32 to index
          %get3A_401 = arith.constant 112 : index
          %get3A_402 = tpu.vector_load %arg29[%get3A_400, %get3A_401] {strides = array<i32>} : memref<40x128xf32, #tpu.memory_space<vmem>>, vector<1x16xf32>,
          %get3A_403 = vector.shape_cast %get3A_402 : vector<1x16xf32> to vector<16xf32>
          %add3A_404 = arith.addf %add3A_399, %get3A_403 : vector<16xf32>
          %max3A_405 = arith.constant 0.000000e+00 : f32
          %max3A_406 = vector.broadcast %max3A_405 : f32 to vector<16xf32>
          %max3A_407 = arith.maximumf %add3A_404, %max3A_406 : vector<16xf32>
          %swap3A_408 = arith.index_cast %scan3A_238 : i32 to index
          %swap3A_409 = arith.constant 112 : index
          %swap3A_410 = tpu.vector_load %arg29[%swap3A_408, %swap3A_409] {strides = array<i32>} : memref<40x128xf32, #tpu.memory_space<vmem>>, vector<1x16xf32>,
          %swap3A_411 = vector.shape_cast %swap3A_410 : vector<1x16xf32> to vector<16xf32>
          %swap3A_412 = vector.shape_cast %max3A_407 : vector<16xf32> to vector<1x16xf32>
          tpu.vector_store %arg29[%swap3A_408, %swap3A_409], %swap3A_412 {strides = array<i32>} : memref<40x128xf32, #tpu.memory_space<vmem>>, vector<1x16xf32>,
          %scan3A_413 = arith.constant 0 : i32
          scf.yield %scan3A_413 : i32
        }
        %scan3A_222 = arith.constant 40 : i32
        "tpu.region"() ({
          %run_scoped3A = tpu.sem_alloc : memref<!tpu.dma_semaphore, #tpu.memory_space<semaphore_mem>>
          %dma_start3A_238 = arith.constant 0 : i32
          %dma_start3A_239 = arith.constant 0 : i32
          %dma_start3A_240 = tpu.memref_slice %arg31[%dma_start3A_238, %dma_start3A_239] : memref<10240x128xf32, #tpu.memory_space<vmem_shared>> -> memref<10240x128xf32, #tpu.memory_space<vmem_shared>>
          tpu.enqueue_indirect_dma source(%arg29 : memref<40x128xf32, #tpu.memory_space<vmem>>) target(%dma_start3A_240 : memref<10240x128xf32, #tpu.memory_space<vmem_shared>>) offsets(%arg22 : memref<40xi32, #tpu.memory_space<vmem>>) semaphore(%run_scoped3A : memref<!tpu.dma_semaphore, #tpu.memory_space<semaphore_mem>>) {add = true}
          %dma_wait3A_241 = arith.constant 0 : i32
          %dma_wait3A_242 = arith.constant 0 : i32
          %dma_wait3A_243 = tpu.memref_slice %arg31[%dma_wait3A_241, %dma_wait3A_242] : memref<10240x128xf32, #tpu.memory_space<vmem_shared>> -> memref<10240x128xf32, #tpu.memory_space<vmem_shared>>
          tpu.wait_indirect_dma semaphore(%run_scoped3A : memref<!tpu.dma_semaphore, #tpu.memory_space<semaphore_mem>>) src(%arg29 : memref<40x128xf32, #tpu.memory_space<vmem>>) dst(%dma_wait3A_243 : memref<10240x128xf32, #tpu.memory_space<vmem_shared>>)
          tpu.yield
        }) : () -> ()
        "tpu.region"() ({
          %run_scoped3A = tpu.sem_alloc : memref<!tpu.dma_semaphore, #tpu.memory_space<semaphore_mem>>
          %dma_start3A_238 = arith.constant 0 : i32
          %dma_start3A_239 = arith.constant 0 : i32
          %dma_start3A_240 = tpu.memref_slice %arg32[%dma_start3A_238, %dma_start3A_239] : memref<10240x8xf32, #tpu.memory_space<vmem_shared>> -> memref<10240x8xf32, #tpu.memory_space<vmem_shared>>
          tpu.enqueue_indirect_dma source(%arg30 : memref<40x8xf32, #tpu.memory_space<vmem>>) target(%dma_start3A_240 : memref<10240x8xf32, #tpu.memory_space<vmem_shared>>) offsets(%arg22 : memref<40xi32, #tpu.memory_space<vmem>>) semaphore(%run_scoped3A : memref<!tpu.dma_semaphore, #tpu.memory_space<semaphore_mem>>) {add = true}
          %dma_wait3A_241 = arith.constant 0 : i32
          %dma_wait3A_242 = arith.constant 0 : i32
          %dma_wait3A_243 = tpu.memref_slice %arg32[%dma_wait3A_241, %dma_wait3A_242] : memref<10240x8xf32, #tpu.memory_space<vmem_shared>> -> memref<10240x8xf32, #tpu.memory_space<vmem_shared>>
          tpu.wait_indirect_dma semaphore(%run_scoped3A : memref<!tpu.dma_semaphore, #tpu.memory_space<semaphore_mem>>) src(%arg30 : memref<40x8xf32, #tpu.memory_space<vmem>>) dst(%dma_wait3A_243 : memref<10240x8xf32, #tpu.memory_space<vmem_shared>>)
          tpu.yield
        }) : () -> ()
        %add3A_223 = arith.constant 4 : i32
        %add3A_224 = arith.addi %add3A_203, %add3A_223 : i32
        %lt3A_225 = arith.constant 500 : i32
        %lt3A_226 = arith.cmpi slt, %add3A_224, %lt3A_225 : i32
        %convert_element_type3A_227 = arith.extui %lt3A_226 : i1 to i32
        %cond3A_228 = arith.constant 0 : i32
        %cond3A_229 = arith.cmpi ne, %convert_element_type3A_227, %cond3A_228 : i32
        scf.if %cond3A_229 {
          %add3A_238 = arith.constant 4 : i32
          %add3A_239 = arith.addi %add3A_203, %add3A_238 : i32
          %mul3A_240 = arith.constant 40 : i32
          %mul3A_241 = arith.muli %add3A_239, %mul3A_240 : i32
          %add3A_242 = arith.addi %mul3A_2, %mul3A_241 : i32
          %dma_start3A_243 = tpu.memref_slice %arg8[%add3A_242] : memref<320000xi32, #tpu.memory_space<hbm>> -> memref<40xi32, #tpu.memory_space<hbm>>
          %dma_start3A_244 = tpu.memref_slice %arg8[%add3A_242] : memref<320000xi32, #tpu.memory_space<hbm>> -> memref<40xi32, #tpu.memory_space<hbm>>
          tpu.enqueue_dma source(%dma_start3A_244 : memref<40xi32, #tpu.memory_space<hbm>>) target(%arg22 : memref<40xi32, #tpu.memory_space<vmem>>) target_semaphore(%arg42 : memref<!tpu.dma_semaphore, #tpu.memory_space<semaphore_mem>>)
          %dma_start3A_245 = tpu.memref_slice %arg9[%add3A_242] : memref<320000xi32, #tpu.memory_space<hbm>> -> memref<40xi32, #tpu.memory_space<hbm>>
          %dma_start3A_246 = tpu.memref_slice %arg9[%add3A_242] : memref<320000xi32, #tpu.memory_space<hbm>> -> memref<40xi32, #tpu.memory_space<hbm>>
          tpu.enqueue_dma source(%dma_start3A_246 : memref<40xi32, #tpu.memory_space<hbm>>) target(%arg23 : memref<40xi32, #tpu.memory_space<vmem>>) target_semaphore(%arg42 : memref<!tpu.dma_semaphore, #tpu.memory_space<semaphore_mem>>)
        } else {
        }
        %add3A_230 = arith.constant 2 : i32
        %add3A_231 = arith.addi %add3A_203, %add3A_230 : i32
        %lt3A_232 = arith.constant 500 : i32
        %lt3A_233 = arith.cmpi slt, %add3A_231, %lt3A_232 : i32
        %convert_element_type3A_234 = arith.extui %lt3A_233 : i1 to i32
        %cond3A_235 = arith.constant 0 : i32
        %cond3A_236 = arith.cmpi ne, %convert_element_type3A_234, %cond3A_235 : i32
        scf.if %cond3A_236 {
          %dma_wait3A_238 = arith.constant 0 : i32
          %dma_wait3A_239 = tpu.memref_slice %arg8[%dma_wait3A_238] : memref<320000xi32, #tpu.memory_space<hbm>> -> memref<40xi32, #tpu.memory_space<hbm>>
          %dma_wait3A_240 = arith.constant 0 : i32
          %dma_wait3A_241 = tpu.memref_slice %arg8[%dma_wait3A_240] : memref<320000xi32, #tpu.memory_space<hbm>> -> memref<40xi32, #tpu.memory_space<hbm>>
          tpu.wait_dma2 semaphore(%arg40 : memref<!tpu.dma_semaphore, #tpu.memory_space<semaphore_mem>>) src(%dma_wait3A_241 : memref<40xi32, #tpu.memory_space<hbm>>) dst(%arg18 : memref<40xi32, #tpu.memory_space<vmem>>)
          %dma_wait3A_242 = arith.constant 0 : i32
          %dma_wait3A_243 = tpu.memref_slice %arg9[%dma_wait3A_242] : memref<320000xi32, #tpu.memory_space<hbm>> -> memref<40xi32, #tpu.memory_space<hbm>>
          %dma_wait3A_244 = arith.constant 0 : i32
          %dma_wait3A_245 = tpu.memref_slice %arg9[%dma_wait3A_244] : memref<320000xi32, #tpu.memory_space<hbm>> -> memref<40xi32, #tpu.memory_space<hbm>>
          tpu.wait_dma2 semaphore(%arg40 : memref<!tpu.dma_semaphore, #tpu.memory_space<semaphore_mem>>) src(%dma_wait3A_245 : memref<40xi32, #tpu.memory_space<hbm>>) dst(%arg19 : memref<40xi32, #tpu.memory_space<vmem>>)
          %add3A_246 = arith.constant 2 : i32
          %add3A_247 = arith.addi %add3A_203, %add3A_246 : i32
          %dma_start3A_248 = arith.constant 0 : i32
          %dma_start3A_249 = arith.constant 0 : i32
          %dma_start3A_250 = tpu.memref_slice %arg2[%dma_start3A_248, %dma_start3A_249] : memref<10000x128xf32, #tpu.memory_space<hbm>> -> memref<10000x128xf32, #tpu.memory_space<hbm>>
          tpu.enqueue_indirect_dma source(%dma_start3A_250 : memref<10000x128xf32, #tpu.memory_space<hbm>>) target(%arg27 : memref<40x128xf32, #tpu.memory_space<vmem>>) offsets(%arg18 : memref<40xi32, #tpu.memory_space<vmem>>) semaphore(%arg36 : memref<!tpu.dma_semaphore, #tpu.memory_space<semaphore_mem>>)
          %dma_start3A_251 = arith.constant 0 : i32
          %dma_start3A_252 = arith.constant 0 : i32
          %dma_start3A_253 = tpu.memref_slice %arg4[%dma_start3A_251, %dma_start3A_252] : memref<10000x128xf32, #tpu.memory_space<hbm>> -> memref<10000x128xf32, #tpu.memory_space<hbm>>
          tpu.enqueue_indirect_dma source(%dma_start3A_253 : memref<10000x128xf32, #tpu.memory_space<hbm>>) target(%arg28 : memref<40x128xf32, #tpu.memory_space<vmem>>) offsets(%arg19 : memref<40xi32, #tpu.memory_space<vmem>>) semaphore(%arg37 : memref<!tpu.dma_semaphore, #tpu.memory_space<semaphore_mem>>)
          %mul3A_254 = arith.constant 40 : i32
          %mul3A_255 = arith.muli %add3A_247, %mul3A_254 : i32
          %add3A_256 = arith.addi %mul3A_2, %mul3A_255 : i32
          %dma_start3A_257 = arith.constant 0 : i32
          %dma_start3A_258 = tpu.memref_slice %arg6[%add3A_256, %dma_start3A_257] : memref<320000x128xf32, #tpu.memory_space<hbm>> -> memref<40x128xf32, #tpu.memory_space<hbm>>
          %dma_start3A_259 = arith.constant 0 : i32
          %dma_start3A_260 = tpu.memref_slice %arg6[%add3A_256, %dma_start3A_259] : memref<320000x128xf32, #tpu.memory_space<hbm>> -> memref<40x128xf32, #tpu.memory_space<hbm>>
          tpu.enqueue_dma source(%dma_start3A_260 : memref<40x128xf32, #tpu.memory_space<hbm>>) target(%arg29 : memref<40x128xf32, #tpu.memory_space<vmem>>) target_semaphore(%arg38 : memref<!tpu.dma_semaphore, #tpu.memory_space<semaphore_mem>>)
        } else {
        }
        %scan3A_237 = arith.constant 0 : i32
        scf.yield %scan3A_237 : i32
      }
      %scan3A_87 = arith.constant 125 : i32
    } else {
    }
    %eq3A_5 = arith.constant 1 : i32
    %eq3A_6 = arith.cmpi eq, %arg0, %eq3A_5 : i32
    %convert_element_type3A_7 = arith.extui %eq3A_6 : i1 to i32
    %cond3A_8 = arith.constant 0 : i32
    %cond3A_9 = arith.cmpi ne, %convert_element_type3A_7, %cond3A_8 : i32
    scf.if %cond3A_9 {
      %add3A = arith.constant 0 : i32
      %add3A_21 = arith.addi %mul3A_2, %add3A : i32
      %dma_start3A = tpu.memref_slice %arg8[%add3A_21] : memref<320000xi32, #tpu.memory_space<hbm>> -> memref<40xi32, #tpu.memory_space<hbm>>
      %dma_start3A_22 = tpu.memref_slice %arg8[%add3A_21] : memref<320000xi32, #tpu.memory_space<hbm>> -> memref<40xi32, #tpu.memory_space<hbm>>
      tpu.enqueue_dma source(%dma_start3A_22 : memref<40xi32, #tpu.memory_space<hbm>>) target(%arg16 : memref<40xi32, #tpu.memory_space<vmem>>) target_semaphore(%arg39 : memref<!tpu.dma_semaphore, #tpu.memory_space<semaphore_mem>>)
      %dma_start3A_23 = tpu.memref_slice %arg9[%add3A_21] : memref<320000xi32, #tpu.memory_space<hbm>> -> memref<40xi32, #tpu.memory_space<hbm>>
      %dma_start3A_24 = tpu.memref_slice %arg9[%add3A_21] : memref<320000xi32, #tpu.memory_space<hbm>> -> memref<40xi32, #tpu.memory_space<hbm>>
      tpu.enqueue_dma source(%dma_start3A_24 : memref<40xi32, #tpu.memory_space<hbm>>) target(%arg17 : memref<40xi32, #tpu.memory_space<vmem>>) target_semaphore(%arg39 : memref<!tpu.dma_semaphore, #tpu.memory_space<semaphore_mem>>)
      %add3A_25 = arith.constant 40 : i32
      %add3A_26 = arith.addi %mul3A_2, %add3A_25 : i32
      %dma_start3A_27 = tpu.memref_slice %arg8[%add3A_26] : memref<320000xi32, #tpu.memory_space<hbm>> -> memref<40xi32, #tpu.memory_space<hbm>>
      %dma_start3A_28 = tpu.memref_slice %arg8[%add3A_26] : memref<320000xi32, #tpu.memory_space<hbm>> -> memref<40xi32, #tpu.memory_space<hbm>>
      tpu.enqueue_dma source(%dma_start3A_28 : memref<40xi32, #tpu.memory_space<hbm>>) target(%arg18 : memref<40xi32, #tpu.memory_space<vmem>>) target_semaphore(%arg40 : memref<!tpu.dma_semaphore, #tpu.memory_space<semaphore_mem>>)
      %dma_start3A_29 = tpu.memref_slice %arg9[%add3A_26] : memref<320000xi32, #tpu.memory_space<hbm>> -> memref<40xi32, #tpu.memory_space<hbm>>
      %dma_start3A_30 = tpu.memref_slice %arg9[%add3A_26] : memref<320000xi32, #tpu.memory_space<hbm>> -> memref<40xi32, #tpu.memory_space<hbm>>
      tpu.enqueue_dma source(%dma_start3A_30 : memref<40xi32, #tpu.memory_space<hbm>>) target(%arg19 : memref<40xi32, #tpu.memory_space<vmem>>) target_semaphore(%arg40 : memref<!tpu.dma_semaphore, #tpu.memory_space<semaphore_mem>>)
      %add3A_31 = arith.constant 80 : i32
      %add3A_32 = arith.addi %mul3A_2, %add3A_31 : i32
      %dma_start3A_33 = tpu.memref_slice %arg8[%add3A_32] : memref<320000xi32, #tpu.memory_space<hbm>> -> memref<40xi32, #tpu.memory_space<hbm>>
      %dma_start3A_34 = tpu.memref_slice %arg8[%add3A_32] : memref<320000xi32, #tpu.memory_space<hbm>> -> memref<40xi32, #tpu.memory_space<hbm>>
      tpu.enqueue_dma source(%dma_start3A_34 : memref<40xi32, #tpu.memory_space<hbm>>) target(%arg20 : memref<40xi32, #tpu.memory_space<vmem>>) target_semaphore(%arg41 : memref<!tpu.dma_semaphore, #tpu.memory_space<semaphore_mem>>)
      %dma_start3A_35 = tpu.memref_slice %arg9[%add3A_32] : memref<320000xi32, #tpu.memory_space<hbm>> -> memref<40xi32, #tpu.memory_space<hbm>>
      %dma_start3A_36 = tpu.memref_slice %arg9[%add3A_32] : memref<320000xi32, #tpu.memory_space<hbm>> -> memref<40xi32, #tpu.memory_space<hbm>>
      tpu.enqueue_dma source(%dma_start3A_36 : memref<40xi32, #tpu.memory_space<hbm>>) target(%arg21 : memref<40xi32, #tpu.memory_space<vmem>>) target_semaphore(%arg41 : memref<!tpu.dma_semaphore, #tpu.memory_space<semaphore_mem>>)
      %add3A_37 = arith.constant 120 : i32
      %add3A_38 = arith.addi %mul3A_2, %add3A_37 : i32
      %dma_start3A_39 = tpu.memref_slice %arg8[%add3A_38] : memref<320000xi32, #tpu.memory_space<hbm>> -> memref<40xi32, #tpu.memory_space<hbm>>
      %dma_start3A_40 = tpu.memref_slice %arg8[%add3A_38] : memref<320000xi32, #tpu.memory_space<hbm>> -> memref<40xi32, #tpu.memory_space<hbm>>
      tpu.enqueue_dma source(%dma_start3A_40 : memref<40xi32, #tpu.memory_space<hbm>>) target(%arg22 : memref<40xi32, #tpu.memory_space<vmem>>) target_semaphore(%arg42 : memref<!tpu.dma_semaphore, #tpu.memory_space<semaphore_mem>>)
      %dma_start3A_41 = tpu.memref_slice %arg9[%add3A_38] : memref<320000xi32, #tpu.memory_space<hbm>> -> memref<40xi32, #tpu.memory_space<hbm>>
      %dma_start3A_42 = tpu.memref_slice %arg9[%add3A_38] : memref<320000xi32, #tpu.memory_space<hbm>> -> memref<40xi32, #tpu.memory_space<hbm>>
      tpu.enqueue_dma source(%dma_start3A_42 : memref<40xi32, #tpu.memory_space<hbm>>) target(%arg23 : memref<40xi32, #tpu.memory_space<vmem>>) target_semaphore(%arg42 : memref<!tpu.dma_semaphore, #tpu.memory_space<semaphore_mem>>)
      %dma_wait3A = arith.constant 0 : i32
      %dma_wait3A_43 = tpu.memref_slice %arg8[%dma_wait3A] : memref<320000xi32, #tpu.memory_space<hbm>> -> memref<40xi32, #tpu.memory_space<hbm>>
      %dma_wait3A_44 = arith.constant 0 : i32
      %dma_wait3A_45 = tpu.memref_slice %arg8[%dma_wait3A_44] : memref<320000xi32, #tpu.memory_space<hbm>> -> memref<40xi32, #tpu.memory_space<hbm>>
      tpu.wait_dma2 semaphore(%arg39 : memref<!tpu.dma_semaphore, #tpu.memory_space<semaphore_mem>>) src(%dma_wait3A_45 : memref<40xi32, #tpu.memory_space<hbm>>) dst(%arg16 : memref<40xi32, #tpu.memory_space<vmem>>)
      %dma_wait3A_46 = arith.constant 0 : i32
      %dma_wait3A_47 = tpu.memref_slice %arg9[%dma_wait3A_46] : memref<320000xi32, #tpu.memory_space<hbm>> -> memref<40xi32, #tpu.memory_space<hbm>>
      %dma_wait3A_48 = arith.constant 0 : i32
      %dma_wait3A_49 = tpu.memref_slice %arg9[%dma_wait3A_48] : memref<320000xi32, #tpu.memory_space<hbm>> -> memref<40xi32, #tpu.memory_space<hbm>>
      tpu.wait_dma2 semaphore(%arg39 : memref<!tpu.dma_semaphore, #tpu.memory_space<semaphore_mem>>) src(%dma_wait3A_49 : memref<40xi32, #tpu.memory_space<hbm>>) dst(%arg17 : memref<40xi32, #tpu.memory_space<vmem>>)
      %dma_start3A_50 = arith.constant 0 : i32
      %dma_start3A_51 = arith.constant 0 : i32
      %dma_start3A_52 = tpu.memref_slice %arg3[%dma_start3A_50, %dma_start3A_51] : memref<10000x128xf32, #tpu.memory_space<hbm>> -> memref<10000x128xf32, #tpu.memory_space<hbm>>
      tpu.enqueue_indirect_dma source(%dma_start3A_52 : memref<10000x128xf32, #tpu.memory_space<hbm>>) target(%arg24 : memref<40x128xf32, #tpu.memory_space<vmem>>) offsets(%arg16 : memref<40xi32, #tpu.memory_space<vmem>>) semaphore(%arg33 : memref<!tpu.dma_semaphore, #tpu.memory_space<semaphore_mem>>)
      %dma_start3A_53 = arith.constant 0 : i32
      %dma_start3A_54 = arith.constant 0 : i32
      %dma_start3A_55 = tpu.memref_slice %arg5[%dma_start3A_53, %dma_start3A_54] : memref<10000x128xf32, #tpu.memory_space<hbm>> -> memref<10000x128xf32, #tpu.memory_space<hbm>>
      tpu.enqueue_indirect_dma source(%dma_start3A_55 : memref<10000x128xf32, #tpu.memory_space<hbm>>) target(%arg25 : memref<40x128xf32, #tpu.memory_space<vmem>>) offsets(%arg17 : memref<40xi32, #tpu.memory_space<vmem>>) semaphore(%arg34 : memref<!tpu.dma_semaphore, #tpu.memory_space<semaphore_mem>>)
      %add3A_56 = arith.constant 0 : i32
      %add3A_57 = arith.addi %mul3A_2, %add3A_56 : i32
      %dma_start3A_58 = arith.constant 0 : i32
      %dma_start3A_59 = tpu.memref_slice %arg7[%add3A_57, %dma_start3A_58] : memref<320000x128xf32, #tpu.memory_space<hbm>> -> memref<40x128xf32, #tpu.memory_space<hbm>>
      %dma_start3A_60 = arith.constant 0 : i32
      %dma_start3A_61 = tpu.memref_slice %arg7[%add3A_57, %dma_start3A_60] : memref<320000x128xf32, #tpu.memory_space<hbm>> -> memref<40x128xf32, #tpu.memory_space<hbm>>
      tpu.enqueue_dma source(%dma_start3A_61 : memref<40x128xf32, #tpu.memory_space<hbm>>) target(%arg26 : memref<40x128xf32, #tpu.memory_space<vmem>>) target_semaphore(%arg35 : memref<!tpu.dma_semaphore, #tpu.memory_space<semaphore_mem>>)
      %dma_wait3A_62 = arith.constant 0 : i32
      %dma_wait3A_63 = tpu.memref_slice %arg8[%dma_wait3A_62] : memref<320000xi32, #tpu.memory_space<hbm>> -> memref<40xi32, #tpu.memory_space<hbm>>
      %dma_wait3A_64 = arith.constant 0 : i32
      %dma_wait3A_65 = tpu.memref_slice %arg8[%dma_wait3A_64] : memref<320000xi32, #tpu.memory_space<hbm>> -> memref<40xi32, #tpu.memory_space<hbm>>
      tpu.wait_dma2 semaphore(%arg40 : memref<!tpu.dma_semaphore, #tpu.memory_space<semaphore_mem>>) src(%dma_wait3A_65 : memref<40xi32, #tpu.memory_space<hbm>>) dst(%arg18 : memref<40xi32, #tpu.memory_space<vmem>>)
      %dma_wait3A_66 = arith.constant 0 : i32
      %dma_wait3A_67 = tpu.memref_slice %arg9[%dma_wait3A_66] : memref<320000xi32, #tpu.memory_space<hbm>> -> memref<40xi32, #tpu.memory_space<hbm>>
      %dma_wait3A_68 = arith.constant 0 : i32
      %dma_wait3A_69 = tpu.memref_slice %arg9[%dma_wait3A_68] : memref<320000xi32, #tpu.memory_space<hbm>> -> memref<40xi32, #tpu.memory_space<hbm>>
      tpu.wait_dma2 semaphore(%arg40 : memref<!tpu.dma_semaphore, #tpu.memory_space<semaphore_mem>>) src(%dma_wait3A_69 : memref<40xi32, #tpu.memory_space<hbm>>) dst(%arg19 : memref<40xi32, #tpu.memory_space<vmem>>)
      %dma_start3A_70 = arith.constant 0 : i32
      %dma_start3A_71 = arith.constant 0 : i32
      %dma_start3A_72 = tpu.memref_slice %arg3[%dma_start3A_70, %dma_start3A_71] : memref<10000x128xf32, #tpu.memory_space<hbm>> -> memref<10000x128xf32, #tpu.memory_space<hbm>>
      tpu.enqueue_indirect_dma source(%dma_start3A_72 : memref<10000x128xf32, #tpu.memory_space<hbm>>) target(%arg27 : memref<40x128xf32, #tpu.memory_space<vmem>>) offsets(%arg18 : memref<40xi32, #tpu.memory_space<vmem>>) semaphore(%arg36 : memref<!tpu.dma_semaphore, #tpu.memory_space<semaphore_mem>>)
      %dma_start3A_73 = arith.constant 0 : i32
      %dma_start3A_74 = arith.constant 0 : i32
      %dma_start3A_75 = tpu.memref_slice %arg5[%dma_start3A_73, %dma_start3A_74] : memref<10000x128xf32, #tpu.memory_space<hbm>> -> memref<10000x128xf32, #tpu.memory_space<hbm>>
      tpu.enqueue_indirect_dma source(%dma_start3A_75 : memref<10000x128xf32, #tpu.memory_space<hbm>>) target(%arg28 : memref<40x128xf32, #tpu.memory_space<vmem>>) offsets(%arg19 : memref<40xi32, #tpu.memory_space<vmem>>) semaphore(%arg37 : memref<!tpu.dma_semaphore, #tpu.memory_space<semaphore_mem>>)
      %add3A_76 = arith.constant 40 : i32
      %add3A_77 = arith.addi %mul3A_2, %add3A_76 : i32
      %dma_start3A_78 = arith.constant 0 : i32
      %dma_start3A_79 = tpu.memref_slice %arg7[%add3A_77, %dma_start3A_78] : memref<320000x128xf32, #tpu.memory_space<hbm>> -> memref<40x128xf32, #tpu.memory_space<hbm>>
      %dma_start3A_80 = arith.constant 0 : i32
      %dma_start3A_81 = tpu.memref_slice %arg7[%add3A_77, %dma_start3A_80] : memref<320000x128xf32, #tpu.memory_space<hbm>> -> memref<40x128xf32, #tpu.memory_space<hbm>>
      tpu.enqueue_dma source(%dma_start3A_81 : memref<40x128xf32, #tpu.memory_space<hbm>>) target(%arg29 : memref<40x128xf32, #tpu.memory_space<vmem>>) target_semaphore(%arg38 : memref<!tpu.dma_semaphore, #tpu.memory_space<semaphore_mem>>)
      %scan3A = arith.constant 0 : i32
      %scan3A_82 = arith.constant 0 : i32
      %scan3A_83 = arith.constant 125 : i32
      %scan3A_84 = arith.addi %scan3A_82, %scan3A_83 : i32
      %scan3A_85 = arith.constant 1 : i32
      %scan3A_86 = scf.for %scan3A_88 = %scan3A_82 to %scan3A_84 step %scan3A_85 iter_args(%scan3A_89 = %scan3A) -> (i32)  : i32 {
        %mul3A_90 = arith.constant 4 : i32
        %mul3A_91 = arith.muli %mul3A_90, %scan3A_88 : i32
        %add3A_92 = arith.constant 0 : i32
        %add3A_93 = arith.addi %mul3A_91, %add3A_92 : i32
        %dma_wait3A_94 = arith.constant 0 : i32
        %dma_wait3A_95 = arith.constant 0 : i32
        %dma_wait3A_96 = tpu.memref_slice %arg3[%dma_wait3A_94, %dma_wait3A_95] : memref<10000x128xf32, #tpu.memory_space<hbm>> -> memref<10000x128xf32, #tpu.memory_space<hbm>>
        tpu.wait_indirect_dma semaphore(%arg33 : memref<!tpu.dma_semaphore, #tpu.memory_space<semaphore_mem>>) src(%dma_wait3A_96 : memref<10000x128xf32, #tpu.memory_space<hbm>>) dst(%arg24 : memref<40x128xf32, #tpu.memory_space<vmem>>)
        %dma_wait3A_97 = arith.constant 0 : i32
        %dma_wait3A_98 = arith.constant 0 : i32
        %dma_wait3A_99 = tpu.memref_slice %arg5[%dma_wait3A_97, %dma_wait3A_98] : memref<10000x128xf32, #tpu.memory_space<hbm>> -> memref<10000x128xf32, #tpu.memory_space<hbm>>
        tpu.wait_indirect_dma semaphore(%arg34 : memref<!tpu.dma_semaphore, #tpu.memory_space<semaphore_mem>>) src(%dma_wait3A_99 : memref<10000x128xf32, #tpu.memory_space<hbm>>) dst(%arg25 : memref<40x128xf32, #tpu.memory_space<vmem>>)
        %dma_wait3A_100 = arith.constant 0 : i32
        %dma_wait3A_101 = arith.constant 0 : i32
        %dma_wait3A_102 = tpu.memref_slice %arg7[%dma_wait3A_100, %dma_wait3A_101] : memref<320000x128xf32, #tpu.memory_space<hbm>> -> memref<40x128xf32, #tpu.memory_space<hbm>>
        %dma_wait3A_103 = arith.constant 0 : i32
        %dma_wait3A_104 = arith.constant 0 : i32
        %dma_wait3A_105 = tpu.memref_slice %arg7[%dma_wait3A_103, %dma_wait3A_104] : memref<320000x128xf32, #tpu.memory_space<hbm>> -> memref<40x128xf32, #tpu.memory_space<hbm>>
        tpu.wait_dma2 semaphore(%arg35 : memref<!tpu.dma_semaphore, #tpu.memory_space<semaphore_mem>>) src(%dma_wait3A_105 : memref<40x128xf32, #tpu.memory_space<hbm>>) dst(%arg26 : memref<40x128xf32, #tpu.memory_space<vmem>>)
        %scan3A_106 = arith.constant 0 : i32
        %scan3A_107 = arith.constant 0 : i32
        %scan3A_108 = arith.constant 40 : i32
        %scan3A_109 = arith.addi %scan3A_107, %scan3A_108 : i32
        %scan3A_110 = arith.constant 1 : i32
        %scan3A_111 = scf.for %scan3A_238 = %scan3A_107 to %scan3A_109 step %scan3A_110 iter_args(%scan3A_239 = %scan3A_106) -> (i32)  : i32 {
          %get3A = arith.index_cast %scan3A_238 : i32 to index
          %get3A_240 = arith.constant 0 : index
          %get3A_241 = tpu.vector_load %arg24[%get3A, %get3A_240] {strides = array<i32>} : memref<40x128xf32, #tpu.memory_space<vmem>>, vector<1x16xf32>,
          %get3A_242 = vector.shape_cast %get3A_241 : vector<1x16xf32> to vector<16xf32>
          %get3A_243 = arith.index_cast %scan3A_238 : i32 to index
          %get3A_244 = arith.constant 0 : index
          %get3A_245 = tpu.vector_load %arg25[%get3A_243, %get3A_244] {strides = array<i32>} : memref<40x128xf32, #tpu.memory_space<vmem>>, vector<1x16xf32>,
          %get3A_246 = vector.shape_cast %get3A_245 : vector<1x16xf32> to vector<16xf32>
          %add3A_247 = arith.addf %get3A_242, %get3A_246 : vector<16xf32>
          %get3A_248 = arith.index_cast %scan3A_238 : i32 to index
          %get3A_249 = arith.constant 0 : index
          %get3A_250 = tpu.vector_load %arg26[%get3A_248, %get3A_249] {strides = array<i32>} : memref<40x128xf32, #tpu.memory_space<vmem>>, vector<1x16xf32>,
          %get3A_251 = vector.shape_cast %get3A_250 : vector<1x16xf32> to vector<16xf32>
          %add3A_252 = arith.addf %add3A_247, %get3A_251 : vector<16xf32>
          %max3A = arith.constant 0.000000e+00 : f32
          %max3A_253 = vector.broadcast %max3A : f32 to vector<16xf32>
          %max3A_254 = arith.maximumf %add3A_252, %max3A_253 : vector<16xf32>
          %swap3A = arith.index_cast %scan3A_238 : i32 to index
          %swap3A_255 = arith.constant 0 : index
          %swap3A_256 = tpu.vector_load %arg26[%swap3A, %swap3A_255] {strides = array<i32>} : memref<40x128xf32, #tpu.memory_space<vmem>>, vector<1x16xf32>,
          %swap3A_257 = vector.shape_cast %swap3A_256 : vector<1x16xf32> to vector<16xf32>
          %swap3A_258 = vector.shape_cast %max3A_254 : vector<16xf32> to vector<1x16xf32>
          tpu.vector_store %arg26[%swap3A, %swap3A_255], %swap3A_258 {strides = array<i32>} : memref<40x128xf32, #tpu.memory_space<vmem>>, vector<1x16xf32>,
          %get3A_259 = arith.index_cast %scan3A_238 : i32 to index
          %get3A_260 = arith.constant 16 : index
          %get3A_261 = tpu.vector_load %arg24[%get3A_259, %get3A_260] {strides = array<i32>} : memref<40x128xf32, #tpu.memory_space<vmem>>, vector<1x16xf32>,
          %get3A_262 = vector.shape_cast %get3A_261 : vector<1x16xf32> to vector<16xf32>
          %get3A_263 = arith.index_cast %scan3A_238 : i32 to index
          %get3A_264 = arith.constant 16 : index
          %get3A_265 = tpu.vector_load %arg25[%get3A_263, %get3A_264] {strides = array<i32>} : memref<40x128xf32, #tpu.memory_space<vmem>>, vector<1x16xf32>,
          %get3A_266 = vector.shape_cast %get3A_265 : vector<1x16xf32> to vector<16xf32>
          %add3A_267 = arith.addf %get3A_262, %get3A_266 : vector<16xf32>
          %get3A_268 = arith.index_cast %scan3A_238 : i32 to index
          %get3A_269 = arith.constant 16 : index
          %get3A_270 = tpu.vector_load %arg26[%get3A_268, %get3A_269] {strides = array<i32>} : memref<40x128xf32, #tpu.memory_space<vmem>>, vector<1x16xf32>,
          %get3A_271 = vector.shape_cast %get3A_270 : vector<1x16xf32> to vector<16xf32>
          %add3A_272 = arith.addf %add3A_267, %get3A_271 : vector<16xf32>
          %max3A_273 = arith.constant 0.000000e+00 : f32
          %max3A_274 = vector.broadcast %max3A_273 : f32 to vector<16xf32>
          %max3A_275 = arith.maximumf %add3A_272, %max3A_274 : vector<16xf32>
          %swap3A_276 = arith.index_cast %scan3A_238 : i32 to index
          %swap3A_277 = arith.constant 16 : index
          %swap3A_278 = tpu.vector_load %arg26[%swap3A_276, %swap3A_277] {strides = array<i32>} : memref<40x128xf32, #tpu.memory_space<vmem>>, vector<1x16xf32>,
          %swap3A_279 = vector.shape_cast %swap3A_278 : vector<1x16xf32> to vector<16xf32>
          %swap3A_280 = vector.shape_cast %max3A_275 : vector<16xf32> to vector<1x16xf32>
          tpu.vector_store %arg26[%swap3A_276, %swap3A_277], %swap3A_280 {strides = array<i32>} : memref<40x128xf32, #tpu.memory_space<vmem>>, vector<1x16xf32>,
          %get3A_281 = arith.index_cast %scan3A_238 : i32 to index
          %get3A_282 = arith.constant 32 : index
          %get3A_283 = tpu.vector_load %arg24[%get3A_281, %get3A_282] {strides = array<i32>} : memref<40x128xf32, #tpu.memory_space<vmem>>, vector<1x16xf32>,
          %get3A_284 = vector.shape_cast %get3A_283 : vector<1x16xf32> to vector<16xf32>
          %get3A_285 = arith.index_cast %scan3A_238 : i32 to index
          %get3A_286 = arith.constant 32 : index
          %get3A_287 = tpu.vector_load %arg25[%get3A_285, %get3A_286] {strides = array<i32>} : memref<40x128xf32, #tpu.memory_space<vmem>>, vector<1x16xf32>,
          %get3A_288 = vector.shape_cast %get3A_287 : vector<1x16xf32> to vector<16xf32>
          %add3A_289 = arith.addf %get3A_284, %get3A_288 : vector<16xf32>
          %get3A_290 = arith.index_cast %scan3A_238 : i32 to index
          %get3A_291 = arith.constant 32 : index
          %get3A_292 = tpu.vector_load %arg26[%get3A_290, %get3A_291] {strides = array<i32>} : memref<40x128xf32, #tpu.memory_space<vmem>>, vector<1x16xf32>,
          %get3A_293 = vector.shape_cast %get3A_292 : vector<1x16xf32> to vector<16xf32>
          %add3A_294 = arith.addf %add3A_289, %get3A_293 : vector<16xf32>
          %max3A_295 = arith.constant 0.000000e+00 : f32
          %max3A_296 = vector.broadcast %max3A_295 : f32 to vector<16xf32>
          %max3A_297 = arith.maximumf %add3A_294, %max3A_296 : vector<16xf32>
          %swap3A_298 = arith.index_cast %scan3A_238 : i32 to index
          %swap3A_299 = arith.constant 32 : index
          %swap3A_300 = tpu.vector_load %arg26[%swap3A_298, %swap3A_299] {strides = array<i32>} : memref<40x128xf32, #tpu.memory_space<vmem>>, vector<1x16xf32>,
          %swap3A_301 = vector.shape_cast %swap3A_300 : vector<1x16xf32> to vector<16xf32>
          %swap3A_302 = vector.shape_cast %max3A_297 : vector<16xf32> to vector<1x16xf32>
          tpu.vector_store %arg26[%swap3A_298, %swap3A_299], %swap3A_302 {strides = array<i32>} : memref<40x128xf32, #tpu.memory_space<vmem>>, vector<1x16xf32>,
          %get3A_303 = arith.index_cast %scan3A_238 : i32 to index
          %get3A_304 = arith.constant 48 : index
          %get3A_305 = tpu.vector_load %arg24[%get3A_303, %get3A_304] {strides = array<i32>} : memref<40x128xf32, #tpu.memory_space<vmem>>, vector<1x16xf32>,
          %get3A_306 = vector.shape_cast %get3A_305 : vector<1x16xf32> to vector<16xf32>
          %get3A_307 = arith.index_cast %scan3A_238 : i32 to index
          %get3A_308 = arith.constant 48 : index
          %get3A_309 = tpu.vector_load %arg25[%get3A_307, %get3A_308] {strides = array<i32>} : memref<40x128xf32, #tpu.memory_space<vmem>>, vector<1x16xf32>,
          %get3A_310 = vector.shape_cast %get3A_309 : vector<1x16xf32> to vector<16xf32>
          %add3A_311 = arith.addf %get3A_306, %get3A_310 : vector<16xf32>
          %get3A_312 = arith.index_cast %scan3A_238 : i32 to index
          %get3A_313 = arith.constant 48 : index
          %get3A_314 = tpu.vector_load %arg26[%get3A_312, %get3A_313] {strides = array<i32>} : memref<40x128xf32, #tpu.memory_space<vmem>>, vector<1x16xf32>,
          %get3A_315 = vector.shape_cast %get3A_314 : vector<1x16xf32> to vector<16xf32>
          %add3A_316 = arith.addf %add3A_311, %get3A_315 : vector<16xf32>
          %max3A_317 = arith.constant 0.000000e+00 : f32
          %max3A_318 = vector.broadcast %max3A_317 : f32 to vector<16xf32>
          %max3A_319 = arith.maximumf %add3A_316, %max3A_318 : vector<16xf32>
          %swap3A_320 = arith.index_cast %scan3A_238 : i32 to index
          %swap3A_321 = arith.constant 48 : index
          %swap3A_322 = tpu.vector_load %arg26[%swap3A_320, %swap3A_321] {strides = array<i32>} : memref<40x128xf32, #tpu.memory_space<vmem>>, vector<1x16xf32>,
          %swap3A_323 = vector.shape_cast %swap3A_322 : vector<1x16xf32> to vector<16xf32>
          %swap3A_324 = vector.shape_cast %max3A_319 : vector<16xf32> to vector<1x16xf32>
          tpu.vector_store %arg26[%swap3A_320, %swap3A_321], %swap3A_324 {strides = array<i32>} : memref<40x128xf32, #tpu.memory_space<vmem>>, vector<1x16xf32>,
          %get3A_325 = arith.index_cast %scan3A_238 : i32 to index
          %get3A_326 = arith.constant 64 : index
          %get3A_327 = tpu.vector_load %arg24[%get3A_325, %get3A_326] {strides = array<i32>} : memref<40x128xf32, #tpu.memory_space<vmem>>, vector<1x16xf32>,
          %get3A_328 = vector.shape_cast %get3A_327 : vector<1x16xf32> to vector<16xf32>
          %get3A_329 = arith.index_cast %scan3A_238 : i32 to index
          %get3A_330 = arith.constant 64 : index
          %get3A_331 = tpu.vector_load %arg25[%get3A_329, %get3A_330] {strides = array<i32>} : memref<40x128xf32, #tpu.memory_space<vmem>>, vector<1x16xf32>,
          %get3A_332 = vector.shape_cast %get3A_331 : vector<1x16xf32> to vector<16xf32>
          %add3A_333 = arith.addf %get3A_328, %get3A_332 : vector<16xf32>
          %get3A_334 = arith.index_cast %scan3A_238 : i32 to index
          %get3A_335 = arith.constant 64 : index
          %get3A_336 = tpu.vector_load %arg26[%get3A_334, %get3A_335] {strides = array<i32>} : memref<40x128xf32, #tpu.memory_space<vmem>>, vector<1x16xf32>,
          %get3A_337 = vector.shape_cast %get3A_336 : vector<1x16xf32> to vector<16xf32>
          %add3A_338 = arith.addf %add3A_333, %get3A_337 : vector<16xf32>
          %max3A_339 = arith.constant 0.000000e+00 : f32
          %max3A_340 = vector.broadcast %max3A_339 : f32 to vector<16xf32>
          %max3A_341 = arith.maximumf %add3A_338, %max3A_340 : vector<16xf32>
          %swap3A_342 = arith.index_cast %scan3A_238 : i32 to index
          %swap3A_343 = arith.constant 64 : index
          %swap3A_344 = tpu.vector_load %arg26[%swap3A_342, %swap3A_343] {strides = array<i32>} : memref<40x128xf32, #tpu.memory_space<vmem>>, vector<1x16xf32>,
          %swap3A_345 = vector.shape_cast %swap3A_344 : vector<1x16xf32> to vector<16xf32>
          %swap3A_346 = vector.shape_cast %max3A_341 : vector<16xf32> to vector<1x16xf32>
          tpu.vector_store %arg26[%swap3A_342, %swap3A_343], %swap3A_346 {strides = array<i32>} : memref<40x128xf32, #tpu.memory_space<vmem>>, vector<1x16xf32>,
          %get3A_347 = arith.index_cast %scan3A_238 : i32 to index
          %get3A_348 = arith.constant 80 : index
          %get3A_349 = tpu.vector_load %arg24[%get3A_347, %get3A_348] {strides = array<i32>} : memref<40x128xf32, #tpu.memory_space<vmem>>, vector<1x16xf32>,
          %get3A_350 = vector.shape_cast %get3A_349 : vector<1x16xf32> to vector<16xf32>
          %get3A_351 = arith.index_cast %scan3A_238 : i32 to index
          %get3A_352 = arith.constant 80 : index
          %get3A_353 = tpu.vector_load %arg25[%get3A_351, %get3A_352] {strides = array<i32>} : memref<40x128xf32, #tpu.memory_space<vmem>>, vector<1x16xf32>,
          %get3A_354 = vector.shape_cast %get3A_353 : vector<1x16xf32> to vector<16xf32>
          %add3A_355 = arith.addf %get3A_350, %get3A_354 : vector<16xf32>
          %get3A_356 = arith.index_cast %scan3A_238 : i32 to index
          %get3A_357 = arith.constant 80 : index
          %get3A_358 = tpu.vector_load %arg26[%get3A_356, %get3A_357] {strides = array<i32>} : memref<40x128xf32, #tpu.memory_space<vmem>>, vector<1x16xf32>,
          %get3A_359 = vector.shape_cast %get3A_358 : vector<1x16xf32> to vector<16xf32>
          %add3A_360 = arith.addf %add3A_355, %get3A_359 : vector<16xf32>
          %max3A_361 = arith.constant 0.000000e+00 : f32
          %max3A_362 = vector.broadcast %max3A_361 : f32 to vector<16xf32>
          %max3A_363 = arith.maximumf %add3A_360, %max3A_362 : vector<16xf32>
          %swap3A_364 = arith.index_cast %scan3A_238 : i32 to index
          %swap3A_365 = arith.constant 80 : index
          %swap3A_366 = tpu.vector_load %arg26[%swap3A_364, %swap3A_365] {strides = array<i32>} : memref<40x128xf32, #tpu.memory_space<vmem>>, vector<1x16xf32>,
          %swap3A_367 = vector.shape_cast %swap3A_366 : vector<1x16xf32> to vector<16xf32>
          %swap3A_368 = vector.shape_cast %max3A_363 : vector<16xf32> to vector<1x16xf32>
          tpu.vector_store %arg26[%swap3A_364, %swap3A_365], %swap3A_368 {strides = array<i32>} : memref<40x128xf32, #tpu.memory_space<vmem>>, vector<1x16xf32>,
          %get3A_369 = arith.index_cast %scan3A_238 : i32 to index
          %get3A_370 = arith.constant 96 : index
          %get3A_371 = tpu.vector_load %arg24[%get3A_369, %get3A_370] {strides = array<i32>} : memref<40x128xf32, #tpu.memory_space<vmem>>, vector<1x16xf32>,
          %get3A_372 = vector.shape_cast %get3A_371 : vector<1x16xf32> to vector<16xf32>
          %get3A_373 = arith.index_cast %scan3A_238 : i32 to index
          %get3A_374 = arith.constant 96 : index
          %get3A_375 = tpu.vector_load %arg25[%get3A_373, %get3A_374] {strides = array<i32>} : memref<40x128xf32, #tpu.memory_space<vmem>>, vector<1x16xf32>,
          %get3A_376 = vector.shape_cast %get3A_375 : vector<1x16xf32> to vector<16xf32>
          %add3A_377 = arith.addf %get3A_372, %get3A_376 : vector<16xf32>
          %get3A_378 = arith.index_cast %scan3A_238 : i32 to index
          %get3A_379 = arith.constant 96 : index
          %get3A_380 = tpu.vector_load %arg26[%get3A_378, %get3A_379] {strides = array<i32>} : memref<40x128xf32, #tpu.memory_space<vmem>>, vector<1x16xf32>,
          %get3A_381 = vector.shape_cast %get3A_380 : vector<1x16xf32> to vector<16xf32>
          %add3A_382 = arith.addf %add3A_377, %get3A_381 : vector<16xf32>
          %max3A_383 = arith.constant 0.000000e+00 : f32
          %max3A_384 = vector.broadcast %max3A_383 : f32 to vector<16xf32>
          %max3A_385 = arith.maximumf %add3A_382, %max3A_384 : vector<16xf32>
          %swap3A_386 = arith.index_cast %scan3A_238 : i32 to index
          %swap3A_387 = arith.constant 96 : index
          %swap3A_388 = tpu.vector_load %arg26[%swap3A_386, %swap3A_387] {strides = array<i32>} : memref<40x128xf32, #tpu.memory_space<vmem>>, vector<1x16xf32>,
          %swap3A_389 = vector.shape_cast %swap3A_388 : vector<1x16xf32> to vector<16xf32>
          %swap3A_390 = vector.shape_cast %max3A_385 : vector<16xf32> to vector<1x16xf32>
          tpu.vector_store %arg26[%swap3A_386, %swap3A_387], %swap3A_390 {strides = array<i32>} : memref<40x128xf32, #tpu.memory_space<vmem>>, vector<1x16xf32>,
          %get3A_391 = arith.index_cast %scan3A_238 : i32 to index
          %get3A_392 = arith.constant 112 : index
          %get3A_393 = tpu.vector_load %arg24[%get3A_391, %get3A_392] {strides = array<i32>} : memref<40x128xf32, #tpu.memory_space<vmem>>, vector<1x16xf32>,
          %get3A_394 = vector.shape_cast %get3A_393 : vector<1x16xf32> to vector<16xf32>
          %get3A_395 = arith.index_cast %scan3A_238 : i32 to index
          %get3A_396 = arith.constant 112 : index
          %get3A_397 = tpu.vector_load %arg25[%get3A_395, %get3A_396] {strides = array<i32>} : memref<40x128xf32, #tpu.memory_space<vmem>>, vector<1x16xf32>,
          %get3A_398 = vector.shape_cast %get3A_397 : vector<1x16xf32> to vector<16xf32>
          %add3A_399 = arith.addf %get3A_394, %get3A_398 : vector<16xf32>
          %get3A_400 = arith.index_cast %scan3A_238 : i32 to index
          %get3A_401 = arith.constant 112 : index
          %get3A_402 = tpu.vector_load %arg26[%get3A_400, %get3A_401] {strides = array<i32>} : memref<40x128xf32, #tpu.memory_space<vmem>>, vector<1x16xf32>,
          %get3A_403 = vector.shape_cast %get3A_402 : vector<1x16xf32> to vector<16xf32>
          %add3A_404 = arith.addf %add3A_399, %get3A_403 : vector<16xf32>
          %max3A_405 = arith.constant 0.000000e+00 : f32
          %max3A_406 = vector.broadcast %max3A_405 : f32 to vector<16xf32>
          %max3A_407 = arith.maximumf %add3A_404, %max3A_406 : vector<16xf32>
          %swap3A_408 = arith.index_cast %scan3A_238 : i32 to index
          %swap3A_409 = arith.constant 112 : index
          %swap3A_410 = tpu.vector_load %arg26[%swap3A_408, %swap3A_409] {strides = array<i32>} : memref<40x128xf32, #tpu.memory_space<vmem>>, vector<1x16xf32>,
          %swap3A_411 = vector.shape_cast %swap3A_410 : vector<1x16xf32> to vector<16xf32>
          %swap3A_412 = vector.shape_cast %max3A_407 : vector<16xf32> to vector<1x16xf32>
          tpu.vector_store %arg26[%swap3A_408, %swap3A_409], %swap3A_412 {strides = array<i32>} : memref<40x128xf32, #tpu.memory_space<vmem>>, vector<1x16xf32>,
          %scan3A_413 = arith.constant 0 : i32
          scf.yield %scan3A_413 : i32
        }
        %scan3A_112 = arith.constant 40 : i32
        "tpu.region"() ({
          %run_scoped3A = tpu.sem_alloc : memref<!tpu.dma_semaphore, #tpu.memory_space<semaphore_mem>>
          %dma_start3A_238 = arith.constant 0 : i32
          %dma_start3A_239 = arith.constant 0 : i32
          %dma_start3A_240 = tpu.memref_slice %arg31[%dma_start3A_238, %dma_start3A_239] : memref<10240x128xf32, #tpu.memory_space<vmem_shared>> -> memref<10240x128xf32, #tpu.memory_space<vmem_shared>>
          tpu.enqueue_indirect_dma source(%arg26 : memref<40x128xf32, #tpu.memory_space<vmem>>) target(%dma_start3A_240 : memref<10240x128xf32, #tpu.memory_space<vmem_shared>>) offsets(%arg16 : memref<40xi32, #tpu.memory_space<vmem>>) semaphore(%run_scoped3A : memref<!tpu.dma_semaphore, #tpu.memory_space<semaphore_mem>>) {add = true}
          %dma_wait3A_241 = arith.constant 0 : i32
          %dma_wait3A_242 = arith.constant 0 : i32
          %dma_wait3A_243 = tpu.memref_slice %arg31[%dma_wait3A_241, %dma_wait3A_242] : memref<10240x128xf32, #tpu.memory_space<vmem_shared>> -> memref<10240x128xf32, #tpu.memory_space<vmem_shared>>
          tpu.wait_indirect_dma semaphore(%run_scoped3A : memref<!tpu.dma_semaphore, #tpu.memory_space<semaphore_mem>>) src(%arg26 : memref<40x128xf32, #tpu.memory_space<vmem>>) dst(%dma_wait3A_243 : memref<10240x128xf32, #tpu.memory_space<vmem_shared>>)
          tpu.yield
        }) : () -> ()
        %add3A_113 = arith.constant 4 : i32
        %add3A_114 = arith.addi %add3A_93, %add3A_113 : i32
        %lt3A = arith.constant 500 : i32
        %lt3A_115 = arith.cmpi slt, %add3A_114, %lt3A : i32
        %convert_element_type3A_116 = arith.extui %lt3A_115 : i1 to i32
        %cond3A_117 = arith.constant 0 : i32
        %cond3A_118 = arith.cmpi ne, %convert_element_type3A_116, %cond3A_117 : i32
        scf.if %cond3A_118 {
          %add3A_238 = arith.constant 4 : i32
          %add3A_239 = arith.addi %add3A_93, %add3A_238 : i32
          %mul3A_240 = arith.constant 40 : i32
          %mul3A_241 = arith.muli %add3A_239, %mul3A_240 : i32
          %add3A_242 = arith.addi %mul3A_2, %mul3A_241 : i32
          %dma_start3A_243 = tpu.memref_slice %arg8[%add3A_242] : memref<320000xi32, #tpu.memory_space<hbm>> -> memref<40xi32, #tpu.memory_space<hbm>>
          %dma_start3A_244 = tpu.memref_slice %arg8[%add3A_242] : memref<320000xi32, #tpu.memory_space<hbm>> -> memref<40xi32, #tpu.memory_space<hbm>>
          tpu.enqueue_dma source(%dma_start3A_244 : memref<40xi32, #tpu.memory_space<hbm>>) target(%arg16 : memref<40xi32, #tpu.memory_space<vmem>>) target_semaphore(%arg39 : memref<!tpu.dma_semaphore, #tpu.memory_space<semaphore_mem>>)
          %dma_start3A_245 = tpu.memref_slice %arg9[%add3A_242] : memref<320000xi32, #tpu.memory_space<hbm>> -> memref<40xi32, #tpu.memory_space<hbm>>
          %dma_start3A_246 = tpu.memref_slice %arg9[%add3A_242] : memref<320000xi32, #tpu.memory_space<hbm>> -> memref<40xi32, #tpu.memory_space<hbm>>
          tpu.enqueue_dma source(%dma_start3A_246 : memref<40xi32, #tpu.memory_space<hbm>>) target(%arg17 : memref<40xi32, #tpu.memory_space<vmem>>) target_semaphore(%arg39 : memref<!tpu.dma_semaphore, #tpu.memory_space<semaphore_mem>>)
        } else {
        }
        %add3A_119 = arith.constant 2 : i32
        %add3A_120 = arith.addi %add3A_93, %add3A_119 : i32
        %lt3A_121 = arith.constant 500 : i32
        %lt3A_122 = arith.cmpi slt, %add3A_120, %lt3A_121 : i32
        %convert_element_type3A_123 = arith.extui %lt3A_122 : i1 to i32
        %cond3A_124 = arith.constant 0 : i32
        %cond3A_125 = arith.cmpi ne, %convert_element_type3A_123, %cond3A_124 : i32
        scf.if %cond3A_125 {
          %dma_wait3A_238 = arith.constant 0 : i32
          %dma_wait3A_239 = tpu.memref_slice %arg8[%dma_wait3A_238] : memref<320000xi32, #tpu.memory_space<hbm>> -> memref<40xi32, #tpu.memory_space<hbm>>
          %dma_wait3A_240 = arith.constant 0 : i32
          %dma_wait3A_241 = tpu.memref_slice %arg8[%dma_wait3A_240] : memref<320000xi32, #tpu.memory_space<hbm>> -> memref<40xi32, #tpu.memory_space<hbm>>
          tpu.wait_dma2 semaphore(%arg41 : memref<!tpu.dma_semaphore, #tpu.memory_space<semaphore_mem>>) src(%dma_wait3A_241 : memref<40xi32, #tpu.memory_space<hbm>>) dst(%arg20 : memref<40xi32, #tpu.memory_space<vmem>>)
          %dma_wait3A_242 = arith.constant 0 : i32
          %dma_wait3A_243 = tpu.memref_slice %arg9[%dma_wait3A_242] : memref<320000xi32, #tpu.memory_space<hbm>> -> memref<40xi32, #tpu.memory_space<hbm>>
          %dma_wait3A_244 = arith.constant 0 : i32
          %dma_wait3A_245 = tpu.memref_slice %arg9[%dma_wait3A_244] : memref<320000xi32, #tpu.memory_space<hbm>> -> memref<40xi32, #tpu.memory_space<hbm>>
          tpu.wait_dma2 semaphore(%arg41 : memref<!tpu.dma_semaphore, #tpu.memory_space<semaphore_mem>>) src(%dma_wait3A_245 : memref<40xi32, #tpu.memory_space<hbm>>) dst(%arg21 : memref<40xi32, #tpu.memory_space<vmem>>)
          %add3A_246 = arith.constant 2 : i32
          %add3A_247 = arith.addi %add3A_93, %add3A_246 : i32
          %dma_start3A_248 = arith.constant 0 : i32
          %dma_start3A_249 = arith.constant 0 : i32
          %dma_start3A_250 = tpu.memref_slice %arg3[%dma_start3A_248, %dma_start3A_249] : memref<10000x128xf32, #tpu.memory_space<hbm>> -> memref<10000x128xf32, #tpu.memory_space<hbm>>
          tpu.enqueue_indirect_dma source(%dma_start3A_250 : memref<10000x128xf32, #tpu.memory_space<hbm>>) target(%arg24 : memref<40x128xf32, #tpu.memory_space<vmem>>) offsets(%arg20 : memref<40xi32, #tpu.memory_space<vmem>>) semaphore(%arg33 : memref<!tpu.dma_semaphore, #tpu.memory_space<semaphore_mem>>)
          %dma_start3A_251 = arith.constant 0 : i32
          %dma_start3A_252 = arith.constant 0 : i32
          %dma_start3A_253 = tpu.memref_slice %arg5[%dma_start3A_251, %dma_start3A_252] : memref<10000x128xf32, #tpu.memory_space<hbm>> -> memref<10000x128xf32, #tpu.memory_space<hbm>>
          tpu.enqueue_indirect_dma source(%dma_start3A_253 : memref<10000x128xf32, #tpu.memory_space<hbm>>) target(%arg25 : memref<40x128xf32, #tpu.memory_space<vmem>>) offsets(%arg21 : memref<40xi32, #tpu.memory_space<vmem>>) semaphore(%arg34 : memref<!tpu.dma_semaphore, #tpu.memory_space<semaphore_mem>>)
          %mul3A_254 = arith.constant 40 : i32
          %mul3A_255 = arith.muli %add3A_247, %mul3A_254 : i32
          %add3A_256 = arith.addi %mul3A_2, %mul3A_255 : i32
          %dma_start3A_257 = arith.constant 0 : i32
          %dma_start3A_258 = tpu.memref_slice %arg7[%add3A_256, %dma_start3A_257] : memref<320000x128xf32, #tpu.memory_space<hbm>> -> memref<40x128xf32, #tpu.memory_space<hbm>>
          %dma_start3A_259 = arith.constant 0 : i32
          %dma_start3A_260 = tpu.memref_slice %arg7[%add3A_256, %dma_start3A_259] : memref<320000x128xf32, #tpu.memory_space<hbm>> -> memref<40x128xf32, #tpu.memory_space<hbm>>
          tpu.enqueue_dma source(%dma_start3A_260 : memref<40x128xf32, #tpu.memory_space<hbm>>) target(%arg26 : memref<40x128xf32, #tpu.memory_space<vmem>>) target_semaphore(%arg35 : memref<!tpu.dma_semaphore, #tpu.memory_space<semaphore_mem>>)
        } else {
        }
        %mul3A_126 = arith.constant 4 : i32
        %mul3A_127 = arith.muli %mul3A_126, %scan3A_88 : i32
        %add3A_128 = arith.constant 1 : i32
        %add3A_129 = arith.addi %mul3A_127, %add3A_128 : i32
        %dma_wait3A_130 = arith.constant 0 : i32
        %dma_wait3A_131 = arith.constant 0 : i32
        %dma_wait3A_132 = tpu.memref_slice %arg3[%dma_wait3A_130, %dma_wait3A_131] : memref<10000x128xf32, #tpu.memory_space<hbm>> -> memref<10000x128xf32, #tpu.memory_space<hbm>>
        tpu.wait_indirect_dma semaphore(%arg36 : memref<!tpu.dma_semaphore, #tpu.memory_space<semaphore_mem>>) src(%dma_wait3A_132 : memref<10000x128xf32, #tpu.memory_space<hbm>>) dst(%arg27 : memref<40x128xf32, #tpu.memory_space<vmem>>)
        %dma_wait3A_133 = arith.constant 0 : i32
        %dma_wait3A_134 = arith.constant 0 : i32
        %dma_wait3A_135 = tpu.memref_slice %arg5[%dma_wait3A_133, %dma_wait3A_134] : memref<10000x128xf32, #tpu.memory_space<hbm>> -> memref<10000x128xf32, #tpu.memory_space<hbm>>
        tpu.wait_indirect_dma semaphore(%arg37 : memref<!tpu.dma_semaphore, #tpu.memory_space<semaphore_mem>>) src(%dma_wait3A_135 : memref<10000x128xf32, #tpu.memory_space<hbm>>) dst(%arg28 : memref<40x128xf32, #tpu.memory_space<vmem>>)
        %dma_wait3A_136 = arith.constant 0 : i32
        %dma_wait3A_137 = arith.constant 0 : i32
        %dma_wait3A_138 = tpu.memref_slice %arg7[%dma_wait3A_136, %dma_wait3A_137] : memref<320000x128xf32, #tpu.memory_space<hbm>> -> memref<40x128xf32, #tpu.memory_space<hbm>>
        %dma_wait3A_139 = arith.constant 0 : i32
        %dma_wait3A_140 = arith.constant 0 : i32
        %dma_wait3A_141 = tpu.memref_slice %arg7[%dma_wait3A_139, %dma_wait3A_140] : memref<320000x128xf32, #tpu.memory_space<hbm>> -> memref<40x128xf32, #tpu.memory_space<hbm>>
        tpu.wait_dma2 semaphore(%arg38 : memref<!tpu.dma_semaphore, #tpu.memory_space<semaphore_mem>>) src(%dma_wait3A_141 : memref<40x128xf32, #tpu.memory_space<hbm>>) dst(%arg29 : memref<40x128xf32, #tpu.memory_space<vmem>>)
        %scan3A_142 = arith.constant 0 : i32
        %scan3A_143 = arith.constant 0 : i32
        %scan3A_144 = arith.constant 40 : i32
        %scan3A_145 = arith.addi %scan3A_143, %scan3A_144 : i32
        %scan3A_146 = arith.constant 1 : i32
        %scan3A_147 = scf.for %scan3A_238 = %scan3A_143 to %scan3A_145 step %scan3A_146 iter_args(%scan3A_239 = %scan3A_142) -> (i32)  : i32 {
          %get3A = arith.index_cast %scan3A_238 : i32 to index
          %get3A_240 = arith.constant 0 : index
          %get3A_241 = tpu.vector_load %arg27[%get3A, %get3A_240] {strides = array<i32>} : memref<40x128xf32, #tpu.memory_space<vmem>>, vector<1x16xf32>,
          %get3A_242 = vector.shape_cast %get3A_241 : vector<1x16xf32> to vector<16xf32>
          %get3A_243 = arith.index_cast %scan3A_238 : i32 to index
          %get3A_244 = arith.constant 0 : index
          %get3A_245 = tpu.vector_load %arg28[%get3A_243, %get3A_244] {strides = array<i32>} : memref<40x128xf32, #tpu.memory_space<vmem>>, vector<1x16xf32>,
          %get3A_246 = vector.shape_cast %get3A_245 : vector<1x16xf32> to vector<16xf32>
          %add3A_247 = arith.addf %get3A_242, %get3A_246 : vector<16xf32>
          %get3A_248 = arith.index_cast %scan3A_238 : i32 to index
          %get3A_249 = arith.constant 0 : index
          %get3A_250 = tpu.vector_load %arg29[%get3A_248, %get3A_249] {strides = array<i32>} : memref<40x128xf32, #tpu.memory_space<vmem>>, vector<1x16xf32>,
          %get3A_251 = vector.shape_cast %get3A_250 : vector<1x16xf32> to vector<16xf32>
          %add3A_252 = arith.addf %add3A_247, %get3A_251 : vector<16xf32>
          %max3A = arith.constant 0.000000e+00 : f32
          %max3A_253 = vector.broadcast %max3A : f32 to vector<16xf32>
          %max3A_254 = arith.maximumf %add3A_252, %max3A_253 : vector<16xf32>
          %swap3A = arith.index_cast %scan3A_238 : i32 to index
          %swap3A_255 = arith.constant 0 : index
          %swap3A_256 = tpu.vector_load %arg29[%swap3A, %swap3A_255] {strides = array<i32>} : memref<40x128xf32, #tpu.memory_space<vmem>>, vector<1x16xf32>,
          %swap3A_257 = vector.shape_cast %swap3A_256 : vector<1x16xf32> to vector<16xf32>
          %swap3A_258 = vector.shape_cast %max3A_254 : vector<16xf32> to vector<1x16xf32>
          tpu.vector_store %arg29[%swap3A, %swap3A_255], %swap3A_258 {strides = array<i32>} : memref<40x128xf32, #tpu.memory_space<vmem>>, vector<1x16xf32>,
          %get3A_259 = arith.index_cast %scan3A_238 : i32 to index
          %get3A_260 = arith.constant 16 : index
          %get3A_261 = tpu.vector_load %arg27[%get3A_259, %get3A_260] {strides = array<i32>} : memref<40x128xf32, #tpu.memory_space<vmem>>, vector<1x16xf32>,
          %get3A_262 = vector.shape_cast %get3A_261 : vector<1x16xf32> to vector<16xf32>
          %get3A_263 = arith.index_cast %scan3A_238 : i32 to index
          %get3A_264 = arith.constant 16 : index
          %get3A_265 = tpu.vector_load %arg28[%get3A_263, %get3A_264] {strides = array<i32>} : memref<40x128xf32, #tpu.memory_space<vmem>>, vector<1x16xf32>,
          %get3A_266 = vector.shape_cast %get3A_265 : vector<1x16xf32> to vector<16xf32>
          %add3A_267 = arith.addf %get3A_262, %get3A_266 : vector<16xf32>
          %get3A_268 = arith.index_cast %scan3A_238 : i32 to index
          %get3A_269 = arith.constant 16 : index
          %get3A_270 = tpu.vector_load %arg29[%get3A_268, %get3A_269] {strides = array<i32>} : memref<40x128xf32, #tpu.memory_space<vmem>>, vector<1x16xf32>,
          %get3A_271 = vector.shape_cast %get3A_270 : vector<1x16xf32> to vector<16xf32>
          %add3A_272 = arith.addf %add3A_267, %get3A_271 : vector<16xf32>
          %max3A_273 = arith.constant 0.000000e+00 : f32
          %max3A_274 = vector.broadcast %max3A_273 : f32 to vector<16xf32>
          %max3A_275 = arith.maximumf %add3A_272, %max3A_274 : vector<16xf32>
          %swap3A_276 = arith.index_cast %scan3A_238 : i32 to index
          %swap3A_277 = arith.constant 16 : index
          %swap3A_278 = tpu.vector_load %arg29[%swap3A_276, %swap3A_277] {strides = array<i32>} : memref<40x128xf32, #tpu.memory_space<vmem>>, vector<1x16xf32>,
          %swap3A_279 = vector.shape_cast %swap3A_278 : vector<1x16xf32> to vector<16xf32>
          %swap3A_280 = vector.shape_cast %max3A_275 : vector<16xf32> to vector<1x16xf32>
          tpu.vector_store %arg29[%swap3A_276, %swap3A_277], %swap3A_280 {strides = array<i32>} : memref<40x128xf32, #tpu.memory_space<vmem>>, vector<1x16xf32>,
          %get3A_281 = arith.index_cast %scan3A_238 : i32 to index
          %get3A_282 = arith.constant 32 : index
          %get3A_283 = tpu.vector_load %arg27[%get3A_281, %get3A_282] {strides = array<i32>} : memref<40x128xf32, #tpu.memory_space<vmem>>, vector<1x16xf32>,
          %get3A_284 = vector.shape_cast %get3A_283 : vector<1x16xf32> to vector<16xf32>
          %get3A_285 = arith.index_cast %scan3A_238 : i32 to index
          %get3A_286 = arith.constant 32 : index
          %get3A_287 = tpu.vector_load %arg28[%get3A_285, %get3A_286] {strides = array<i32>} : memref<40x128xf32, #tpu.memory_space<vmem>>, vector<1x16xf32>,
          %get3A_288 = vector.shape_cast %get3A_287 : vector<1x16xf32> to vector<16xf32>
          %add3A_289 = arith.addf %get3A_284, %get3A_288 : vector<16xf32>
          %get3A_290 = arith.index_cast %scan3A_238 : i32 to index
          %get3A_291 = arith.constant 32 : index
          %get3A_292 = tpu.vector_load %arg29[%get3A_290, %get3A_291] {strides = array<i32>} : memref<40x128xf32, #tpu.memory_space<vmem>>, vector<1x16xf32>,
          %get3A_293 = vector.shape_cast %get3A_292 : vector<1x16xf32> to vector<16xf32>
          %add3A_294 = arith.addf %add3A_289, %get3A_293 : vector<16xf32>
          %max3A_295 = arith.constant 0.000000e+00 : f32
          %max3A_296 = vector.broadcast %max3A_295 : f32 to vector<16xf32>
          %max3A_297 = arith.maximumf %add3A_294, %max3A_296 : vector<16xf32>
          %swap3A_298 = arith.index_cast %scan3A_238 : i32 to index
          %swap3A_299 = arith.constant 32 : index
          %swap3A_300 = tpu.vector_load %arg29[%swap3A_298, %swap3A_299] {strides = array<i32>} : memref<40x128xf32, #tpu.memory_space<vmem>>, vector<1x16xf32>,
          %swap3A_301 = vector.shape_cast %swap3A_300 : vector<1x16xf32> to vector<16xf32>
          %swap3A_302 = vector.shape_cast %max3A_297 : vector<16xf32> to vector<1x16xf32>
          tpu.vector_store %arg29[%swap3A_298, %swap3A_299], %swap3A_302 {strides = array<i32>} : memref<40x128xf32, #tpu.memory_space<vmem>>, vector<1x16xf32>,
          %get3A_303 = arith.index_cast %scan3A_238 : i32 to index
          %get3A_304 = arith.constant 48 : index
          %get3A_305 = tpu.vector_load %arg27[%get3A_303, %get3A_304] {strides = array<i32>} : memref<40x128xf32, #tpu.memory_space<vmem>>, vector<1x16xf32>,
          %get3A_306 = vector.shape_cast %get3A_305 : vector<1x16xf32> to vector<16xf32>
          %get3A_307 = arith.index_cast %scan3A_238 : i32 to index
          %get3A_308 = arith.constant 48 : index
          %get3A_309 = tpu.vector_load %arg28[%get3A_307, %get3A_308] {strides = array<i32>} : memref<40x128xf32, #tpu.memory_space<vmem>>, vector<1x16xf32>,
          %get3A_310 = vector.shape_cast %get3A_309 : vector<1x16xf32> to vector<16xf32>
          %add3A_311 = arith.addf %get3A_306, %get3A_310 : vector<16xf32>
          %get3A_312 = arith.index_cast %scan3A_238 : i32 to index
          %get3A_313 = arith.constant 48 : index
          %get3A_314 = tpu.vector_load %arg29[%get3A_312, %get3A_313] {strides = array<i32>} : memref<40x128xf32, #tpu.memory_space<vmem>>, vector<1x16xf32>,
          %get3A_315 = vector.shape_cast %get3A_314 : vector<1x16xf32> to vector<16xf32>
          %add3A_316 = arith.addf %add3A_311, %get3A_315 : vector<16xf32>
          %max3A_317 = arith.constant 0.000000e+00 : f32
          %max3A_318 = vector.broadcast %max3A_317 : f32 to vector<16xf32>
          %max3A_319 = arith.maximumf %add3A_316, %max3A_318 : vector<16xf32>
          %swap3A_320 = arith.index_cast %scan3A_238 : i32 to index
          %swap3A_321 = arith.constant 48 : index
          %swap3A_322 = tpu.vector_load %arg29[%swap3A_320, %swap3A_321] {strides = array<i32>} : memref<40x128xf32, #tpu.memory_space<vmem>>, vector<1x16xf32>,
          %swap3A_323 = vector.shape_cast %swap3A_322 : vector<1x16xf32> to vector<16xf32>
          %swap3A_324 = vector.shape_cast %max3A_319 : vector<16xf32> to vector<1x16xf32>
          tpu.vector_store %arg29[%swap3A_320, %swap3A_321], %swap3A_324 {strides = array<i32>} : memref<40x128xf32, #tpu.memory_space<vmem>>, vector<1x16xf32>,
          %get3A_325 = arith.index_cast %scan3A_238 : i32 to index
          %get3A_326 = arith.constant 64 : index
          %get3A_327 = tpu.vector_load %arg27[%get3A_325, %get3A_326] {strides = array<i32>} : memref<40x128xf32, #tpu.memory_space<vmem>>, vector<1x16xf32>,
          %get3A_328 = vector.shape_cast %get3A_327 : vector<1x16xf32> to vector<16xf32>
          %get3A_329 = arith.index_cast %scan3A_238 : i32 to index
          %get3A_330 = arith.constant 64 : index
          %get3A_331 = tpu.vector_load %arg28[%get3A_329, %get3A_330] {strides = array<i32>} : memref<40x128xf32, #tpu.memory_space<vmem>>, vector<1x16xf32>,
          %get3A_332 = vector.shape_cast %get3A_331 : vector<1x16xf32> to vector<16xf32>
          %add3A_333 = arith.addf %get3A_328, %get3A_332 : vector<16xf32>
          %get3A_334 = arith.index_cast %scan3A_238 : i32 to index
          %get3A_335 = arith.constant 64 : index
          %get3A_336 = tpu.vector_load %arg29[%get3A_334, %get3A_335] {strides = array<i32>} : memref<40x128xf32, #tpu.memory_space<vmem>>, vector<1x16xf32>,
          %get3A_337 = vector.shape_cast %get3A_336 : vector<1x16xf32> to vector<16xf32>
          %add3A_338 = arith.addf %add3A_333, %get3A_337 : vector<16xf32>
          %max3A_339 = arith.constant 0.000000e+00 : f32
          %max3A_340 = vector.broadcast %max3A_339 : f32 to vector<16xf32>
          %max3A_341 = arith.maximumf %add3A_338, %max3A_340 : vector<16xf32>
          %swap3A_342 = arith.index_cast %scan3A_238 : i32 to index
          %swap3A_343 = arith.constant 64 : index
          %swap3A_344 = tpu.vector_load %arg29[%swap3A_342, %swap3A_343] {strides = array<i32>} : memref<40x128xf32, #tpu.memory_space<vmem>>, vector<1x16xf32>,
          %swap3A_345 = vector.shape_cast %swap3A_344 : vector<1x16xf32> to vector<16xf32>
          %swap3A_346 = vector.shape_cast %max3A_341 : vector<16xf32> to vector<1x16xf32>
          tpu.vector_store %arg29[%swap3A_342, %swap3A_343], %swap3A_346 {strides = array<i32>} : memref<40x128xf32, #tpu.memory_space<vmem>>, vector<1x16xf32>,
          %get3A_347 = arith.index_cast %scan3A_238 : i32 to index
          %get3A_348 = arith.constant 80 : index
          %get3A_349 = tpu.vector_load %arg27[%get3A_347, %get3A_348] {strides = array<i32>} : memref<40x128xf32, #tpu.memory_space<vmem>>, vector<1x16xf32>,
          %get3A_350 = vector.shape_cast %get3A_349 : vector<1x16xf32> to vector<16xf32>
          %get3A_351 = arith.index_cast %scan3A_238 : i32 to index
          %get3A_352 = arith.constant 80 : index
          %get3A_353 = tpu.vector_load %arg28[%get3A_351, %get3A_352] {strides = array<i32>} : memref<40x128xf32, #tpu.memory_space<vmem>>, vector<1x16xf32>,
          %get3A_354 = vector.shape_cast %get3A_353 : vector<1x16xf32> to vector<16xf32>
          %add3A_355 = arith.addf %get3A_350, %get3A_354 : vector<16xf32>
          %get3A_356 = arith.index_cast %scan3A_238 : i32 to index
          %get3A_357 = arith.constant 80 : index
          %get3A_358 = tpu.vector_load %arg29[%get3A_356, %get3A_357] {strides = array<i32>} : memref<40x128xf32, #tpu.memory_space<vmem>>, vector<1x16xf32>,
          %get3A_359 = vector.shape_cast %get3A_358 : vector<1x16xf32> to vector<16xf32>
          %add3A_360 = arith.addf %add3A_355, %get3A_359 : vector<16xf32>
          %max3A_361 = arith.constant 0.000000e+00 : f32
          %max3A_362 = vector.broadcast %max3A_361 : f32 to vector<16xf32>
          %max3A_363 = arith.maximumf %add3A_360, %max3A_362 : vector<16xf32>
          %swap3A_364 = arith.index_cast %scan3A_238 : i32 to index
          %swap3A_365 = arith.constant 80 : index
          %swap3A_366 = tpu.vector_load %arg29[%swap3A_364, %swap3A_365] {strides = array<i32>} : memref<40x128xf32, #tpu.memory_space<vmem>>, vector<1x16xf32>,
          %swap3A_367 = vector.shape_cast %swap3A_366 : vector<1x16xf32> to vector<16xf32>
          %swap3A_368 = vector.shape_cast %max3A_363 : vector<16xf32> to vector<1x16xf32>
          tpu.vector_store %arg29[%swap3A_364, %swap3A_365], %swap3A_368 {strides = array<i32>} : memref<40x128xf32, #tpu.memory_space<vmem>>, vector<1x16xf32>,
          %get3A_369 = arith.index_cast %scan3A_238 : i32 to index
          %get3A_370 = arith.constant 96 : index
          %get3A_371 = tpu.vector_load %arg27[%get3A_369, %get3A_370] {strides = array<i32>} : memref<40x128xf32, #tpu.memory_space<vmem>>, vector<1x16xf32>,
          %get3A_372 = vector.shape_cast %get3A_371 : vector<1x16xf32> to vector<16xf32>
          %get3A_373 = arith.index_cast %scan3A_238 : i32 to index
          %get3A_374 = arith.constant 96 : index
          %get3A_375 = tpu.vector_load %arg28[%get3A_373, %get3A_374] {strides = array<i32>} : memref<40x128xf32, #tpu.memory_space<vmem>>, vector<1x16xf32>,
          %get3A_376 = vector.shape_cast %get3A_375 : vector<1x16xf32> to vector<16xf32>
          %add3A_377 = arith.addf %get3A_372, %get3A_376 : vector<16xf32>
          %get3A_378 = arith.index_cast %scan3A_238 : i32 to index
          %get3A_379 = arith.constant 96 : index
          %get3A_380 = tpu.vector_load %arg29[%get3A_378, %get3A_379] {strides = array<i32>} : memref<40x128xf32, #tpu.memory_space<vmem>>, vector<1x16xf32>,
          %get3A_381 = vector.shape_cast %get3A_380 : vector<1x16xf32> to vector<16xf32>
          %add3A_382 = arith.addf %add3A_377, %get3A_381 : vector<16xf32>
          %max3A_383 = arith.constant 0.000000e+00 : f32
          %max3A_384 = vector.broadcast %max3A_383 : f32 to vector<16xf32>
          %max3A_385 = arith.maximumf %add3A_382, %max3A_384 : vector<16xf32>
          %swap3A_386 = arith.index_cast %scan3A_238 : i32 to index
          %swap3A_387 = arith.constant 96 : index
          %swap3A_388 = tpu.vector_load %arg29[%swap3A_386, %swap3A_387] {strides = array<i32>} : memref<40x128xf32, #tpu.memory_space<vmem>>, vector<1x16xf32>,
          %swap3A_389 = vector.shape_cast %swap3A_388 : vector<1x16xf32> to vector<16xf32>
          %swap3A_390 = vector.shape_cast %max3A_385 : vector<16xf32> to vector<1x16xf32>
          tpu.vector_store %arg29[%swap3A_386, %swap3A_387], %swap3A_390 {strides = array<i32>} : memref<40x128xf32, #tpu.memory_space<vmem>>, vector<1x16xf32>,
          %get3A_391 = arith.index_cast %scan3A_238 : i32 to index
          %get3A_392 = arith.constant 112 : index
          %get3A_393 = tpu.vector_load %arg27[%get3A_391, %get3A_392] {strides = array<i32>} : memref<40x128xf32, #tpu.memory_space<vmem>>, vector<1x16xf32>,
          %get3A_394 = vector.shape_cast %get3A_393 : vector<1x16xf32> to vector<16xf32>
          %get3A_395 = arith.index_cast %scan3A_238 : i32 to index
          %get3A_396 = arith.constant 112 : index
          %get3A_397 = tpu.vector_load %arg28[%get3A_395, %get3A_396] {strides = array<i32>} : memref<40x128xf32, #tpu.memory_space<vmem>>, vector<1x16xf32>,
          %get3A_398 = vector.shape_cast %get3A_397 : vector<1x16xf32> to vector<16xf32>
          %add3A_399 = arith.addf %get3A_394, %get3A_398 : vector<16xf32>
          %get3A_400 = arith.index_cast %scan3A_238 : i32 to index
          %get3A_401 = arith.constant 112 : index
          %get3A_402 = tpu.vector_load %arg29[%get3A_400, %get3A_401] {strides = array<i32>} : memref<40x128xf32, #tpu.memory_space<vmem>>, vector<1x16xf32>,
          %get3A_403 = vector.shape_cast %get3A_402 : vector<1x16xf32> to vector<16xf32>
          %add3A_404 = arith.addf %add3A_399, %get3A_403 : vector<16xf32>
          %max3A_405 = arith.constant 0.000000e+00 : f32
          %max3A_406 = vector.broadcast %max3A_405 : f32 to vector<16xf32>
          %max3A_407 = arith.maximumf %add3A_404, %max3A_406 : vector<16xf32>
          %swap3A_408 = arith.index_cast %scan3A_238 : i32 to index
          %swap3A_409 = arith.constant 112 : index
          %swap3A_410 = tpu.vector_load %arg29[%swap3A_408, %swap3A_409] {strides = array<i32>} : memref<40x128xf32, #tpu.memory_space<vmem>>, vector<1x16xf32>,
          %swap3A_411 = vector.shape_cast %swap3A_410 : vector<1x16xf32> to vector<16xf32>
          %swap3A_412 = vector.shape_cast %max3A_407 : vector<16xf32> to vector<1x16xf32>
          tpu.vector_store %arg29[%swap3A_408, %swap3A_409], %swap3A_412 {strides = array<i32>} : memref<40x128xf32, #tpu.memory_space<vmem>>, vector<1x16xf32>,
          %scan3A_413 = arith.constant 0 : i32
          scf.yield %scan3A_413 : i32
        }
        %scan3A_148 = arith.constant 40 : i32
        "tpu.region"() ({
          %run_scoped3A = tpu.sem_alloc : memref<!tpu.dma_semaphore, #tpu.memory_space<semaphore_mem>>
          %dma_start3A_238 = arith.constant 0 : i32
          %dma_start3A_239 = arith.constant 0 : i32
          %dma_start3A_240 = tpu.memref_slice %arg31[%dma_start3A_238, %dma_start3A_239] : memref<10240x128xf32, #tpu.memory_space<vmem_shared>> -> memref<10240x128xf32, #tpu.memory_space<vmem_shared>>
          tpu.enqueue_indirect_dma source(%arg29 : memref<40x128xf32, #tpu.memory_space<vmem>>) target(%dma_start3A_240 : memref<10240x128xf32, #tpu.memory_space<vmem_shared>>) offsets(%arg18 : memref<40xi32, #tpu.memory_space<vmem>>) semaphore(%run_scoped3A : memref<!tpu.dma_semaphore, #tpu.memory_space<semaphore_mem>>) {add = true}
          %dma_wait3A_241 = arith.constant 0 : i32
          %dma_wait3A_242 = arith.constant 0 : i32
          %dma_wait3A_243 = tpu.memref_slice %arg31[%dma_wait3A_241, %dma_wait3A_242] : memref<10240x128xf32, #tpu.memory_space<vmem_shared>> -> memref<10240x128xf32, #tpu.memory_space<vmem_shared>>
          tpu.wait_indirect_dma semaphore(%run_scoped3A : memref<!tpu.dma_semaphore, #tpu.memory_space<semaphore_mem>>) src(%arg29 : memref<40x128xf32, #tpu.memory_space<vmem>>) dst(%dma_wait3A_243 : memref<10240x128xf32, #tpu.memory_space<vmem_shared>>)
          tpu.yield
        }) : () -> ()
        %add3A_149 = arith.constant 4 : i32
        %add3A_150 = arith.addi %add3A_129, %add3A_149 : i32
        %lt3A_151 = arith.constant 500 : i32
        %lt3A_152 = arith.cmpi slt, %add3A_150, %lt3A_151 : i32
        %convert_element_type3A_153 = arith.extui %lt3A_152 : i1 to i32
        %cond3A_154 = arith.constant 0 : i32
        %cond3A_155 = arith.cmpi ne, %convert_element_type3A_153, %cond3A_154 : i32
        scf.if %cond3A_155 {
          %add3A_238 = arith.constant 4 : i32
          %add3A_239 = arith.addi %add3A_129, %add3A_238 : i32
          %mul3A_240 = arith.constant 40 : i32
          %mul3A_241 = arith.muli %add3A_239, %mul3A_240 : i32
          %add3A_242 = arith.addi %mul3A_2, %mul3A_241 : i32
          %dma_start3A_243 = tpu.memref_slice %arg8[%add3A_242] : memref<320000xi32, #tpu.memory_space<hbm>> -> memref<40xi32, #tpu.memory_space<hbm>>
          %dma_start3A_244 = tpu.memref_slice %arg8[%add3A_242] : memref<320000xi32, #tpu.memory_space<hbm>> -> memref<40xi32, #tpu.memory_space<hbm>>
          tpu.enqueue_dma source(%dma_start3A_244 : memref<40xi32, #tpu.memory_space<hbm>>) target(%arg18 : memref<40xi32, #tpu.memory_space<vmem>>) target_semaphore(%arg40 : memref<!tpu.dma_semaphore, #tpu.memory_space<semaphore_mem>>)
          %dma_start3A_245 = tpu.memref_slice %arg9[%add3A_242] : memref<320000xi32, #tpu.memory_space<hbm>> -> memref<40xi32, #tpu.memory_space<hbm>>
          %dma_start3A_246 = tpu.memref_slice %arg9[%add3A_242] : memref<320000xi32, #tpu.memory_space<hbm>> -> memref<40xi32, #tpu.memory_space<hbm>>
          tpu.enqueue_dma source(%dma_start3A_246 : memref<40xi32, #tpu.memory_space<hbm>>) target(%arg19 : memref<40xi32, #tpu.memory_space<vmem>>) target_semaphore(%arg40 : memref<!tpu.dma_semaphore, #tpu.memory_space<semaphore_mem>>)
        } else {
        }
        %add3A_156 = arith.constant 2 : i32
        %add3A_157 = arith.addi %add3A_129, %add3A_156 : i32
        %lt3A_158 = arith.constant 500 : i32
        %lt3A_159 = arith.cmpi slt, %add3A_157, %lt3A_158 : i32
        %convert_element_type3A_160 = arith.extui %lt3A_159 : i1 to i32
        %cond3A_161 = arith.constant 0 : i32
        %cond3A_162 = arith.cmpi ne, %convert_element_type3A_160, %cond3A_161 : i32
        scf.if %cond3A_162 {
          %dma_wait3A_238 = arith.constant 0 : i32
          %dma_wait3A_239 = tpu.memref_slice %arg8[%dma_wait3A_238] : memref<320000xi32, #tpu.memory_space<hbm>> -> memref<40xi32, #tpu.memory_space<hbm>>
          %dma_wait3A_240 = arith.constant 0 : i32
          %dma_wait3A_241 = tpu.memref_slice %arg8[%dma_wait3A_240] : memref<320000xi32, #tpu.memory_space<hbm>> -> memref<40xi32, #tpu.memory_space<hbm>>
          tpu.wait_dma2 semaphore(%arg42 : memref<!tpu.dma_semaphore, #tpu.memory_space<semaphore_mem>>) src(%dma_wait3A_241 : memref<40xi32, #tpu.memory_space<hbm>>) dst(%arg22 : memref<40xi32, #tpu.memory_space<vmem>>)
          %dma_wait3A_242 = arith.constant 0 : i32
          %dma_wait3A_243 = tpu.memref_slice %arg9[%dma_wait3A_242] : memref<320000xi32, #tpu.memory_space<hbm>> -> memref<40xi32, #tpu.memory_space<hbm>>
          %dma_wait3A_244 = arith.constant 0 : i32
          %dma_wait3A_245 = tpu.memref_slice %arg9[%dma_wait3A_244] : memref<320000xi32, #tpu.memory_space<hbm>> -> memref<40xi32, #tpu.memory_space<hbm>>
          tpu.wait_dma2 semaphore(%arg42 : memref<!tpu.dma_semaphore, #tpu.memory_space<semaphore_mem>>) src(%dma_wait3A_245 : memref<40xi32, #tpu.memory_space<hbm>>) dst(%arg23 : memref<40xi32, #tpu.memory_space<vmem>>)
          %add3A_246 = arith.constant 2 : i32
          %add3A_247 = arith.addi %add3A_129, %add3A_246 : i32
          %dma_start3A_248 = arith.constant 0 : i32
          %dma_start3A_249 = arith.constant 0 : i32
          %dma_start3A_250 = tpu.memref_slice %arg3[%dma_start3A_248, %dma_start3A_249] : memref<10000x128xf32, #tpu.memory_space<hbm>> -> memref<10000x128xf32, #tpu.memory_space<hbm>>
          tpu.enqueue_indirect_dma source(%dma_start3A_250 : memref<10000x128xf32, #tpu.memory_space<hbm>>) target(%arg27 : memref<40x128xf32, #tpu.memory_space<vmem>>) offsets(%arg22 : memref<40xi32, #tpu.memory_space<vmem>>) semaphore(%arg36 : memref<!tpu.dma_semaphore, #tpu.memory_space<semaphore_mem>>)
          %dma_start3A_251 = arith.constant 0 : i32
          %dma_start3A_252 = arith.constant 0 : i32
          %dma_start3A_253 = tpu.memref_slice %arg5[%dma_start3A_251, %dma_start3A_252] : memref<10000x128xf32, #tpu.memory_space<hbm>> -> memref<10000x128xf32, #tpu.memory_space<hbm>>
          tpu.enqueue_indirect_dma source(%dma_start3A_253 : memref<10000x128xf32, #tpu.memory_space<hbm>>) target(%arg28 : memref<40x128xf32, #tpu.memory_space<vmem>>) offsets(%arg23 : memref<40xi32, #tpu.memory_space<vmem>>) semaphore(%arg37 : memref<!tpu.dma_semaphore, #tpu.memory_space<semaphore_mem>>)
          %mul3A_254 = arith.constant 40 : i32
          %mul3A_255 = arith.muli %add3A_247, %mul3A_254 : i32
          %add3A_256 = arith.addi %mul3A_2, %mul3A_255 : i32
          %dma_start3A_257 = arith.constant 0 : i32
          %dma_start3A_258 = tpu.memref_slice %arg7[%add3A_256, %dma_start3A_257] : memref<320000x128xf32, #tpu.memory_space<hbm>> -> memref<40x128xf32, #tpu.memory_space<hbm>>
          %dma_start3A_259 = arith.constant 0 : i32
          %dma_start3A_260 = tpu.memref_slice %arg7[%add3A_256, %dma_start3A_259] : memref<320000x128xf32, #tpu.memory_space<hbm>> -> memref<40x128xf32, #tpu.memory_space<hbm>>
          tpu.enqueue_dma source(%dma_start3A_260 : memref<40x128xf32, #tpu.memory_space<hbm>>) target(%arg29 : memref<40x128xf32, #tpu.memory_space<vmem>>) target_semaphore(%arg38 : memref<!tpu.dma_semaphore, #tpu.memory_space<semaphore_mem>>)
        } else {
        }
        %mul3A_163 = arith.constant 4 : i32
        %mul3A_164 = arith.muli %mul3A_163, %scan3A_88 : i32
        %add3A_165 = arith.constant 2 : i32
        %add3A_166 = arith.addi %mul3A_164, %add3A_165 : i32
        %dma_wait3A_167 = arith.constant 0 : i32
        %dma_wait3A_168 = arith.constant 0 : i32
        %dma_wait3A_169 = tpu.memref_slice %arg3[%dma_wait3A_167, %dma_wait3A_168] : memref<10000x128xf32, #tpu.memory_space<hbm>> -> memref<10000x128xf32, #tpu.memory_space<hbm>>
        tpu.wait_indirect_dma semaphore(%arg33 : memref<!tpu.dma_semaphore, #tpu.memory_space<semaphore_mem>>) src(%dma_wait3A_169 : memref<10000x128xf32, #tpu.memory_space<hbm>>) dst(%arg24 : memref<40x128xf32, #tpu.memory_space<vmem>>)
        %dma_wait3A_170 = arith.constant 0 : i32
        %dma_wait3A_171 = arith.constant 0 : i32
        %dma_wait3A_172 = tpu.memref_slice %arg5[%dma_wait3A_170, %dma_wait3A_171] : memref<10000x128xf32, #tpu.memory_space<hbm>> -> memref<10000x128xf32, #tpu.memory_space<hbm>>
        tpu.wait_indirect_dma semaphore(%arg34 : memref<!tpu.dma_semaphore, #tpu.memory_space<semaphore_mem>>) src(%dma_wait3A_172 : memref<10000x128xf32, #tpu.memory_space<hbm>>) dst(%arg25 : memref<40x128xf32, #tpu.memory_space<vmem>>)
        %dma_wait3A_173 = arith.constant 0 : i32
        %dma_wait3A_174 = arith.constant 0 : i32
        %dma_wait3A_175 = tpu.memref_slice %arg7[%dma_wait3A_173, %dma_wait3A_174] : memref<320000x128xf32, #tpu.memory_space<hbm>> -> memref<40x128xf32, #tpu.memory_space<hbm>>
        %dma_wait3A_176 = arith.constant 0 : i32
        %dma_wait3A_177 = arith.constant 0 : i32
        %dma_wait3A_178 = tpu.memref_slice %arg7[%dma_wait3A_176, %dma_wait3A_177] : memref<320000x128xf32, #tpu.memory_space<hbm>> -> memref<40x128xf32, #tpu.memory_space<hbm>>
        tpu.wait_dma2 semaphore(%arg35 : memref<!tpu.dma_semaphore, #tpu.memory_space<semaphore_mem>>) src(%dma_wait3A_178 : memref<40x128xf32, #tpu.memory_space<hbm>>) dst(%arg26 : memref<40x128xf32, #tpu.memory_space<vmem>>)
        %scan3A_179 = arith.constant 0 : i32
        %scan3A_180 = arith.constant 0 : i32
        %scan3A_181 = arith.constant 40 : i32
        %scan3A_182 = arith.addi %scan3A_180, %scan3A_181 : i32
        %scan3A_183 = arith.constant 1 : i32
        %scan3A_184 = scf.for %scan3A_238 = %scan3A_180 to %scan3A_182 step %scan3A_183 iter_args(%scan3A_239 = %scan3A_179) -> (i32)  : i32 {
          %get3A = arith.index_cast %scan3A_238 : i32 to index
          %get3A_240 = arith.constant 0 : index
          %get3A_241 = tpu.vector_load %arg24[%get3A, %get3A_240] {strides = array<i32>} : memref<40x128xf32, #tpu.memory_space<vmem>>, vector<1x16xf32>,
          %get3A_242 = vector.shape_cast %get3A_241 : vector<1x16xf32> to vector<16xf32>
          %get3A_243 = arith.index_cast %scan3A_238 : i32 to index
          %get3A_244 = arith.constant 0 : index
          %get3A_245 = tpu.vector_load %arg25[%get3A_243, %get3A_244] {strides = array<i32>} : memref<40x128xf32, #tpu.memory_space<vmem>>, vector<1x16xf32>,
          %get3A_246 = vector.shape_cast %get3A_245 : vector<1x16xf32> to vector<16xf32>
          %add3A_247 = arith.addf %get3A_242, %get3A_246 : vector<16xf32>
          %get3A_248 = arith.index_cast %scan3A_238 : i32 to index
          %get3A_249 = arith.constant 0 : index
          %get3A_250 = tpu.vector_load %arg26[%get3A_248, %get3A_249] {strides = array<i32>} : memref<40x128xf32, #tpu.memory_space<vmem>>, vector<1x16xf32>,
          %get3A_251 = vector.shape_cast %get3A_250 : vector<1x16xf32> to vector<16xf32>
          %add3A_252 = arith.addf %add3A_247, %get3A_251 : vector<16xf32>
          %max3A = arith.constant 0.000000e+00 : f32
          %max3A_253 = vector.broadcast %max3A : f32 to vector<16xf32>
          %max3A_254 = arith.maximumf %add3A_252, %max3A_253 : vector<16xf32>
          %swap3A = arith.index_cast %scan3A_238 : i32 to index
          %swap3A_255 = arith.constant 0 : index
          %swap3A_256 = tpu.vector_load %arg26[%swap3A, %swap3A_255] {strides = array<i32>} : memref<40x128xf32, #tpu.memory_space<vmem>>, vector<1x16xf32>,
          %swap3A_257 = vector.shape_cast %swap3A_256 : vector<1x16xf32> to vector<16xf32>
          %swap3A_258 = vector.shape_cast %max3A_254 : vector<16xf32> to vector<1x16xf32>
          tpu.vector_store %arg26[%swap3A, %swap3A_255], %swap3A_258 {strides = array<i32>} : memref<40x128xf32, #tpu.memory_space<vmem>>, vector<1x16xf32>,
          %get3A_259 = arith.index_cast %scan3A_238 : i32 to index
          %get3A_260 = arith.constant 16 : index
          %get3A_261 = tpu.vector_load %arg24[%get3A_259, %get3A_260] {strides = array<i32>} : memref<40x128xf32, #tpu.memory_space<vmem>>, vector<1x16xf32>,
          %get3A_262 = vector.shape_cast %get3A_261 : vector<1x16xf32> to vector<16xf32>
          %get3A_263 = arith.index_cast %scan3A_238 : i32 to index
          %get3A_264 = arith.constant 16 : index
          %get3A_265 = tpu.vector_load %arg25[%get3A_263, %get3A_264] {strides = array<i32>} : memref<40x128xf32, #tpu.memory_space<vmem>>, vector<1x16xf32>,
          %get3A_266 = vector.shape_cast %get3A_265 : vector<1x16xf32> to vector<16xf32>
          %add3A_267 = arith.addf %get3A_262, %get3A_266 : vector<16xf32>
          %get3A_268 = arith.index_cast %scan3A_238 : i32 to index
          %get3A_269 = arith.constant 16 : index
          %get3A_270 = tpu.vector_load %arg26[%get3A_268, %get3A_269] {strides = array<i32>} : memref<40x128xf32, #tpu.memory_space<vmem>>, vector<1x16xf32>,
          %get3A_271 = vector.shape_cast %get3A_270 : vector<1x16xf32> to vector<16xf32>
          %add3A_272 = arith.addf %add3A_267, %get3A_271 : vector<16xf32>
          %max3A_273 = arith.constant 0.000000e+00 : f32
          %max3A_274 = vector.broadcast %max3A_273 : f32 to vector<16xf32>
          %max3A_275 = arith.maximumf %add3A_272, %max3A_274 : vector<16xf32>
          %swap3A_276 = arith.index_cast %scan3A_238 : i32 to index
          %swap3A_277 = arith.constant 16 : index
          %swap3A_278 = tpu.vector_load %arg26[%swap3A_276, %swap3A_277] {strides = array<i32>} : memref<40x128xf32, #tpu.memory_space<vmem>>, vector<1x16xf32>,
          %swap3A_279 = vector.shape_cast %swap3A_278 : vector<1x16xf32> to vector<16xf32>
          %swap3A_280 = vector.shape_cast %max3A_275 : vector<16xf32> to vector<1x16xf32>
          tpu.vector_store %arg26[%swap3A_276, %swap3A_277], %swap3A_280 {strides = array<i32>} : memref<40x128xf32, #tpu.memory_space<vmem>>, vector<1x16xf32>,
          %get3A_281 = arith.index_cast %scan3A_238 : i32 to index
          %get3A_282 = arith.constant 32 : index
          %get3A_283 = tpu.vector_load %arg24[%get3A_281, %get3A_282] {strides = array<i32>} : memref<40x128xf32, #tpu.memory_space<vmem>>, vector<1x16xf32>,
          %get3A_284 = vector.shape_cast %get3A_283 : vector<1x16xf32> to vector<16xf32>
          %get3A_285 = arith.index_cast %scan3A_238 : i32 to index
          %get3A_286 = arith.constant 32 : index
          %get3A_287 = tpu.vector_load %arg25[%get3A_285, %get3A_286] {strides = array<i32>} : memref<40x128xf32, #tpu.memory_space<vmem>>, vector<1x16xf32>,
          %get3A_288 = vector.shape_cast %get3A_287 : vector<1x16xf32> to vector<16xf32>
          %add3A_289 = arith.addf %get3A_284, %get3A_288 : vector<16xf32>
          %get3A_290 = arith.index_cast %scan3A_238 : i32 to index
          %get3A_291 = arith.constant 32 : index
          %get3A_292 = tpu.vector_load %arg26[%get3A_290, %get3A_291] {strides = array<i32>} : memref<40x128xf32, #tpu.memory_space<vmem>>, vector<1x16xf32>,
          %get3A_293 = vector.shape_cast %get3A_292 : vector<1x16xf32> to vector<16xf32>
          %add3A_294 = arith.addf %add3A_289, %get3A_293 : vector<16xf32>
          %max3A_295 = arith.constant 0.000000e+00 : f32
          %max3A_296 = vector.broadcast %max3A_295 : f32 to vector<16xf32>
          %max3A_297 = arith.maximumf %add3A_294, %max3A_296 : vector<16xf32>
          %swap3A_298 = arith.index_cast %scan3A_238 : i32 to index
          %swap3A_299 = arith.constant 32 : index
          %swap3A_300 = tpu.vector_load %arg26[%swap3A_298, %swap3A_299] {strides = array<i32>} : memref<40x128xf32, #tpu.memory_space<vmem>>, vector<1x16xf32>,
          %swap3A_301 = vector.shape_cast %swap3A_300 : vector<1x16xf32> to vector<16xf32>
          %swap3A_302 = vector.shape_cast %max3A_297 : vector<16xf32> to vector<1x16xf32>
          tpu.vector_store %arg26[%swap3A_298, %swap3A_299], %swap3A_302 {strides = array<i32>} : memref<40x128xf32, #tpu.memory_space<vmem>>, vector<1x16xf32>,
          %get3A_303 = arith.index_cast %scan3A_238 : i32 to index
          %get3A_304 = arith.constant 48 : index
          %get3A_305 = tpu.vector_load %arg24[%get3A_303, %get3A_304] {strides = array<i32>} : memref<40x128xf32, #tpu.memory_space<vmem>>, vector<1x16xf32>,
          %get3A_306 = vector.shape_cast %get3A_305 : vector<1x16xf32> to vector<16xf32>
          %get3A_307 = arith.index_cast %scan3A_238 : i32 to index
          %get3A_308 = arith.constant 48 : index
          %get3A_309 = tpu.vector_load %arg25[%get3A_307, %get3A_308] {strides = array<i32>} : memref<40x128xf32, #tpu.memory_space<vmem>>, vector<1x16xf32>,
          %get3A_310 = vector.shape_cast %get3A_309 : vector<1x16xf32> to vector<16xf32>
          %add3A_311 = arith.addf %get3A_306, %get3A_310 : vector<16xf32>
          %get3A_312 = arith.index_cast %scan3A_238 : i32 to index
          %get3A_313 = arith.constant 48 : index
          %get3A_314 = tpu.vector_load %arg26[%get3A_312, %get3A_313] {strides = array<i32>} : memref<40x128xf32, #tpu.memory_space<vmem>>, vector<1x16xf32>,
          %get3A_315 = vector.shape_cast %get3A_314 : vector<1x16xf32> to vector<16xf32>
          %add3A_316 = arith.addf %add3A_311, %get3A_315 : vector<16xf32>
          %max3A_317 = arith.constant 0.000000e+00 : f32
          %max3A_318 = vector.broadcast %max3A_317 : f32 to vector<16xf32>
          %max3A_319 = arith.maximumf %add3A_316, %max3A_318 : vector<16xf32>
          %swap3A_320 = arith.index_cast %scan3A_238 : i32 to index
          %swap3A_321 = arith.constant 48 : index
          %swap3A_322 = tpu.vector_load %arg26[%swap3A_320, %swap3A_321] {strides = array<i32>} : memref<40x128xf32, #tpu.memory_space<vmem>>, vector<1x16xf32>,
          %swap3A_323 = vector.shape_cast %swap3A_322 : vector<1x16xf32> to vector<16xf32>
          %swap3A_324 = vector.shape_cast %max3A_319 : vector<16xf32> to vector<1x16xf32>
          tpu.vector_store %arg26[%swap3A_320, %swap3A_321], %swap3A_324 {strides = array<i32>} : memref<40x128xf32, #tpu.memory_space<vmem>>, vector<1x16xf32>,
          %get3A_325 = arith.index_cast %scan3A_238 : i32 to index
          %get3A_326 = arith.constant 64 : index
          %get3A_327 = tpu.vector_load %arg24[%get3A_325, %get3A_326] {strides = array<i32>} : memref<40x128xf32, #tpu.memory_space<vmem>>, vector<1x16xf32>,
          %get3A_328 = vector.shape_cast %get3A_327 : vector<1x16xf32> to vector<16xf32>
          %get3A_329 = arith.index_cast %scan3A_238 : i32 to index
          %get3A_330 = arith.constant 64 : index
          %get3A_331 = tpu.vector_load %arg25[%get3A_329, %get3A_330] {strides = array<i32>} : memref<40x128xf32, #tpu.memory_space<vmem>>, vector<1x16xf32>,
          %get3A_332 = vector.shape_cast %get3A_331 : vector<1x16xf32> to vector<16xf32>
          %add3A_333 = arith.addf %get3A_328, %get3A_332 : vector<16xf32>
          %get3A_334 = arith.index_cast %scan3A_238 : i32 to index
          %get3A_335 = arith.constant 64 : index
          %get3A_336 = tpu.vector_load %arg26[%get3A_334, %get3A_335] {strides = array<i32>} : memref<40x128xf32, #tpu.memory_space<vmem>>, vector<1x16xf32>,
          %get3A_337 = vector.shape_cast %get3A_336 : vector<1x16xf32> to vector<16xf32>
          %add3A_338 = arith.addf %add3A_333, %get3A_337 : vector<16xf32>
          %max3A_339 = arith.constant 0.000000e+00 : f32
          %max3A_340 = vector.broadcast %max3A_339 : f32 to vector<16xf32>
          %max3A_341 = arith.maximumf %add3A_338, %max3A_340 : vector<16xf32>
          %swap3A_342 = arith.index_cast %scan3A_238 : i32 to index
          %swap3A_343 = arith.constant 64 : index
          %swap3A_344 = tpu.vector_load %arg26[%swap3A_342, %swap3A_343] {strides = array<i32>} : memref<40x128xf32, #tpu.memory_space<vmem>>, vector<1x16xf32>,
          %swap3A_345 = vector.shape_cast %swap3A_344 : vector<1x16xf32> to vector<16xf32>
          %swap3A_346 = vector.shape_cast %max3A_341 : vector<16xf32> to vector<1x16xf32>
          tpu.vector_store %arg26[%swap3A_342, %swap3A_343], %swap3A_346 {strides = array<i32>} : memref<40x128xf32, #tpu.memory_space<vmem>>, vector<1x16xf32>,
          %get3A_347 = arith.index_cast %scan3A_238 : i32 to index
          %get3A_348 = arith.constant 80 : index
          %get3A_349 = tpu.vector_load %arg24[%get3A_347, %get3A_348] {strides = array<i32>} : memref<40x128xf32, #tpu.memory_space<vmem>>, vector<1x16xf32>,
          %get3A_350 = vector.shape_cast %get3A_349 : vector<1x16xf32> to vector<16xf32>
          %get3A_351 = arith.index_cast %scan3A_238 : i32 to index
          %get3A_352 = arith.constant 80 : index
          %get3A_353 = tpu.vector_load %arg25[%get3A_351, %get3A_352] {strides = array<i32>} : memref<40x128xf32, #tpu.memory_space<vmem>>, vector<1x16xf32>,
          %get3A_354 = vector.shape_cast %get3A_353 : vector<1x16xf32> to vector<16xf32>
          %add3A_355 = arith.addf %get3A_350, %get3A_354 : vector<16xf32>
          %get3A_356 = arith.index_cast %scan3A_238 : i32 to index
          %get3A_357 = arith.constant 80 : index
          %get3A_358 = tpu.vector_load %arg26[%get3A_356, %get3A_357] {strides = array<i32>} : memref<40x128xf32, #tpu.memory_space<vmem>>, vector<1x16xf32>,
          %get3A_359 = vector.shape_cast %get3A_358 : vector<1x16xf32> to vector<16xf32>
          %add3A_360 = arith.addf %add3A_355, %get3A_359 : vector<16xf32>
          %max3A_361 = arith.constant 0.000000e+00 : f32
          %max3A_362 = vector.broadcast %max3A_361 : f32 to vector<16xf32>
          %max3A_363 = arith.maximumf %add3A_360, %max3A_362 : vector<16xf32>
          %swap3A_364 = arith.index_cast %scan3A_238 : i32 to index
          %swap3A_365 = arith.constant 80 : index
          %swap3A_366 = tpu.vector_load %arg26[%swap3A_364, %swap3A_365] {strides = array<i32>} : memref<40x128xf32, #tpu.memory_space<vmem>>, vector<1x16xf32>,
          %swap3A_367 = vector.shape_cast %swap3A_366 : vector<1x16xf32> to vector<16xf32>
          %swap3A_368 = vector.shape_cast %max3A_363 : vector<16xf32> to vector<1x16xf32>
          tpu.vector_store %arg26[%swap3A_364, %swap3A_365], %swap3A_368 {strides = array<i32>} : memref<40x128xf32, #tpu.memory_space<vmem>>, vector<1x16xf32>,
          %get3A_369 = arith.index_cast %scan3A_238 : i32 to index
          %get3A_370 = arith.constant 96 : index
          %get3A_371 = tpu.vector_load %arg24[%get3A_369, %get3A_370] {strides = array<i32>} : memref<40x128xf32, #tpu.memory_space<vmem>>, vector<1x16xf32>,
          %get3A_372 = vector.shape_cast %get3A_371 : vector<1x16xf32> to vector<16xf32>
          %get3A_373 = arith.index_cast %scan3A_238 : i32 to index
          %get3A_374 = arith.constant 96 : index
          %get3A_375 = tpu.vector_load %arg25[%get3A_373, %get3A_374] {strides = array<i32>} : memref<40x128xf32, #tpu.memory_space<vmem>>, vector<1x16xf32>,
          %get3A_376 = vector.shape_cast %get3A_375 : vector<1x16xf32> to vector<16xf32>
          %add3A_377 = arith.addf %get3A_372, %get3A_376 : vector<16xf32>
          %get3A_378 = arith.index_cast %scan3A_238 : i32 to index
          %get3A_379 = arith.constant 96 : index
          %get3A_380 = tpu.vector_load %arg26[%get3A_378, %get3A_379] {strides = array<i32>} : memref<40x128xf32, #tpu.memory_space<vmem>>, vector<1x16xf32>,
          %get3A_381 = vector.shape_cast %get3A_380 : vector<1x16xf32> to vector<16xf32>
          %add3A_382 = arith.addf %add3A_377, %get3A_381 : vector<16xf32>
          %max3A_383 = arith.constant 0.000000e+00 : f32
          %max3A_384 = vector.broadcast %max3A_383 : f32 to vector<16xf32>
          %max3A_385 = arith.maximumf %add3A_382, %max3A_384 : vector<16xf32>
          %swap3A_386 = arith.index_cast %scan3A_238 : i32 to index
          %swap3A_387 = arith.constant 96 : index
          %swap3A_388 = tpu.vector_load %arg26[%swap3A_386, %swap3A_387] {strides = array<i32>} : memref<40x128xf32, #tpu.memory_space<vmem>>, vector<1x16xf32>,
          %swap3A_389 = vector.shape_cast %swap3A_388 : vector<1x16xf32> to vector<16xf32>
          %swap3A_390 = vector.shape_cast %max3A_385 : vector<16xf32> to vector<1x16xf32>
          tpu.vector_store %arg26[%swap3A_386, %swap3A_387], %swap3A_390 {strides = array<i32>} : memref<40x128xf32, #tpu.memory_space<vmem>>, vector<1x16xf32>,
          %get3A_391 = arith.index_cast %scan3A_238 : i32 to index
          %get3A_392 = arith.constant 112 : index
          %get3A_393 = tpu.vector_load %arg24[%get3A_391, %get3A_392] {strides = array<i32>} : memref<40x128xf32, #tpu.memory_space<vmem>>, vector<1x16xf32>,
          %get3A_394 = vector.shape_cast %get3A_393 : vector<1x16xf32> to vector<16xf32>
          %get3A_395 = arith.index_cast %scan3A_238 : i32 to index
          %get3A_396 = arith.constant 112 : index
          %get3A_397 = tpu.vector_load %arg25[%get3A_395, %get3A_396] {strides = array<i32>} : memref<40x128xf32, #tpu.memory_space<vmem>>, vector<1x16xf32>,
          %get3A_398 = vector.shape_cast %get3A_397 : vector<1x16xf32> to vector<16xf32>
          %add3A_399 = arith.addf %get3A_394, %get3A_398 : vector<16xf32>
          %get3A_400 = arith.index_cast %scan3A_238 : i32 to index
          %get3A_401 = arith.constant 112 : index
          %get3A_402 = tpu.vector_load %arg26[%get3A_400, %get3A_401] {strides = array<i32>} : memref<40x128xf32, #tpu.memory_space<vmem>>, vector<1x16xf32>,
          %get3A_403 = vector.shape_cast %get3A_402 : vector<1x16xf32> to vector<16xf32>
          %add3A_404 = arith.addf %add3A_399, %get3A_403 : vector<16xf32>
          %max3A_405 = arith.constant 0.000000e+00 : f32
          %max3A_406 = vector.broadcast %max3A_405 : f32 to vector<16xf32>
          %max3A_407 = arith.maximumf %add3A_404, %max3A_406 : vector<16xf32>
          %swap3A_408 = arith.index_cast %scan3A_238 : i32 to index
          %swap3A_409 = arith.constant 112 : index
          %swap3A_410 = tpu.vector_load %arg26[%swap3A_408, %swap3A_409] {strides = array<i32>} : memref<40x128xf32, #tpu.memory_space<vmem>>, vector<1x16xf32>,
          %swap3A_411 = vector.shape_cast %swap3A_410 : vector<1x16xf32> to vector<16xf32>
          %swap3A_412 = vector.shape_cast %max3A_407 : vector<16xf32> to vector<1x16xf32>
          tpu.vector_store %arg26[%swap3A_408, %swap3A_409], %swap3A_412 {strides = array<i32>} : memref<40x128xf32, #tpu.memory_space<vmem>>, vector<1x16xf32>,
          %scan3A_413 = arith.constant 0 : i32
          scf.yield %scan3A_413 : i32
        }
        %scan3A_185 = arith.constant 40 : i32
        "tpu.region"() ({
          %run_scoped3A = tpu.sem_alloc : memref<!tpu.dma_semaphore, #tpu.memory_space<semaphore_mem>>
          %dma_start3A_238 = arith.constant 0 : i32
          %dma_start3A_239 = arith.constant 0 : i32
          %dma_start3A_240 = tpu.memref_slice %arg31[%dma_start3A_238, %dma_start3A_239] : memref<10240x128xf32, #tpu.memory_space<vmem_shared>> -> memref<10240x128xf32, #tpu.memory_space<vmem_shared>>
          tpu.enqueue_indirect_dma source(%arg26 : memref<40x128xf32, #tpu.memory_space<vmem>>) target(%dma_start3A_240 : memref<10240x128xf32, #tpu.memory_space<vmem_shared>>) offsets(%arg20 : memref<40xi32, #tpu.memory_space<vmem>>) semaphore(%run_scoped3A : memref<!tpu.dma_semaphore, #tpu.memory_space<semaphore_mem>>) {add = true}
          %dma_wait3A_241 = arith.constant 0 : i32
          %dma_wait3A_242 = arith.constant 0 : i32
          %dma_wait3A_243 = tpu.memref_slice %arg31[%dma_wait3A_241, %dma_wait3A_242] : memref<10240x128xf32, #tpu.memory_space<vmem_shared>> -> memref<10240x128xf32, #tpu.memory_space<vmem_shared>>
          tpu.wait_indirect_dma semaphore(%run_scoped3A : memref<!tpu.dma_semaphore, #tpu.memory_space<semaphore_mem>>) src(%arg26 : memref<40x128xf32, #tpu.memory_space<vmem>>) dst(%dma_wait3A_243 : memref<10240x128xf32, #tpu.memory_space<vmem_shared>>)
          tpu.yield
        }) : () -> ()
        %add3A_186 = arith.constant 4 : i32
        %add3A_187 = arith.addi %add3A_166, %add3A_186 : i32
        %lt3A_188 = arith.constant 500 : i32
        %lt3A_189 = arith.cmpi slt, %add3A_187, %lt3A_188 : i32
        %convert_element_type3A_190 = arith.extui %lt3A_189 : i1 to i32
        %cond3A_191 = arith.constant 0 : i32
        %cond3A_192 = arith.cmpi ne, %convert_element_type3A_190, %cond3A_191 : i32
        scf.if %cond3A_192 {
          %add3A_238 = arith.constant 4 : i32
          %add3A_239 = arith.addi %add3A_166, %add3A_238 : i32
          %mul3A_240 = arith.constant 40 : i32
          %mul3A_241 = arith.muli %add3A_239, %mul3A_240 : i32
          %add3A_242 = arith.addi %mul3A_2, %mul3A_241 : i32
          %dma_start3A_243 = tpu.memref_slice %arg8[%add3A_242] : memref<320000xi32, #tpu.memory_space<hbm>> -> memref<40xi32, #tpu.memory_space<hbm>>
          %dma_start3A_244 = tpu.memref_slice %arg8[%add3A_242] : memref<320000xi32, #tpu.memory_space<hbm>> -> memref<40xi32, #tpu.memory_space<hbm>>
          tpu.enqueue_dma source(%dma_start3A_244 : memref<40xi32, #tpu.memory_space<hbm>>) target(%arg20 : memref<40xi32, #tpu.memory_space<vmem>>) target_semaphore(%arg41 : memref<!tpu.dma_semaphore, #tpu.memory_space<semaphore_mem>>)
          %dma_start3A_245 = tpu.memref_slice %arg9[%add3A_242] : memref<320000xi32, #tpu.memory_space<hbm>> -> memref<40xi32, #tpu.memory_space<hbm>>
          %dma_start3A_246 = tpu.memref_slice %arg9[%add3A_242] : memref<320000xi32, #tpu.memory_space<hbm>> -> memref<40xi32, #tpu.memory_space<hbm>>
          tpu.enqueue_dma source(%dma_start3A_246 : memref<40xi32, #tpu.memory_space<hbm>>) target(%arg21 : memref<40xi32, #tpu.memory_space<vmem>>) target_semaphore(%arg41 : memref<!tpu.dma_semaphore, #tpu.memory_space<semaphore_mem>>)
        } else {
        }
        %add3A_193 = arith.constant 2 : i32
        %add3A_194 = arith.addi %add3A_166, %add3A_193 : i32
        %lt3A_195 = arith.constant 500 : i32
        %lt3A_196 = arith.cmpi slt, %add3A_194, %lt3A_195 : i32
        %convert_element_type3A_197 = arith.extui %lt3A_196 : i1 to i32
        %cond3A_198 = arith.constant 0 : i32
        %cond3A_199 = arith.cmpi ne, %convert_element_type3A_197, %cond3A_198 : i32
        scf.if %cond3A_199 {
          %dma_wait3A_238 = arith.constant 0 : i32
          %dma_wait3A_239 = tpu.memref_slice %arg8[%dma_wait3A_238] : memref<320000xi32, #tpu.memory_space<hbm>> -> memref<40xi32, #tpu.memory_space<hbm>>
          %dma_wait3A_240 = arith.constant 0 : i32
          %dma_wait3A_241 = tpu.memref_slice %arg8[%dma_wait3A_240] : memref<320000xi32, #tpu.memory_space<hbm>> -> memref<40xi32, #tpu.memory_space<hbm>>
          tpu.wait_dma2 semaphore(%arg39 : memref<!tpu.dma_semaphore, #tpu.memory_space<semaphore_mem>>) src(%dma_wait3A_241 : memref<40xi32, #tpu.memory_space<hbm>>) dst(%arg16 : memref<40xi32, #tpu.memory_space<vmem>>)
          %dma_wait3A_242 = arith.constant 0 : i32
          %dma_wait3A_243 = tpu.memref_slice %arg9[%dma_wait3A_242] : memref<320000xi32, #tpu.memory_space<hbm>> -> memref<40xi32, #tpu.memory_space<hbm>>
          %dma_wait3A_244 = arith.constant 0 : i32
          %dma_wait3A_245 = tpu.memref_slice %arg9[%dma_wait3A_244] : memref<320000xi32, #tpu.memory_space<hbm>> -> memref<40xi32, #tpu.memory_space<hbm>>
          tpu.wait_dma2 semaphore(%arg39 : memref<!tpu.dma_semaphore, #tpu.memory_space<semaphore_mem>>) src(%dma_wait3A_245 : memref<40xi32, #tpu.memory_space<hbm>>) dst(%arg17 : memref<40xi32, #tpu.memory_space<vmem>>)
          %add3A_246 = arith.constant 2 : i32
          %add3A_247 = arith.addi %add3A_166, %add3A_246 : i32
          %dma_start3A_248 = arith.constant 0 : i32
          %dma_start3A_249 = arith.constant 0 : i32
          %dma_start3A_250 = tpu.memref_slice %arg3[%dma_start3A_248, %dma_start3A_249] : memref<10000x128xf32, #tpu.memory_space<hbm>> -> memref<10000x128xf32, #tpu.memory_space<hbm>>
          tpu.enqueue_indirect_dma source(%dma_start3A_250 : memref<10000x128xf32, #tpu.memory_space<hbm>>) target(%arg24 : memref<40x128xf32, #tpu.memory_space<vmem>>) offsets(%arg16 : memref<40xi32, #tpu.memory_space<vmem>>) semaphore(%arg33 : memref<!tpu.dma_semaphore, #tpu.memory_space<semaphore_mem>>)
          %dma_start3A_251 = arith.constant 0 : i32
          %dma_start3A_252 = arith.constant 0 : i32
          %dma_start3A_253 = tpu.memref_slice %arg5[%dma_start3A_251, %dma_start3A_252] : memref<10000x128xf32, #tpu.memory_space<hbm>> -> memref<10000x128xf32, #tpu.memory_space<hbm>>
          tpu.enqueue_indirect_dma source(%dma_start3A_253 : memref<10000x128xf32, #tpu.memory_space<hbm>>) target(%arg25 : memref<40x128xf32, #tpu.memory_space<vmem>>) offsets(%arg17 : memref<40xi32, #tpu.memory_space<vmem>>) semaphore(%arg34 : memref<!tpu.dma_semaphore, #tpu.memory_space<semaphore_mem>>)
          %mul3A_254 = arith.constant 40 : i32
          %mul3A_255 = arith.muli %add3A_247, %mul3A_254 : i32
          %add3A_256 = arith.addi %mul3A_2, %mul3A_255 : i32
          %dma_start3A_257 = arith.constant 0 : i32
          %dma_start3A_258 = tpu.memref_slice %arg7[%add3A_256, %dma_start3A_257] : memref<320000x128xf32, #tpu.memory_space<hbm>> -> memref<40x128xf32, #tpu.memory_space<hbm>>
          %dma_start3A_259 = arith.constant 0 : i32
          %dma_start3A_260 = tpu.memref_slice %arg7[%add3A_256, %dma_start3A_259] : memref<320000x128xf32, #tpu.memory_space<hbm>> -> memref<40x128xf32, #tpu.memory_space<hbm>>
          tpu.enqueue_dma source(%dma_start3A_260 : memref<40x128xf32, #tpu.memory_space<hbm>>) target(%arg26 : memref<40x128xf32, #tpu.memory_space<vmem>>) target_semaphore(%arg35 : memref<!tpu.dma_semaphore, #tpu.memory_space<semaphore_mem>>)
        } else {
        }
        %mul3A_200 = arith.constant 4 : i32
        %mul3A_201 = arith.muli %mul3A_200, %scan3A_88 : i32
        %add3A_202 = arith.constant 3 : i32
        %add3A_203 = arith.addi %mul3A_201, %add3A_202 : i32
        %dma_wait3A_204 = arith.constant 0 : i32
        %dma_wait3A_205 = arith.constant 0 : i32
        %dma_wait3A_206 = tpu.memref_slice %arg3[%dma_wait3A_204, %dma_wait3A_205] : memref<10000x128xf32, #tpu.memory_space<hbm>> -> memref<10000x128xf32, #tpu.memory_space<hbm>>
        tpu.wait_indirect_dma semaphore(%arg36 : memref<!tpu.dma_semaphore, #tpu.memory_space<semaphore_mem>>) src(%dma_wait3A_206 : memref<10000x128xf32, #tpu.memory_space<hbm>>) dst(%arg27 : memref<40x128xf32, #tpu.memory_space<vmem>>)
        %dma_wait3A_207 = arith.constant 0 : i32
        %dma_wait3A_208 = arith.constant 0 : i32
        %dma_wait3A_209 = tpu.memref_slice %arg5[%dma_wait3A_207, %dma_wait3A_208] : memref<10000x128xf32, #tpu.memory_space<hbm>> -> memref<10000x128xf32, #tpu.memory_space<hbm>>
        tpu.wait_indirect_dma semaphore(%arg37 : memref<!tpu.dma_semaphore, #tpu.memory_space<semaphore_mem>>) src(%dma_wait3A_209 : memref<10000x128xf32, #tpu.memory_space<hbm>>) dst(%arg28 : memref<40x128xf32, #tpu.memory_space<vmem>>)
        %dma_wait3A_210 = arith.constant 0 : i32
        %dma_wait3A_211 = arith.constant 0 : i32
        %dma_wait3A_212 = tpu.memref_slice %arg7[%dma_wait3A_210, %dma_wait3A_211] : memref<320000x128xf32, #tpu.memory_space<hbm>> -> memref<40x128xf32, #tpu.memory_space<hbm>>
        %dma_wait3A_213 = arith.constant 0 : i32
        %dma_wait3A_214 = arith.constant 0 : i32
        %dma_wait3A_215 = tpu.memref_slice %arg7[%dma_wait3A_213, %dma_wait3A_214] : memref<320000x128xf32, #tpu.memory_space<hbm>> -> memref<40x128xf32, #tpu.memory_space<hbm>>
        tpu.wait_dma2 semaphore(%arg38 : memref<!tpu.dma_semaphore, #tpu.memory_space<semaphore_mem>>) src(%dma_wait3A_215 : memref<40x128xf32, #tpu.memory_space<hbm>>) dst(%arg29 : memref<40x128xf32, #tpu.memory_space<vmem>>)
        %scan3A_216 = arith.constant 0 : i32
        %scan3A_217 = arith.constant 0 : i32
        %scan3A_218 = arith.constant 40 : i32
        %scan3A_219 = arith.addi %scan3A_217, %scan3A_218 : i32
        %scan3A_220 = arith.constant 1 : i32
        %scan3A_221 = scf.for %scan3A_238 = %scan3A_217 to %scan3A_219 step %scan3A_220 iter_args(%scan3A_239 = %scan3A_216) -> (i32)  : i32 {
          %get3A = arith.index_cast %scan3A_238 : i32 to index
          %get3A_240 = arith.constant 0 : index
          %get3A_241 = tpu.vector_load %arg27[%get3A, %get3A_240] {strides = array<i32>} : memref<40x128xf32, #tpu.memory_space<vmem>>, vector<1x16xf32>,
          %get3A_242 = vector.shape_cast %get3A_241 : vector<1x16xf32> to vector<16xf32>
          %get3A_243 = arith.index_cast %scan3A_238 : i32 to index
          %get3A_244 = arith.constant 0 : index
          %get3A_245 = tpu.vector_load %arg28[%get3A_243, %get3A_244] {strides = array<i32>} : memref<40x128xf32, #tpu.memory_space<vmem>>, vector<1x16xf32>,
          %get3A_246 = vector.shape_cast %get3A_245 : vector<1x16xf32> to vector<16xf32>
          %add3A_247 = arith.addf %get3A_242, %get3A_246 : vector<16xf32>
          %get3A_248 = arith.index_cast %scan3A_238 : i32 to index
          %get3A_249 = arith.constant 0 : index
          %get3A_250 = tpu.vector_load %arg29[%get3A_248, %get3A_249] {strides = array<i32>} : memref<40x128xf32, #tpu.memory_space<vmem>>, vector<1x16xf32>,
          %get3A_251 = vector.shape_cast %get3A_250 : vector<1x16xf32> to vector<16xf32>
          %add3A_252 = arith.addf %add3A_247, %get3A_251 : vector<16xf32>
          %max3A = arith.constant 0.000000e+00 : f32
          %max3A_253 = vector.broadcast %max3A : f32 to vector<16xf32>
          %max3A_254 = arith.maximumf %add3A_252, %max3A_253 : vector<16xf32>
          %swap3A = arith.index_cast %scan3A_238 : i32 to index
          %swap3A_255 = arith.constant 0 : index
          %swap3A_256 = tpu.vector_load %arg29[%swap3A, %swap3A_255] {strides = array<i32>} : memref<40x128xf32, #tpu.memory_space<vmem>>, vector<1x16xf32>,
          %swap3A_257 = vector.shape_cast %swap3A_256 : vector<1x16xf32> to vector<16xf32>
          %swap3A_258 = vector.shape_cast %max3A_254 : vector<16xf32> to vector<1x16xf32>
          tpu.vector_store %arg29[%swap3A, %swap3A_255], %swap3A_258 {strides = array<i32>} : memref<40x128xf32, #tpu.memory_space<vmem>>, vector<1x16xf32>,
          %get3A_259 = arith.index_cast %scan3A_238 : i32 to index
          %get3A_260 = arith.constant 16 : index
          %get3A_261 = tpu.vector_load %arg27[%get3A_259, %get3A_260] {strides = array<i32>} : memref<40x128xf32, #tpu.memory_space<vmem>>, vector<1x16xf32>,
          %get3A_262 = vector.shape_cast %get3A_261 : vector<1x16xf32> to vector<16xf32>
          %get3A_263 = arith.index_cast %scan3A_238 : i32 to index
          %get3A_264 = arith.constant 16 : index
          %get3A_265 = tpu.vector_load %arg28[%get3A_263, %get3A_264] {strides = array<i32>} : memref<40x128xf32, #tpu.memory_space<vmem>>, vector<1x16xf32>,
          %get3A_266 = vector.shape_cast %get3A_265 : vector<1x16xf32> to vector<16xf32>
          %add3A_267 = arith.addf %get3A_262, %get3A_266 : vector<16xf32>
          %get3A_268 = arith.index_cast %scan3A_238 : i32 to index
          %get3A_269 = arith.constant 16 : index
          %get3A_270 = tpu.vector_load %arg29[%get3A_268, %get3A_269] {strides = array<i32>} : memref<40x128xf32, #tpu.memory_space<vmem>>, vector<1x16xf32>,
          %get3A_271 = vector.shape_cast %get3A_270 : vector<1x16xf32> to vector<16xf32>
          %add3A_272 = arith.addf %add3A_267, %get3A_271 : vector<16xf32>
          %max3A_273 = arith.constant 0.000000e+00 : f32
          %max3A_274 = vector.broadcast %max3A_273 : f32 to vector<16xf32>
          %max3A_275 = arith.maximumf %add3A_272, %max3A_274 : vector<16xf32>
          %swap3A_276 = arith.index_cast %scan3A_238 : i32 to index
          %swap3A_277 = arith.constant 16 : index
          %swap3A_278 = tpu.vector_load %arg29[%swap3A_276, %swap3A_277] {strides = array<i32>} : memref<40x128xf32, #tpu.memory_space<vmem>>, vector<1x16xf32>,
          %swap3A_279 = vector.shape_cast %swap3A_278 : vector<1x16xf32> to vector<16xf32>
          %swap3A_280 = vector.shape_cast %max3A_275 : vector<16xf32> to vector<1x16xf32>
          tpu.vector_store %arg29[%swap3A_276, %swap3A_277], %swap3A_280 {strides = array<i32>} : memref<40x128xf32, #tpu.memory_space<vmem>>, vector<1x16xf32>,
          %get3A_281 = arith.index_cast %scan3A_238 : i32 to index
          %get3A_282 = arith.constant 32 : index
          %get3A_283 = tpu.vector_load %arg27[%get3A_281, %get3A_282] {strides = array<i32>} : memref<40x128xf32, #tpu.memory_space<vmem>>, vector<1x16xf32>,
          %get3A_284 = vector.shape_cast %get3A_283 : vector<1x16xf32> to vector<16xf32>
          %get3A_285 = arith.index_cast %scan3A_238 : i32 to index
          %get3A_286 = arith.constant 32 : index
          %get3A_287 = tpu.vector_load %arg28[%get3A_285, %get3A_286] {strides = array<i32>} : memref<40x128xf32, #tpu.memory_space<vmem>>, vector<1x16xf32>,
          %get3A_288 = vector.shape_cast %get3A_287 : vector<1x16xf32> to vector<16xf32>
          %add3A_289 = arith.addf %get3A_284, %get3A_288 : vector<16xf32>
          %get3A_290 = arith.index_cast %scan3A_238 : i32 to index
          %get3A_291 = arith.constant 32 : index
          %get3A_292 = tpu.vector_load %arg29[%get3A_290, %get3A_291] {strides = array<i32>} : memref<40x128xf32, #tpu.memory_space<vmem>>, vector<1x16xf32>,
          %get3A_293 = vector.shape_cast %get3A_292 : vector<1x16xf32> to vector<16xf32>
          %add3A_294 = arith.addf %add3A_289, %get3A_293 : vector<16xf32>
          %max3A_295 = arith.constant 0.000000e+00 : f32
          %max3A_296 = vector.broadcast %max3A_295 : f32 to vector<16xf32>
          %max3A_297 = arith.maximumf %add3A_294, %max3A_296 : vector<16xf32>
          %swap3A_298 = arith.index_cast %scan3A_238 : i32 to index
          %swap3A_299 = arith.constant 32 : index
          %swap3A_300 = tpu.vector_load %arg29[%swap3A_298, %swap3A_299] {strides = array<i32>} : memref<40x128xf32, #tpu.memory_space<vmem>>, vector<1x16xf32>,
          %swap3A_301 = vector.shape_cast %swap3A_300 : vector<1x16xf32> to vector<16xf32>
          %swap3A_302 = vector.shape_cast %max3A_297 : vector<16xf32> to vector<1x16xf32>
          tpu.vector_store %arg29[%swap3A_298, %swap3A_299], %swap3A_302 {strides = array<i32>} : memref<40x128xf32, #tpu.memory_space<vmem>>, vector<1x16xf32>,
          %get3A_303 = arith.index_cast %scan3A_238 : i32 to index
          %get3A_304 = arith.constant 48 : index
          %get3A_305 = tpu.vector_load %arg27[%get3A_303, %get3A_304] {strides = array<i32>} : memref<40x128xf32, #tpu.memory_space<vmem>>, vector<1x16xf32>,
          %get3A_306 = vector.shape_cast %get3A_305 : vector<1x16xf32> to vector<16xf32>
          %get3A_307 = arith.index_cast %scan3A_238 : i32 to index
          %get3A_308 = arith.constant 48 : index
          %get3A_309 = tpu.vector_load %arg28[%get3A_307, %get3A_308] {strides = array<i32>} : memref<40x128xf32, #tpu.memory_space<vmem>>, vector<1x16xf32>,
          %get3A_310 = vector.shape_cast %get3A_309 : vector<1x16xf32> to vector<16xf32>
          %add3A_311 = arith.addf %get3A_306, %get3A_310 : vector<16xf32>
          %get3A_312 = arith.index_cast %scan3A_238 : i32 to index
          %get3A_313 = arith.constant 48 : index
          %get3A_314 = tpu.vector_load %arg29[%get3A_312, %get3A_313] {strides = array<i32>} : memref<40x128xf32, #tpu.memory_space<vmem>>, vector<1x16xf32>,
          %get3A_315 = vector.shape_cast %get3A_314 : vector<1x16xf32> to vector<16xf32>
          %add3A_316 = arith.addf %add3A_311, %get3A_315 : vector<16xf32>
          %max3A_317 = arith.constant 0.000000e+00 : f32
          %max3A_318 = vector.broadcast %max3A_317 : f32 to vector<16xf32>
          %max3A_319 = arith.maximumf %add3A_316, %max3A_318 : vector<16xf32>
          %swap3A_320 = arith.index_cast %scan3A_238 : i32 to index
          %swap3A_321 = arith.constant 48 : index
          %swap3A_322 = tpu.vector_load %arg29[%swap3A_320, %swap3A_321] {strides = array<i32>} : memref<40x128xf32, #tpu.memory_space<vmem>>, vector<1x16xf32>,
          %swap3A_323 = vector.shape_cast %swap3A_322 : vector<1x16xf32> to vector<16xf32>
          %swap3A_324 = vector.shape_cast %max3A_319 : vector<16xf32> to vector<1x16xf32>
          tpu.vector_store %arg29[%swap3A_320, %swap3A_321], %swap3A_324 {strides = array<i32>} : memref<40x128xf32, #tpu.memory_space<vmem>>, vector<1x16xf32>,
          %get3A_325 = arith.index_cast %scan3A_238 : i32 to index
          %get3A_326 = arith.constant 64 : index
          %get3A_327 = tpu.vector_load %arg27[%get3A_325, %get3A_326] {strides = array<i32>} : memref<40x128xf32, #tpu.memory_space<vmem>>, vector<1x16xf32>,
          %get3A_328 = vector.shape_cast %get3A_327 : vector<1x16xf32> to vector<16xf32>
          %get3A_329 = arith.index_cast %scan3A_238 : i32 to index
          %get3A_330 = arith.constant 64 : index
          %get3A_331 = tpu.vector_load %arg28[%get3A_329, %get3A_330] {strides = array<i32>} : memref<40x128xf32, #tpu.memory_space<vmem>>, vector<1x16xf32>,
          %get3A_332 = vector.shape_cast %get3A_331 : vector<1x16xf32> to vector<16xf32>
          %add3A_333 = arith.addf %get3A_328, %get3A_332 : vector<16xf32>
          %get3A_334 = arith.index_cast %scan3A_238 : i32 to index
          %get3A_335 = arith.constant 64 : index
          %get3A_336 = tpu.vector_load %arg29[%get3A_334, %get3A_335] {strides = array<i32>} : memref<40x128xf32, #tpu.memory_space<vmem>>, vector<1x16xf32>,
          %get3A_337 = vector.shape_cast %get3A_336 : vector<1x16xf32> to vector<16xf32>
          %add3A_338 = arith.addf %add3A_333, %get3A_337 : vector<16xf32>
          %max3A_339 = arith.constant 0.000000e+00 : f32
          %max3A_340 = vector.broadcast %max3A_339 : f32 to vector<16xf32>
          %max3A_341 = arith.maximumf %add3A_338, %max3A_340 : vector<16xf32>
          %swap3A_342 = arith.index_cast %scan3A_238 : i32 to index
          %swap3A_343 = arith.constant 64 : index
          %swap3A_344 = tpu.vector_load %arg29[%swap3A_342, %swap3A_343] {strides = array<i32>} : memref<40x128xf32, #tpu.memory_space<vmem>>, vector<1x16xf32>,
          %swap3A_345 = vector.shape_cast %swap3A_344 : vector<1x16xf32> to vector<16xf32>
          %swap3A_346 = vector.shape_cast %max3A_341 : vector<16xf32> to vector<1x16xf32>
          tpu.vector_store %arg29[%swap3A_342, %swap3A_343], %swap3A_346 {strides = array<i32>} : memref<40x128xf32, #tpu.memory_space<vmem>>, vector<1x16xf32>,
          %get3A_347 = arith.index_cast %scan3A_238 : i32 to index
          %get3A_348 = arith.constant 80 : index
          %get3A_349 = tpu.vector_load %arg27[%get3A_347, %get3A_348] {strides = array<i32>} : memref<40x128xf32, #tpu.memory_space<vmem>>, vector<1x16xf32>,
          %get3A_350 = vector.shape_cast %get3A_349 : vector<1x16xf32> to vector<16xf32>
          %get3A_351 = arith.index_cast %scan3A_238 : i32 to index
          %get3A_352 = arith.constant 80 : index
          %get3A_353 = tpu.vector_load %arg28[%get3A_351, %get3A_352] {strides = array<i32>} : memref<40x128xf32, #tpu.memory_space<vmem>>, vector<1x16xf32>,
          %get3A_354 = vector.shape_cast %get3A_353 : vector<1x16xf32> to vector<16xf32>
          %add3A_355 = arith.addf %get3A_350, %get3A_354 : vector<16xf32>
          %get3A_356 = arith.index_cast %scan3A_238 : i32 to index
          %get3A_357 = arith.constant 80 : index
          %get3A_358 = tpu.vector_load %arg29[%get3A_356, %get3A_357] {strides = array<i32>} : memref<40x128xf32, #tpu.memory_space<vmem>>, vector<1x16xf32>,
          %get3A_359 = vector.shape_cast %get3A_358 : vector<1x16xf32> to vector<16xf32>
          %add3A_360 = arith.addf %add3A_355, %get3A_359 : vector<16xf32>
          %max3A_361 = arith.constant 0.000000e+00 : f32
          %max3A_362 = vector.broadcast %max3A_361 : f32 to vector<16xf32>
          %max3A_363 = arith.maximumf %add3A_360, %max3A_362 : vector<16xf32>
          %swap3A_364 = arith.index_cast %scan3A_238 : i32 to index
          %swap3A_365 = arith.constant 80 : index
          %swap3A_366 = tpu.vector_load %arg29[%swap3A_364, %swap3A_365] {strides = array<i32>} : memref<40x128xf32, #tpu.memory_space<vmem>>, vector<1x16xf32>,
          %swap3A_367 = vector.shape_cast %swap3A_366 : vector<1x16xf32> to vector<16xf32>
          %swap3A_368 = vector.shape_cast %max3A_363 : vector<16xf32> to vector<1x16xf32>
          tpu.vector_store %arg29[%swap3A_364, %swap3A_365], %swap3A_368 {strides = array<i32>} : memref<40x128xf32, #tpu.memory_space<vmem>>, vector<1x16xf32>,
          %get3A_369 = arith.index_cast %scan3A_238 : i32 to index
          %get3A_370 = arith.constant 96 : index
          %get3A_371 = tpu.vector_load %arg27[%get3A_369, %get3A_370] {strides = array<i32>} : memref<40x128xf32, #tpu.memory_space<vmem>>, vector<1x16xf32>,
          %get3A_372 = vector.shape_cast %get3A_371 : vector<1x16xf32> to vector<16xf32>
          %get3A_373 = arith.index_cast %scan3A_238 : i32 to index
          %get3A_374 = arith.constant 96 : index
          %get3A_375 = tpu.vector_load %arg28[%get3A_373, %get3A_374] {strides = array<i32>} : memref<40x128xf32, #tpu.memory_space<vmem>>, vector<1x16xf32>,
          %get3A_376 = vector.shape_cast %get3A_375 : vector<1x16xf32> to vector<16xf32>
          %add3A_377 = arith.addf %get3A_372, %get3A_376 : vector<16xf32>
          %get3A_378 = arith.index_cast %scan3A_238 : i32 to index
          %get3A_379 = arith.constant 96 : index
          %get3A_380 = tpu.vector_load %arg29[%get3A_378, %get3A_379] {strides = array<i32>} : memref<40x128xf32, #tpu.memory_space<vmem>>, vector<1x16xf32>,
          %get3A_381 = vector.shape_cast %get3A_380 : vector<1x16xf32> to vector<16xf32>
          %add3A_382 = arith.addf %add3A_377, %get3A_381 : vector<16xf32>
          %max3A_383 = arith.constant 0.000000e+00 : f32
          %max3A_384 = vector.broadcast %max3A_383 : f32 to vector<16xf32>
          %max3A_385 = arith.maximumf %add3A_382, %max3A_384 : vector<16xf32>
          %swap3A_386 = arith.index_cast %scan3A_238 : i32 to index
          %swap3A_387 = arith.constant 96 : index
          %swap3A_388 = tpu.vector_load %arg29[%swap3A_386, %swap3A_387] {strides = array<i32>} : memref<40x128xf32, #tpu.memory_space<vmem>>, vector<1x16xf32>,
          %swap3A_389 = vector.shape_cast %swap3A_388 : vector<1x16xf32> to vector<16xf32>
          %swap3A_390 = vector.shape_cast %max3A_385 : vector<16xf32> to vector<1x16xf32>
          tpu.vector_store %arg29[%swap3A_386, %swap3A_387], %swap3A_390 {strides = array<i32>} : memref<40x128xf32, #tpu.memory_space<vmem>>, vector<1x16xf32>,
          %get3A_391 = arith.index_cast %scan3A_238 : i32 to index
          %get3A_392 = arith.constant 112 : index
          %get3A_393 = tpu.vector_load %arg27[%get3A_391, %get3A_392] {strides = array<i32>} : memref<40x128xf32, #tpu.memory_space<vmem>>, vector<1x16xf32>,
          %get3A_394 = vector.shape_cast %get3A_393 : vector<1x16xf32> to vector<16xf32>
          %get3A_395 = arith.index_cast %scan3A_238 : i32 to index
          %get3A_396 = arith.constant 112 : index
          %get3A_397 = tpu.vector_load %arg28[%get3A_395, %get3A_396] {strides = array<i32>} : memref<40x128xf32, #tpu.memory_space<vmem>>, vector<1x16xf32>,
          %get3A_398 = vector.shape_cast %get3A_397 : vector<1x16xf32> to vector<16xf32>
          %add3A_399 = arith.addf %get3A_394, %get3A_398 : vector<16xf32>
          %get3A_400 = arith.index_cast %scan3A_238 : i32 to index
          %get3A_401 = arith.constant 112 : index
          %get3A_402 = tpu.vector_load %arg29[%get3A_400, %get3A_401] {strides = array<i32>} : memref<40x128xf32, #tpu.memory_space<vmem>>, vector<1x16xf32>,
          %get3A_403 = vector.shape_cast %get3A_402 : vector<1x16xf32> to vector<16xf32>
          %add3A_404 = arith.addf %add3A_399, %get3A_403 : vector<16xf32>
          %max3A_405 = arith.constant 0.000000e+00 : f32
          %max3A_406 = vector.broadcast %max3A_405 : f32 to vector<16xf32>
          %max3A_407 = arith.maximumf %add3A_404, %max3A_406 : vector<16xf32>
          %swap3A_408 = arith.index_cast %scan3A_238 : i32 to index
          %swap3A_409 = arith.constant 112 : index
          %swap3A_410 = tpu.vector_load %arg29[%swap3A_408, %swap3A_409] {strides = array<i32>} : memref<40x128xf32, #tpu.memory_space<vmem>>, vector<1x16xf32>,
          %swap3A_411 = vector.shape_cast %swap3A_410 : vector<1x16xf32> to vector<16xf32>
          %swap3A_412 = vector.shape_cast %max3A_407 : vector<16xf32> to vector<1x16xf32>
          tpu.vector_store %arg29[%swap3A_408, %swap3A_409], %swap3A_412 {strides = array<i32>} : memref<40x128xf32, #tpu.memory_space<vmem>>, vector<1x16xf32>,
          %scan3A_413 = arith.constant 0 : i32
          scf.yield %scan3A_413 : i32
        }
        %scan3A_222 = arith.constant 40 : i32
        "tpu.region"() ({
          %run_scoped3A = tpu.sem_alloc : memref<!tpu.dma_semaphore, #tpu.memory_space<semaphore_mem>>
          %dma_start3A_238 = arith.constant 0 : i32
          %dma_start3A_239 = arith.constant 0 : i32
          %dma_start3A_240 = tpu.memref_slice %arg31[%dma_start3A_238, %dma_start3A_239] : memref<10240x128xf32, #tpu.memory_space<vmem_shared>> -> memref<10240x128xf32, #tpu.memory_space<vmem_shared>>
          tpu.enqueue_indirect_dma source(%arg29 : memref<40x128xf32, #tpu.memory_space<vmem>>) target(%dma_start3A_240 : memref<10240x128xf32, #tpu.memory_space<vmem_shared>>) offsets(%arg22 : memref<40xi32, #tpu.memory_space<vmem>>) semaphore(%run_scoped3A : memref<!tpu.dma_semaphore, #tpu.memory_space<semaphore_mem>>) {add = true}
          %dma_wait3A_241 = arith.constant 0 : i32
          %dma_wait3A_242 = arith.constant 0 : i32
          %dma_wait3A_243 = tpu.memref_slice %arg31[%dma_wait3A_241, %dma_wait3A_242] : memref<10240x128xf32, #tpu.memory_space<vmem_shared>> -> memref<10240x128xf32, #tpu.memory_space<vmem_shared>>
          tpu.wait_indirect_dma semaphore(%run_scoped3A : memref<!tpu.dma_semaphore, #tpu.memory_space<semaphore_mem>>) src(%arg29 : memref<40x128xf32, #tpu.memory_space<vmem>>) dst(%dma_wait3A_243 : memref<10240x128xf32, #tpu.memory_space<vmem_shared>>)
          tpu.yield
        }) : () -> ()
        %add3A_223 = arith.constant 4 : i32
        %add3A_224 = arith.addi %add3A_203, %add3A_223 : i32
        %lt3A_225 = arith.constant 500 : i32
        %lt3A_226 = arith.cmpi slt, %add3A_224, %lt3A_225 : i32
        %convert_element_type3A_227 = arith.extui %lt3A_226 : i1 to i32
        %cond3A_228 = arith.constant 0 : i32
        %cond3A_229 = arith.cmpi ne, %convert_element_type3A_227, %cond3A_228 : i32
        scf.if %cond3A_229 {
          %add3A_238 = arith.constant 4 : i32
          %add3A_239 = arith.addi %add3A_203, %add3A_238 : i32
          %mul3A_240 = arith.constant 40 : i32
          %mul3A_241 = arith.muli %add3A_239, %mul3A_240 : i32
          %add3A_242 = arith.addi %mul3A_2, %mul3A_241 : i32
          %dma_start3A_243 = tpu.memref_slice %arg8[%add3A_242] : memref<320000xi32, #tpu.memory_space<hbm>> -> memref<40xi32, #tpu.memory_space<hbm>>
          %dma_start3A_244 = tpu.memref_slice %arg8[%add3A_242] : memref<320000xi32, #tpu.memory_space<hbm>> -> memref<40xi32, #tpu.memory_space<hbm>>
          tpu.enqueue_dma source(%dma_start3A_244 : memref<40xi32, #tpu.memory_space<hbm>>) target(%arg22 : memref<40xi32, #tpu.memory_space<vmem>>) target_semaphore(%arg42 : memref<!tpu.dma_semaphore, #tpu.memory_space<semaphore_mem>>)
          %dma_start3A_245 = tpu.memref_slice %arg9[%add3A_242] : memref<320000xi32, #tpu.memory_space<hbm>> -> memref<40xi32, #tpu.memory_space<hbm>>
          %dma_start3A_246 = tpu.memref_slice %arg9[%add3A_242] : memref<320000xi32, #tpu.memory_space<hbm>> -> memref<40xi32, #tpu.memory_space<hbm>>
          tpu.enqueue_dma source(%dma_start3A_246 : memref<40xi32, #tpu.memory_space<hbm>>) target(%arg23 : memref<40xi32, #tpu.memory_space<vmem>>) target_semaphore(%arg42 : memref<!tpu.dma_semaphore, #tpu.memory_space<semaphore_mem>>)
        } else {
        }
        %add3A_230 = arith.constant 2 : i32
        %add3A_231 = arith.addi %add3A_203, %add3A_230 : i32
        %lt3A_232 = arith.constant 500 : i32
        %lt3A_233 = arith.cmpi slt, %add3A_231, %lt3A_232 : i32
        %convert_element_type3A_234 = arith.extui %lt3A_233 : i1 to i32
        %cond3A_235 = arith.constant 0 : i32
        %cond3A_236 = arith.cmpi ne, %convert_element_type3A_234, %cond3A_235 : i32
        scf.if %cond3A_236 {
          %dma_wait3A_238 = arith.constant 0 : i32
          %dma_wait3A_239 = tpu.memref_slice %arg8[%dma_wait3A_238] : memref<320000xi32, #tpu.memory_space<hbm>> -> memref<40xi32, #tpu.memory_space<hbm>>
          %dma_wait3A_240 = arith.constant 0 : i32
          %dma_wait3A_241 = tpu.memref_slice %arg8[%dma_wait3A_240] : memref<320000xi32, #tpu.memory_space<hbm>> -> memref<40xi32, #tpu.memory_space<hbm>>
          tpu.wait_dma2 semaphore(%arg40 : memref<!tpu.dma_semaphore, #tpu.memory_space<semaphore_mem>>) src(%dma_wait3A_241 : memref<40xi32, #tpu.memory_space<hbm>>) dst(%arg18 : memref<40xi32, #tpu.memory_space<vmem>>)
          %dma_wait3A_242 = arith.constant 0 : i32
          %dma_wait3A_243 = tpu.memref_slice %arg9[%dma_wait3A_242] : memref<320000xi32, #tpu.memory_space<hbm>> -> memref<40xi32, #tpu.memory_space<hbm>>
          %dma_wait3A_244 = arith.constant 0 : i32
          %dma_wait3A_245 = tpu.memref_slice %arg9[%dma_wait3A_244] : memref<320000xi32, #tpu.memory_space<hbm>> -> memref<40xi32, #tpu.memory_space<hbm>>
          tpu.wait_dma2 semaphore(%arg40 : memref<!tpu.dma_semaphore, #tpu.memory_space<semaphore_mem>>) src(%dma_wait3A_245 : memref<40xi32, #tpu.memory_space<hbm>>) dst(%arg19 : memref<40xi32, #tpu.memory_space<vmem>>)
          %add3A_246 = arith.constant 2 : i32
          %add3A_247 = arith.addi %add3A_203, %add3A_246 : i32
          %dma_start3A_248 = arith.constant 0 : i32
          %dma_start3A_249 = arith.constant 0 : i32
          %dma_start3A_250 = tpu.memref_slice %arg3[%dma_start3A_248, %dma_start3A_249] : memref<10000x128xf32, #tpu.memory_space<hbm>> -> memref<10000x128xf32, #tpu.memory_space<hbm>>
          tpu.enqueue_indirect_dma source(%dma_start3A_250 : memref<10000x128xf32, #tpu.memory_space<hbm>>) target(%arg27 : memref<40x128xf32, #tpu.memory_space<vmem>>) offsets(%arg18 : memref<40xi32, #tpu.memory_space<vmem>>) semaphore(%arg36 : memref<!tpu.dma_semaphore, #tpu.memory_space<semaphore_mem>>)
          %dma_start3A_251 = arith.constant 0 : i32
          %dma_start3A_252 = arith.constant 0 : i32
          %dma_start3A_253 = tpu.memref_slice %arg5[%dma_start3A_251, %dma_start3A_252] : memref<10000x128xf32, #tpu.memory_space<hbm>> -> memref<10000x128xf32, #tpu.memory_space<hbm>>
          tpu.enqueue_indirect_dma source(%dma_start3A_253 : memref<10000x128xf32, #tpu.memory_space<hbm>>) target(%arg28 : memref<40x128xf32, #tpu.memory_space<vmem>>) offsets(%arg19 : memref<40xi32, #tpu.memory_space<vmem>>) semaphore(%arg37 : memref<!tpu.dma_semaphore, #tpu.memory_space<semaphore_mem>>)
          %mul3A_254 = arith.constant 40 : i32
          %mul3A_255 = arith.muli %add3A_247, %mul3A_254 : i32
          %add3A_256 = arith.addi %mul3A_2, %mul3A_255 : i32
          %dma_start3A_257 = arith.constant 0 : i32
          %dma_start3A_258 = tpu.memref_slice %arg7[%add3A_256, %dma_start3A_257] : memref<320000x128xf32, #tpu.memory_space<hbm>> -> memref<40x128xf32, #tpu.memory_space<hbm>>
          %dma_start3A_259 = arith.constant 0 : i32
          %dma_start3A_260 = tpu.memref_slice %arg7[%add3A_256, %dma_start3A_259] : memref<320000x128xf32, #tpu.memory_space<hbm>> -> memref<40x128xf32, #tpu.memory_space<hbm>>
          tpu.enqueue_dma source(%dma_start3A_260 : memref<40x128xf32, #tpu.memory_space<hbm>>) target(%arg29 : memref<40x128xf32, #tpu.memory_space<vmem>>) target_semaphore(%arg38 : memref<!tpu.dma_semaphore, #tpu.memory_space<semaphore_mem>>)
        } else {
        }
        %scan3A_237 = arith.constant 0 : i32
        scf.yield %scan3A_237 : i32
      }
      %scan3A_87 = arith.constant 125 : i32
    } else {
    }
    %barrier3A_10 = arith.constant 0 : index
    tpu.barrier barrier_id(%barrier3A_10)
    %eq3A_11 = arith.constant 0 : i32
    %eq3A_12 = arith.cmpi eq, %arg0, %eq3A_11 : i32
    %convert_element_type3A_13 = arith.extui %eq3A_12 : i1 to i32
    %cond3A_14 = arith.constant 0 : i32
    %cond3A_15 = arith.cmpi ne, %convert_element_type3A_13, %cond3A_14 : i32
    scf.if %cond3A_15 {
      "tpu.region"() ({
        %run_scoped3A = tpu.sem_alloc : memref<!tpu.dma_semaphore, #tpu.memory_space<semaphore_mem>>
        %dma_start3A = arith.constant 0 : i32
        %dma_start3A_21 = tpu.memref_slice %arg13[%mul3A_0, %dma_start3A] : memref<10240x128xf32, #tpu.memory_space<hbm>> -> memref<640x128xf32, #tpu.memory_space<hbm>>
        %dma_start3A_22 = arith.constant 0 : i32
        %dma_start3A_23 = tpu.memref_slice %arg31[%mul3A_0, %dma_start3A_22] : memref<10240x128xf32, #tpu.memory_space<vmem_shared>> -> memref<640x128xf32, #tpu.memory_space<vmem_shared>>
        tpu.enqueue_dma source(%dma_start3A_23 : memref<640x128xf32, #tpu.memory_space<vmem_shared>>) target(%dma_start3A_21 : memref<640x128xf32, #tpu.memory_space<hbm>>) target_semaphore(%run_scoped3A : memref<!tpu.dma_semaphore, #tpu.memory_space<semaphore_mem>>)
        %dma_wait3A = arith.constant 0 : i32
        %dma_wait3A_24 = tpu.memref_slice %arg13[%mul3A_0, %dma_wait3A] : memref<10240x128xf32, #tpu.memory_space<hbm>> -> memref<640x128xf32, #tpu.memory_space<hbm>>
        %dma_wait3A_25 = arith.constant 0 : i32
        %dma_wait3A_26 = tpu.memref_slice %arg31[%mul3A_0, %dma_wait3A_25] : memref<10240x128xf32, #tpu.memory_space<vmem_shared>> -> memref<640x128xf32, #tpu.memory_space<vmem_shared>>
        tpu.wait_dma2 semaphore(%run_scoped3A : memref<!tpu.dma_semaphore, #tpu.memory_space<semaphore_mem>>) src(%dma_wait3A_26 : memref<640x128xf32, #tpu.memory_space<vmem_shared>>) dst(%dma_wait3A_24 : memref<640x128xf32, #tpu.memory_space<hbm>>)
        tpu.yield
      }) : () -> ()
      "tpu.region"() ({
        %run_scoped3A = tpu.sem_alloc : memref<!tpu.dma_semaphore, #tpu.memory_space<semaphore_mem>>
        %dma_start3A = arith.constant 0 : i32
        %dma_start3A_21 = tpu.memref_slice %arg15[%mul3A_0, %dma_start3A] : memref<10240x8xf32, #tpu.memory_space<hbm>> -> memref<640x8xf32, #tpu.memory_space<hbm>>
        %dma_start3A_22 = arith.constant 0 : i32
        %dma_start3A_23 = tpu.memref_slice %arg32[%mul3A_0, %dma_start3A_22] : memref<10240x8xf32, #tpu.memory_space<vmem_shared>> -> memref<640x8xf32, #tpu.memory_space<vmem_shared>>
        tpu.enqueue_dma source(%dma_start3A_23 : memref<640x8xf32, #tpu.memory_space<vmem_shared>>) target(%dma_start3A_21 : memref<640x8xf32, #tpu.memory_space<hbm>>) target_semaphore(%run_scoped3A : memref<!tpu.dma_semaphore, #tpu.memory_space<semaphore_mem>>)
        %dma_wait3A = arith.constant 0 : i32
        %dma_wait3A_24 = tpu.memref_slice %arg15[%mul3A_0, %dma_wait3A] : memref<10240x8xf32, #tpu.memory_space<hbm>> -> memref<640x8xf32, #tpu.memory_space<hbm>>
        %dma_wait3A_25 = arith.constant 0 : i32
        %dma_wait3A_26 = tpu.memref_slice %arg32[%mul3A_0, %dma_wait3A_25] : memref<10240x8xf32, #tpu.memory_space<vmem_shared>> -> memref<640x8xf32, #tpu.memory_space<vmem_shared>>
        tpu.wait_dma2 semaphore(%run_scoped3A : memref<!tpu.dma_semaphore, #tpu.memory_space<semaphore_mem>>) src(%dma_wait3A_26 : memref<640x8xf32, #tpu.memory_space<vmem_shared>>) dst(%dma_wait3A_24 : memref<640x8xf32, #tpu.memory_space<hbm>>)
        tpu.yield
      }) : () -> ()
    } else {
    }
    %eq3A_16 = arith.constant 1 : i32
    %eq3A_17 = arith.cmpi eq, %arg0, %eq3A_16 : i32
    %convert_element_type3A_18 = arith.extui %eq3A_17 : i1 to i32
    %cond3A_19 = arith.constant 0 : i32
    %cond3A_20 = arith.cmpi ne, %convert_element_type3A_18, %cond3A_19 : i32
    scf.if %cond3A_20 {
      "tpu.region"() ({
        %run_scoped3A = tpu.sem_alloc : memref<!tpu.dma_semaphore, #tpu.memory_space<semaphore_mem>>
        %dma_start3A = arith.constant 0 : i32
        %dma_start3A_21 = tpu.memref_slice %arg14[%mul3A_0, %dma_start3A] : memref<10240x128xf32, #tpu.memory_space<hbm>> -> memref<640x128xf32, #tpu.memory_space<hbm>>
        %dma_start3A_22 = arith.constant 0 : i32
        %dma_start3A_23 = tpu.memref_slice %arg31[%mul3A_0, %dma_start3A_22] : memref<10240x128xf32, #tpu.memory_space<vmem_shared>> -> memref<640x128xf32, #tpu.memory_space<vmem_shared>>
        tpu.enqueue_dma source(%dma_start3A_23 : memref<640x128xf32, #tpu.memory_space<vmem_shared>>) target(%dma_start3A_21 : memref<640x128xf32, #tpu.memory_space<hbm>>) target_semaphore(%run_scoped3A : memref<!tpu.dma_semaphore, #tpu.memory_space<semaphore_mem>>)
        %dma_wait3A = arith.constant 0 : i32
        %dma_wait3A_24 = tpu.memref_slice %arg14[%mul3A_0, %dma_wait3A] : memref<10240x128xf32, #tpu.memory_space<hbm>> -> memref<640x128xf32, #tpu.memory_space<hbm>>
        %dma_wait3A_25 = arith.constant 0 : i32
        %dma_wait3A_26 = tpu.memref_slice %arg31[%mul3A_0, %dma_wait3A_25] : memref<10240x128xf32, #tpu.memory_space<vmem_shared>> -> memref<640x128xf32, #tpu.memory_space<vmem_shared>>
        tpu.wait_dma2 semaphore(%run_scoped3A : memref<!tpu.dma_semaphore, #tpu.memory_space<semaphore_mem>>) src(%dma_wait3A_26 : memref<640x128xf32, #tpu.memory_space<vmem_shared>>) dst(%dma_wait3A_24 : memref<640x128xf32, #tpu.memory_space<hbm>>)
        tpu.yield
      }) : () -> ()
    } else {
    }
    return
  }
}

module attributes {stable_mosaic.version = 14 : i64} {
  func.func @_node_body(%arg0: i32, %arg1: memref<2000x29xf32, #tpu.memory_space<vmem>>, %arg2: memref<2000x9xf32, #tpu.memory_space<vmem>>, %arg3: memref<29x256xf32, #tpu.memory_space<vmem>>, %arg4: memref<1x256xf32, #tpu.memory_space<vmem>>, %arg5: memref<9x48xf32, #tpu.memory_space<vmem>>, %arg6: memref<1x48xf32, #tpu.memory_space<vmem>>, %arg7: memref<256x256xf32, #tpu.memory_space<vmem>>, %arg8: memref<256x256xf32, #tpu.memory_space<vmem>>, %arg9: memref<16x256xf32, #tpu.memory_space<vmem>>, %arg10: memref<1x256xf32, #tpu.memory_space<vmem>>, %arg11: memref<2000x256xf32, #tpu.memory_space<vmem>>, %arg12: memref<2000x16xf32, #tpu.memory_space<vmem>>, %arg13: memref<2000x128xf32, #tpu.memory_space<vmem>>, %arg14: memref<2000x128xf32, #tpu.memory_space<vmem>>, %arg15: memref<2000x128xf32, #tpu.memory_space<vmem>>, %arg16: memref<2000x128xf32, #tpu.memory_space<vmem>>) attributes {dimension_semantics = [#tpu.dimension_semantics<arbitrary>], iteration_bounds = array<i64: 5>, scalar_prefetch = 0 : i64, scratch_operands = 0 : i64, tpu.core_type = #tpu.core_type<tc>, window_params = [{transform_indices = @transform_0, window_bounds = array<i64: 2000, 29>}, {transform_indices = @transform_1, window_bounds = array<i64: 2000, 9>}, {pipeline_mode = #tpu.pipeline_mode<synchronous>, transform_indices = @transform_2, window_bounds = array<i64: 29, 256>}, {pipeline_mode = #tpu.pipeline_mode<synchronous>, transform_indices = @transform_3, window_bounds = array<i64: 1, 256>}, {pipeline_mode = #tpu.pipeline_mode<synchronous>, transform_indices = @transform_4, window_bounds = array<i64: 9, 48>}, {pipeline_mode = #tpu.pipeline_mode<synchronous>, transform_indices = @transform_5, window_bounds = array<i64: 1, 48>}, {pipeline_mode = #tpu.pipeline_mode<synchronous>, transform_indices = @transform_6, window_bounds = array<i64: 256, 256>}, {pipeline_mode = #tpu.pipeline_mode<synchronous>, transform_indices = @transform_7, window_bounds = array<i64: 256, 256>}, {pipeline_mode = #tpu.pipeline_mode<synchronous>, transform_indices = @transform_8, window_bounds = array<i64: 16, 256>}, {pipeline_mode = #tpu.pipeline_mode<synchronous>, transform_indices = @transform_9, window_bounds = array<i64: 1, 256>}, {transform_indices = @transform_10, window_bounds = array<i64: 2000, 256>}, {transform_indices = @transform_11, window_bounds = array<i64: 2000, 16>}, {transform_indices = @transform_12, window_bounds = array<i64: 2000, 128>}, {transform_indices = @transform_13, window_bounds = array<i64: 2000, 128>}, {transform_indices = @transform_14, window_bounds = array<i64: 2000, 128>}, {transform_indices = @transform_15, window_bounds = array<i64: 2000, 128>}]} {
    %get3A = arith.constant 0 : index
    %get3A_0 = arith.constant 0 : index
    %get3A_1 = vector.load %arg1[%get3A, %get3A_0] : memref<2000x29xf32, #tpu.memory_space<vmem>>, vector<2000x29xf32>
    %get3A_2 = arith.constant 0 : index
    %get3A_3 = arith.constant 0 : index
    %get3A_4 = vector.load %arg3[%get3A_2, %get3A_3] : memref<29x256xf32, #tpu.memory_space<vmem>>, vector<29x256xf32>
    %dot_general3A = arith.constant dense<0.000000e+00> : vector<2000x256xf32>
    %dot_general3A_5 = tpu.matmul %get3A_1, %get3A_4, %dot_general3A {dimension_numbers = #tpu.dot_dimension_numbers<[1], [0], [0], [1], [0, 0, 1, 1], [], []>, transpose_lhs_hint = false} : vector<2000x29xf32>, vector<29x256xf32>, vector<2000x256xf32> -> vector<2000x256xf32>
    %get3A_6 = arith.constant 0 : index
    %get3A_7 = arith.constant 0 : index
    %get3A_8 = vector.load %arg4[%get3A_6, %get3A_7] : memref<1x256xf32, #tpu.memory_space<vmem>>, vector<1x256xf32>
    %add3A = vector.broadcast %get3A_8 : vector<1x256xf32> to vector<2000x256xf32>
    %add3A_9 = arith.addf %dot_general3A_5, %add3A : vector<2000x256xf32>
    %get3A_10 = arith.constant 0 : index
    %get3A_11 = arith.constant 0 : index
    %get3A_12 = vector.load %arg2[%get3A_10, %get3A_11] : memref<2000x9xf32, #tpu.memory_space<vmem>>, vector<2000x9xf32>
    %get3A_13 = arith.constant 0 : index
    %get3A_14 = arith.constant 0 : index
    %get3A_15 = vector.load %arg5[%get3A_13, %get3A_14] : memref<9x48xf32, #tpu.memory_space<vmem>>, vector<9x48xf32>
    %dot_general3A_16 = arith.constant dense<0.000000e+00> : vector<2000x48xf32>
    %dot_general3A_17 = tpu.matmul %get3A_12, %get3A_15, %dot_general3A_16 {dimension_numbers = #tpu.dot_dimension_numbers<[1], [0], [0], [1], [0, 0, 1, 1], [], []>, transpose_lhs_hint = false} : vector<2000x9xf32>, vector<9x48xf32>, vector<2000x48xf32> -> vector<2000x48xf32>
    %get3A_18 = arith.constant 0 : index
    %get3A_19 = arith.constant 0 : index
    %get3A_20 = vector.load %arg6[%get3A_18, %get3A_19] : memref<1x48xf32, #tpu.memory_space<vmem>>, vector<1x48xf32>
    %add3A_21 = vector.broadcast %get3A_20 : vector<1x48xf32> to vector<2000x48xf32>
    %add3A_22 = arith.addf %dot_general3A_17, %add3A_21 : vector<2000x48xf32>
    %slice3A = vector.extract_strided_slice %add3A_22 {offsets = [0, 0], sizes = [2000, 16], strides = [1, 1]} : vector<2000x48xf32> to vector<2000x16xf32>
    %integer_pow3A = arith.mulf %slice3A, %slice3A : vector<2000x16xf32>
    %slice3A_23 = vector.extract_strided_slice %add3A_22 {offsets = [0, 16], sizes = [2000, 16], strides = [1, 1]} : vector<2000x48xf32> to vector<2000x16xf32>
    %integer_pow3A_24 = arith.mulf %slice3A_23, %slice3A_23 : vector<2000x16xf32>
    %add3A_25 = arith.addf %integer_pow3A, %integer_pow3A_24 : vector<2000x16xf32>
    %slice3A_26 = vector.extract_strided_slice %add3A_22 {offsets = [0, 32], sizes = [2000, 16], strides = [1, 1]} : vector<2000x48xf32> to vector<2000x16xf32>
    %integer_pow3A_27 = arith.mulf %slice3A_26, %slice3A_26 : vector<2000x16xf32>
    %add3A_28 = arith.addf %add3A_25, %integer_pow3A_27 : vector<2000x16xf32>
    %sqrt3A = math.sqrt %add3A_28 : vector<2000x16xf32>
    %get3A_29 = arith.constant 0 : index
    %get3A_30 = arith.constant 0 : index
    %get3A_31 = vector.load %arg7[%get3A_29, %get3A_30] : memref<256x256xf32, #tpu.memory_space<vmem>>, vector<256x256xf32>
    %dot_general3A_32 = arith.constant dense<0.000000e+00> : vector<2000x256xf32>
    %dot_general3A_33 = tpu.matmul %add3A_9, %get3A_31, %dot_general3A_32 {dimension_numbers = #tpu.dot_dimension_numbers<[1], [0], [0], [1], [0, 0, 1, 1], [], []>, transpose_lhs_hint = false} : vector<2000x256xf32>, vector<256x256xf32>, vector<2000x256xf32> -> vector<2000x256xf32>
    %get3A_34 = arith.constant 0 : index
    %get3A_35 = arith.constant 0 : index
    %get3A_36 = vector.load %arg10[%get3A_34, %get3A_35] : memref<1x256xf32, #tpu.memory_space<vmem>>, vector<1x256xf32>
    %add3A_37 = vector.broadcast %get3A_36 : vector<1x256xf32> to vector<2000x256xf32>
    %add3A_38 = arith.addf %dot_general3A_33, %add3A_37 : vector<2000x256xf32>
    %get3A_39 = arith.constant 0 : index
    %get3A_40 = arith.constant 0 : index
    %get3A_41 = vector.load %arg8[%get3A_39, %get3A_40] : memref<256x256xf32, #tpu.memory_space<vmem>>, vector<256x256xf32>
    %dot_general3A_42 = arith.constant dense<0.000000e+00> : vector<2000x256xf32>
    %dot_general3A_43 = tpu.matmul %add3A_9, %get3A_41, %dot_general3A_42 {dimension_numbers = #tpu.dot_dimension_numbers<[1], [0], [0], [1], [0, 0, 1, 1], [], []>, transpose_lhs_hint = false} : vector<2000x256xf32>, vector<256x256xf32>, vector<2000x256xf32> -> vector<2000x256xf32>
    %get3A_44 = arith.constant 0 : index
    %get3A_45 = arith.constant 0 : index
    %get3A_46 = vector.load %arg9[%get3A_44, %get3A_45] : memref<16x256xf32, #tpu.memory_space<vmem>>, vector<16x256xf32>
    %dot_general3A_47 = arith.constant dense<0.000000e+00> : vector<2000x256xf32>
    %dot_general3A_48 = tpu.matmul %sqrt3A, %get3A_46, %dot_general3A_47 {dimension_numbers = #tpu.dot_dimension_numbers<[1], [0], [0], [1], [0, 0, 1, 1], [], []>, transpose_lhs_hint = false} : vector<2000x16xf32>, vector<16x256xf32>, vector<2000x256xf32> -> vector<2000x256xf32>
    %add3A_49 = arith.addf %dot_general3A_43, %dot_general3A_48 : vector<2000x256xf32>
    %swap3A = arith.constant 0 : index
    %swap3A_50 = arith.constant 0 : index
    %swap3A_51 = vector.load %arg11[%swap3A, %swap3A_50] : memref<2000x256xf32, #tpu.memory_space<vmem>>, vector<2000x256xf32>
    tpu.vector_store %arg11[%swap3A, %swap3A_50], %add3A_9 {strides = array<i32>} : memref<2000x256xf32, #tpu.memory_space<vmem>>, vector<2000x256xf32>,
    %swap3A_52 = arith.constant 0 : index
    %swap3A_53 = arith.constant 0 : index
    %swap3A_54 = vector.load %arg12[%swap3A_52, %swap3A_53] : memref<2000x16xf32, #tpu.memory_space<vmem>>, vector<2000x16xf32>
    tpu.vector_store %arg12[%swap3A_52, %swap3A_53], %sqrt3A {strides = array<i32>} : memref<2000x16xf32, #tpu.memory_space<vmem>>, vector<2000x16xf32>,
    %slice3A_55 = vector.extract_strided_slice %add3A_38 {offsets = [0, 0], sizes = [2000, 128], strides = [1, 1]} : vector<2000x256xf32> to vector<2000x128xf32>
    %swap3A_56 = arith.constant 0 : index
    %swap3A_57 = arith.constant 0 : index
    %swap3A_58 = vector.load %arg13[%swap3A_56, %swap3A_57] : memref<2000x128xf32, #tpu.memory_space<vmem>>, vector<2000x128xf32>
    tpu.vector_store %arg13[%swap3A_56, %swap3A_57], %slice3A_55 {strides = array<i32>} : memref<2000x128xf32, #tpu.memory_space<vmem>>, vector<2000x128xf32>,
    %slice3A_59 = vector.extract_strided_slice %add3A_38 {offsets = [0, 128], sizes = [2000, 128], strides = [1, 1]} : vector<2000x256xf32> to vector<2000x128xf32>
    %swap3A_60 = arith.constant 0 : index
    %swap3A_61 = arith.constant 0 : index
    %swap3A_62 = vector.load %arg14[%swap3A_60, %swap3A_61] : memref<2000x128xf32, #tpu.memory_space<vmem>>, vector<2000x128xf32>
    tpu.vector_store %arg14[%swap3A_60, %swap3A_61], %slice3A_59 {strides = array<i32>} : memref<2000x128xf32, #tpu.memory_space<vmem>>, vector<2000x128xf32>,
    %slice3A_63 = vector.extract_strided_slice %add3A_49 {offsets = [0, 0], sizes = [2000, 128], strides = [1, 1]} : vector<2000x256xf32> to vector<2000x128xf32>
    %swap3A_64 = arith.constant 0 : index
    %swap3A_65 = arith.constant 0 : index
    %swap3A_66 = vector.load %arg15[%swap3A_64, %swap3A_65] : memref<2000x128xf32, #tpu.memory_space<vmem>>, vector<2000x128xf32>
    tpu.vector_store %arg15[%swap3A_64, %swap3A_65], %slice3A_63 {strides = array<i32>} : memref<2000x128xf32, #tpu.memory_space<vmem>>, vector<2000x128xf32>,
    %slice3A_67 = vector.extract_strided_slice %add3A_49 {offsets = [0, 128], sizes = [2000, 128], strides = [1, 1]} : vector<2000x256xf32> to vector<2000x128xf32>
    %swap3A_68 = arith.constant 0 : index
    %swap3A_69 = arith.constant 0 : index
    %swap3A_70 = vector.load %arg16[%swap3A_68, %swap3A_69] : memref<2000x128xf32, #tpu.memory_space<vmem>>, vector<2000x128xf32>
    tpu.vector_store %arg16[%swap3A_68, %swap3A_69], %slice3A_67 {strides = array<i32>} : memref<2000x128xf32, #tpu.memory_space<vmem>>, vector<2000x128xf32>,
    return
  }
  func.func @transform_0(%arg0: i32) -> (i32, i32) {
    %c0_i32 = arith.constant 0 : i32
    %c0_i32_0 = arith.constant 0 : i32
    return %arg0, %c0_i32 : i32, i32
  }
  func.func @transform_1(%arg0: i32) -> (i32, i32) {
    %c0_i32 = arith.constant 0 : i32
    %c0_i32_0 = arith.constant 0 : i32
    return %arg0, %c0_i32 : i32, i32
  }
  func.func @transform_2(%arg0: i32) -> (i32, i32) {
    %c0_i32 = arith.constant 0 : i32
    %c0_i32_0 = arith.constant 0 : i32
    %c0_i32_1 = arith.constant 0 : i32
    return %c0_i32, %c0_i32_0 : i32, i32
  }
  func.func @transform_3(%arg0: i32) -> (i32, i32) {
    %c0_i32 = arith.constant 0 : i32
    %c0_i32_0 = arith.constant 0 : i32
    %c0_i32_1 = arith.constant 0 : i32
    return %c0_i32, %c0_i32_0 : i32, i32
  }
  func.func @transform_4(%arg0: i32) -> (i32, i32) {
    %c0_i32 = arith.constant 0 : i32
    %c0_i32_0 = arith.constant 0 : i32
    %c0_i32_1 = arith.constant 0 : i32
    return %c0_i32, %c0_i32_0 : i32, i32
  }
  func.func @transform_5(%arg0: i32) -> (i32, i32) {
    %c0_i32 = arith.constant 0 : i32
    %c0_i32_0 = arith.constant 0 : i32
    %c0_i32_1 = arith.constant 0 : i32
    return %c0_i32, %c0_i32_0 : i32, i32
  }
  func.func @transform_6(%arg0: i32) -> (i32, i32) {
    %c0_i32 = arith.constant 0 : i32
    %c0_i32_0 = arith.constant 0 : i32
    %c0_i32_1 = arith.constant 0 : i32
    return %c0_i32, %c0_i32_0 : i32, i32
  }
  func.func @transform_7(%arg0: i32) -> (i32, i32) {
    %c0_i32 = arith.constant 0 : i32
    %c0_i32_0 = arith.constant 0 : i32
    %c0_i32_1 = arith.constant 0 : i32
    return %c0_i32, %c0_i32_0 : i32, i32
  }
  func.func @transform_8(%arg0: i32) -> (i32, i32) {
    %c0_i32 = arith.constant 0 : i32
    %c0_i32_0 = arith.constant 0 : i32
    %c0_i32_1 = arith.constant 0 : i32
    return %c0_i32, %c0_i32_0 : i32, i32
  }
  func.func @transform_9(%arg0: i32) -> (i32, i32) {
    %c0_i32 = arith.constant 0 : i32
    %c0_i32_0 = arith.constant 0 : i32
    %c0_i32_1 = arith.constant 0 : i32
    return %c0_i32, %c0_i32_0 : i32, i32
  }
  func.func @transform_10(%arg0: i32) -> (i32, i32) {
    %c0_i32 = arith.constant 0 : i32
    %c0_i32_0 = arith.constant 0 : i32
    return %arg0, %c0_i32 : i32, i32
  }
  func.func @transform_11(%arg0: i32) -> (i32, i32) {
    %c0_i32 = arith.constant 0 : i32
    %c0_i32_0 = arith.constant 0 : i32
    return %arg0, %c0_i32 : i32, i32
  }
  func.func @transform_12(%arg0: i32) -> (i32, i32) {
    %c0_i32 = arith.constant 0 : i32
    %c0_i32_0 = arith.constant 0 : i32
    return %arg0, %c0_i32 : i32, i32
  }
  func.func @transform_13(%arg0: i32) -> (i32, i32) {
    %c0_i32 = arith.constant 0 : i32
    %c0_i32_0 = arith.constant 0 : i32
    return %arg0, %c0_i32 : i32, i32
  }
  func.func @transform_14(%arg0: i32) -> (i32, i32) {
    %c0_i32 = arith.constant 0 : i32
    %c0_i32_0 = arith.constant 0 : i32
    return %arg0, %c0_i32 : i32, i32
  }
  func.func @transform_15(%arg0: i32) -> (i32, i32) {
    %c0_i32 = arith.constant 0 : i32
    %c0_i32_0 = arith.constant 0 : i32
    return %arg0, %c0_i32 : i32, i32
  }
}

module attributes {stable_mosaic.version = 14 : i64} {
  func.func @_edge_c_body(%arg0: i32, %arg1: memref<8000x5xf32, #tpu.memory_space<vmem>>, %arg2: memref<5x256xf32, #tpu.memory_space<vmem>>, %arg3: memref<8000x128xf32, #tpu.memory_space<vmem>>, %arg4: memref<8000x128xf32, #tpu.memory_space<vmem>>) attributes {dimension_semantics = [#tpu.dimension_semantics<arbitrary>], iteration_bounds = array<i64: 40>, scalar_prefetch = 0 : i64, scratch_operands = 0 : i64, tpu.core_type = #tpu.core_type<tc>, window_params = [{transform_indices = @transform_0, window_bounds = array<i64: 8000, 5>}, {pipeline_mode = #tpu.pipeline_mode<synchronous>, transform_indices = @transform_1, window_bounds = array<i64: 5, 256>}, {transform_indices = @transform_2, window_bounds = array<i64: 8000, 128>}, {transform_indices = @transform_3, window_bounds = array<i64: 8000, 128>}]} {
    %get3A = arith.constant 0 : index
    %get3A_0 = arith.constant 0 : index
    %get3A_1 = vector.load %arg1[%get3A, %get3A_0] : memref<8000x5xf32, #tpu.memory_space<vmem>>, vector<8000x5xf32>
    %get3A_2 = arith.constant 0 : index
    %get3A_3 = arith.constant 0 : index
    %get3A_4 = vector.load %arg2[%get3A_2, %get3A_3] : memref<5x256xf32, #tpu.memory_space<vmem>>, vector<5x256xf32>
    %dot_general3A = arith.constant dense<0.000000e+00> : vector<8000x256xf32>
    %dot_general3A_5 = tpu.matmul %get3A_1, %get3A_4, %dot_general3A {dimension_numbers = #tpu.dot_dimension_numbers<[1], [0], [0], [1], [0, 0, 1, 1], [], []>, transpose_lhs_hint = false} : vector<8000x5xf32>, vector<5x256xf32>, vector<8000x256xf32> -> vector<8000x256xf32>
    %slice3A = vector.extract_strided_slice %dot_general3A_5 {offsets = [0, 0], sizes = [8000, 128], strides = [1, 1]} : vector<8000x256xf32> to vector<8000x128xf32>
    %swap3A = arith.constant 0 : index
    %swap3A_6 = arith.constant 0 : index
    %swap3A_7 = vector.load %arg3[%swap3A, %swap3A_6] : memref<8000x128xf32, #tpu.memory_space<vmem>>, vector<8000x128xf32>
    tpu.vector_store %arg3[%swap3A, %swap3A_6], %slice3A {strides = array<i32>} : memref<8000x128xf32, #tpu.memory_space<vmem>>, vector<8000x128xf32>,
    %slice3A_8 = vector.extract_strided_slice %dot_general3A_5 {offsets = [0, 128], sizes = [8000, 128], strides = [1, 1]} : vector<8000x256xf32> to vector<8000x128xf32>
    %swap3A_9 = arith.constant 0 : index
    %swap3A_10 = arith.constant 0 : index
    %swap3A_11 = vector.load %arg4[%swap3A_9, %swap3A_10] : memref<8000x128xf32, #tpu.memory_space<vmem>>, vector<8000x128xf32>
    tpu.vector_store %arg4[%swap3A_9, %swap3A_10], %slice3A_8 {strides = array<i32>} : memref<8000x128xf32, #tpu.memory_space<vmem>>, vector<8000x128xf32>,
    return
  }
  func.func @transform_0(%arg0: i32) -> (i32, i32) {
    %c0_i32 = arith.constant 0 : i32
    %c0_i32_0 = arith.constant 0 : i32
    return %arg0, %c0_i32 : i32, i32
  }
  func.func @transform_1(%arg0: i32) -> (i32, i32) {
    %c0_i32 = arith.constant 0 : i32
    %c0_i32_0 = arith.constant 0 : i32
    %c0_i32_1 = arith.constant 0 : i32
    return %c0_i32, %c0_i32_0 : i32, i32
  }
  func.func @transform_2(%arg0: i32) -> (i32, i32) {
    %c0_i32 = arith.constant 0 : i32
    %c0_i32_0 = arith.constant 0 : i32
    return %arg0, %c0_i32 : i32, i32
  }
  func.func @transform_3(%arg0: i32) -> (i32, i32) {
    %c0_i32 = arith.constant 0 : i32
    %c0_i32_0 = arith.constant 0 : i32
    return %arg0, %c0_i32 : i32, i32
  }
}

module attributes {stable_mosaic.version = 14 : i64} {
  func.func @_post_body(%arg0: i32, %arg1: memref<2000x128xf32, #tpu.memory_space<vmem>>, %arg2: memref<2000x128xf32, #tpu.memory_space<vmem>>, %arg3: memref<2000x8xf32, #tpu.memory_space<vmem>>, %arg4: memref<2000x256xf32, #tpu.memory_space<vmem>>, %arg5: memref<2000x16xf32, #tpu.memory_space<vmem>>, %arg6: memref<2000x1xi32, #tpu.memory_space<vmem>>, %arg7: memref<128x256xf32, #tpu.memory_space<vmem>>, %arg8: memref<128x256xf32, #tpu.memory_space<vmem>>, %arg9: memref<1x256xf32, #tpu.memory_space<vmem>>, %arg10: memref<256x256xf32, #tpu.memory_space<vmem>>, %arg11: memref<16x256xf32, #tpu.memory_space<vmem>>, %arg12: memref<1x256xf32, #tpu.memory_space<vmem>>, %arg13: memref<1x256xf32, #tpu.memory_space<vmem>>, %arg14: memref<1x256xf32, #tpu.memory_space<vmem>>, %arg15: memref<16x256xf32, #tpu.memory_space<vmem>>, %arg16: memref<16x256xf32, #tpu.memory_space<vmem>>, %arg17: memref<16x16xf32, #tpu.memory_space<vmem>>, %arg18: memref<16x8xf32, #tpu.memory_space<vmem>>) attributes {dimension_semantics = [#tpu.dimension_semantics<arbitrary>], iteration_bounds = array<i64: 5>, scalar_prefetch = 0 : i64, scratch_operands = 3 : i64, tpu.core_type = #tpu.core_type<tc>, window_params = [{transform_indices = @transform_0, window_bounds = array<i64: 2000, 128>}, {transform_indices = @transform_1, window_bounds = array<i64: 2000, 128>}, {transform_indices = @transform_2, window_bounds = array<i64: 2000, 8>}, {transform_indices = @transform_3, window_bounds = array<i64: 2000, 256>}, {transform_indices = @transform_4, window_bounds = array<i64: 2000, 16>}, {transform_indices = @transform_5, window_bounds = array<i64: 2000, 1>}, {pipeline_mode = #tpu.pipeline_mode<synchronous>, transform_indices = @transform_6, window_bounds = array<i64: 128, 256>}, {pipeline_mode = #tpu.pipeline_mode<synchronous>, transform_indices = @transform_7, window_bounds = array<i64: 128, 256>}, {pipeline_mode = #tpu.pipeline_mode<synchronous>, transform_indices = @transform_8, window_bounds = array<i64: 1, 256>}, {pipeline_mode = #tpu.pipeline_mode<synchronous>, transform_indices = @transform_9, window_bounds = array<i64: 256, 256>}, {pipeline_mode = #tpu.pipeline_mode<synchronous>, transform_indices = @transform_10, window_bounds = array<i64: 16, 256>}, {pipeline_mode = #tpu.pipeline_mode<synchronous>, transform_indices = @transform_11, window_bounds = array<i64: 1, 256>}, {pipeline_mode = #tpu.pipeline_mode<synchronous>, transform_indices = @transform_12, window_bounds = array<i64: 1, 256>}, {pipeline_mode = #tpu.pipeline_mode<synchronous>, transform_indices = @transform_13, window_bounds = array<i64: 1, 256>}, {pipeline_mode = #tpu.pipeline_mode<synchronous>, transform_indices = @transform_14, window_bounds = array<i64: 16, 256>}]} {
    %eq3A = arith.constant 0 : i32
    %eq3A_0 = arith.cmpi eq, %arg0, %eq3A : i32
    %convert_element_type3A = arith.extui %eq3A_0 : i1 to i32
    %cond3A = arith.constant 0 : i32
    %cond3A_1 = arith.cmpi ne, %convert_element_type3A, %cond3A : i32
    scf.if %cond3A_1 {
      %broadcast_in_dim3A_74 = arith.constant 0.000000e+00 : f32
      %broadcast_in_dim3A_75 = vector.broadcast %broadcast_in_dim3A_74 : f32 to vector<16x256xf32>
      %swap3A_76 = arith.constant 0 : index
      %swap3A_77 = arith.constant 0 : index
      %swap3A_78 = vector.load %arg16[%swap3A_76, %swap3A_77] : memref<16x256xf32, #tpu.memory_space<vmem>>, vector<16x256xf32>
      tpu.vector_store %arg16[%swap3A_76, %swap3A_77], %broadcast_in_dim3A_75 {strides = array<i32>} : memref<16x256xf32, #tpu.memory_space<vmem>>, vector<16x256xf32>,
      %broadcast_in_dim3A_79 = arith.constant 0.000000e+00 : f32
      %broadcast_in_dim3A_80 = vector.broadcast %broadcast_in_dim3A_79 : f32 to vector<16x16xf32>
      %swap3A_81 = arith.constant 0 : index
      %swap3A_82 = arith.constant 0 : index
      %swap3A_83 = vector.load %arg17[%swap3A_81, %swap3A_82] : memref<16x16xf32, #tpu.memory_space<vmem>>, vector<16x16xf32>
      tpu.vector_store %arg17[%swap3A_81, %swap3A_82], %broadcast_in_dim3A_80 {strides = array<i32>} : memref<16x16xf32, #tpu.memory_space<vmem>>, vector<16x16xf32>,
      %broadcast_in_dim3A_84 = arith.constant 0.000000e+00 : f32
      %broadcast_in_dim3A_85 = vector.broadcast %broadcast_in_dim3A_84 : f32 to vector<16x8xf32>
      %swap3A_86 = arith.constant 0 : index
      %swap3A_87 = arith.constant 0 : index
      %swap3A_88 = vector.load %arg18[%swap3A_86, %swap3A_87] : memref<16x8xf32, #tpu.memory_space<vmem>>, vector<16x8xf32>
      tpu.vector_store %arg18[%swap3A_86, %swap3A_87], %broadcast_in_dim3A_85 {strides = array<i32>} : memref<16x8xf32, #tpu.memory_space<vmem>>, vector<16x8xf32>,
    } else {
    }
    %get3A = arith.constant 0 : index
    %get3A_2 = arith.constant 0 : index
    %get3A_3 = vector.load %arg1[%get3A, %get3A_2] : memref<2000x128xf32, #tpu.memory_space<vmem>>, vector<2000x128xf32>
    %get3A_4 = arith.constant 0 : index
    %get3A_5 = arith.constant 0 : index
    %get3A_6 = vector.load %arg7[%get3A_4, %get3A_5] : memref<128x256xf32, #tpu.memory_space<vmem>>, vector<128x256xf32>
    %dot_general3A = arith.constant dense<0.000000e+00> : vector<2000x256xf32>
    %dot_general3A_7 = tpu.matmul %get3A_3, %get3A_6, %dot_general3A {dimension_numbers = #tpu.dot_dimension_numbers<[1], [0], [0], [1], [0, 0, 1, 1], [], []>, transpose_lhs_hint = false} : vector<2000x128xf32>, vector<128x256xf32>, vector<2000x256xf32> -> vector<2000x256xf32>
    %get3A_8 = arith.constant 0 : index
    %get3A_9 = arith.constant 0 : index
    %get3A_10 = vector.load %arg2[%get3A_8, %get3A_9] : memref<2000x128xf32, #tpu.memory_space<vmem>>, vector<2000x128xf32>
    %get3A_11 = arith.constant 0 : index
    %get3A_12 = arith.constant 0 : index
    %get3A_13 = vector.load %arg8[%get3A_11, %get3A_12] : memref<128x256xf32, #tpu.memory_space<vmem>>, vector<128x256xf32>
    %dot_general3A_14 = arith.constant dense<0.000000e+00> : vector<2000x256xf32>
    %dot_general3A_15 = tpu.matmul %get3A_10, %get3A_13, %dot_general3A_14 {dimension_numbers = #tpu.dot_dimension_numbers<[1], [0], [0], [1], [0, 0, 1, 1], [], []>, transpose_lhs_hint = false} : vector<2000x128xf32>, vector<128x256xf32>, vector<2000x256xf32> -> vector<2000x256xf32>
    %add3A = arith.addf %dot_general3A_7, %dot_general3A_15 : vector<2000x256xf32>
    %get3A_16 = arith.constant 0 : index
    %get3A_17 = arith.constant 0 : index
    %get3A_18 = vector.load %arg3[%get3A_16, %get3A_17] : memref<2000x8xf32, #tpu.memory_space<vmem>>, vector<2000x8xf32>
    %slice3A = vector.extract_strided_slice %get3A_18 {offsets = [0, 0], sizes = [2000, 1], strides = [1, 1]} : vector<2000x8xf32> to vector<2000x1xf32>
    %get3A_19 = arith.constant 0 : index
    %get3A_20 = arith.constant 0 : index
    %get3A_21 = vector.load %arg9[%get3A_19, %get3A_20] : memref<1x256xf32, #tpu.memory_space<vmem>>, vector<1x256xf32>
    %mul3A = vector.broadcast %slice3A : vector<2000x1xf32> to vector<2000x256xf32>
    %mul3A_22 = vector.broadcast %get3A_21 : vector<1x256xf32> to vector<2000x256xf32>
    %mul3A_23 = arith.mulf %mul3A, %mul3A_22 : vector<2000x256xf32>
    %add3A_24 = arith.addf %add3A, %mul3A_23 : vector<2000x256xf32>
    %max3A = arith.constant 1.000000e+00 : f32
    %max3A_25 = vector.broadcast %max3A : f32 to vector<2000x1xf32>
    %max3A_26 = arith.maximumf %slice3A, %max3A_25 : vector<2000x1xf32>
    %div3A = vector.broadcast %max3A_26 : vector<2000x1xf32> to vector<2000x256xf32>
    %div3A_27 = arith.divf %add3A_24, %div3A : vector<2000x256xf32>
    %get3A_28 = arith.constant 0 : index
    %get3A_29 = arith.constant 0 : index
    %get3A_30 = vector.load %arg4[%get3A_28, %get3A_29] : memref<2000x256xf32, #tpu.memory_space<vmem>>, vector<2000x256xf32>
    %add3A_31 = arith.addf %get3A_30, %div3A_27 : vector<2000x256xf32>
    %get3A_32 = arith.constant 0 : index
    %get3A_33 = arith.constant 0 : index
    %get3A_34 = vector.load %arg6[%get3A_32, %get3A_33] : memref<2000x1xi32, #tpu.memory_space<vmem>>, vector<2000x1xi32>
    %iota3A = tpu.iota {dimensions = array<i32: 1>} : vector<2000x16xi32>
    %eq3A_35 = vector.broadcast %get3A_34 : vector<2000x1xi32> to vector<2000x16xi32>
    %eq3A_36 = arith.cmpi eq, %eq3A_35, %iota3A : vector<2000x16xi32>
    %convert_element_type3A_37 = arith.extui %eq3A_36 : vector<2000x16xi1> to vector<2000x16xi32>
    %convert_element_type3A_38 = arith.sitofp %convert_element_type3A_37 : vector<2000x16xi32> to vector<2000x16xf32>
    %get3A_39 = arith.constant 0 : index
    %get3A_40 = arith.constant 0 : index
    %get3A_41 = vector.load %arg16[%get3A_39, %get3A_40] : memref<16x256xf32, #tpu.memory_space<vmem>>, vector<16x256xf32>
    %dot_general3A_42 = arith.constant dense<0.000000e+00> : vector<16x256xf32>
    %dot_general3A_43 = tpu.matmul %convert_element_type3A_38, %add3A_31, %dot_general3A_42 {dimension_numbers = #tpu.dot_dimension_numbers<[0], [0], [1], [1], [0, 1, 1, 1], [], []>, transpose_lhs_hint = false} : vector<2000x16xf32>, vector<2000x256xf32>, vector<16x256xf32> -> vector<16x256xf32>
    %add3A_44 = arith.addf %get3A_41, %dot_general3A_43 : vector<16x256xf32>
    %swap3A = arith.constant 0 : index
    %swap3A_45 = arith.constant 0 : index
    %swap3A_46 = vector.load %arg16[%swap3A, %swap3A_45] : memref<16x256xf32, #tpu.memory_space<vmem>>, vector<16x256xf32>
    tpu.vector_store %arg16[%swap3A, %swap3A_45], %add3A_44 {strides = array<i32>} : memref<16x256xf32, #tpu.memory_space<vmem>>, vector<16x256xf32>,
    %get3A_47 = arith.constant 0 : index
    %get3A_48 = arith.constant 0 : index
    %get3A_49 = vector.load %arg17[%get3A_47, %get3A_48] : memref<16x16xf32, #tpu.memory_space<vmem>>, vector<16x16xf32>
    %get3A_50 = arith.constant 0 : index
    %get3A_51 = arith.constant 0 : index
    %get3A_52 = vector.load %arg5[%get3A_50, %get3A_51] : memref<2000x16xf32, #tpu.memory_space<vmem>>, vector<2000x16xf32>
    %dot_general3A_53 = arith.constant dense<0.000000e+00> : vector<16x16xf32>
    %dot_general3A_54 = tpu.matmul %convert_element_type3A_38, %get3A_52, %dot_general3A_53 {dimension_numbers = #tpu.dot_dimension_numbers<[0], [0], [1], [1], [0, 1, 1, 1], [], []>, transpose_lhs_hint = false} : vector<2000x16xf32>, vector<2000x16xf32>, vector<16x16xf32> -> vector<16x16xf32>
    %add3A_55 = arith.addf %get3A_49, %dot_general3A_54 : vector<16x16xf32>
    %swap3A_56 = arith.constant 0 : index
    %swap3A_57 = arith.constant 0 : index
    %swap3A_58 = vector.load %arg17[%swap3A_56, %swap3A_57] : memref<16x16xf32, #tpu.memory_space<vmem>>, vector<16x16xf32>
    tpu.vector_store %arg17[%swap3A_56, %swap3A_57], %add3A_55 {strides = array<i32>} : memref<16x16xf32, #tpu.memory_space<vmem>>, vector<16x16xf32>,
    %get3A_59 = arith.constant 0 : index
    %get3A_60 = arith.constant 0 : index
    %get3A_61 = vector.load %arg18[%get3A_59, %get3A_60] : memref<16x8xf32, #tpu.memory_space<vmem>>, vector<16x8xf32>
    %broadcast_in_dim3A = arith.constant 1.000000e+00 : f32
    %broadcast_in_dim3A_62 = vector.broadcast %broadcast_in_dim3A : f32 to vector<2000x8xf32>
    %dot_general3A_63 = arith.constant dense<0.000000e+00> : vector<16x8xf32>
    %dot_general3A_64 = tpu.matmul %convert_element_type3A_38, %broadcast_in_dim3A_62, %dot_general3A_63 {dimension_numbers = #tpu.dot_dimension_numbers<[0], [0], [1], [1], [0, 1, 1, 1], [], []>, transpose_lhs_hint = false} : vector<2000x16xf32>, vector<2000x8xf32>, vector<16x8xf32> -> vector<16x8xf32>
    %add3A_65 = arith.addf %get3A_61, %dot_general3A_64 : vector<16x8xf32>
    %swap3A_66 = arith.constant 0 : index
    %swap3A_67 = arith.constant 0 : index
    %swap3A_68 = vector.load %arg18[%swap3A_66, %swap3A_67] : memref<16x8xf32, #tpu.memory_space<vmem>>, vector<16x8xf32>
    tpu.vector_store %arg18[%swap3A_66, %swap3A_67], %add3A_65 {strides = array<i32>} : memref<16x8xf32, #tpu.memory_space<vmem>>, vector<16x8xf32>,
    %eq3A_69 = arith.constant 4 : i32
    %eq3A_70 = arith.cmpi eq, %arg0, %eq3A_69 : i32
    %convert_element_type3A_71 = arith.extui %eq3A_70 : i1 to i32
    %cond3A_72 = arith.constant 0 : i32
    %cond3A_73 = arith.cmpi ne, %convert_element_type3A_71, %cond3A_72 : i32
    scf.if %cond3A_73 {
      %get3A_74 = arith.constant 0 : index
      %get3A_75 = arith.constant 0 : index
      %get3A_76 = vector.load %arg18[%get3A_74, %get3A_75] : memref<16x8xf32, #tpu.memory_space<vmem>>, vector<16x8xf32>
      %slice3A_77 = vector.extract_strided_slice %get3A_76 {offsets = [0, 0], sizes = [16, 1], strides = [1, 1]} : vector<16x8xf32> to vector<16x1xf32>
      %max3A_78 = arith.constant 1.000000e+00 : f32
      %max3A_79 = vector.broadcast %max3A_78 : f32 to vector<16x1xf32>
      %max3A_80 = arith.maximumf %slice3A_77, %max3A_79 : vector<16x1xf32>
      %get3A_81 = arith.constant 0 : index
      %get3A_82 = arith.constant 0 : index
      %get3A_83 = vector.load %arg16[%get3A_81, %get3A_82] : memref<16x256xf32, #tpu.memory_space<vmem>>, vector<16x256xf32>
      %div3A_84 = vector.broadcast %max3A_80 : vector<16x1xf32> to vector<16x256xf32>
      %div3A_85 = arith.divf %get3A_83, %div3A_84 : vector<16x256xf32>
      %get3A_86 = arith.constant 0 : index
      %get3A_87 = arith.constant 0 : index
      %get3A_88 = vector.load %arg17[%get3A_86, %get3A_87] : memref<16x16xf32, #tpu.memory_space<vmem>>, vector<16x16xf32>
      %div3A_89 = vector.broadcast %max3A_80 : vector<16x1xf32> to vector<16x16xf32>
      %div3A_90 = arith.divf %get3A_88, %div3A_89 : vector<16x16xf32>
      %get3A_91 = arith.constant 0 : index
      %get3A_92 = arith.constant 0 : index
      %get3A_93 = vector.load %arg10[%get3A_91, %get3A_92] : memref<256x256xf32, #tpu.memory_space<vmem>>, vector<256x256xf32>
      %dot_general3A_94 = arith.constant dense<0.000000e+00> : vector<16x256xf32>
      %dot_general3A_95 = tpu.matmul %div3A_85, %get3A_93, %dot_general3A_94 {dimension_numbers = #tpu.dot_dimension_numbers<[1], [0], [0], [1], [0, 0, 1, 1], [], []>, transpose_lhs_hint = false} : vector<16x256xf32>, vector<256x256xf32>, vector<16x256xf32> -> vector<16x256xf32>
      %get3A_96 = arith.constant 0 : index
      %get3A_97 = arith.constant 0 : index
      %get3A_98 = vector.load %arg11[%get3A_96, %get3A_97] : memref<16x256xf32, #tpu.memory_space<vmem>>, vector<16x256xf32>
      %dot_general3A_99 = arith.constant dense<0.000000e+00> : vector<16x256xf32>
      %dot_general3A_100 = tpu.matmul %div3A_90, %get3A_98, %dot_general3A_99 {dimension_numbers = #tpu.dot_dimension_numbers<[1], [0], [0], [1], [0, 0, 1, 1], [], []>, transpose_lhs_hint = false} : vector<16x16xf32>, vector<16x256xf32>, vector<16x256xf32> -> vector<16x256xf32>
      %add3A_101 = arith.addf %dot_general3A_95, %dot_general3A_100 : vector<16x256xf32>
      %get3A_102 = arith.constant 0 : index
      %get3A_103 = arith.constant 0 : index
      %get3A_104 = vector.load %arg12[%get3A_102, %get3A_103] : memref<1x256xf32, #tpu.memory_space<vmem>>, vector<1x256xf32>
      %add3A_105 = vector.broadcast %get3A_104 : vector<1x256xf32> to vector<16x256xf32>
      %add3A_106 = arith.addf %add3A_101, %add3A_105 : vector<16x256xf32>
      %reduce_sum3A = arith.constant dense<0.000000e+00> : vector<16xf32>
      %reduce_sum3A_107 = vector.multi_reduction <add>, %add3A_106, %reduce_sum3A [1] : vector<16x256xf32> to vector<16xf32>
      %broadcast_in_dim3A_108 = vector.shape_cast %reduce_sum3A_107 : vector<16xf32> to vector<16x1xf32>
      %div3A_109 = arith.constant 2.560000e+02 : f32
      %div3A_110 = vector.broadcast %div3A_109 : f32 to vector<16x1xf32>
      %div3A_111 = arith.divf %broadcast_in_dim3A_108, %div3A_110 : vector<16x1xf32>
      %sub3A = vector.broadcast %div3A_111 : vector<16x1xf32> to vector<16x256xf32>
      %sub3A_112 = arith.subf %add3A_106, %sub3A : vector<16x256xf32>
      %mul3A_113 = arith.mulf %sub3A_112, %sub3A_112 : vector<16x256xf32>
      %reduce_sum3A_114 = arith.constant dense<0.000000e+00> : vector<16xf32>
      %reduce_sum3A_115 = vector.multi_reduction <add>, %mul3A_113, %reduce_sum3A_114 [1] : vector<16x256xf32> to vector<16xf32>
      %broadcast_in_dim3A_116 = vector.shape_cast %reduce_sum3A_115 : vector<16xf32> to vector<16x1xf32>
      %div3A_117 = arith.constant 2.560000e+02 : f32
      %div3A_118 = vector.broadcast %div3A_117 : f32 to vector<16x1xf32>
      %div3A_119 = arith.divf %broadcast_in_dim3A_116, %div3A_118 : vector<16x1xf32>
      %add3A_120 = arith.constant 9.99999974E-6 : f32
      %add3A_121 = vector.broadcast %add3A_120 : f32 to vector<16x1xf32>
      %add3A_122 = arith.addf %div3A_119, %add3A_121 : vector<16x1xf32>
      %rsqrt3A = math.rsqrt %add3A_122 : vector<16x1xf32>
      %mul3A_123 = vector.broadcast %rsqrt3A : vector<16x1xf32> to vector<16x256xf32>
      %mul3A_124 = arith.mulf %sub3A_112, %mul3A_123 : vector<16x256xf32>
      %get3A_125 = arith.constant 0 : index
      %get3A_126 = arith.constant 0 : index
      %get3A_127 = vector.load %arg13[%get3A_125, %get3A_126] : memref<1x256xf32, #tpu.memory_space<vmem>>, vector<1x256xf32>
      %mul3A_128 = vector.broadcast %get3A_127 : vector<1x256xf32> to vector<16x256xf32>
      %mul3A_129 = arith.mulf %mul3A_124, %mul3A_128 : vector<16x256xf32>
      %get3A_130 = arith.constant 0 : index
      %get3A_131 = arith.constant 0 : index
      %get3A_132 = vector.load %arg14[%get3A_130, %get3A_131] : memref<1x256xf32, #tpu.memory_space<vmem>>, vector<1x256xf32>
      %add3A_133 = vector.broadcast %get3A_132 : vector<1x256xf32> to vector<16x256xf32>
      %add3A_134 = arith.addf %mul3A_129, %add3A_133 : vector<16x256xf32>
      %max3A_135 = arith.constant 0.000000e+00 : f32
      %max3A_136 = vector.broadcast %max3A_135 : f32 to vector<16x256xf32>
      %max3A_137 = arith.maximumf %add3A_134, %max3A_136 : vector<16x256xf32>
      %swap3A_138 = arith.constant 0 : index
      %swap3A_139 = arith.constant 0 : index
      %swap3A_140 = vector.load %arg15[%swap3A_138, %swap3A_139] : memref<16x256xf32, #tpu.memory_space<vmem>>, vector<16x256xf32>
      tpu.vector_store %arg15[%swap3A_138, %swap3A_139], %max3A_137 {strides = array<i32>} : memref<16x256xf32, #tpu.memory_space<vmem>>, vector<16x256xf32>,
    } else {
    }
    return
  }
  func.func @transform_0(%arg0: i32) -> (i32, i32) {
    %c0_i32 = arith.constant 0 : i32
    %c0_i32_0 = arith.constant 0 : i32
    return %arg0, %c0_i32 : i32, i32
  }
  func.func @transform_1(%arg0: i32) -> (i32, i32) {
    %c0_i32 = arith.constant 0 : i32
    %c0_i32_0 = arith.constant 0 : i32
    return %arg0, %c0_i32 : i32, i32
  }
  func.func @transform_2(%arg0: i32) -> (i32, i32) {
    %c0_i32 = arith.constant 0 : i32
    %c0_i32_0 = arith.constant 0 : i32
    return %arg0, %c0_i32 : i32, i32
  }
  func.func @transform_3(%arg0: i32) -> (i32, i32) {
    %c0_i32 = arith.constant 0 : i32
    %c0_i32_0 = arith.constant 0 : i32
    return %arg0, %c0_i32 : i32, i32
  }
  func.func @transform_4(%arg0: i32) -> (i32, i32) {
    %c0_i32 = arith.constant 0 : i32
    %c0_i32_0 = arith.constant 0 : i32
    return %arg0, %c0_i32 : i32, i32
  }
  func.func @transform_5(%arg0: i32) -> (i32, i32) {
    %c0_i32 = arith.constant 0 : i32
    %c0_i32_0 = arith.constant 0 : i32
    return %arg0, %c0_i32 : i32, i32
  }
  func.func @transform_6(%arg0: i32) -> (i32, i32) {
    %c0_i32 = arith.constant 0 : i32
    %c0_i32_0 = arith.constant 0 : i32
    %c0_i32_1 = arith.constant 0 : i32
    return %c0_i32, %c0_i32_0 : i32, i32
  }
  func.func @transform_7(%arg0: i32) -> (i32, i32) {
    %c0_i32 = arith.constant 0 : i32
    %c0_i32_0 = arith.constant 0 : i32
    %c0_i32_1 = arith.constant 0 : i32
    return %c0_i32, %c0_i32_0 : i32, i32
  }
  func.func @transform_8(%arg0: i32) -> (i32, i32) {
    %c0_i32 = arith.constant 0 : i32
    %c0_i32_0 = arith.constant 0 : i32
    %c0_i32_1 = arith.constant 0 : i32
    return %c0_i32, %c0_i32_0 : i32, i32
  }
  func.func @transform_9(%arg0: i32) -> (i32, i32) {
    %c0_i32 = arith.constant 0 : i32
    %c0_i32_0 = arith.constant 0 : i32
    %c0_i32_1 = arith.constant 0 : i32
    return %c0_i32, %c0_i32_0 : i32, i32
  }
  func.func @transform_10(%arg0: i32) -> (i32, i32) {
    %c0_i32 = arith.constant 0 : i32
    %c0_i32_0 = arith.constant 0 : i32
    %c0_i32_1 = arith.constant 0 : i32
    return %c0_i32, %c0_i32_0 : i32, i32
  }
  func.func @transform_11(%arg0: i32) -> (i32, i32) {
    %c0_i32 = arith.constant 0 : i32
    %c0_i32_0 = arith.constant 0 : i32
    %c0_i32_1 = arith.constant 0 : i32
    return %c0_i32, %c0_i32_0 : i32, i32
  }
  func.func @transform_12(%arg0: i32) -> (i32, i32) {
    %c0_i32 = arith.constant 0 : i32
    %c0_i32_0 = arith.constant 0 : i32
    %c0_i32_1 = arith.constant 0 : i32
    return %c0_i32, %c0_i32_0 : i32, i32
  }
  func.func @transform_13(%arg0: i32) -> (i32, i32) {
    %c0_i32 = arith.constant 0 : i32
    %c0_i32_0 = arith.constant 0 : i32
    %c0_i32_1 = arith.constant 0 : i32
    return %c0_i32, %c0_i32_0 : i32, i32
  }
  func.func @transform_14(%arg0: i32) -> (i32, i32) {
    %c0_i32 = arith.constant 0 : i32
    %c0_i32_0 = arith.constant 0 : i32
    %c0_i32_1 = arith.constant 0 : i32
    return %c0_i32, %c0_i32_0 : i32, i32
  }
}

</mosaic_0001>

<sc_bundles>
// kernel: kernel.6.cloned.1.call-start
scs
__scs_entry_jumppad:
0x0: {  	(pc) =	sbr.rel $0x88, $3  }
0x1: {  	(tag) =	ssettag $0x0;
	lr =	simm.s32 $0x1  }
0x2: {  	[smem:$0x3F8E] =	sst lr;
	_ =	strace $0xD0000000  }
0x3: {  	_ = 	snop  }
0x4: {  	_ = 	snop  }
0x5: {  	_ = 	snop  }
0x6: {  	_ = 	snop  }
0x7: {  	_ = 	snop  }
__scs_overlays_trampoline_lowered:
0x8: {  	[smem:$0x3F9D] =	sst s0  }
0x9: {  	[smem:$0x3F9E] =	sst s1  }
0xa: {  	[smem:$0x3F9F] =	sst s2  }
0xb: {  	[smem:$0x3FA0] =	sst s3  }
0xc: {  	[smem:$0x3FA1] =	sst s4  }
0xd: {  	[smem:$0x3FA2] =	sst s5  }
0xe: {  	[smem:$0x3FA3] =	sst s6  }
0xf: {  	[smem:$0x3FA4] =	sst s7  }
0x10: {  	[smem:$0x3FA5] =	sst s8  }
0x11: {  	[smem:$0x3FA6] =	sst s9;
	s0 =	simm.s32 @!p0 $0x0  }
0x12: {  	s1 =	sld [smem:$0x3F8C];
	s0 =	simm.s32 @p0 $0x1  }
0x13: {  	[smem:$0x3FA7] =	sst s0;
	s0 =	simm.s32 @!p1 $0x0  }
0x14: {  	s2 =	sld [smem:$0x3F8B];
	s0 =	simm.s32 @p1 $0x1  }
0x15: {  	[smem:$0x3FA8] =	sst s0;
	s0 =	simm.s32 @!p2 $0x0  }
0x16: {  	s3 =	sld [smem:$0x3FDB];
	s0 =	simm.s32 @p2 $0x1  }
0x17: {  	s4 =	simm.s32 $0x1BF5;
	[smem:$0x3FAA] =	sst s0  }
0x18: {  	s0 =	sld [smem:$0x3F8D];
	_ =	swait.ge [sflag:s4], $0x0  }
0x19: {  	s7 =	sld [smem:$0x3F8E]  }
0x1a: {  	s8 =	sadd.s32 $0xFFFFE003, lr  }
0x1b: {  	s9 =	sadd.s32 $0xFFFFFEF7, lr;
	s5 =	simm.s32 $0xFFFFFFFF;
	p2 =	slt.u32 s8, $0xFFFFF086  }
0x1c: {  	p1 =	slt.u32 s9, $0xF7A;
	s5 =	simm.s32 @!p2 $0x0  }
0x1d: {  	s5 =	simm.s32 @p1 $0x1;
	p0 =	seq.s32 s7, s2  }
0x1e: {  	s7 =	smul.u32 @!p0 $0xF7A, s2;
	p2 =	seq.s32 @!p0 s5, $0x0  }
0x1f: {  	s9 =	smul.u32 $0xF7A, s1;
	s8 =	simm.s32 @!p0 $0x1BF5;
	p2 =	por !p2, p0  }
0x20: {  	[sflag:s8] =	ssyncset.s32 @!p0 $0xFFFFF086;
	s6 =	sadd.s32 @!p0 s3, s7;
	s7 =	simm.s32 @!p0 $0x108  }
0x21: {  	s3 =	sadd.s32 s3, s9;
	s6 =	sadd.s32 @!p0 $0x88, s6;
	s7 =	simm.s32 @p2 $0x1082  }
0x22: {  	[simem:s7], [sflag:s8] =	dma.local @!p0 [hbm:s6], $0xF7A  }
0x23: {  	s9 =	sor.u32 $0xD0000000, s2;
	s6 =	simm.s32 $0x108;
	_ =	swait.ge @!p0 [sflag:s8], $0x0  }
0x24: {  	s3 =	sadd.s32 $0x88, s3;
	s6 =	simm.s32 @!p1 $0x1082;
	[sflag:s4] =	ssyncset.s32 $0xFFFFF086  }
0x25: {  	[simem:s6], [sflag:s4] =	dma.local [hbm:s3], $0xF7A  }
0x26: {  	[smem:$0x3F8E] =	sst s1;
	(tag) =	ssettag s2;
	_ =	strace s9  }
0x27: {  	s1 =	sld [smem:$0x3F9E]  }
0x28: {  	s2 =	sld [smem:$0x3F9F]  }
0x29: {  	s4 =	sld [smem:$0x3FA1]  }
0x2a: {  	p0 =	seq.s32 s5, $0x0;
	s5 =	sld [smem:$0x3FA2]  }
0x2b: {  	s6 =	sld [smem:$0x3FA3]  }
0x2c: {  	s7 =	sld [smem:$0x3FA4]  }
0x2d: {  	s3 =	simm.s32 $0x108;
	s8 =	sld [smem:$0x3FA5]  }
0x2e: {  	s3 =	simm.s32 @!p0 $0x1082;
	s9 =	sld [smem:$0x3FA6]  }
0x2f: {  	lr =	sadd.s32 s0, s3;
	s0 =	sld [smem:$0x3F9D]  }
0x30: {  	s3 =	sld [smem:$0x3FA0]  }
0x31: {  	[smem:$0x3FA9] =	sst s10  }
0x32: {  	s10 =	sld [smem:$0x3FA7];
	_ =	sdelay $0x3  }
0x33: {  	p0 =	seq.s32 s10, $0x1;
	s10 =	sld [smem:$0x3FA9];
	_ =	sdelay $0x3  }
0x34: {  	[smem:$0x3FA9] =	sst s10  }
0x35: {  	s10 =	sld [smem:$0x3FA8];
	_ =	sdelay $0x3  }
0x36: {  	p1 =	seq.s32 s10, $0x1;
	s10 =	sld [smem:$0x3FA9];
	_ =	sdelay $0x3  }
0x37: {  	[smem:$0x3FA9] =	sst s10  }
0x38: {  	s10 =	sld [smem:$0x3FAA]  }
0x39: {  	_ = 	snop;
	(pc) =	sbr.ind lr, $3  }
0x3a: {  	_ = 	snop  }
0x3b: {  	_ = 	snop  }
0x3c: {  	p2 =	seq.s32 s10, $0x1;
	s10 =	sld [smem:$0x3FA9]  }
0x3d: {  	_ =	shalt  }
0x3e: {  	_ =	shalt  }
0x3f: {  	_ =	shalt  }
0x40: {  	_ =	shalt  }
0x41: {  	_ =	shalt  }
0x42: {  	_ =	shalt  }
0x43: {  	_ =	shalt  }
0x44: {  	_ =	shalt  }
0x45: {  	_ =	shalt  }
0x46: {  	_ =	shalt  }
0x47: {  	_ =	shalt  }
0x48: {  	_ =	shalt  }
0x49: {  	_ =	shalt  }
0x4a: {  	_ =	shalt  }
0x4b: {  	_ =	shalt  }
0x4c: {  	_ =	shalt  }
0x4d: {  	_ =	shalt  }
0x4e: {  	_ =	shalt  }
0x4f: {  	_ =	shalt  }
0x50: {  	_ =	shalt  }
0x51: {  	_ =	shalt  }
0x52: {  	_ =	shalt  }
0x53: {  	_ =	shalt  }
0x54: {  	_ =	shalt  }
0x55: {  	_ =	shalt  }
0x56: {  	_ =	shalt  }
0x57: {  	_ =	shalt  }
0x58: {  	_ =	shalt  }
0x59: {  	_ =	shalt  }
0x5a: {  	_ =	shalt  }
0x5b: {  	_ =	shalt  }
0x5c: {  	_ =	shalt  }
0x5d: {  	_ =	shalt  }
0x5e: {  	_ =	shalt  }
0x5f: {  	_ =	shalt  }
0x60: {  	_ =	shalt  }
0x61: {  	_ =	shalt  }
0x62: {  	_ =	shalt  }
0x63: {  	_ =	shalt  }
0x64: {  	_ =	shalt  }
0x65: {  	_ =	shalt  }
0x66: {  	_ =	shalt  }
0x67: {  	_ =	shalt  }
0x68: {  	_ =	shalt  }
0x69: {  	_ =	shalt  }
0x6a: {  	_ =	shalt  }
0x6b: {  	_ =	shalt  }
0x6c: {  	_ =	shalt  }
0x6d: {  	_ =	shalt  }
0x6e: {  	_ =	shalt  }
0x6f: {  	_ =	shalt  }
0x70: {  	_ =	shalt  }
0x71: {  	_ =	shalt  }
0x72: {  	_ =	shalt  }
0x73: {  	_ =	shalt  }
0x74: {  	_ =	shalt  }
0x75: {  	_ =	shalt  }
0x76: {  	_ =	shalt  }
0x77: {  	_ =	shalt  }
0x78: {  	_ =	shalt  }
0x79: {  	_ =	shalt  }
0x7a: {  	_ =	shalt  }
0x7b: {  	_ =	shalt  }
0x7c: {  	_ =	shalt  }
0x7d: {  	_ =	shalt  }
0x7e: {  	_ =	shalt  }
0x7f: {  	_ =	shalt  }
0x80: {  	_ =	shalt  }
0x81: {  	_ =	shalt  }
0x82: {  	_ =	shalt  }
0x83: {  	_ =	shalt  }
0x84: {  	_ =	shalt  }
0x85: {  	_ =	shalt  }
0x86: {  	_ =	shalt  }
0x87: {  	_ =	shalt  }
.Lfunc_end0:
.L_simem_size_0:
called_computation_lowered:
.L_overlay_start_0:
0x88: {  	s2 =	sld [smem:$0x3FD9]  }
0x89: {  	s3 =	sld [smem:$0x3FFE];
	_ =	sdelay $0x1  }
0x8a: {  	s1 =	srdreg.scid  }
0x8b: {  	s0 =	sand.u32 $0x1, s1  }
0x8c: {  	s17 =	sshll.u32 s0, $0xA;
	s2 =	sadd.s32 s3, s2  }
0x8d: {  	s2 =	sadd.s32 s2, s17  }
0x8e: {  	[smem:$0x3FB5] =	sst s2  }
0x8f: {  	_ = 	snop  }
0x90: {  	s2 =	sld [smem:$0x3FD0];
	(tm) =	ssettm $0x1  }
0x91: {  	s18 =	sld [smem:$0x3FFB];
	_ =	sdelay $0x3  }
0x92: {  	_ =	strace s18  }
0x93: {  	s3 =	sld [smem:$0x3FFC];
	_ =	sdelay $0x3  }
0x94: {  	_ =	strace s3  }
0x95: {  	s3 =	sld [smem:$0x3FFD];
	_ =	sdelay $0x3  }
0x96: {  	_ =	strace s3  }
0x97: {  	_ =	strace $0x8FFFFFFF  }
0x98: {  	s19 =	sld [smem:$0x3FDB];
	_ =	sdelay $0x1  }
0x99: {  	s4 =	simm.s32 $_scs_section_size  }
0x9a: {  	s5 =	simm.s32 $_size__tile_overlayer_lowered;
	s6 =	simm.s32 $_tile_overlayer_lowered  }
0x9b: {  	s22 =	simm.s32 $0x1BFF;
	s21 =	sshll.u32 s6, $0x1;
	s3 =	sadd.s32 s4, s19  }
0x9c: {  	s7 =	simm.s32 $0x0;
	s20 =	sshll.u32 s5, $0x1;
	s5 =	sadd.s32 s21, s3  }
0x9d: {  	[timem:s7], [sflag:s22] =	dma.local [hbm:s5], s20  }
0x9e: {  	_ =	swait.ge [sflag:s22], s20  }
0x9f: {  	s4 =	ssub.s32 $0x0, s20;
	[sflag:s22] =	ssyncset.done $0x0  }
0xa0: {  	[sflag:s22] =	ssyncadd.s32 s4;
	_ =	sdelay $0x1  }
0xa1: {  	s23 =	simm.s32 $0x1B8B  }
0xa2: {  	_ =	swait.ge [sflag:s23], $0x1  }
0xa3: {  	[sflag:s23] =	ssyncset.done $0x0  }
0xa4: {  	s25 =	simm.s32 $0x1B8E;
	s24 =	sld [smem:$0x3FFE];
	[sflag:s23] =	ssyncadd.s32 $0xFFFFFFFF  }
0xa5: {  	s26 =	simm.s32 $execute0_lowered;
	[smem:$0x3FD2] =	sst s25  }
0xa6: {  	s5 =	sshll.u32 s26, $0x1;
	_ =	strace $0x80000046;
	[dreg:$0x1] =	wrdreg $0xFFFFFFFF  }
0xa7: {  	s28 =	simm.s32 $_size_execute0_lowered;
	s3 =	sadd.s32 s3, s5;
	[dreg:$0x0] =	wrdreg $0x0  }
0xa8: {  	s5 =	sshll.u32 s28, $0x1;
	[dreg:$0x2] =	wrdreg s3  }
0xa9: {  	[dreg:$0x3] =	wrdreg s5  }
0xaa: {  	[dreg:$0x4] =	wrdreg $0xC0  }
0xab: {  	_ =	task [dreg:s7], $0x5FFFF  }
0xac: {  	[dreg:$0x1] =	wrdreg $0xFFFFFFFF  }
0xad: {  	[dreg:$0x0] =	wrdreg $0x60  }
0xae: {  	[dreg:$0x2] =	wrdreg s24  }
0xaf: {  	[dreg:$0x3] =	wrdreg s2  }
0xb0: {  	[dreg:$0x4] =	wrdreg $0x7A800  }
0xb1: {  	[dreg:$0x5] =	wrdreg $0x1BA800  }
0xb2: {  	[dreg:$0x6] =	wrdreg $0x9  }
0xb3: {  	_ =	task.clear_ibuf [dreg:s7], $0x7FFFF;
	_ =	strace $0x90000046  }
0xb4: {  	s29 =	simm.s32 $0x9;
	_ =	strace $0x80000048  }
0xb5: {  	_ =	swait.ge [sflag:s29], $0x1  }
0xb6: {  	[sflag:s29] =	ssyncadd.s32 $0xFFFFFFFF  }
0xb7: {  	_ =	strace $0x90000048  }
0xb8: {  	_ =	sfence  }
0xb9: {  	s30 =	sld [smem:$0x0];
	_ =	sdelay $0x2  }
0xba: {  	s31 =	sshll.u32 s1, $0xD;
	s1 =	sshrl.u32 s1, $0x2  }
0xbb: {  	s3 =	sand.u32 $0x4000, s31;
	s1 =	sadd.s32 s1, s30  }
0xbc: {  	s0 =	sor.u32 s3, s0;
	s1 =	sshll.u32 s1, $0x11  }
0xbd: {  	s0 =	sor.u32 s1, s0  }
0xbe: {  	s0 =	sadd.s32 $0x8F2B, s0  }
0xbf: {  	[sflag:s0] =	ssyncadd.remote.s32 $0x1  }
0xc0: {  	_ =	sfence.sel $0xFFFF  }
0xc1: {  	[dreg:$0x0] =	wrdreg $0xFFFFFFFF;
	(pc) =	sbr.abs _section_cstart, $3  }
0xc2: {  	[dreg:$0x1] =	wrdreg $0xFFFFFFFF  }
0xc3: {  	_ =	task.clear_ibuf [dreg:s7], $0x2FFFF;
	_ =	strace $0x9FFFFFFF  }
0xc4: {  	(tm) =	ssettm $0x7FFFFFFF  }
0xc5: {  	_ =	shalt  }
tec
execute0_lowered:
.L_overlay_start_1:
0x0: {  	(tag) =	ssettag $0x1  }
0x1: {  	s0 =	rddreg [dreg:$0x0]  }
0x2: {  	s2 =	rddreg [dreg:$0x2]  }
0x3: {  	s18 =	rddreg [dreg:$0x3];
	s4 =	simm.s32 $0x0;
	s19 =	stileid.u32  }
0x4: {  	s6 =	srdreg.scid;
	s28 =	simm.s32 $0x2;
	s29 =	simm.s32 $0x3  }
0x5: {  	s31 =	simm.s32 $0xA;
	[smem:$0x7FF] =	sst s4;
	s1 =	sadd.s32 $0x3C00, s0  }
0x6: {  	s30 =	sadd.s32 $0x2AE00, s0;
	s3 =	sadd.s32 $0xC7400, s0;
	s9 =	sadd.s32 $0x547C00, s0  }
0x7: {  	s10 =	sadd.s32 $0xA29C00, s0;
	_ =	strace $0x80000047;
	[dreg:$0x1e] =	wrdreg s1  }
0x8: {  	s11 =	sadd.s32 $0x52000, s0;
	s12 =	sadd.s32 $0x53DE00, s0;
	[dreg:$0x1f] =	wrdreg s30  }
0x9: {  	s5 =	smul.u32 $0x14000, s19;
	s14 =	sadd.s32 $0x115800, s0;
	[smem:$0x7FD] =	sst s3  }
0xa: {  	s13 =	sadd.s32 $0x534000, s0;
	s7 =	sadd.s32 $0x118000, s0;
	[dreg:$0x5] =	wrdreg s14  }
0xb: {  	s6 =	sand.u32 $0x1, s6;
	s3 =	smul.u32 $0x1400, s19;
	[dreg:$0x6] =	wrdreg s7  }
0xc: {  	s16 =	ssub.s32 $0x2, s6;
	p0 =	sne.s32 s6, $0x0;
	s7 =	smul.u32 $0x4E200, s19  }
0xd: {  	s8 =	sshrl.u32 s5, $0x3;
	s17 =	sshrl.u32 s16, $0x1;
	s1 =	sadd.s32 s5, s2  }
0xe: {  	s15 =	sshrl.u32 s3, $0x3;
	s14 =	sadd.s32 s8, s0;
	[dreg:$0x7] =	wrdreg s1  }
0xf: {  	s20 =	sadd.s32 s3, s18;
	s0 =	sadd.s32 s15, s0;
	s15 =	ssub.s32 s16, s17  }
0x10: {  	s16 =	smul.u32 $0x4E20, s19;
	[dreg:$0x9] =	wrdreg s20;
	s20 =	sadd.s32 s10, s7  }
0x11: {  	s17 =	sshll.u32 s19, $0x6;
	[dreg:$0x14] =	wrdreg s20;
	s0 =	sadd.s32 $0x118400, s0  }
0x12: {  	s18 =	simm.s32 $0x78;
	s17 =	sor.u32 $0x1C0B, s17;
	[dreg:$0x1a] =	wrdreg s0  }
0x13: {  	s3 =	simm.s32 $0x9;
	s25 =	sadd.s32 $0x50, s16;
	[dreg:$0x8] =	wrdreg s17  }
0x14: {  	s21 =	sshrl.u32 s16, $0x3;
	s5 =	sadd.s32 $0x78, s16;
	[dreg:$0xb] =	wrdreg s25  }
0x15: {  	s20 =	simm.s32 $0xF0;
	s23 =	sadd.s32 s12, s21;
	[dreg:$0x10] =	wrdreg s5  }
0x16: {  	s22 =	sadd.s32 $0x28, s16;
	s1 =	sadd.s32 s13, s21;
	[dreg:$0xa] =	wrdreg s23  }
0x17: {  	s24 =	sshrl.u32 s22, $0x3;
	s21 =	sadd.s32 s9, s7;
	[dreg:$0xc] =	wrdreg s1  }
0x18: {  	s30 =	sshrl.u32 s25, $0x3;
	s25 =	smax.u32 s15, $0x1;
	[dreg:$0x15] =	wrdreg s21  }
0x19: {  	s0 =	simm.s32 $0x4;
	s26 =	sadd.s32 s12, s24;
	[dreg:$0x1b] =	wrdreg s25  }
0x1a: {  	s19 =	sshll.u32 s22, $0x4;
	s6 =	sadd.s32 s13, s24;
	[dreg:$0xd] =	wrdreg s26  }
0x1b: {  	s15 =	simm.s32 $0x28;
	s2 =	sadd.s32 s12, s30;
	[dreg:$0xe] =	wrdreg s6  }
0x1c: {  	s7 =	simm.s32 $0x2940;
	s1 =	sadd.s32 s13, s30;
	[dreg:$0xf] =	wrdreg s2  }
0x1d: {  	s22 =	sadd.s32 s10, s19;
	s23 =	sadd.s32 $0x142C00, s14;
	[dreg:$0x11] =	wrdreg s1  }
0x1e: {  	s24 =	sadd.s32 $0x11AC00, s14;
	s30 =	sadd.s32 $0x118, s16;
	[dreg:$0x16] =	wrdreg s22  }
0x1f: {  	s21 =	simm.s32 $0x5;
	s6 =	sshrl.u32 s5, $0x3;
	[dreg:$0x18] =	wrdreg s23  }
0x20: {  	s2 =	smov.u32 s10;
	s10 =	smov.u32 s9;
	[dreg:$0x19] =	wrdreg s24  }
0x21: {  	s26 =	sadd.s32 $0xF0, s16;
	[dreg:$0x1d] =	wrdreg s30;
	s23 =	simm.s32 $0x50  }
.Ltmp0:
0x22: {  	s22 =	simm.s32 $0x1;
	s5 =	simm.s32 $0x0;
	(pc) =	sbr.rel .LBB2_1-.Ltmp0, $4  }
0x23: {  	s8 =	sadd.s32 s12, s6;
	s1 =	sadd.s32 s13, s6;
	[dreg:$0x1c] =	wrdreg s26  }
0x24: {  	s6 =	simm.s32 $0xB;
	s26 =	simm.s32 $0x6;
	[dreg:$0x12] =	wrdreg s8  }
0x25: {  	[dreg:$0x13] =	wrdreg s1;
	s1 =	sadd.s32 s9, s19;
	s9 =	simm.s32 $0xA0  }
0x26: {  	s19 =	simm.s32 $0x6540;
	[dreg:$0x17] =	wrdreg s1;
	s1 =	simm.s32 $0x8  }
.LBB2_25:
0x27: {  	[bflag:$0x0] =	sbarrier.arrive $0xFFFF  }
0x28: {  	s5 =	sld [smem:$0x7FC]  }
0x29: {  	s17 =	rddreg [dreg:$0x8]  }
0x2a: {  	s14 =	rddreg [dreg:$0x18]  }
0x2b: {  	[hbm:s14], [sflag:s17] =	dma.local [spmem:s5], $0x2800  }
0x2c: {  	_ =	swait.ge [sflag:s6], $0x2800  }
0x2d: {  	[sflag:s6] =	ssyncset.done $0x0  }
0x2e: {  	s5 =	sld [smem:$0x7FB];
	[sflag:s6] =	ssyncadd.s32 $0xFFFFD800  }
.LBB2_26:
0x2f: {  	_ =	sdelay $0x1  }
0x30: {  	s14 =	rddreg [dreg:$0x1b];
	s5 =	sadd.s32 $0x1, s5  }
0x31: {  	p1 =	sne.s32 s5, s14  }
.Ltmp1:
0x32: {  	_ = 	snop;
	(pc) =	sbr.rel @!p1 .LBB2_27-.Ltmp1, $2  }
0x33: {  	_ =	sdelay $0x2  }
0x34: {  	s18 =	simm.s32 $0x78  }
.LBB2_1:
0x35: {  	[smem:$0x7FB] =	sst s5  }
0x36: {  	s14 =	rddreg [dreg:$0x7]  }
0x37: {  	s30 =	rddreg [dreg:$0x5];
	s25 =	sshrl.u32 s14, $0x3  }
0x38: {  	[smem:$0x7FC] =	sst s25  }
0x39: {  	[spmem:s25], [sflag:s17] =	dma.local [hbm:s30], $0x2800  }
0x3a: {  	_ =	swait.ge [sflag:s6], $0x2800  }
0x3b: {  	[sflag:s6] =	ssyncset.done $0x0;
	s5 =	rddreg [dreg:$0x9]  }
0x3c: {  	s8 =	rddreg [dreg:$0x6];
	[sflag:s6] =	ssyncadd.s32 $0xFFFFD800;
	s5 =	sshrl.u32 s5, $0x3  }
0x3d: {  	[spmem:s5], [sflag:s17] =	dma.local [hbm:s8], $0x280  }
0x3e: {  	_ =	swait.ge [sflag:s6], $0x280  }
0x3f: {  	[sflag:s6] =	ssyncset.done $0x0  }
0x40: {  	[sflag:s6] =	ssyncadd.s32 $0xFFFFFD80  }
0x41: {  	s25 =	simm.s32 $0x7940;
	s24 =	rddreg [dreg:$0x1]  }
0x42: {  	[tilespmem:s25], [sflag:$0xB] =	stream.linear.gather [hbm4b:s24+s4], $0x140, $0x38;
	[tilespmem:$0x1CE80] =	vst v63  }
0x43: {  	_ =	swait.ge [sflag:s6], $0x140  }
0x44: {  	[sflag:s6] =	ssyncset.done $0x0  }
0x45: {  	[sflag:s6] =	ssyncadd.s32 $0xFFFFFEC0  }
0x46: {  	[bflag:$0x0] =	sbarrier.arrive $0xFFFF  }
0x47: {  	s30 =	rddreg [dreg:$0xa]  }
0x48: {  	[tilespmem:s4], [sflag:$0x7] =	stream.linear.gather [hbm4b:s30+s4], $0x28, $0x38;
	[tilespmem:$0x1CE80] =	vst v63  }
0x49: {  	s8 =	rddreg [dreg:$0xc]  }
0x4a: {  	[tilespmem:s15], [sflag:$0x7] =	stream.linear.gather [hbm4b:s8+s4], $0x28, $0x38;
	[tilespmem:$0x1CE80] =	vst v63  }
0x4b: {  	s17 =	rddreg [dreg:$0xd]  }
0x4c: {  	[tilespmem:s23], [sflag:$0x8] =	stream.linear.gather [hbm4b:s17+s4], $0x28, $0x38;
	[tilespmem:$0x1CE80] =	vst v63  }
0x4d: {  	s24 =	rddreg [dreg:$0xe]  }
0x4e: {  	[tilespmem:s18], [sflag:$0x8] =	stream.linear.gather [hbm4b:s24+s4], $0x28, $0x38;
	[tilespmem:$0x1CE80] =	vst v63  }
0x4f: {  	s25 =	rddreg [dreg:$0xf]  }
0x50: {  	[tilespmem:s9], [sflag:$0x9] =	stream.linear.gather [hbm4b:s25+s4], $0x28, $0x38;
	[tilespmem:$0x1CE80] =	vst v63  }
0x51: {  	s30 =	rddreg [dreg:$0x11];
	s8 =	simm.s32 $0xC8  }
0x52: {  	[tilespmem:s8], [sflag:$0x9] =	stream.linear.gather [hbm4b:s30+s4], $0x28, $0x38;
	[tilespmem:$0x1CE80] =	vst v63  }
0x53: {  	s24 =	rddreg [dreg:$0x12]  }
0x54: {  	[tilespmem:s20], [sflag:$0xA] =	stream.linear.gather [hbm4b:s24+s4], $0x28, $0x38;
	[tilespmem:$0x1CE80] =	vst v63  }
0x55: {  	s25 =	rddreg [dreg:$0x13];
	s8 =	simm.s32 $0x118;
	s30 =	simm.s32 $0x7  }
0x56: {  	[tilespmem:s8], [sflag:$0xA] =	stream.linear.gather [hbm4b:s25+s4], $0x28, $0x38;
	[tilespmem:$0x1CE80] =	vst v63  }
0x57: {  	_ =	swait.ge [sflag:s30], $0x28  }
.Ltmp2:
0x58: {  	[sflag:s30] =	ssyncset.done $0x0;
	(pc) =	sbr.rel @p0 .LBB2_14-.Ltmp2, $4  }
0x59: {  	[sflag:s30] =	ssyncadd.s32 $0xFFFFFFD8  }
0x5a: {  	_ =	swait.ge [sflag:s30], $0x28  }
0x5b: {  	[sflag:s30] =	ssyncset.done $0x0  }
0x5c: {  	[sflag:s30] =	ssyncadd.s32 $0xFFFFFFD8  }
0x5d: {  	s17 =	rddreg [dreg:$0x1e]  }
0x5e: {  	s24 =	simm.s32 $0x0;
	s8 =	simm.s32 $0x140;
	s20 =	sld [smem:$0x7FD]  }
0x5f: {  	[tilespmem:s8], [sflag:$0x1] =	stream.indirect.gather [hbm4b:s17+s15], $0x80, s24, s15, $0xb8;
	[tilespmem:$0x1CE80] =	vst v63  }
0x60: {  	[smem:$0x7FA] =	sst s5;
	s5 =	simm.s32 $0x1540  }
0x61: {  	[tilespmem:s5], [sflag:$0x2] =	stream.indirect.gather [hbm4b:s20+s15], $0x80, s15, s15, $0xb8;
	[tilespmem:$0x1CE80] =	vst v63  }
0x62: {  	s14 =	rddreg [dreg:$0x15]  }
0x63: {  	[tilespmem:s7], [sflag:$0x3] =	stream.linear.gather [hbm4b:s14+s24], $0x1400, $0x38;
	[tilespmem:$0x1CE80] =	vst v63  }
0x64: {  	_ =	swait.ge [sflag:s1], $0x28  }
0x65: {  	[sflag:s1] =	ssyncset.done $0x0  }
0x66: {  	[sflag:s1] =	ssyncadd.s32 $0xFFFFFFD8  }
0x67: {  	_ =	swait.ge [sflag:s1], $0x28  }
0x68: {  	[sflag:s1] =	ssyncset.done $0x0  }
0x69: {  	s14 =	simm.s32 $0x3D40;
	[sflag:s1] =	ssyncadd.s32 $0xFFFFFFD8  }
0x6a: {  	[tilespmem:s14], [sflag:$0x4] =	stream.indirect.gather [hbm4b:s17+s15], $0x80, s23, s15, $0xb8;
	[tilespmem:$0x1CE80] =	vst v63  }
0x6b: {  	s25 =	simm.s32 $0x5140  }
0x6c: {  	[tilespmem:s25], [sflag:$0x5] =	stream.indirect.gather [hbm4b:s20+s15], $0x80, s18, s15, $0xb8;
	[tilespmem:$0x1CE80] =	vst v63  }
0x6d: {  	s30 =	rddreg [dreg:$0x17]  }
0x6e: {  	[tilespmem:s19], [sflag:$0x6] =	stream.linear.gather [hbm4b:s30+s24], $0x1400, $0x38;
	[tilespmem:$0x1CE80] =	vst v63  }
.LBB2_3:
0x6f: {  	_ =	swait.ge [sflag:s22], $0x1400  }
0x70: {  	[sflag:s22] =	ssyncset.done $0x0  }
0x71: {  	[sflag:s22] =	ssyncadd.s32 $0xFFFFEC00  }
0x72: {  	_ =	swait.ge [sflag:s28], $0x1400  }
0x73: {  	[sflag:s28] =	ssyncset.done $0x0  }
0x74: {  	[sflag:s28] =	ssyncadd.s32 $0xFFFFEC00  }
0x75: {  	_ =	swait.ge [sflag:s29], $0x1400  }
0x76: {  	[sflag:s29] =	ssyncset.done $0x0  }
0x77: {  	s14 =	simm.s32 $0x0;
	[sflag:s29] =	ssyncadd.s32 $0xFFFFEC00  }
0x78: {  	v12 =	vld [tilespmem:s14+$0x140]  }
0x79: {  	v17 =	vld [tilespmem:s14+$0x1540]  }
0x7a: {  	v19 =	vld [tilespmem:s14+$0x150]  }
0x7b: {  	v20 =	vld [tilespmem:s14+$0x1550]  }
0x7c: {  	v5 =	vld [tilespmem:s14+$0x160]  }
0x7d: {  	v9 =	vld [tilespmem:s14+$0x1560]  }
0x7e: {  	v7 =	vld [tilespmem:s14+$0x170]  }
0x7f: {  	v11 =	vld [tilespmem:s14+$0x1570]  }
0x80: {  	v8 =	vld [tilespmem:s14+$0x180]  }
0x81: {  	v10 =	vld [tilespmem:s14+$0x1580]  }
0x82: {  	v4 =	vld [tilespmem:s14+$0x190]  }
0x83: {  	v6 =	vld [tilespmem:s14+$0x1590]  }
0x84: {  	v2 =	vld [tilespmem:s14+$0x1A0]  }
0x85: {  	v3 =	vld [tilespmem:s14+$0x15A0]  }
0x86: {  	v0 =	vld [tilespmem:s14+$0x1B0]  }
0x87: {  	v1 =	vld [tilespmem:s14+$0x15B0]  }
0x88: {  	v16 =	vld [tilespmem:s14+$0x2940]  }
0x89: {  	v15 =	vld [tilespmem:s14+$0x2950]  }
0x8a: {  	v14 =	vld [tilespmem:s14+$0x2960]  }
0x8b: {  	v13 =	vld [tilespmem:s14+$0x2970];
	v18 =	vadd.f32 v17, v12  }
0x8c: {  	s17 =	simm.s32 $0x200;
	v17 =	vadd.f32 v20, v19;
	v12 =	vld [tilespmem:s14+$0x2980]  }
.LBB2_4:
0x8d: {  	p1 =	sne.s32 s17, $0x4E00;
	v16 =	vadd.f32 v16, v18;
	v5 =	vadd.f32 v9, v5;
	v9 =	vld [tilespmem:s14+$0x2990]  }
0x8e: {  	v7 =	vadd.f32 v11, v7;
	v15 =	vadd.f32 v15, v17;
	v11 =	vld [tilespmem:s14+$0x29A0]  }
0x8f: {  	s18 =	sshra.s32 s17, $0x2;
	v8 =	vadd.f32 v10, v8;
	v16 =	vmax.f32 v16, $0.0e+00;
	v5 =	vadd.f32 v14, v5;
	v10 =	vld [tilespmem:s14+$0x29B0]  }
0x90: {  	v4 =	vadd.f32 v6, v4;
	v17 =	vld [tilespmem:s18+$0x140];
	[tilespmem:s14+$0x2940] =	vst v16;
	v14 =	vmax.f32 v15, $0.0e+00;
	v7 =	vadd.f32 v13, v7  }
0x91: {  	v2 =	vadd.f32 v3, v2;
	v13 =	vld [tilespmem:s18+$0x1540];
	[tilespmem:s14+$0x2950] =	vst v14;
	v5 =	vmax.f32 v5, $0.0e+00;
	v6 =	vadd.f32 v12, v8  }
0x92: {  	v0 =	vadd.f32 v1, v0;
	v12 =	vld [tilespmem:s18+$0x150];
	[tilespmem:s14+$0x2960] =	vst v5;
	v3 =	vmax.f32 v7, $0.0e+00;
	v4 =	vadd.f32 v9, v4  }
0x93: {  	v19 =	vld [tilespmem:s18+$0x1550];
	[tilespmem:s14+$0x2970] =	vst v3;
	v1 =	vmax.f32 v6, $0.0e+00;
	v2 =	vadd.f32 v11, v2  }
0x94: {  	v5 =	vld [tilespmem:s18+$0x160];
	[tilespmem:s14+$0x2980] =	vst v1;
	v1 =	vmax.f32 v4, $0.0e+00;
	v0 =	vadd.f32 v10, v0  }
0x95: {  	v9 =	vld [tilespmem:s18+$0x1560];
	[tilespmem:s14+$0x2990] =	vst v1;
	v1 =	vmax.f32 v2, $0.0e+00  }
0x96: {  	v7 =	vld [tilespmem:s18+$0x170];
	[tilespmem:s14+$0x29A0] =	vst v1;
	v0 =	vmax.f32 v0, $0.0e+00  }
0x97: {  	v11 =	vld [tilespmem:s18+$0x1570];
	[tilespmem:s14+$0x29B0] =	vst v0;
	s14 =	smov.u32 s18  }
0x98: {  	v8 =	vld [tilespmem:s14+$0x180]  }
0x99: {  	v10 =	vld [tilespmem:s14+$0x1580]  }
0x9a: {  	v4 =	vld [tilespmem:s14+$0x190]  }
0x9b: {  	v6 =	vld [tilespmem:s14+$0x1590]  }
0x9c: {  	v2 =	vld [tilespmem:s14+$0x1A0]  }
0x9d: {  	v3 =	vld [tilespmem:s14+$0x15A0]  }
0x9e: {  	v0 =	vld [tilespmem:s14+$0x1B0]  }
0x9f: {  	v1 =	vld [tilespmem:s14+$0x15B0]  }
.Ltmp3:
0xa0: {  	v16 =	vld [tilespmem:s14+$0x2940];
	(pc) =	sbr.rel @p1 .LBB2_4-.Ltmp3, $4  }
0xa1: {  	v15 =	vld [tilespmem:s14+$0x2950]  }
0xa2: {  	v14 =	vld [tilespmem:s14+$0x2960]  }
0xa3: {  	v18 =	vadd.f32 v13, v17;
	v13 =	vld [tilespmem:s14+$0x2970]  }
0xa4: {  	s17 =	sadd.s32 $0x200, s17;
	v17 =	vadd.f32 v19, v12;
	v12 =	vld [tilespmem:s14+$0x2980]  }
0xa5: {  	v16 =	vadd.f32 v16, v18  }
0xa6: {  	v5 =	vadd.f32 v9, v5;
	v9 =	vld [tilespmem:s14+$0x2990];
	v7 =	vadd.f32 v11, v7  }
0xa7: {  	v8 =	vadd.f32 v10, v8;
	v10 =	vld [tilespmem:s14+$0x29B0];
	v15 =	vadd.f32 v15, v17  }
0xa8: {  	v11 =	vld [tilespmem:s14+$0x29A0];
	v16 =	vmax.f32 v16, $0.0e+00;
	v5 =	vadd.f32 v14, v5  }
0xa9: {  	v4 =	vadd.f32 v6, v4;
	[tilespmem:s14+$0x2940] =	vst v16;
	v14 =	vmax.f32 v15, $0.0e+00;
	v7 =	vadd.f32 v13, v7  }
0xaa: {  	v0 =	vadd.f32 v1, v0;
	[tilespmem:s14+$0x2950] =	vst v14;
	v5 =	vmax.f32 v5, $0.0e+00;
	v6 =	vadd.f32 v12, v8  }
0xab: {  	v2 =	vadd.f32 v3, v2;
	[tilespmem:s14+$0x2960] =	vst v5;
	v3 =	vmax.f32 v7, $0.0e+00;
	v4 =	vadd.f32 v9, v4  }
0xac: {  	v0 =	vadd.f32 v10, v0;
	[tilespmem:s14+$0x2970] =	vst v3;
	v1 =	vmax.f32 v6, $0.0e+00  }
0xad: {  	v2 =	vadd.f32 v11, v2;
	[tilespmem:s14+$0x2980] =	vst v1;
	v1 =	vmax.f32 v4, $0.0e+00  }
0xae: {  	v0 =	vmax.f32 v0, $0.0e+00;
	[tilespmem:s14+$0x2990] =	vst v1  }
0xaf: {  	v1 =	vmax.f32 v2, $0.0e+00;
	[tilespmem:s14+$0x29B0] =	vst v0  }
0xb0: {  	s30 =	simm.s32 $0x2940;
	s5 =	rddreg [dreg:$0x2];
	[tilespmem:s14+$0x29A0] =	vst v1  }
0xb1: {  	[spmem:s5] =	stream.indirect.scatter.add.f32 [tilespmem:s30], [sflag:$0xB], $0x80, s4, s15, $0xb8;
	[tilespmem:$0x1CE80] =	vst v63  }
0xb2: {  	_ =	swait.ge [sflag:s6], $0x1400  }
0xb3: {  	s14 =	sshll.u32 s24, $0x2;
	[sflag:s6] =	ssyncset.done $0x0  }
0xb4: {  	p1 =	seq.s32 s24, $0x7C;
	s17 =	sadd.s32 $0x4, s14;
	[sflag:s6] =	ssyncadd.s32 $0xFFFFEC00  }
0xb5: {  	s20 =	simm.s32 $0x7940;
	s17 =	smul.u32 @!p1 $0x28, s17;
	s18 =	rddreg [dreg:$0x3]  }
0xb6: {  	[spmem:s18] =	stream.indirect.scatter.add.f32 [tilespmem:s20], [sflag:$0xB], $0x8, s4, s15, $0xb8;
	[tilespmem:$0x1CE80] =	vst v63  }
0xb7: {  	s18 =	sadd.s32 @!p1 s16, s17;
	_ =	swait.ge [sflag:s6], $0x140  }
0xb8: {  	s17 =	sshrl.u32 @!p1 s18, $0x3;
	[sflag:s6] =	ssyncset.done $0x0  }
0xb9: {  	s25 =	simm.s32 @!p1 $0x0;
	s20 =	sadd.s32 @!p1 s12, s17;
	[sflag:s6] =	ssyncadd.s32 $0xFFFFFEC0  }
0xba: {  	[tilespmem:s25], [sflag:$0x7] =	stream.linear.gather @!p1 [hbm4b:s20+s25], $0x28, $0x38;
	[tilespmem:$0x1CE80] =	vst v63  }
0xbb: {  	s17 =	sadd.s32 @!p1 s13, s17;
	s20 =	simm.s32 @!p1 $0x28  }
0xbc: {  	[tilespmem:s20], [sflag:$0x7] =	stream.linear.gather @!p1 [hbm4b:s17+s25], $0x28, $0x38;
	[tilespmem:$0x1CE80] =	vst v63  }
0xbd: {  	_ =	swait.ge [sflag:s3], $0x28  }
0xbe: {  	[sflag:s3] =	ssyncset.done $0x0  }
0xbf: {  	[sflag:s3] =	ssyncadd.s32 $0xFFFFFFD8  }
0xc0: {  	_ =	swait.ge [sflag:s3], $0x28  }
0xc1: {  	[sflag:s3] =	ssyncset.done $0x0  }
0xc2: {  	s7 =	simm.s32 $0x140;
	s5 =	rddreg [dreg:$0x1e];
	[sflag:s3] =	ssyncadd.s32 $0xFFFFFFD8  }
0xc3: {  	[tilespmem:s7], [sflag:$0x1] =	stream.indirect.gather [hbm4b:s5+s15], $0x80, s9, s15, $0xb8;
	[tilespmem:$0x1CE80] =	vst v63  }
0xc4: {  	s7 =	sld [smem:$0x7FD];
	_ =	sdelay $0x1  }
0xc5: {  	s25 =	smul.u32 $0xA0, s24;
	s20 =	simm.s32 $0xC8;
	s5 =	simm.s32 $0x1540  }
0xc6: {  	[tilespmem:s5], [sflag:$0x2] =	stream.indirect.gather [hbm4b:s7+s15], $0x80, s20, s15, $0xb8;
	[tilespmem:$0x1CE80] =	vst v63  }
0xc7: {  	s7 =	rddreg [dreg:$0xb]  }
0xc8: {  	s17 =	sadd.s32 s25, s7  }
0xc9: {  	s17 =	sshll.u32 s17, $0x4  }
0xca: {  	s9 =	simm.s32 $0x0;
	s17 =	sadd.s32 s10, s17  }
0xcb: {  	[tilespmem:s30], [sflag:$0x3] =	stream.linear.gather [hbm4b:s17+s9], $0x1400, $0x38;
	[tilespmem:$0x1CE80] =	vst v63  }
0xcc: {  	_ =	swait.ge [sflag:s0], $0x1400  }
0xcd: {  	[sflag:s0] =	ssyncset.done $0x0  }
0xce: {  	[sflag:s0] =	ssyncadd.s32 $0xFFFFEC00  }
0xcf: {  	_ =	swait.ge [sflag:s21], $0x1400  }
0xd0: {  	[sflag:s21] =	ssyncset.done $0x0  }
0xd1: {  	[sflag:s21] =	ssyncadd.s32 $0xFFFFEC00  }
0xd2: {  	_ =	swait.ge [sflag:s26], $0x1400  }
0xd3: {  	[sflag:s26] =	ssyncset.done $0x0  }
0xd4: {  	s17 =	simm.s32 $0x0;
	[sflag:s26] =	ssyncadd.s32 $0xFFFFEC00  }
0xd5: {  	v12 =	vld [tilespmem:s17+$0x3D40]  }
0xd6: {  	v17 =	vld [tilespmem:s17+$0x5140]  }
0xd7: {  	v19 =	vld [tilespmem:s17+$0x3D50]  }
0xd8: {  	v20 =	vld [tilespmem:s17+$0x5150]  }
0xd9: {  	v5 =	vld [tilespmem:s17+$0x3D60]  }
0xda: {  	v9 =	vld [tilespmem:s17+$0x5160]  }
0xdb: {  	v7 =	vld [tilespmem:s17+$0x3D70]  }
0xdc: {  	v11 =	vld [tilespmem:s17+$0x5170]  }
0xdd: {  	v8 =	vld [tilespmem:s17+$0x3D80]  }
0xde: {  	v10 =	vld [tilespmem:s17+$0x5180]  }
0xdf: {  	v4 =	vld [tilespmem:s17+$0x3D90]  }
0xe0: {  	v6 =	vld [tilespmem:s17+$0x5190]  }
0xe1: {  	v2 =	vld [tilespmem:s17+$0x3DA0]  }
0xe2: {  	v3 =	vld [tilespmem:s17+$0x51A0]  }
0xe3: {  	v0 =	vld [tilespmem:s17+$0x3DB0]  }
0xe4: {  	v1 =	vld [tilespmem:s17+$0x51B0]  }
0xe5: {  	v16 =	vld [tilespmem:s17+$0x6540]  }
0xe6: {  	v15 =	vld [tilespmem:s17+$0x6550]  }
0xe7: {  	v14 =	vld [tilespmem:s17+$0x6560]  }
0xe8: {  	v13 =	vld [tilespmem:s17+$0x6570];
	v18 =	vadd.f32 v17, v12  }
0xe9: {  	s8 =	simm.s32 $0xF0;
	s20 =	simm.s32 $0x200;
	s7 =	simm.s32 $0x2940;
	v17 =	vadd.f32 v20, v19;
	v12 =	vld [tilespmem:s17+$0x6580]  }
.LBB2_6:
0xea: {  	p2 =	sne.s32 s20, $0x4E00;
	v16 =	vadd.f32 v16, v18;
	v5 =	vadd.f32 v9, v5;
	v9 =	vld [tilespmem:s17+$0x6590]  }
0xeb: {  	v7 =	vadd.f32 v11, v7;
	v15 =	vadd.f32 v15, v17;
	v11 =	vld [tilespmem:s17+$0x65A0]  }
0xec: {  	s30 =	sshra.s32 s20, $0x2;
	v8 =	vadd.f32 v10, v8;
	v16 =	vmax.f32 v16, $0.0e+00;
	v5 =	vadd.f32 v14, v5;
	v10 =	vld [tilespmem:s17+$0x65B0]  }
0xed: {  	v4 =	vadd.f32 v6, v4;
	v17 =	vld [tilespmem:s30+$0x3D40];
	[tilespmem:s17+$0x6540] =	vst v16;
	v14 =	vmax.f32 v15, $0.0e+00;
	v7 =	vadd.f32 v13, v7  }
0xee: {  	v2 =	vadd.f32 v3, v2;
	v13 =	vld [tilespmem:s30+$0x5140];
	[tilespmem:s17+$0x6550] =	vst v14;
	v5 =	vmax.f32 v5, $0.0e+00;
	v6 =	vadd.f32 v12, v8  }
0xef: {  	v0 =	vadd.f32 v1, v0;
	v12 =	vld [tilespmem:s30+$0x3D50];
	[tilespmem:s17+$0x6560] =	vst v5;
	v3 =	vmax.f32 v7, $0.0e+00;
	v4 =	vadd.f32 v9, v4  }
0xf0: {  	v19 =	vld [tilespmem:s30+$0x5150];
	[tilespmem:s17+$0x6570] =	vst v3;
	v1 =	vmax.f32 v6, $0.0e+00;
	v2 =	vadd.f32 v11, v2  }
0xf1: {  	v5 =	vld [tilespmem:s30+$0x3D60];
	[tilespmem:s17+$0x6580] =	vst v1;
	v1 =	vmax.f32 v4, $0.0e+00;
	v0 =	vadd.f32 v10, v0  }
0xf2: {  	v9 =	vld [tilespmem:s30+$0x5160];
	[tilespmem:s17+$0x6590] =	vst v1;
	v1 =	vmax.f32 v2, $0.0e+00  }
0xf3: {  	v7 =	vld [tilespmem:s30+$0x3D70];
	[tilespmem:s17+$0x65A0] =	vst v1;
	v0 =	vmax.f32 v0, $0.0e+00  }
0xf4: {  	v11 =	vld [tilespmem:s30+$0x5170];
	[tilespmem:s17+$0x65B0] =	vst v0;
	s17 =	smov.u32 s30  }
0xf5: {  	v8 =	vld [tilespmem:s17+$0x3D80]  }
0xf6: {  	v10 =	vld [tilespmem:s17+$0x5180]  }
0xf7: {  	v4 =	vld [tilespmem:s17+$0x3D90]  }
0xf8: {  	v6 =	vld [tilespmem:s17+$0x5190]  }
0xf9: {  	v2 =	vld [tilespmem:s17+$0x3DA0]  }
0xfa: {  	v3 =	vld [tilespmem:s17+$0x51A0]  }
0xfb: {  	v0 =	vld [tilespmem:s17+$0x3DB0]  }
0xfc: {  	v1 =	vld [tilespmem:s17+$0x51B0]  }
.Ltmp4:
0xfd: {  	v16 =	vld [tilespmem:s17+$0x6540];
	(pc) =	sbr.rel @p2 .LBB2_6-.Ltmp4, $4  }
0xfe: {  	v15 =	vld [tilespmem:s17+$0x6550]  }
0xff: {  	v14 =	vld [tilespmem:s17+$0x6560]  }
0x100: {  	v18 =	vadd.f32 v13, v17;
	v13 =	vld [tilespmem:s17+$0x6570]  }
0x101: {  	s20 =	sadd.s32 $0x200, s20;
	v17 =	vadd.f32 v19, v12;
	v12 =	vld [tilespmem:s17+$0x6580]  }
0x102: {  	v16 =	vadd.f32 v16, v18  }
0x103: {  	v5 =	vadd.f32 v9, v5;
	v9 =	vld [tilespmem:s17+$0x6590];
	v7 =	vadd.f32 v11, v7  }
0x104: {  	v8 =	vadd.f32 v10, v8;
	v10 =	vld [tilespmem:s17+$0x65B0];
	v15 =	vadd.f32 v15, v17  }
0x105: {  	v11 =	vld [tilespmem:s17+$0x65A0];
	v16 =	vmax.f32 v16, $0.0e+00;
	v5 =	vadd.f32 v14, v5  }
0x106: {  	v4 =	vadd.f32 v6, v4;
	[tilespmem:s17+$0x6540] =	vst v16;
	v14 =	vmax.f32 v15, $0.0e+00;
	v7 =	vadd.f32 v13, v7  }
0x107: {  	v0 =	vadd.f32 v1, v0;
	[tilespmem:s17+$0x6550] =	vst v14;
	v5 =	vmax.f32 v5, $0.0e+00;
	v6 =	vadd.f32 v12, v8  }
0x108: {  	v2 =	vadd.f32 v3, v2;
	[tilespmem:s17+$0x6560] =	vst v5;
	v3 =	vmax.f32 v7, $0.0e+00;
	v4 =	vadd.f32 v9, v4  }
0x109: {  	v0 =	vadd.f32 v10, v0;
	[tilespmem:s17+$0x6570] =	vst v3;
	v1 =	vmax.f32 v6, $0.0e+00  }
0x10a: {  	v2 =	vadd.f32 v11, v2;
	[tilespmem:s17+$0x6580] =	vst v1;
	v1 =	vmax.f32 v4, $0.0e+00  }
0x10b: {  	v0 =	vmax.f32 v0, $0.0e+00;
	[tilespmem:s17+$0x6590] =	vst v1  }
0x10c: {  	v1 =	vmax.f32 v2, $0.0e+00;
	[tilespmem:s17+$0x65B0] =	vst v0  }
0x10d: {  	s5 =	rddreg [dreg:$0x2];
	[tilespmem:s17+$0x65A0] =	vst v1  }
0x10e: {  	[spmem:s5] =	stream.indirect.scatter.add.f32 [tilespmem:s19], [sflag:$0xB], $0x80, s23, s15, $0xb8;
	[tilespmem:$0x1CE80] =	vst v63  }
0x10f: {  	_ =	swait.ge [sflag:s6], $0x1400  }
0x110: {  	[sflag:s6] =	ssyncset.done $0x0  }
0x111: {  	s14 =	sadd.s32 $0x5, s14;
	[sflag:s6] =	ssyncadd.s32 $0xFFFFEC00  }
0x112: {  	s20 =	simm.s32 $0x7940;
	s17 =	smul.u32 @!p1 $0x28, s14;
	s9 =	rddreg [dreg:$0x3]  }
0x113: {  	[spmem:s9] =	stream.indirect.scatter.add.f32 [tilespmem:s20], [sflag:$0xB], $0x8, s23, s15, $0xb8;
	[tilespmem:$0x1CE80] =	vst v63  }
0x114: {  	s17 =	sadd.s32 @!p1 s16, s17;
	_ =	swait.ge [sflag:s6], $0x140  }
0x115: {  	s30 =	simm.s32 @!p1 $0x0;
	s17 =	sshrl.u32 @!p1 s17, $0x3;
	[sflag:s6] =	ssyncset.done $0x0  }
0x116: {  	s20 =	sadd.s32 @!p1 s12, s17;
	s23 =	simm.s32 @!p1 $0x50;
	[sflag:s6] =	ssyncadd.s32 $0xFFFFFEC0  }
0x117: {  	[tilespmem:s23], [sflag:$0x8] =	stream.linear.gather @!p1 [hbm4b:s20+s30], $0x28, $0x38;
	[tilespmem:$0x1CE80] =	vst v63  }
0x118: {  	s17 =	sadd.s32 @!p1 s13, s17;
	s20 =	simm.s32 @!p1 $0x78  }
0x119: {  	[tilespmem:s20], [sflag:$0x8] =	stream.linear.gather @!p1 [hbm4b:s17+s30], $0x28, $0x38;
	[tilespmem:$0x1CE80] =	vst v63  }
0x11a: {  	_ =	swait.ge [sflag:s31], $0x28  }
0x11b: {  	[sflag:s31] =	ssyncset.done $0x0  }
0x11c: {  	[sflag:s31] =	ssyncadd.s32 $0xFFFFFFD8  }
0x11d: {  	_ =	swait.ge [sflag:s31], $0x28  }
0x11e: {  	[sflag:s31] =	ssyncset.done $0x0;
	s9 =	rddreg [dreg:$0x1e]  }
0x11f: {  	s30 =	simm.s32 $0x3D40;
	s17 =	sld [smem:$0x7FD];
	[sflag:s31] =	ssyncadd.s32 $0xFFFFFFD8  }
0x120: {  	[tilespmem:s30], [sflag:$0x4] =	stream.indirect.gather [hbm4b:s9+s15], $0x80, s8, s15, $0xb8;
	[tilespmem:$0x1CE80] =	vst v63  }
0x121: {  	s20 =	simm.s32 $0x5140;
	s23 =	rddreg [dreg:$0x10];
	s9 =	simm.s32 $0x118  }
0x122: {  	[tilespmem:s20], [sflag:$0x5] =	stream.indirect.gather [hbm4b:s17+s15], $0x80, s9, s15, $0xb8;
	[tilespmem:$0x1CE80] =	vst v63  }
0x123: {  	s17 =	sadd.s32 s25, s23  }
0x124: {  	s17 =	sshll.u32 s17, $0x4  }
0x125: {  	s30 =	simm.s32 $0x0;
	s17 =	sadd.s32 s10, s17  }
0x126: {  	[tilespmem:s19], [sflag:$0x6] =	stream.linear.gather [hbm4b:s17+s30], $0x1400, $0x38;
	[tilespmem:$0x1CE80] =	vst v63  }
0x127: {  	_ =	swait.ge [sflag:s22], $0x1400  }
0x128: {  	[sflag:s22] =	ssyncset.done $0x0  }
0x129: {  	[sflag:s22] =	ssyncadd.s32 $0xFFFFEC00  }
0x12a: {  	_ =	swait.ge [sflag:s28], $0x1400  }
0x12b: {  	[sflag:s28] =	ssyncset.done $0x0  }
0x12c: {  	[sflag:s28] =	ssyncadd.s32 $0xFFFFEC00  }
0x12d: {  	_ =	swait.ge [sflag:s29], $0x1400  }
0x12e: {  	[sflag:s29] =	ssyncset.done $0x0  }
0x12f: {  	s17 =	simm.s32 $0x0;
	[sflag:s29] =	ssyncadd.s32 $0xFFFFEC00  }
0x130: {  	v12 =	vld [tilespmem:s17+$0x140]  }
0x131: {  	v17 =	vld [tilespmem:s17+$0x1540]  }
0x132: {  	v19 =	vld [tilespmem:s17+$0x150]  }
0x133: {  	v20 =	vld [tilespmem:s17+$0x1550]  }
0x134: {  	v5 =	vld [tilespmem:s17+$0x160]  }
0x135: {  	v9 =	vld [tilespmem:s17+$0x1560]  }
0x136: {  	v7 =	vld [tilespmem:s17+$0x170]  }
0x137: {  	v11 =	vld [tilespmem:s17+$0x1570]  }
0x138: {  	v8 =	vld [tilespmem:s17+$0x180]  }
0x139: {  	v10 =	vld [tilespmem:s17+$0x1580]  }
0x13a: {  	v4 =	vld [tilespmem:s17+$0x190]  }
0x13b: {  	v6 =	vld [tilespmem:s17+$0x1590]  }
0x13c: {  	v2 =	vld [tilespmem:s17+$0x1A0]  }
0x13d: {  	v3 =	vld [tilespmem:s17+$0x15A0]  }
0x13e: {  	v0 =	vld [tilespmem:s17+$0x1B0]  }
0x13f: {  	v1 =	vld [tilespmem:s17+$0x15B0]  }
0x140: {  	v16 =	vld [tilespmem:s17+$0x2940]  }
0x141: {  	v15 =	vld [tilespmem:s17+$0x2950]  }
0x142: {  	v14 =	vld [tilespmem:s17+$0x2960]  }
0x143: {  	v13 =	vld [tilespmem:s17+$0x2970];
	v18 =	vadd.f32 v17, v12  }
0x144: {  	s20 =	simm.s32 $0x200;
	v17 =	vadd.f32 v20, v19;
	v12 =	vld [tilespmem:s17+$0x2980]  }
.LBB2_8:
0x145: {  	p2 =	sne.s32 s20, $0x4E00;
	v16 =	vadd.f32 v16, v18;
	v5 =	vadd.f32 v9, v5;
	v9 =	vld [tilespmem:s17+$0x2990]  }
0x146: {  	v7 =	vadd.f32 v11, v7;
	v15 =	vadd.f32 v15, v17;
	v11 =	vld [tilespmem:s17+$0x29A0]  }
0x147: {  	s23 =	sshra.s32 s20, $0x2;
	v8 =	vadd.f32 v10, v8;
	v16 =	vmax.f32 v16, $0.0e+00;
	v5 =	vadd.f32 v14, v5;
	v10 =	vld [tilespmem:s17+$0x29B0]  }
0x148: {  	v4 =	vadd.f32 v6, v4;
	v17 =	vld [tilespmem:s23+$0x140];
	[tilespmem:s17+$0x2940] =	vst v16;
	v14 =	vmax.f32 v15, $0.0e+00;
	v7 =	vadd.f32 v13, v7  }
0x149: {  	v2 =	vadd.f32 v3, v2;
	v13 =	vld [tilespmem:s23+$0x1540];
	[tilespmem:s17+$0x2950] =	vst v14;
	v5 =	vmax.f32 v5, $0.0e+00;
	v6 =	vadd.f32 v12, v8  }
0x14a: {  	v0 =	vadd.f32 v1, v0;
	v12 =	vld [tilespmem:s23+$0x150];
	[tilespmem:s17+$0x2960] =	vst v5;
	v3 =	vmax.f32 v7, $0.0e+00;
	v4 =	vadd.f32 v9, v4  }
0x14b: {  	v19 =	vld [tilespmem:s23+$0x1550];
	[tilespmem:s17+$0x2970] =	vst v3;
	v1 =	vmax.f32 v6, $0.0e+00;
	v2 =	vadd.f32 v11, v2  }
0x14c: {  	v5 =	vld [tilespmem:s23+$0x160];
	[tilespmem:s17+$0x2980] =	vst v1;
	v1 =	vmax.f32 v4, $0.0e+00;
	v0 =	vadd.f32 v10, v0  }
0x14d: {  	v9 =	vld [tilespmem:s23+$0x1560];
	[tilespmem:s17+$0x2990] =	vst v1;
	v1 =	vmax.f32 v2, $0.0e+00  }
0x14e: {  	v7 =	vld [tilespmem:s23+$0x170];
	[tilespmem:s17+$0x29A0] =	vst v1;
	v0 =	vmax.f32 v0, $0.0e+00  }
0x14f: {  	v11 =	vld [tilespmem:s23+$0x1570];
	[tilespmem:s17+$0x29B0] =	vst v0;
	s17 =	smov.u32 s23  }
0x150: {  	v8 =	vld [tilespmem:s17+$0x180]  }
0x151: {  	v10 =	vld [tilespmem:s17+$0x1580]  }
0x152: {  	v4 =	vld [tilespmem:s17+$0x190]  }
0x153: {  	v6 =	vld [tilespmem:s17+$0x1590]  }
0x154: {  	v2 =	vld [tilespmem:s17+$0x1A0]  }
0x155: {  	v3 =	vld [tilespmem:s17+$0x15A0]  }
0x156: {  	v0 =	vld [tilespmem:s17+$0x1B0]  }
0x157: {  	v1 =	vld [tilespmem:s17+$0x15B0]  }
.Ltmp5:
0x158: {  	v16 =	vld [tilespmem:s17+$0x2940];
	(pc) =	sbr.rel @p2 .LBB2_8-.Ltmp5, $4  }
0x159: {  	v15 =	vld [tilespmem:s17+$0x2950]  }
0x15a: {  	v14 =	vld [tilespmem:s17+$0x2960]  }
0x15b: {  	v18 =	vadd.f32 v13, v17;
	v13 =	vld [tilespmem:s17+$0x2970]  }
0x15c: {  	s20 =	sadd.s32 $0x200, s20;
	v17 =	vadd.f32 v19, v12;
	v12 =	vld [tilespmem:s17+$0x2980]  }
0x15d: {  	v16 =	vadd.f32 v16, v18  }
0x15e: {  	v5 =	vadd.f32 v9, v5;
	v9 =	vld [tilespmem:s17+$0x2990];
	v7 =	vadd.f32 v11, v7  }
0x15f: {  	v8 =	vadd.f32 v10, v8;
	v10 =	vld [tilespmem:s17+$0x29B0];
	v15 =	vadd.f32 v15, v17  }
0x160: {  	v11 =	vld [tilespmem:s17+$0x29A0];
	v16 =	vmax.f32 v16, $0.0e+00;
	v5 =	vadd.f32 v14, v5  }
0x161: {  	v4 =	vadd.f32 v6, v4;
	[tilespmem:s17+$0x2940] =	vst v16;
	v14 =	vmax.f32 v15, $0.0e+00;
	v7 =	vadd.f32 v13, v7  }
0x162: {  	v0 =	vadd.f32 v1, v0;
	[tilespmem:s17+$0x2950] =	vst v14;
	v5 =	vmax.f32 v5, $0.0e+00;
	v6 =	vadd.f32 v12, v8  }
0x163: {  	v2 =	vadd.f32 v3, v2;
	[tilespmem:s17+$0x2960] =	vst v5;
	v3 =	vmax.f32 v7, $0.0e+00;
	v4 =	vadd.f32 v9, v4  }
0x164: {  	v0 =	vadd.f32 v10, v0;
	[tilespmem:s17+$0x2970] =	vst v3;
	v1 =	vmax.f32 v6, $0.0e+00  }
0x165: {  	v2 =	vadd.f32 v11, v2;
	[tilespmem:s17+$0x2980] =	vst v1;
	v1 =	vmax.f32 v4, $0.0e+00  }
0x166: {  	v0 =	vmax.f32 v0, $0.0e+00;
	[tilespmem:s17+$0x2990] =	vst v1  }
0x167: {  	v1 =	vmax.f32 v2, $0.0e+00;
	[tilespmem:s17+$0x29B0] =	vst v0  }
0x168: {  	s23 =	simm.s32 $0xA0;
	s5 =	rddreg [dreg:$0x2];
	[tilespmem:s17+$0x29A0] =	vst v1  }
0x169: {  	[spmem:s5] =	stream.indirect.scatter.add.f32 [tilespmem:s7], [sflag:$0xB], $0x80, s23, s15, $0xb8;
	[tilespmem:$0x1CE80] =	vst v63  }
0x16a: {  	_ =	swait.ge [sflag:s6], $0x1400  }
0x16b: {  	[sflag:s6] =	ssyncset.done $0x0  }
0x16c: {  	[sflag:s6] =	ssyncadd.s32 $0xFFFFEC00  }
0x16d: {  	s20 =	simm.s32 $0x7940;
	s30 =	rddreg [dreg:$0x3]  }
0x16e: {  	[spmem:s30] =	stream.indirect.scatter.add.f32 [tilespmem:s20], [sflag:$0xB], $0x8, s23, s15, $0xb8;
	[tilespmem:$0x1CE80] =	vst v63  }
0x16f: {  	_ =	swait.ge [sflag:s6], $0x140  }
0x170: {  	s17 =	rddreg [dreg:$0x1c]  }
0x171: {  	s17 =	sadd.s32 @!p1 s25, s17  }
0x172: {  	s23 =	simm.s32 @!p1 $0x0;
	[sflag:s6] =	ssyncset.done $0x0;
	s17 =	sshrl.u32 @!p1 s17, $0x3  }
0x173: {  	s30 =	simm.s32 @!p1 $0xA0;
	[sflag:s6] =	ssyncadd.s32 $0xFFFFFEC0;
	s20 =	sadd.s32 @!p1 s12, s17  }
0x174: {  	[tilespmem:s30], [sflag:$0x9] =	stream.linear.gather @!p1 [hbm4b:s20+s23], $0x28, $0x38;
	[tilespmem:$0x1CE80] =	vst v63  }
0x175: {  	s17 =	sadd.s32 @!p1 s13, s17;
	s20 =	simm.s32 @!p1 $0xC8  }
0x176: {  	[tilespmem:s20], [sflag:$0x9] =	stream.linear.gather @!p1 [hbm4b:s17+s23], $0x28, $0x38;
	[tilespmem:$0x1CE80] =	vst v63  }
0x177: {  	s17 =	simm.s32 @!p1 $0x7  }
0x178: {  	_ =	swait.ge @!p1 [sflag:s17], $0x28  }
0x179: {  	[sflag:s17] =	ssyncset.done @!p1 $0x0  }
0x17a: {  	[sflag:s17] =	ssyncadd.s32 @!p1 $0xFFFFFFD8  }
0x17b: {  	_ =	swait.ge @!p1 [sflag:s17], $0x28  }
0x17c: {  	s20 =	simm.s32 @!p1 $0x140;
	[sflag:s17] =	ssyncset.done @!p1 $0x0;
	s30 =	rddreg [dreg:$0x1e]  }
0x17d: {  	s8 =	sld [smem:$0x7FD];
	[sflag:s17] =	ssyncadd.s32 @!p1 $0xFFFFFFD8;
	s17 =	simm.s32 @!p1 $0x28  }
0x17e: {  	[tilespmem:s20], [sflag:$0x1] =	stream.indirect.gather @!p1 [hbm4b:s30+s17], $0x80, s23, s17, $0xb8;
	[tilespmem:$0x1CE80] =	vst v63  }
0x17f: {  	s20 =	simm.s32 @!p1 $0x1540  }
0x180: {  	[tilespmem:s20], [sflag:$0x2] =	stream.indirect.gather @!p1 [hbm4b:s8+s17], $0x80, s17, s17, $0xb8;
	[tilespmem:$0x1CE80] =	vst v63  }
0x181: {  	s17 =	sshll.u32 @!p1 s18, $0x4  }
0x182: {  	s18 =	simm.s32 @!p1 $0x2940;
	s17 =	sadd.s32 @!p1 s10, s17  }
0x183: {  	[tilespmem:s18], [sflag:$0x3] =	stream.linear.gather @!p1 [hbm4b:s17+s23], $0x1400, $0x38;
	[tilespmem:$0x1CE80] =	vst v63  }
0x184: {  	_ =	swait.ge [sflag:s0], $0x1400  }
0x185: {  	[sflag:s0] =	ssyncset.done $0x0  }
0x186: {  	[sflag:s0] =	ssyncadd.s32 $0xFFFFEC00  }
0x187: {  	_ =	swait.ge [sflag:s21], $0x1400  }
0x188: {  	[sflag:s21] =	ssyncset.done $0x0  }
0x189: {  	[sflag:s21] =	ssyncadd.s32 $0xFFFFEC00  }
0x18a: {  	_ =	swait.ge [sflag:s26], $0x1400  }
0x18b: {  	[sflag:s26] =	ssyncset.done $0x0  }
0x18c: {  	s17 =	simm.s32 $0x0;
	[sflag:s26] =	ssyncadd.s32 $0xFFFFEC00  }
0x18d: {  	v12 =	vld [tilespmem:s17+$0x3D40]  }
0x18e: {  	v17 =	vld [tilespmem:s17+$0x5140]  }
0x18f: {  	v19 =	vld [tilespmem:s17+$0x3D50]  }
0x190: {  	v20 =	vld [tilespmem:s17+$0x5150]  }
0x191: {  	v5 =	vld [tilespmem:s17+$0x3D60]  }
0x192: {  	v9 =	vld [tilespmem:s17+$0x5160]  }
0x193: {  	v7 =	vld [tilespmem:s17+$0x3D70]  }
0x194: {  	v11 =	vld [tilespmem:s17+$0x5170]  }
0x195: {  	v8 =	vld [tilespmem:s17+$0x3D80]  }
0x196: {  	v10 =	vld [tilespmem:s17+$0x5180]  }
0x197: {  	v4 =	vld [tilespmem:s17+$0x3D90]  }
0x198: {  	v6 =	vld [tilespmem:s17+$0x5190]  }
0x199: {  	v2 =	vld [tilespmem:s17+$0x3DA0]  }
0x19a: {  	v3 =	vld [tilespmem:s17+$0x51A0]  }
0x19b: {  	v0 =	vld [tilespmem:s17+$0x3DB0]  }
0x19c: {  	v1 =	vld [tilespmem:s17+$0x51B0]  }
0x19d: {  	v16 =	vld [tilespmem:s17+$0x6540]  }
0x19e: {  	v15 =	vld [tilespmem:s17+$0x6550]  }
0x19f: {  	v14 =	vld [tilespmem:s17+$0x6560]  }
0x1a0: {  	v13 =	vld [tilespmem:s17+$0x6570];
	v18 =	vadd.f32 v17, v12  }
0x1a1: {  	s9 =	simm.s32 $0xA0;
	s18 =	simm.s32 $0x200;
	v17 =	vadd.f32 v20, v19;
	v12 =	vld [tilespmem:s17+$0x6580]  }
.LBB2_10:
0x1a2: {  	p2 =	sne.s32 s18, $0x4E00;
	v16 =	vadd.f32 v16, v18;
	v5 =	vadd.f32 v9, v5;
	v9 =	vld [tilespmem:s17+$0x6590]  }
0x1a3: {  	v7 =	vadd.f32 v11, v7;
	v15 =	vadd.f32 v15, v17;
	v11 =	vld [tilespmem:s17+$0x65A0]  }
0x1a4: {  	s20 =	sshra.s32 s18, $0x2;
	v8 =	vadd.f32 v10, v8;
	v16 =	vmax.f32 v16, $0.0e+00;
	v5 =	vadd.f32 v14, v5;
	v10 =	vld [tilespmem:s17+$0x65B0]  }
0x1a5: {  	v4 =	vadd.f32 v6, v4;
	v17 =	vld [tilespmem:s20+$0x3D40];
	[tilespmem:s17+$0x6540] =	vst v16;
	v14 =	vmax.f32 v15, $0.0e+00;
	v7 =	vadd.f32 v13, v7  }
0x1a6: {  	v2 =	vadd.f32 v3, v2;
	v13 =	vld [tilespmem:s20+$0x5140];
	[tilespmem:s17+$0x6550] =	vst v14;
	v5 =	vmax.f32 v5, $0.0e+00;
	v6 =	vadd.f32 v12, v8  }
0x1a7: {  	v0 =	vadd.f32 v1, v0;
	v12 =	vld [tilespmem:s20+$0x3D50];
	[tilespmem:s17+$0x6560] =	vst v5;
	v3 =	vmax.f32 v7, $0.0e+00;
	v4 =	vadd.f32 v9, v4  }
0x1a8: {  	v19 =	vld [tilespmem:s20+$0x5150];
	[tilespmem:s17+$0x6570] =	vst v3;
	v1 =	vmax.f32 v6, $0.0e+00;
	v2 =	vadd.f32 v11, v2  }
0x1a9: {  	v5 =	vld [tilespmem:s20+$0x3D60];
	[tilespmem:s17+$0x6580] =	vst v1;
	v1 =	vmax.f32 v4, $0.0e+00;
	v0 =	vadd.f32 v10, v0  }
0x1aa: {  	v9 =	vld [tilespmem:s20+$0x5160];
	[tilespmem:s17+$0x6590] =	vst v1;
	v1 =	vmax.f32 v2, $0.0e+00  }
0x1ab: {  	v7 =	vld [tilespmem:s20+$0x3D70];
	[tilespmem:s17+$0x65A0] =	vst v1;
	v0 =	vmax.f32 v0, $0.0e+00  }
0x1ac: {  	v11 =	vld [tilespmem:s20+$0x5170];
	[tilespmem:s17+$0x65B0] =	vst v0;
	s17 =	smov.u32 s20  }
0x1ad: {  	v8 =	vld [tilespmem:s17+$0x3D80]  }
0x1ae: {  	v10 =	vld [tilespmem:s17+$0x5180]  }
0x1af: {  	v4 =	vld [tilespmem:s17+$0x3D90]  }
0x1b0: {  	v6 =	vld [tilespmem:s17+$0x5190]  }
0x1b1: {  	v2 =	vld [tilespmem:s17+$0x3DA0]  }
0x1b2: {  	v3 =	vld [tilespmem:s17+$0x51A0]  }
0x1b3: {  	v0 =	vld [tilespmem:s17+$0x3DB0]  }
0x1b4: {  	v1 =	vld [tilespmem:s17+$0x51B0]  }
.Ltmp6:
0x1b5: {  	v16 =	vld [tilespmem:s17+$0x6540];
	(pc) =	sbr.rel @p2 .LBB2_10-.Ltmp6, $4  }
0x1b6: {  	v15 =	vld [tilespmem:s17+$0x6550]  }
0x1b7: {  	v14 =	vld [tilespmem:s17+$0x6560]  }
0x1b8: {  	v18 =	vadd.f32 v13, v17;
	v13 =	vld [tilespmem:s17+$0x6570]  }
0x1b9: {  	s18 =	sadd.s32 $0x200, s18;
	v17 =	vadd.f32 v19, v12;
	v12 =	vld [tilespmem:s17+$0x6580]  }
0x1ba: {  	v16 =	vadd.f32 v16, v18;
	v5 =	vadd.f32 v9, v5;
	v55 =	vld [tilespmem:s17+$0x6590]  }
0x1bb: {  	v7 =	vadd.f32 v11, v7;
	v56 =	vld [tilespmem:s17+$0x65A0];
	v15 =	vadd.f32 v15, v17  }
0x1bc: {  	v8 =	vadd.f32 v10, v8;
	v57 =	vld [tilespmem:s17+$0x65B0];
	v16 =	vmax.f32 v16, $0.0e+00;
	v5 =	vadd.f32 v14, v5  }
0x1bd: {  	v4 =	vadd.f32 v6, v4;
	[tilespmem:s17+$0x6540] =	vst v16;
	v58 =	vmax.f32 v15, $0.0e+00;
	v7 =	vadd.f32 v13, v7  }
0x1be: {  	v2 =	vadd.f32 v3, v2;
	[tilespmem:s17+$0x6550] =	vst v58;
	v5 =	vmax.f32 v5, $0.0e+00;
	v59 =	vadd.f32 v12, v8  }
0x1bf: {  	v0 =	vadd.f32 v1, v0;
	[tilespmem:s17+$0x6560] =	vst v5;
	v60 =	vmax.f32 v7, $0.0e+00;
	v4 =	vadd.f32 v55, v4  }
0x1c0: {  	v2 =	vadd.f32 v56, v2;
	[tilespmem:s17+$0x6570] =	vst v60;
	v61 =	vmax.f32 v59, $0.0e+00  }
0x1c1: {  	v0 =	vadd.f32 v57, v0;
	[tilespmem:s17+$0x6580] =	vst v61;
	v62 =	vmax.f32 v4, $0.0e+00  }
0x1c2: {  	v63 =	vmax.f32 v2, $0.0e+00;
	[tilespmem:s17+$0x6590] =	vst v62  }
0x1c3: {  	v0 =	vmax.f32 v0, $0.0e+00;
	[tilespmem:s17+$0x65A0] =	vst v63  }
0x1c4: {  	s20 =	simm.s32 $0xF0;
	s5 =	rddreg [dreg:$0x2];
	[tilespmem:s17+$0x65B0] =	vst v0  }
0x1c5: {  	[spmem:s5] =	stream.indirect.scatter.add.f32 [tilespmem:s19], [sflag:$0xB], $0x80, s20, s15, $0xb8;
	[tilespmem:$0x1CE80] =	vst v63  }
0x1c6: {  	_ =	swait.ge [sflag:s6], $0x1400  }
0x1c7: {  	[sflag:s6] =	ssyncset.done $0x0  }
0x1c8: {  	[sflag:s6] =	ssyncadd.s32 $0xFFFFEC00  }
.Ltmp7:
0x1c9: {  	s18 =	simm.s32 $0x7940;
	s30 =	rddreg [dreg:$0x3];
	(pc) =	sbr.rel @p1 .LBB2_13-.Ltmp7, $4  }
0x1ca: {  	[spmem:s30] =	stream.indirect.scatter.add.f32 [tilespmem:s18], [sflag:$0xB], $0x8, s20, s15, $0xb8;
	[tilespmem:$0x1CE80] =	vst v63  }
0x1cb: {  	_ =	swait.ge [sflag:s6], $0x140  }
0x1cc: {  	[sflag:s6] =	ssyncset.done $0x0  }
0x1cd: {  	s23 =	simm.s32 $0x50;
	[sflag:s6] =	ssyncadd.s32 $0xFFFFFEC0  }
0x1ce: {  	s17 =	rddreg [dreg:$0x1d]  }
0x1cf: {  	s17 =	sadd.s32 s25, s17  }
0x1d0: {  	s17 =	sshrl.u32 s17, $0x3  }
0x1d1: {  	s18 =	sadd.s32 s12, s17  }
0x1d2: {  	[tilespmem:s20], [sflag:$0xA] =	stream.linear.gather [hbm4b:s18+s4], $0x28, $0x38;
	[tilespmem:$0x1CE80] =	vst v63  }
0x1d3: {  	s8 =	simm.s32 $0x118;
	s17 =	sadd.s32 s13, s17  }
0x1d4: {  	[tilespmem:s8], [sflag:$0xA] =	stream.linear.gather [hbm4b:s17+s4], $0x28, $0x38;
	[tilespmem:$0x1CE80] =	vst v63  }
0x1d5: {  	_ =	swait.ge [sflag:s1], $0x28  }
0x1d6: {  	[sflag:s1] =	ssyncset.done $0x0  }
0x1d7: {  	[sflag:s1] =	ssyncadd.s32 $0xFFFFFFD8  }
0x1d8: {  	_ =	swait.ge [sflag:s1], $0x28  }
0x1d9: {  	s5 =	simm.s32 $0x3D40;
	[sflag:s1] =	ssyncset.done $0x0;
	s20 =	rddreg [dreg:$0x1e]  }
0x1da: {  	s14 =	smul.u32 $0x28, s14;
	s7 =	sld [smem:$0x7FD];
	[sflag:s1] =	ssyncadd.s32 $0xFFFFFFD8  }
0x1db: {  	[tilespmem:s5], [sflag:$0x4] =	stream.indirect.gather [hbm4b:s20+s15], $0x80, s23, s15, $0xb8;
	[tilespmem:$0x1CE80] =	vst v63  }
.Ltmp8:
0x1dc: {  	s14 =	sadd.s32 s16, s14;
	(pc) =	sbr.rel .LBB2_3-.Ltmp8, $4  }
0x1dd: {  	s30 =	simm.s32 $0x5140;
	s25 =	simm.s32 $0x78;
	s14 =	sshll.u32 s14, $0x4  }
0x1de: {  	[tilespmem:s30], [sflag:$0x5] =	stream.indirect.gather [hbm4b:s7+s15], $0x80, s25, s15, $0xb8;
	[tilespmem:$0x1CE80] =	vst v63  }
0x1df: {  	s24 =	sadd.s32 $0x1, s24;
	s14 =	sadd.s32 s10, s14  }
0x1e0: {  	[tilespmem:s19], [sflag:$0x6] =	stream.linear.gather [hbm4b:s14+s4], $0x1400, $0x38;
	[tilespmem:$0x1CE80] =	vst v63  }
.LBB2_14:
0x1e1: {  	s24 =	simm.s32 $0x0;
	s17 =	rddreg [dreg:$0x1f];
	s14 =	simm.s32 $0x140  }
0x1e2: {  	[tilespmem:s14], [sflag:$0x1] =	stream.indirect.gather [hbm4b:s17+s15], $0x80, s24, s15, $0xb8;
	[tilespmem:$0x1CE80] =	vst v63  }
0x1e3: {  	s5 =	simm.s32 $0x1540  }
0x1e4: {  	[tilespmem:s5], [sflag:$0x2] =	stream.indirect.gather [hbm4b:s11+s15], $0x80, s15, s15, $0xb8;
	[tilespmem:$0x1CE80] =	vst v63  }
0x1e5: {  	s20 =	rddreg [dreg:$0x14]  }
0x1e6: {  	[tilespmem:s7], [sflag:$0x3] =	stream.linear.gather [hbm4b:s20+s24], $0x1400, $0x38;
	[tilespmem:$0x1CE80] =	vst v63  }
0x1e7: {  	_ =	swait.ge [sflag:s1], $0x28  }
0x1e8: {  	[sflag:s1] =	ssyncset.done $0x0  }
0x1e9: {  	[sflag:s1] =	ssyncadd.s32 $0xFFFFFFD8  }
0x1ea: {  	_ =	swait.ge [sflag:s1], $0x28  }
0x1eb: {  	[sflag:s1] =	ssyncset.done $0x0  }
0x1ec: {  	s5 =	simm.s32 $0x3D40;
	[sflag:s1] =	ssyncadd.s32 $0xFFFFFFD8  }
0x1ed: {  	[tilespmem:s5], [sflag:$0x4] =	stream.indirect.gather [hbm4b:s17+s15], $0x80, s23, s15, $0xb8;
	[tilespmem:$0x1CE80] =	vst v63  }
0x1ee: {  	s25 =	simm.s32 $0x5140  }
0x1ef: {  	[tilespmem:s25], [sflag:$0x5] =	stream.indirect.gather [hbm4b:s11+s15], $0x80, s18, s15, $0xb8;
	[tilespmem:$0x1CE80] =	vst v63  }
0x1f0: {  	s8 =	simm.s32 $0xF0;
	s30 =	rddreg [dreg:$0x16]  }
0x1f1: {  	[tilespmem:s19], [sflag:$0x6] =	stream.linear.gather [hbm4b:s30+s24], $0x1400, $0x38;
	[tilespmem:$0x1CE80] =	vst v63  }
.LBB2_15:
0x1f2: {  	_ =	swait.ge [sflag:s22], $0x1400  }
0x1f3: {  	[sflag:s22] =	ssyncset.done $0x0  }
0x1f4: {  	[sflag:s22] =	ssyncadd.s32 $0xFFFFEC00  }
0x1f5: {  	_ =	swait.ge [sflag:s28], $0x1400  }
0x1f6: {  	[sflag:s28] =	ssyncset.done $0x0  }
0x1f7: {  	[sflag:s28] =	ssyncadd.s32 $0xFFFFEC00  }
0x1f8: {  	_ =	swait.ge [sflag:s29], $0x1400  }
0x1f9: {  	[sflag:s29] =	ssyncset.done $0x0  }
0x1fa: {  	s14 =	simm.s32 $0x0;
	[sflag:s29] =	ssyncadd.s32 $0xFFFFEC00  }
0x1fb: {  	v12 =	vld [tilespmem:s14+$0x140]  }
0x1fc: {  	v17 =	vld [tilespmem:s14+$0x1540]  }
0x1fd: {  	v19 =	vld [tilespmem:s14+$0x150]  }
0x1fe: {  	v20 =	vld [tilespmem:s14+$0x1550]  }
0x1ff: {  	v5 =	vld [tilespmem:s14+$0x160]  }
0x200: {  	v9 =	vld [tilespmem:s14+$0x1560]  }
0x201: {  	v7 =	vld [tilespmem:s14+$0x170]  }
0x202: {  	v11 =	vld [tilespmem:s14+$0x1570]  }
0x203: {  	v8 =	vld [tilespmem:s14+$0x180]  }
0x204: {  	v10 =	vld [tilespmem:s14+$0x1580]  }
0x205: {  	v4 =	vld [tilespmem:s14+$0x190]  }
0x206: {  	v6 =	vld [tilespmem:s14+$0x1590]  }
0x207: {  	v2 =	vld [tilespmem:s14+$0x1A0]  }
0x208: {  	v3 =	vld [tilespmem:s14+$0x15A0]  }
0x209: {  	v0 =	vld [tilespmem:s14+$0x1B0]  }
0x20a: {  	v1 =	vld [tilespmem:s14+$0x15B0]  }
0x20b: {  	v16 =	vld [tilespmem:s14+$0x2940]  }
0x20c: {  	v15 =	vld [tilespmem:s14+$0x2950]  }
0x20d: {  	v14 =	vld [tilespmem:s14+$0x2960]  }
0x20e: {  	v13 =	vld [tilespmem:s14+$0x2970];
	v18 =	vadd.f32 v17, v12  }
0x20f: {  	s5 =	smov.u32 s11;
	s30 =	simm.s32 $0x50;
	s17 =	simm.s32 $0x200;
	v17 =	vadd.f32 v20, v19;
	v12 =	vld [tilespmem:s14+$0x2980]  }
.LBB2_16:
0x210: {  	p1 =	sne.s32 s17, $0x4E00;
	v16 =	vadd.f32 v16, v18;
	v5 =	vadd.f32 v9, v5;
	v9 =	vld [tilespmem:s14+$0x2990]  }
0x211: {  	v7 =	vadd.f32 v11, v7;
	v15 =	vadd.f32 v15, v17;
	v11 =	vld [tilespmem:s14+$0x29A0]  }
0x212: {  	s18 =	sshra.s32 s17, $0x2;
	v8 =	vadd.f32 v10, v8;
	v16 =	vmax.f32 v16, $0.0e+00;
	v5 =	vadd.f32 v14, v5;
	v10 =	vld [tilespmem:s14+$0x29B0]  }
0x213: {  	v4 =	vadd.f32 v6, v4;
	v17 =	vld [tilespmem:s18+$0x140];
	[tilespmem:s14+$0x2940] =	vst v16;
	v14 =	vmax.f32 v15, $0.0e+00;
	v7 =	vadd.f32 v13, v7  }
0x214: {  	v2 =	vadd.f32 v3, v2;
	v13 =	vld [tilespmem:s18+$0x1540];
	[tilespmem:s14+$0x2950] =	vst v14;
	v5 =	vmax.f32 v5, $0.0e+00;
	v6 =	vadd.f32 v12, v8  }
0x215: {  	v0 =	vadd.f32 v1, v0;
	v12 =	vld [tilespmem:s18+$0x150];
	[tilespmem:s14+$0x2960] =	vst v5;
	v3 =	vmax.f32 v7, $0.0e+00;
	v4 =	vadd.f32 v9, v4  }
0x216: {  	v19 =	vld [tilespmem:s18+$0x1550];
	[tilespmem:s14+$0x2970] =	vst v3;
	v1 =	vmax.f32 v6, $0.0e+00;
	v2 =	vadd.f32 v11, v2  }
0x217: {  	v5 =	vld [tilespmem:s18+$0x160];
	[tilespmem:s14+$0x2980] =	vst v1;
	v1 =	vmax.f32 v4, $0.0e+00;
	v0 =	vadd.f32 v10, v0  }
0x218: {  	v9 =	vld [tilespmem:s18+$0x1560];
	[tilespmem:s14+$0x2990] =	vst v1;
	v1 =	vmax.f32 v2, $0.0e+00  }
0x219: {  	v7 =	vld [tilespmem:s18+$0x170];
	[tilespmem:s14+$0x29A0] =	vst v1;
	v0 =	vmax.f32 v0, $0.0e+00  }
0x21a: {  	v11 =	vld [tilespmem:s18+$0x1570];
	[tilespmem:s14+$0x29B0] =	vst v0;
	s14 =	smov.u32 s18  }
0x21b: {  	v8 =	vld [tilespmem:s14+$0x180]  }
0x21c: {  	v10 =	vld [tilespmem:s14+$0x1580]  }
0x21d: {  	v4 =	vld [tilespmem:s14+$0x190]  }
0x21e: {  	v6 =	vld [tilespmem:s14+$0x1590]  }
0x21f: {  	v2 =	vld [tilespmem:s14+$0x1A0]  }
0x220: {  	v3 =	vld [tilespmem:s14+$0x15A0]  }
0x221: {  	v0 =	vld [tilespmem:s14+$0x1B0]  }
0x222: {  	v1 =	vld [tilespmem:s14+$0x15B0]  }
.Ltmp9:
0x223: {  	v16 =	vld [tilespmem:s14+$0x2940];
	(pc) =	sbr.rel @p1 .LBB2_16-.Ltmp9, $4  }
0x224: {  	v15 =	vld [tilespmem:s14+$0x2950]  }
0x225: {  	v14 =	vld [tilespmem:s14+$0x2960]  }
0x226: {  	v18 =	vadd.f32 v13, v17;
	v13 =	vld [tilespmem:s14+$0x2970]  }
0x227: {  	s17 =	sadd.s32 $0x200, s17;
	v17 =	vadd.f32 v19, v12;
	v12 =	vld [tilespmem:s14+$0x2980]  }
0x228: {  	v16 =	vadd.f32 v16, v18  }
0x229: {  	v5 =	vadd.f32 v9, v5;
	v9 =	vld [tilespmem:s14+$0x2990];
	v7 =	vadd.f32 v11, v7  }
0x22a: {  	v8 =	vadd.f32 v10, v8;
	v10 =	vld [tilespmem:s14+$0x29B0];
	v15 =	vadd.f32 v15, v17  }
0x22b: {  	v11 =	vld [tilespmem:s14+$0x29A0];
	v16 =	vmax.f32 v16, $0.0e+00;
	v5 =	vadd.f32 v14, v5  }
0x22c: {  	v4 =	vadd.f32 v6, v4;
	[tilespmem:s14+$0x2940] =	vst v16;
	v14 =	vmax.f32 v15, $0.0e+00;
	v7 =	vadd.f32 v13, v7  }
0x22d: {  	v0 =	vadd.f32 v1, v0;
	[tilespmem:s14+$0x2950] =	vst v14;
	v5 =	vmax.f32 v5, $0.0e+00;
	v6 =	vadd.f32 v12, v8  }
0x22e: {  	v2 =	vadd.f32 v3, v2;
	[tilespmem:s14+$0x2960] =	vst v5;
	v3 =	vmax.f32 v7, $0.0e+00;
	v4 =	vadd.f32 v9, v4  }
0x22f: {  	v0 =	vadd.f32 v10, v0;
	[tilespmem:s14+$0x2970] =	vst v3;
	v1 =	vmax.f32 v6, $0.0e+00  }
0x230: {  	v2 =	vadd.f32 v11, v2;
	[tilespmem:s14+$0x2980] =	vst v1;
	v1 =	vmax.f32 v4, $0.0e+00  }
0x231: {  	s18 =	sshll.u32 s24, $0x2;
	v0 =	vmax.f32 v0, $0.0e+00;
	[tilespmem:s14+$0x2990] =	vst v1  }
0x232: {  	p1 =	seq.s32 s24, $0x7C;
	s17 =	sadd.s32 $0x4, s18;
	v1 =	vmax.f32 v2, $0.0e+00;
	[tilespmem:s14+$0x29B0] =	vst v0  }
0x233: {  	s11 =	simm.s32 $0x2940;
	s7 =	rddreg [dreg:$0x2];
	[tilespmem:s14+$0x29A0] =	vst v1;
	s14 =	smul.u32 @!p1 $0x28, s17  }
0x234: {  	[spmem:s7] =	stream.indirect.scatter.add.f32 [tilespmem:s11], [sflag:$0xB], $0x80, s4, s15, $0xb8;
	[tilespmem:$0x1CE80] =	vst v63  }
0x235: {  	_ =	swait.ge [sflag:s6], $0x1400;
	s14 =	sadd.s32 @!p1 s16, s14  }
0x236: {  	[sflag:s6] =	ssyncset.done $0x0;
	s17 =	sshrl.u32 @!p1 s14, $0x3  }
0x237: {  	s23 =	simm.s32 @!p1 $0x0;
	[sflag:s6] =	ssyncadd.s32 $0xFFFFEC00;
	s20 =	sadd.s32 @!p1 s12, s17  }
0x238: {  	[tilespmem:s23], [sflag:$0x7] =	stream.linear.gather @!p1 [hbm4b:s20+s23], $0x28, $0x38;
	[tilespmem:$0x1CE80] =	vst v63  }
0x239: {  	s17 =	sadd.s32 @!p1 s13, s17;
	s20 =	simm.s32 @!p1 $0x28  }
0x23a: {  	[tilespmem:s20], [sflag:$0x7] =	stream.linear.gather @!p1 [hbm4b:s17+s23], $0x28, $0x38;
	[tilespmem:$0x1CE80] =	vst v63  }
0x23b: {  	_ =	swait.ge [sflag:s3], $0x28  }
0x23c: {  	[sflag:s3] =	ssyncset.done $0x0  }
0x23d: {  	[sflag:s3] =	ssyncadd.s32 $0xFFFFFFD8  }
0x23e: {  	_ =	swait.ge [sflag:s3], $0x28  }
0x23f: {  	s7 =	simm.s32 $0x140;
	[sflag:s3] =	ssyncset.done $0x0  }
0x240: {  	s23 =	simm.s32 $0xC8;
	s25 =	rddreg [dreg:$0x1f];
	[sflag:s3] =	ssyncadd.s32 $0xFFFFFFD8  }
0x241: {  	[tilespmem:s7], [sflag:$0x1] =	stream.indirect.gather [hbm4b:s25+s15], $0x80, s9, s15, $0xb8;
	[tilespmem:$0x1CE80] =	vst v63  }
0x242: {  	s20 =	rddreg [dreg:$0xb];
	s25 =	smul.u32 $0xA0, s24;
	s7 =	simm.s32 $0x1540  }
0x243: {  	[tilespmem:s7], [sflag:$0x2] =	stream.indirect.gather [hbm4b:s5+s15], $0x80, s23, s15, $0xb8;
	[tilespmem:$0x1CE80] =	vst v63  }
0x244: {  	s17 =	sadd.s32 s25, s20  }
0x245: {  	s17 =	sshll.u32 s17, $0x4  }
0x246: {  	s23 =	simm.s32 $0x0;
	s17 =	sadd.s32 s2, s17  }
0x247: {  	[tilespmem:s11], [sflag:$0x3] =	stream.linear.gather [hbm4b:s17+s23], $0x1400, $0x38;
	[tilespmem:$0x1CE80] =	vst v63  }
0x248: {  	_ =	swait.ge [sflag:s0], $0x1400  }
0x249: {  	[sflag:s0] =	ssyncset.done $0x0  }
0x24a: {  	[sflag:s0] =	ssyncadd.s32 $0xFFFFEC00  }
0x24b: {  	_ =	swait.ge [sflag:s21], $0x1400  }
0x24c: {  	[sflag:s21] =	ssyncset.done $0x0  }
0x24d: {  	[sflag:s21] =	ssyncadd.s32 $0xFFFFEC00  }
0x24e: {  	_ =	swait.ge [sflag:s26], $0x1400  }
0x24f: {  	[sflag:s26] =	ssyncset.done $0x0  }
0x250: {  	s17 =	simm.s32 $0x0;
	[sflag:s26] =	ssyncadd.s32 $0xFFFFEC00  }
0x251: {  	v12 =	vld [tilespmem:s17+$0x3D40]  }
0x252: {  	v17 =	vld [tilespmem:s17+$0x5140]  }
0x253: {  	v19 =	vld [tilespmem:s17+$0x3D50]  }
0x254: {  	v20 =	vld [tilespmem:s17+$0x5150]  }
0x255: {  	v5 =	vld [tilespmem:s17+$0x3D60]  }
0x256: {  	v9 =	vld [tilespmem:s17+$0x5160]  }
0x257: {  	v7 =	vld [tilespmem:s17+$0x3D70]  }
0x258: {  	v11 =	vld [tilespmem:s17+$0x5170]  }
0x259: {  	v8 =	vld [tilespmem:s17+$0x3D80]  }
0x25a: {  	v10 =	vld [tilespmem:s17+$0x5180]  }
0x25b: {  	v4 =	vld [tilespmem:s17+$0x3D90]  }
0x25c: {  	v6 =	vld [tilespmem:s17+$0x5190]  }
0x25d: {  	v2 =	vld [tilespmem:s17+$0x3DA0]  }
0x25e: {  	v3 =	vld [tilespmem:s17+$0x51A0]  }
0x25f: {  	v0 =	vld [tilespmem:s17+$0x3DB0]  }
0x260: {  	v1 =	vld [tilespmem:s17+$0x51B0]  }
0x261: {  	v16 =	vld [tilespmem:s17+$0x6540]  }
0x262: {  	v15 =	vld [tilespmem:s17+$0x6550]  }
0x263: {  	v14 =	vld [tilespmem:s17+$0x6560]  }
0x264: {  	v13 =	vld [tilespmem:s17+$0x6570];
	v18 =	vadd.f32 v17, v12  }
0x265: {  	s7 =	simm.s32 $0x2940;
	s20 =	simm.s32 $0x200;
	v17 =	vadd.f32 v20, v19;
	v12 =	vld [tilespmem:s17+$0x6580]  }
.LBB2_18:
0x266: {  	p2 =	sne.s32 s20, $0x4E00;
	v16 =	vadd.f32 v16, v18;
	v5 =	vadd.f32 v9, v5;
	v9 =	vld [tilespmem:s17+$0x6590]  }
0x267: {  	v7 =	vadd.f32 v11, v7;
	v15 =	vadd.f32 v15, v17;
	v11 =	vld [tilespmem:s17+$0x65A0]  }
0x268: {  	s23 =	sshra.s32 s20, $0x2;
	v8 =	vadd.f32 v10, v8;
	v16 =	vmax.f32 v16, $0.0e+00;
	v5 =	vadd.f32 v14, v5;
	v10 =	vld [tilespmem:s17+$0x65B0]  }
0x269: {  	v4 =	vadd.f32 v6, v4;
	v17 =	vld [tilespmem:s23+$0x3D40];
	[tilespmem:s17+$0x6540] =	vst v16;
	v14 =	vmax.f32 v15, $0.0e+00;
	v7 =	vadd.f32 v13, v7  }
0x26a: {  	v2 =	vadd.f32 v3, v2;
	v13 =	vld [tilespmem:s23+$0x5140];
	[tilespmem:s17+$0x6550] =	vst v14;
	v5 =	vmax.f32 v5, $0.0e+00;
	v6 =	vadd.f32 v12, v8  }
0x26b: {  	v0 =	vadd.f32 v1, v0;
	v12 =	vld [tilespmem:s23+$0x3D50];
	[tilespmem:s17+$0x6560] =	vst v5;
	v3 =	vmax.f32 v7, $0.0e+00;
	v4 =	vadd.f32 v9, v4  }
0x26c: {  	v19 =	vld [tilespmem:s23+$0x5150];
	[tilespmem:s17+$0x6570] =	vst v3;
	v1 =	vmax.f32 v6, $0.0e+00;
	v2 =	vadd.f32 v11, v2  }
0x26d: {  	v5 =	vld [tilespmem:s23+$0x3D60];
	[tilespmem:s17+$0x6580] =	vst v1;
	v1 =	vmax.f32 v4, $0.0e+00;
	v0 =	vadd.f32 v10, v0  }
0x26e: {  	v9 =	vld [tilespmem:s23+$0x5160];
	[tilespmem:s17+$0x6590] =	vst v1;
	v1 =	vmax.f32 v2, $0.0e+00  }
0x26f: {  	v7 =	vld [tilespmem:s23+$0x3D70];
	[tilespmem:s17+$0x65A0] =	vst v1;
	v0 =	vmax.f32 v0, $0.0e+00  }
0x270: {  	v11 =	vld [tilespmem:s23+$0x5170];
	[tilespmem:s17+$0x65B0] =	vst v0;
	s17 =	smov.u32 s23  }
0x271: {  	v8 =	vld [tilespmem:s17+$0x3D80]  }
0x272: {  	v10 =	vld [tilespmem:s17+$0x5180]  }
0x273: {  	v4 =	vld [tilespmem:s17+$0x3D90]  }
0x274: {  	v6 =	vld [tilespmem:s17+$0x5190]  }
0x275: {  	v2 =	vld [tilespmem:s17+$0x3DA0]  }
0x276: {  	v3 =	vld [tilespmem:s17+$0x51A0]  }
0x277: {  	v0 =	vld [tilespmem:s17+$0x3DB0]  }
0x278: {  	v1 =	vld [tilespmem:s17+$0x51B0]  }
.Ltmp10:
0x279: {  	v16 =	vld [tilespmem:s17+$0x6540];
	(pc) =	sbr.rel @p2 .LBB2_18-.Ltmp10, $4  }
0x27a: {  	v15 =	vld [tilespmem:s17+$0x6550]  }
0x27b: {  	v14 =	vld [tilespmem:s17+$0x6560]  }
0x27c: {  	v18 =	vadd.f32 v13, v17;
	v13 =	vld [tilespmem:s17+$0x6570]  }
0x27d: {  	s20 =	sadd.s32 $0x200, s20;
	v17 =	vadd.f32 v19, v12;
	v12 =	vld [tilespmem:s17+$0x6580]  }
0x27e: {  	v16 =	vadd.f32 v16, v18  }
0x27f: {  	v5 =	vadd.f32 v9, v5;
	v9 =	vld [tilespmem:s17+$0x6590];
	v7 =	vadd.f32 v11, v7  }
0x280: {  	v8 =	vadd.f32 v10, v8;
	v10 =	vld [tilespmem:s17+$0x65B0];
	v15 =	vadd.f32 v15, v17  }
0x281: {  	v11 =	vld [tilespmem:s17+$0x65A0];
	v16 =	vmax.f32 v16, $0.0e+00;
	v5 =	vadd.f32 v14, v5  }
0x282: {  	v4 =	vadd.f32 v6, v4;
	[tilespmem:s17+$0x6540] =	vst v16;
	v14 =	vmax.f32 v15, $0.0e+00;
	v7 =	vadd.f32 v13, v7  }
0x283: {  	v0 =	vadd.f32 v1, v0;
	[tilespmem:s17+$0x6550] =	vst v14;
	v5 =	vmax.f32 v5, $0.0e+00;
	v6 =	vadd.f32 v12, v8  }
0x284: {  	v2 =	vadd.f32 v3, v2;
	[tilespmem:s17+$0x6560] =	vst v5;
	v3 =	vmax.f32 v7, $0.0e+00;
	v4 =	vadd.f32 v9, v4  }
0x285: {  	v0 =	vadd.f32 v10, v0;
	[tilespmem:s17+$0x6570] =	vst v3;
	v1 =	vmax.f32 v6, $0.0e+00  }
0x286: {  	v2 =	vadd.f32 v11, v2;
	[tilespmem:s17+$0x6580] =	vst v1;
	v1 =	vmax.f32 v4, $0.0e+00  }
0x287: {  	v0 =	vmax.f32 v0, $0.0e+00;
	[tilespmem:s17+$0x6590] =	vst v1  }
0x288: {  	s18 =	sadd.s32 $0x5, s18;
	v1 =	vmax.f32 v2, $0.0e+00;
	[tilespmem:s17+$0x65B0] =	vst v0  }
0x289: {  	s11 =	rddreg [dreg:$0x2];
	[tilespmem:s17+$0x65A0] =	vst v1;
	s17 =	smul.u32 @!p1 $0x28, s18  }
0x28a: {  	[spmem:s11] =	stream.indirect.scatter.add.f32 [tilespmem:s19], [sflag:$0xB], $0x80, s30, s15, $0xb8;
	[tilespmem:$0x1CE80] =	vst v63  }
0x28b: {  	_ =	swait.ge [sflag:s6], $0x1400;
	s17 =	sadd.s32 @!p1 s16, s17  }
0x28c: {  	s23 =	simm.s32 @!p1 $0x0;
	[sflag:s6] =	ssyncset.done $0x0;
	s17 =	sshrl.u32 @!p1 s17, $0x3  }
0x28d: {  	s30 =	simm.s32 @!p1 $0x50;
	[sflag:s6] =	ssyncadd.s32 $0xFFFFEC00;
	s20 =	sadd.s32 @!p1 s12, s17  }
0x28e: {  	[tilespmem:s30], [sflag:$0x8] =	stream.linear.gather @!p1 [hbm4b:s20+s23], $0x28, $0x38;
	[tilespmem:$0x1CE80] =	vst v63  }
0x28f: {  	s17 =	sadd.s32 @!p1 s13, s17;
	s20 =	simm.s32 @!p1 $0x78  }
0x290: {  	[tilespmem:s20], [sflag:$0x8] =	stream.linear.gather @!p1 [hbm4b:s17+s23], $0x28, $0x38;
	[tilespmem:$0x1CE80] =	vst v63  }
0x291: {  	_ =	swait.ge [sflag:s31], $0x28  }
0x292: {  	[sflag:s31] =	ssyncset.done $0x0  }
0x293: {  	[sflag:s31] =	ssyncadd.s32 $0xFFFFFFD8  }
0x294: {  	_ =	swait.ge [sflag:s31], $0x28  }
0x295: {  	s11 =	smov.u32 s5;
	[sflag:s31] =	ssyncset.done $0x0  }
0x296: {  	s30 =	simm.s32 $0x3D40;
	s23 =	rddreg [dreg:$0x1f];
	[sflag:s31] =	ssyncadd.s32 $0xFFFFFFD8  }
0x297: {  	[tilespmem:s30], [sflag:$0x4] =	stream.indirect.gather [hbm4b:s23+s15], $0x80, s8, s15, $0xb8;
	[tilespmem:$0x1CE80] =	vst v63  }
0x298: {  	s17 =	simm.s32 $0x118;
	s20 =	simm.s32 $0x5140;
	s23 =	rddreg [dreg:$0x10]  }
0x299: {  	[tilespmem:s20], [sflag:$0x5] =	stream.indirect.gather [hbm4b:s11+s15], $0x80, s17, s15, $0xb8;
	[tilespmem:$0x1CE80] =	vst v63  }
0x29a: {  	s17 =	sadd.s32 s25, s23  }
0x29b: {  	s17 =	sshll.u32 s17, $0x4  }
0x29c: {  	s30 =	simm.s32 $0x0;
	s17 =	sadd.s32 s2, s17  }
0x29d: {  	[tilespmem:s19], [sflag:$0x6] =	stream.linear.gather [hbm4b:s17+s30], $0x1400, $0x38;
	[tilespmem:$0x1CE80] =	vst v63  }
0x29e: {  	_ =	swait.ge [sflag:s22], $0x1400  }
0x29f: {  	[sflag:s22] =	ssyncset.done $0x0  }
0x2a0: {  	[sflag:s22] =	ssyncadd.s32 $0xFFFFEC00  }
0x2a1: {  	_ =	swait.ge [sflag:s28], $0x1400  }
0x2a2: {  	[sflag:s28] =	ssyncset.done $0x0  }
0x2a3: {  	[sflag:s28] =	ssyncadd.s32 $0xFFFFEC00  }
0x2a4: {  	_ =	swait.ge [sflag:s29], $0x1400  }
0x2a5: {  	[sflag:s29] =	ssyncset.done $0x0  }
0x2a6: {  	s17 =	simm.s32 $0x0;
	[sflag:s29] =	ssyncadd.s32 $0xFFFFEC00  }
0x2a7: {  	v12 =	vld [tilespmem:s17+$0x140]  }
0x2a8: {  	v17 =	vld [tilespmem:s17+$0x1540]  }
0x2a9: {  	v19 =	vld [tilespmem:s17+$0x150]  }
0x2aa: {  	v20 =	vld [tilespmem:s17+$0x1550]  }
0x2ab: {  	v5 =	vld [tilespmem:s17+$0x160]  }
0x2ac: {  	v9 =	vld [tilespmem:s17+$0x1560]  }
0x2ad: {  	v7 =	vld [tilespmem:s17+$0x170]  }
0x2ae: {  	v11 =	vld [tilespmem:s17+$0x1570]  }
0x2af: {  	v8 =	vld [tilespmem:s17+$0x180]  }
0x2b0: {  	v10 =	vld [tilespmem:s17+$0x1580]  }
0x2b1: {  	v4 =	vld [tilespmem:s17+$0x190]  }
0x2b2: {  	v6 =	vld [tilespmem:s17+$0x1590]  }
0x2b3: {  	v2 =	vld [tilespmem:s17+$0x1A0]  }
0x2b4: {  	v3 =	vld [tilespmem:s17+$0x15A0]  }
0x2b5: {  	v0 =	vld [tilespmem:s17+$0x1B0]  }
0x2b6: {  	v1 =	vld [tilespmem:s17+$0x15B0]  }
0x2b7: {  	v16 =	vld [tilespmem:s17+$0x2940]  }
0x2b8: {  	v15 =	vld [tilespmem:s17+$0x2950]  }
0x2b9: {  	v14 =	vld [tilespmem:s17+$0x2960]  }
0x2ba: {  	v13 =	vld [tilespmem:s17+$0x2970];
	v18 =	vadd.f32 v17, v12  }
0x2bb: {  	s20 =	simm.s32 $0x200;
	v17 =	vadd.f32 v20, v19;
	v12 =	vld [tilespmem:s17+$0x2980]  }
.LBB2_20:
0x2bc: {  	p2 =	sne.s32 s20, $0x4E00;
	v16 =	vadd.f32 v16, v18;
	v5 =	vadd.f32 v9, v5;
	v9 =	vld [tilespmem:s17+$0x2990]  }
0x2bd: {  	v7 =	vadd.f32 v11, v7;
	v15 =	vadd.f32 v15, v17;
	v11 =	vld [tilespmem:s17+$0x29A0]  }
0x2be: {  	s23 =	sshra.s32 s20, $0x2;
	v8 =	vadd.f32 v10, v8;
	v16 =	vmax.f32 v16, $0.0e+00;
	v5 =	vadd.f32 v14, v5;
	v10 =	vld [tilespmem:s17+$0x29B0]  }
0x2bf: {  	v4 =	vadd.f32 v6, v4;
	v17 =	vld [tilespmem:s23+$0x140];
	[tilespmem:s17+$0x2940] =	vst v16;
	v14 =	vmax.f32 v15, $0.0e+00;
	v7 =	vadd.f32 v13, v7  }
0x2c0: {  	v2 =	vadd.f32 v3, v2;
	v13 =	vld [tilespmem:s23+$0x1540];
	[tilespmem:s17+$0x2950] =	vst v14;
	v5 =	vmax.f32 v5, $0.0e+00;
	v6 =	vadd.f32 v12, v8  }
0x2c1: {  	v0 =	vadd.f32 v1, v0;
	v12 =	vld [tilespmem:s23+$0x150];
	[tilespmem:s17+$0x2960] =	vst v5;
	v3 =	vmax.f32 v7, $0.0e+00;
	v4 =	vadd.f32 v9, v4  }
0x2c2: {  	v19 =	vld [tilespmem:s23+$0x1550];
	[tilespmem:s17+$0x2970] =	vst v3;
	v1 =	vmax.f32 v6, $0.0e+00;
	v2 =	vadd.f32 v11, v2  }
0x2c3: {  	v5 =	vld [tilespmem:s23+$0x160];
	[tilespmem:s17+$0x2980] =	vst v1;
	v1 =	vmax.f32 v4, $0.0e+00;
	v0 =	vadd.f32 v10, v0  }
0x2c4: {  	v9 =	vld [tilespmem:s23+$0x1560];
	[tilespmem:s17+$0x2990] =	vst v1;
	v1 =	vmax.f32 v2, $0.0e+00  }
0x2c5: {  	v7 =	vld [tilespmem:s23+$0x170];
	[tilespmem:s17+$0x29A0] =	vst v1;
	v0 =	vmax.f32 v0, $0.0e+00  }
0x2c6: {  	v11 =	vld [tilespmem:s23+$0x1570];
	[tilespmem:s17+$0x29B0] =	vst v0;
	s17 =	smov.u32 s23  }
0x2c7: {  	v8 =	vld [tilespmem:s17+$0x180]  }
0x2c8: {  	v10 =	vld [tilespmem:s17+$0x1580]  }
0x2c9: {  	v4 =	vld [tilespmem:s17+$0x190]  }
0x2ca: {  	v6 =	vld [tilespmem:s17+$0x1590]  }
0x2cb: {  	v2 =	vld [tilespmem:s17+$0x1A0]  }
0x2cc: {  	v3 =	vld [tilespmem:s17+$0x15A0]  }
0x2cd: {  	v0 =	vld [tilespmem:s17+$0x1B0]  }
0x2ce: {  	v1 =	vld [tilespmem:s17+$0x15B0]  }
.Ltmp11:
0x2cf: {  	v16 =	vld [tilespmem:s17+$0x2940];
	(pc) =	sbr.rel @p2 .LBB2_20-.Ltmp11, $4  }
0x2d0: {  	v15 =	vld [tilespmem:s17+$0x2950]  }
0x2d1: {  	v14 =	vld [tilespmem:s17+$0x2960]  }
0x2d2: {  	v18 =	vadd.f32 v13, v17;
	v13 =	vld [tilespmem:s17+$0x2970]  }
0x2d3: {  	s20 =	sadd.s32 $0x200, s20;
	v17 =	vadd.f32 v19, v12;
	v12 =	vld [tilespmem:s17+$0x2980]  }
0x2d4: {  	v16 =	vadd.f32 v16, v18  }
0x2d5: {  	v5 =	vadd.f32 v9, v5;
	v9 =	vld [tilespmem:s17+$0x2990];
	v7 =	vadd.f32 v11, v7  }
0x2d6: {  	v8 =	vadd.f32 v10, v8;
	v10 =	vld [tilespmem:s17+$0x29B0];
	v15 =	vadd.f32 v15, v17  }
0x2d7: {  	v11 =	vld [tilespmem:s17+$0x29A0];
	v16 =	vmax.f32 v16, $0.0e+00;
	v5 =	vadd.f32 v14, v5  }
0x2d8: {  	v4 =	vadd.f32 v6, v4;
	[tilespmem:s17+$0x2940] =	vst v16;
	v14 =	vmax.f32 v15, $0.0e+00;
	v7 =	vadd.f32 v13, v7  }
0x2d9: {  	v0 =	vadd.f32 v1, v0;
	[tilespmem:s17+$0x2950] =	vst v14;
	v5 =	vmax.f32 v5, $0.0e+00;
	v6 =	vadd.f32 v12, v8  }
0x2da: {  	v2 =	vadd.f32 v3, v2;
	[tilespmem:s17+$0x2960] =	vst v5;
	v3 =	vmax.f32 v7, $0.0e+00;
	v4 =	vadd.f32 v9, v4  }
0x2db: {  	v0 =	vadd.f32 v10, v0;
	[tilespmem:s17+$0x2970] =	vst v3;
	v1 =	vmax.f32 v6, $0.0e+00  }
0x2dc: {  	v2 =	vadd.f32 v11, v2;
	[tilespmem:s17+$0x2980] =	vst v1;
	v1 =	vmax.f32 v4, $0.0e+00  }
0x2dd: {  	v0 =	vmax.f32 v0, $0.0e+00;
	[tilespmem:s17+$0x2990] =	vst v1  }
0x2de: {  	v1 =	vmax.f32 v2, $0.0e+00;
	[tilespmem:s17+$0x29B0] =	vst v0  }
0x2df: {  	s5 =	rddreg [dreg:$0x2];
	[tilespmem:s17+$0x29A0] =	vst v1  }
0x2e0: {  	[spmem:s5] =	stream.indirect.scatter.add.f32 [tilespmem:s7], [sflag:$0xB], $0x80, s9, s15, $0xb8;
	[tilespmem:$0x1CE80] =	vst v63  }
0x2e1: {  	_ =	swait.ge [sflag:s6], $0x1400  }
0x2e2: {  	s17 =	rddreg [dreg:$0x1c]  }
0x2e3: {  	s17 =	sadd.s32 @!p1 s25, s17  }
0x2e4: {  	s23 =	simm.s32 @!p1 $0x0;
	[sflag:s6] =	ssyncset.done $0x0;
	s17 =	sshrl.u32 @!p1 s17, $0x3  }
0x2e5: {  	s30 =	simm.s32 @!p1 $0xA0;
	[sflag:s6] =	ssyncadd.s32 $0xFFFFEC00;
	s20 =	sadd.s32 @!p1 s12, s17  }
0x2e6: {  	[tilespmem:s30], [sflag:$0x9] =	stream.linear.gather @!p1 [hbm4b:s20+s23], $0x28, $0x38;
	[tilespmem:$0x1CE80] =	vst v63  }
0x2e7: {  	s17 =	sadd.s32 @!p1 s13, s17;
	s20 =	simm.s32 @!p1 $0xC8  }
0x2e8: {  	[tilespmem:s20], [sflag:$0x9] =	stream.linear.gather @!p1 [hbm4b:s17+s23], $0x28, $0x38;
	[tilespmem:$0x1CE80] =	vst v63  }
0x2e9: {  	s17 =	simm.s32 @!p1 $0x7  }
0x2ea: {  	_ =	swait.ge @!p1 [sflag:s17], $0x28  }
0x2eb: {  	[sflag:s17] =	ssyncset.done @!p1 $0x0  }
0x2ec: {  	[sflag:s17] =	ssyncadd.s32 @!p1 $0xFFFFFFD8  }
0x2ed: {  	_ =	swait.ge @!p1 [sflag:s17], $0x28  }
0x2ee: {  	s20 =	simm.s32 @!p1 $0x140;
	[sflag:s17] =	ssyncset.done @!p1 $0x0  }
0x2ef: {  	s8 =	rddreg [dreg:$0x1f];
	[sflag:s17] =	ssyncadd.s32 @!p1 $0xFFFFFFD8;
	s17 =	simm.s32 @!p1 $0x28  }
0x2f0: {  	[tilespmem:s20], [sflag:$0x1] =	stream.indirect.gather @!p1 [hbm4b:s8+s17], $0x80, s23, s17, $0xb8;
	[tilespmem:$0x1CE80] =	vst v63  }
0x2f1: {  	s14 =	sshll.u32 @!p1 s14, $0x4;
	s20 =	simm.s32 @!p1 $0x1540  }
0x2f2: {  	[tilespmem:s20], [sflag:$0x2] =	stream.indirect.gather @!p1 [hbm4b:s11+s17], $0x80, s17, s17, $0xb8;
	[tilespmem:$0x1CE80] =	vst v63  }
0x2f3: {  	s14 =	sadd.s32 @!p1 s2, s14;
	s17 =	simm.s32 @!p1 $0x2940  }
0x2f4: {  	[tilespmem:s17], [sflag:$0x3] =	stream.linear.gather @!p1 [hbm4b:s14+s23], $0x1400, $0x38;
	[tilespmem:$0x1CE80] =	vst v63  }
0x2f5: {  	_ =	swait.ge [sflag:s0], $0x1400  }
0x2f6: {  	[sflag:s0] =	ssyncset.done $0x0  }
0x2f7: {  	[sflag:s0] =	ssyncadd.s32 $0xFFFFEC00  }
0x2f8: {  	_ =	swait.ge [sflag:s21], $0x1400  }
0x2f9: {  	[sflag:s21] =	ssyncset.done $0x0  }
0x2fa: {  	[sflag:s21] =	ssyncadd.s32 $0xFFFFEC00  }
0x2fb: {  	_ =	swait.ge [sflag:s26], $0x1400  }
0x2fc: {  	[sflag:s26] =	ssyncset.done $0x0  }
0x2fd: {  	s14 =	simm.s32 $0x0;
	[sflag:s26] =	ssyncadd.s32 $0xFFFFEC00  }
0x2fe: {  	v12 =	vld [tilespmem:s14+$0x3D40]  }
0x2ff: {  	v17 =	vld [tilespmem:s14+$0x5140]  }
0x300: {  	v19 =	vld [tilespmem:s14+$0x3D50]  }
0x301: {  	v20 =	vld [tilespmem:s14+$0x5150]  }
0x302: {  	v5 =	vld [tilespmem:s14+$0x3D60]  }
0x303: {  	v9 =	vld [tilespmem:s14+$0x5160]  }
0x304: {  	v7 =	vld [tilespmem:s14+$0x3D70]  }
0x305: {  	v11 =	vld [tilespmem:s14+$0x5170]  }
0x306: {  	v8 =	vld [tilespmem:s14+$0x3D80]  }
0x307: {  	v10 =	vld [tilespmem:s14+$0x5180]  }
0x308: {  	v4 =	vld [tilespmem:s14+$0x3D90]  }
0x309: {  	v6 =	vld [tilespmem:s14+$0x5190]  }
0x30a: {  	v2 =	vld [tilespmem:s14+$0x3DA0]  }
0x30b: {  	v3 =	vld [tilespmem:s14+$0x51A0]  }
0x30c: {  	v0 =	vld [tilespmem:s14+$0x3DB0]  }
0x30d: {  	v1 =	vld [tilespmem:s14+$0x51B0]  }
0x30e: {  	v16 =	vld [tilespmem:s14+$0x6540]  }
0x30f: {  	v15 =	vld [tilespmem:s14+$0x6550]  }
0x310: {  	v14 =	vld [tilespmem:s14+$0x6560]  }
0x311: {  	v13 =	vld [tilespmem:s14+$0x6570];
	v18 =	vadd.f32 v17, v12  }
0x312: {  	s17 =	simm.s32 $0x200;
	v17 =	vadd.f32 v20, v19;
	v12 =	vld [tilespmem:s14+$0x6580]  }
.LBB2_22:
0x313: {  	p2 =	sne.s32 s17, $0x4E00;
	v16 =	vadd.f32 v16, v18;
	v5 =	vadd.f32 v9, v5;
	v9 =	vld [tilespmem:s14+$0x6590]  }
0x314: {  	v7 =	vadd.f32 v11, v7;
	v15 =	vadd.f32 v15, v17;
	v11 =	vld [tilespmem:s14+$0x65A0]  }
0x315: {  	s20 =	sshra.s32 s17, $0x2;
	v8 =	vadd.f32 v10, v8;
	v16 =	vmax.f32 v16, $0.0e+00;
	v5 =	vadd.f32 v14, v5;
	v10 =	vld [tilespmem:s14+$0x65B0]  }
0x316: {  	v4 =	vadd.f32 v6, v4;
	v17 =	vld [tilespmem:s20+$0x3D40];
	[tilespmem:s14+$0x6540] =	vst v16;
	v14 =	vmax.f32 v15, $0.0e+00;
	v7 =	vadd.f32 v13, v7  }
0x317: {  	v2 =	vadd.f32 v3, v2;
	v13 =	vld [tilespmem:s20+$0x5140];
	[tilespmem:s14+$0x6550] =	vst v14;
	v5 =	vmax.f32 v5, $0.0e+00;
	v6 =	vadd.f32 v12, v8  }
0x318: {  	v0 =	vadd.f32 v1, v0;
	v12 =	vld [tilespmem:s20+$0x3D50];
	[tilespmem:s14+$0x6560] =	vst v5;
	v3 =	vmax.f32 v7, $0.0e+00;
	v4 =	vadd.f32 v9, v4  }
0x319: {  	v19 =	vld [tilespmem:s20+$0x5150];
	[tilespmem:s14+$0x6570] =	vst v3;
	v1 =	vmax.f32 v6, $0.0e+00;
	v2 =	vadd.f32 v11, v2  }
0x31a: {  	v5 =	vld [tilespmem:s20+$0x3D60];
	[tilespmem:s14+$0x6580] =	vst v1;
	v1 =	vmax.f32 v4, $0.0e+00;
	v0 =	vadd.f32 v10, v0  }
0x31b: {  	v9 =	vld [tilespmem:s20+$0x5160];
	[tilespmem:s14+$0x6590] =	vst v1;
	v1 =	vmax.f32 v2, $0.0e+00  }
0x31c: {  	v7 =	vld [tilespmem:s20+$0x3D70];
	[tilespmem:s14+$0x65A0] =	vst v1;
	v0 =	vmax.f32 v0, $0.0e+00  }
0x31d: {  	v11 =	vld [tilespmem:s20+$0x5170];
	[tilespmem:s14+$0x65B0] =	vst v0;
	s14 =	smov.u32 s20  }
0x31e: {  	v8 =	vld [tilespmem:s14+$0x3D80]  }
0x31f: {  	v10 =	vld [tilespmem:s14+$0x5180]  }
0x320: {  	v4 =	vld [tilespmem:s14+$0x3D90]  }
0x321: {  	v6 =	vld [tilespmem:s14+$0x5190]  }
0x322: {  	v2 =	vld [tilespmem:s14+$0x3DA0]  }
0x323: {  	v3 =	vld [tilespmem:s14+$0x51A0]  }
0x324: {  	v0 =	vld [tilespmem:s14+$0x3DB0]  }
0x325: {  	v1 =	vld [tilespmem:s14+$0x51B0]  }
.Ltmp12:
0x326: {  	v16 =	vld [tilespmem:s14+$0x6540];
	(pc) =	sbr.rel @p2 .LBB2_22-.Ltmp12, $4  }
0x327: {  	v15 =	vld [tilespmem:s14+$0x6550]  }
0x328: {  	v14 =	vld [tilespmem:s14+$0x6560]  }
0x329: {  	v18 =	vadd.f32 v13, v17;
	v13 =	vld [tilespmem:s14+$0x6570]  }
0x32a: {  	s17 =	sadd.s32 $0x200, s17;
	v17 =	vadd.f32 v19, v12;
	v12 =	vld [tilespmem:s14+$0x6580]  }
0x32b: {  	v16 =	vadd.f32 v16, v18;
	v5 =	vadd.f32 v9, v5;
	v55 =	vld [tilespmem:s14+$0x6590]  }
0x32c: {  	v7 =	vadd.f32 v11, v7;
	v56 =	vld [tilespmem:s14+$0x65A0];
	v15 =	vadd.f32 v15, v17  }
0x32d: {  	v8 =	vadd.f32 v10, v8;
	v57 =	vld [tilespmem:s14+$0x65B0];
	v16 =	vmax.f32 v16, $0.0e+00;
	v5 =	vadd.f32 v14, v5  }
0x32e: {  	v4 =	vadd.f32 v6, v4;
	[tilespmem:s14+$0x6540] =	vst v16;
	v58 =	vmax.f32 v15, $0.0e+00;
	v7 =	vadd.f32 v13, v7  }
0x32f: {  	v2 =	vadd.f32 v3, v2;
	[tilespmem:s14+$0x6550] =	vst v58;
	v5 =	vmax.f32 v5, $0.0e+00;
	v59 =	vadd.f32 v12, v8  }
0x330: {  	v0 =	vadd.f32 v1, v0;
	[tilespmem:s14+$0x6560] =	vst v5;
	v60 =	vmax.f32 v7, $0.0e+00;
	v4 =	vadd.f32 v55, v4  }
0x331: {  	v2 =	vadd.f32 v56, v2;
	[tilespmem:s14+$0x6570] =	vst v60;
	v61 =	vmax.f32 v59, $0.0e+00  }
0x332: {  	v0 =	vadd.f32 v57, v0;
	[tilespmem:s14+$0x6580] =	vst v61;
	v62 =	vmax.f32 v4, $0.0e+00  }
0x333: {  	v63 =	vmax.f32 v2, $0.0e+00;
	[tilespmem:s14+$0x6590] =	vst v62  }
0x334: {  	v0 =	vmax.f32 v0, $0.0e+00;
	[tilespmem:s14+$0x65A0] =	vst v63  }
.Ltmp13:
0x335: {  	s20 =	simm.s32 $0xF0;
	s5 =	rddreg [dreg:$0x2];
	[tilespmem:s14+$0x65B0] =	vst v0;
	(pc) =	sbr.rel @p1 .LBB2_25-.Ltmp13, $4  }
0x336: {  	[spmem:s5] =	stream.indirect.scatter.add.f32 [tilespmem:s19], [sflag:$0xB], $0x80, s20, s15, $0xb8;
	[tilespmem:$0x1CE80] =	vst v63  }
0x337: {  	_ =	swait.ge [sflag:s6], $0x1400  }
0x338: {  	[sflag:s6] =	ssyncset.done $0x0  }
0x339: {  	s23 =	simm.s32 $0x50;
	[sflag:s6] =	ssyncadd.s32 $0xFFFFEC00  }
0x33a: {  	s14 =	rddreg [dreg:$0x1d]  }
0x33b: {  	s14 =	sadd.s32 s25, s14  }
0x33c: {  	s14 =	sshrl.u32 s14, $0x3  }
0x33d: {  	s17 =	sadd.s32 s12, s14  }
0x33e: {  	[tilespmem:s20], [sflag:$0xA] =	stream.linear.gather [hbm4b:s17+s4], $0x28, $0x38;
	[tilespmem:$0x1CE80] =	vst v63  }
0x33f: {  	s7 =	simm.s32 $0x118;
	s14 =	sadd.s32 s13, s14  }
0x340: {  	[tilespmem:s7], [sflag:$0xA] =	stream.linear.gather [hbm4b:s14+s4], $0x28, $0x38;
	[tilespmem:$0x1CE80] =	vst v63  }
0x341: {  	_ =	swait.ge [sflag:s1], $0x28  }
0x342: {  	[sflag:s1] =	ssyncset.done $0x0  }
0x343: {  	[sflag:s1] =	ssyncadd.s32 $0xFFFFFFD8  }
0x344: {  	_ =	swait.ge [sflag:s1], $0x28  }
0x345: {  	[sflag:s1] =	ssyncset.done $0x0  }
0x346: {  	s5 =	simm.s32 $0x3D40;
	s20 =	rddreg [dreg:$0x1f];
	[sflag:s1] =	ssyncadd.s32 $0xFFFFFFD8  }
0x347: {  	[tilespmem:s5], [sflag:$0x4] =	stream.indirect.gather [hbm4b:s20+s15], $0x80, s23, s15, $0xb8;
	[tilespmem:$0x1CE80] =	vst v63  }
0x348: {  	s30 =	simm.s32 $0x5140;
	s25 =	simm.s32 $0x78;
	s23 =	smul.u32 $0x28, s18  }
0x349: {  	[tilespmem:s30], [sflag:$0x5] =	stream.indirect.gather [hbm4b:s11+s15], $0x80, s25, s15, $0xb8;
	[tilespmem:$0x1CE80] =	vst v63  }
.Ltmp14:
0x34a: {  	_ = 	snop;
	(pc) =	sbr.rel .LBB2_15-.Ltmp14, $4  }
0x34b: {  	s14 =	sadd.s32 s16, s23  }
0x34c: {  	s14 =	sshll.u32 s14, $0x4  }
0x34d: {  	s8 =	simm.s32 $0xF0;
	s24 =	sadd.s32 $0x1, s24;
	s14 =	sadd.s32 s2, s14  }
0x34e: {  	[tilespmem:s19], [sflag:$0x6] =	stream.linear.gather [hbm4b:s14+s4], $0x1400, $0x38;
	[tilespmem:$0x1CE80] =	vst v63  }
.LBB2_13:
0x34f: {  	[bflag:$0x0] =	sbarrier.arrive $0xFFFF  }
0x350: {  	s5 =	sld [smem:$0x7FC]  }
0x351: {  	s17 =	rddreg [dreg:$0x8]  }
0x352: {  	s14 =	rddreg [dreg:$0x19]  }
0x353: {  	[hbm:s14], [sflag:s17] =	dma.local [spmem:s5], $0x2800  }
0x354: {  	_ =	swait.ge [sflag:s6], $0x2800  }
0x355: {  	s30 =	sld [smem:$0x7FA]  }
0x356: {  	[sflag:s6] =	ssyncset.done $0x0  }
.Ltmp15:
0x357: {  	s25 =	rddreg [dreg:$0x1a];
	[sflag:s6] =	ssyncadd.s32 $0xFFFFD800;
	(pc) =	sbr.rel .LBB2_26-.Ltmp15, $4  }
0x358: {  	[hbm:s25], [sflag:s17] =	dma.local [spmem:s30], $0x280  }
0x359: {  	_ =	swait.ge [sflag:s6], $0x280  }
0x35a: {  	[sflag:s6] =	ssyncset.done $0x0  }
0x35b: {  	s5 =	sld [smem:$0x7FB];
	[sflag:s6] =	ssyncadd.s32 $0xFFFFFD80  }
.LBB2_27:
0x35c: {  	_ =	sfence.sel $0x180000  }
0x35d: {  	[bflag:$0x0] =	sbarrier.arrive $0xFFFF  }
0x35e: {  	_ =	strace $0x90000047  }
0x35f: {  	s0 =	stileid.u32;
	[bflag:$0x2] =	sbarrier.arrive $0xFFFF  }
0x360: {  	p0 =	sne.s32 s0, $0x0;
	s0 =	rddreg [dreg:$0x4]  }
0x361: {  	s0 =	sadd.s32 @!p0 $0x100000, s0  }
0x362: {  	[sflag:s0] =	ssyncadd.tile.s32 @!p0 $0x1;
	_ =	shalt  }
.Lfunc_end2:
_tile_overlayer_lowered:
.L_overlay_start_2:
0x363: {  	(tag) =	ssettag $0x2  }
0x364: {  	s0 =	rddreg [dreg:$0x0];
	s2 =	stileid.u32  }
0x365: {  	s1 =	rddreg [dreg:$0x1];
	p0 =	sne.s32 s2, $0x0  }
0x366: {  	s3 =	rddreg [dreg:$0x2];
	[bflag:$0x3] =	sbarrier.arrive $0xFFFF;
	s2 =	simm.s32 @!p0 $0x1C0B  }
0x367: {  	[timem:s3], [sflag:s2] =	dma.local @!p0 [hbm:s0], s1  }
0x368: {  	s0 =	simm.s32 @!p0 $0xB  }
0x369: {  	_ =	swait.ge @!p0 [sflag:s0], s1  }
0x36a: {  	s1 =	ssub.s32 @!p0 $0x0, s1;
	[sflag:s0] =	ssyncset.done @!p0 $0x0  }
0x36b: {  	[sflag:s0] =	ssyncadd.s32 @!p0 s1  }
0x36c: {  	[bflag:$0x3] =	sbarrier.arrive $0xFFFF  }
0x36d: {  	_ =	shalt  }

</sc_bundles>
